<compile_context>
chip_gen: v7x
topology: tpu7x:2x2x1
jax: 0.10.2.dev20260603
libtpu: 0.0.44.dev20260713+nightly
codegen_flags: <defaults>
</compile_context>

<pallas_src>
import functools

import jax
import jax.numpy as jnp
from jax import lax
from jax.experimental import pallas as pl
from jax.experimental.pallas import tpu as pltpu
from jax.experimental.pallas import tpu_sc as plsc

CLS = 16
N_AGENT = 96
N_KNN = 20
RADIUS = 0.2

B = 16
CH = 3 + CLS
KPC = 64
N = 16384
NQ = B * N_AGENT
KPAD = 32
HALF_Q = N_AGENT // 2
NROW = 64
NCOLV = 16
BIG = 1e30

_i32 = jnp.int32
_f32 = jnp.float32


def _iota16():
    return lax.iota(_i32, 16)


def _splat_f(x):
    return jnp.full((16,), x, _f32)


def _splat_i(x):
    return jnp.full((16,), x, _i32)


def _pass1(xr, yr, zr, dref, mref, qx, qy, qz, scale):
    iota = _iota16()
    init = tuple(_splat_f(BIG) for _ in range(16))

    @pl.loop(0, NROW, init_carry=init, unroll=2)
    def mins(r, M):
        rb = pl.multiple_of(r * 256, 256)
        out = []
        for v in range(16):
            off = rb + v * 16
            x = xr[pl.ds(off, 16)]
            y = yr[pl.ds(off, 16)]
            z = zr[pl.ds(off, 16)]
            dx = x - qx
            dy = y - qy
            dz = z - qz
            d = (dx * dx + dy * dy + dz * dz) * scale
            dref[pl.ds(off, 16)] = d
            out.append(jnp.minimum(M[v], d))
        return tuple(out)

    SM = _splat_f(BIG)
    for v in range(16):
        mref[pl.ds(v * 16, 16)] = mins[v]
        SM = jnp.where(iota == v, _splat_f(jnp.min(mins[v])), SM)
    return SM


def _extract(dref, mref, idxref, base, SM0, nrounds):
    iota = _iota16()

    @pl.loop(0, nrounds, init_carry=SM0)
    def SMf(j, SM):
        gm = jnp.min(SM)
        gmv = _splat_f(gm)
        vstar = jnp.min(jnp.where(SM == gmv, iota, _splat_i(999)))
        moff = pl.multiple_of(vstar * 16, 16)
        mv = mref[pl.ds(moff, 16)]
        lane = jnp.min(jnp.where(mv == gmv, iota, _splat_i(999)))
        col = vstar * 16 + lane
        gks = []
        cands = []
        for k in range(4):
            ridx = iota + (16 * k)
            gk = plsc.load_gather(dref, [col + ridx * 256])
            gks.append((ridx, gk))
            cands.append(jnp.where(gk == gmv, ridx, _splat_i(999)))
        rstar = jnp.min(jnp.minimum(jnp.minimum(cands[0], cands[1]),
                                    jnp.minimum(cands[2], cands[3])))
        n = rstar * 256 + col
        m0 = iota == 0
        plsc.store_scatter(idxref, [_splat_i(base + j)], _splat_i(n), mask=m0)
        plsc.store_scatter(dref, [_splat_i(n)], _splat_f(BIG), mask=m0)
        news = []
        for k in range(4):
            ridx, gk = gks[k]
            news.append(jnp.where(ridx == rstar, _splat_f(BIG), gk))
        ncm = jnp.min(jnp.minimum(jnp.minimum(news[0], news[1]),
                                  jnp.minimum(news[2], news[3])))
        mv2 = jnp.where(iota == lane, _splat_f(ncm), mv)
        mref[pl.ds(moff, 16)] = mv2
        return jnp.where(iota == vstar, _splat_f(jnp.min(mv2)), SM)


def _sc_body(pcd_flat, trans_flat, kprev_flat,
             patches, pcd_agentT, kprevT,
             xbuf, ybuf, zbuf, dbuf, mbuf, agidx, knnb,
             cordp, labelp, gidx, gdst, sem):
    iota = _iota16()
    b = lax.axis_index("s")
    h = lax.axis_index("c")
    zero = _splat_f(0.0)

    for ci, buf in enumerate((xbuf, ybuf, zbuf)):
        pltpu.sync_copy(trans_flat.at[pl.ds((b * 3 + ci) * N, N)], buf)
    SMt = _pass1(xbuf, ybuf, zbuf, dbuf, mbuf, zero, zero, zero,
                 _splat_f(-1.0))
    _extract(dbuf, mbuf, agidx, 0, SMt, N_AGENT)

    for ci, buf in enumerate((xbuf, ybuf, zbuf)):
        pltpu.sync_copy(pcd_flat.at[pl.ds((b * CH + ci) * N, N)], buf)

    @pl.loop(0, 32)
    def _kp(ci):
        base = (b * KPC + h * 32 + ci) * N
        for vv in range(6):
            iv = agidx[pl.ds(vv * 16, 16)]
            gidx[ci, pl.ds(vv * 16, 16)] = iv + base
        pltpu.async_copy(kprev_flat.at[gidx.at[ci]],
                         gdst.at[pl.ds(ci * N_AGENT, N_AGENT)], sem).wait()

    pltpu.sync_copy(gdst.at[pl.ds(0, 32 * N_AGENT)],
                    kprevT.at[pl.ds(b * KPC * N_AGENT + h * 32 * N_AGENT,
                                    32 * N_AGENT)])

    @pl.loop(0, 10)
    def _pa(ci):
        base = (b * CH + h * 9 + ci) * N
        for vv in range(6):
            iv = agidx[pl.ds(vv * 16, 16)]
            gidx[ci, pl.ds(vv * 16, 16)] = iv + base
        pltpu.async_copy(pcd_flat.at[gidx.at[ci]],
                         gdst.at[pl.ds(ci * N_AGENT, N_AGENT)], sem).wait()
        pltpu.sync_copy(
            gdst.at[pl.ds(ci * N_AGENT, N_AGENT)],
            pcd_agentT.at[pl.ds((h * 9 + ci) * NQ + b * N_AGENT, N_AGENT)])

    @pl.loop(0, HALF_Q)
    def _knn(q):
        aq = h * HALF_Q + q
        grp = pl.multiple_of((aq // 16) * 16, 16)
        av = agidx[pl.ds(grp, 16)]
        qn = jnp.sum(jnp.where(iota == (aq % 16), av, _splat_i(0)))
        qi = _splat_i(qn)
        qxv = plsc.load_gather(xbuf, [qi])
        qyv = plsc.load_gather(ybuf, [qi])
        qzv = plsc.load_gather(zbuf, [qi])
        SM = _pass1(xbuf, ybuf, zbuf, dbuf, mbuf, qxv, qyv, qzv,
                    _splat_f(1.0))
        knnb[pl.ds(q * KPAD + 16, 16)] = _splat_i(0)
        _extract(dbuf, mbuf, knnb, q * KPAD, SM, N_KNN)
        a0 = knnb[pl.ds(q * KPAD, 16)]
        a1 = knnb[pl.ds(q * KPAD + 16, 16)]
        n0 = _splat_i(jnp.sum(jnp.where(iota == 0, a0, _splat_i(0))))
        for ci, buf in enumerate((xbuf, ybuf, zbuf)):
            v0 = plsc.load_gather(buf, [n0])
            cordp[pl.ds(ci * (HALF_Q * KPAD) + q * KPAD, 16)] = \
                plsc.load_gather(buf, [a0]) - v0
            cordp[pl.ds(ci * (HALF_Q * KPAD) + q * KPAD + 16, 16)] = \
                plsc.load_gather(buf, [a1]) - v0

    colbase = (b * N_AGENT + h * HALF_Q) * KPAD
    for ci in range(3):
        pltpu.sync_copy(cordp.at[pl.ds(ci * (HALF_Q * KPAD), HALF_Q * KPAD)],
                        patches.at[pl.ds(ci * (NQ * KPAD) + colbase,
                                         HALF_Q * KPAD)])

    @pl.loop(0, CLS)
    def _lab(ci):
        pltpu.sync_copy(pcd_flat.at[pl.ds((b * CH + 3 + ci) * N, N)], xbuf)

        @pl.loop(0, HALF_Q)
        def _labq(q):
            a0 = knnb[pl.ds(q * KPAD, 16)]
            a1 = knnb[pl.ds(q * KPAD + 16, 16)]
            n0 = _splat_i(jnp.sum(jnp.where(iota == 0, a0, _splat_i(0))))
            v0 = plsc.load_gather(xbuf, [n0])
            labelp[pl.ds(ci * (HALF_Q * KPAD) + q * KPAD, 16)] = \
                plsc.load_gather(xbuf, [a0]) - v0
            labelp[pl.ds(ci * (HALF_Q * KPAD) + q * KPAD + 16, 16)] = \
                plsc.load_gather(xbuf, [a1]) - v0

    @pl.loop(0, CLS)
    def _labout(ci):
        pltpu.sync_copy(labelp.at[pl.ds(ci * (HALF_Q * KPAD), HALF_Q * KPAD)],
                        patches.at[pl.ds((3 + ci) * (NQ * KPAD) + colbase,
                                         HALF_Q * KPAD)])


_sc_knn = functools.partial(
    pl.kernel,
    out_type=(
        jax.ShapeDtypeStruct((CH * NQ * KPAD,), _f32),
        jax.ShapeDtypeStruct((CH * NQ,), _f32),
        jax.ShapeDtypeStruct((B * KPC * N_AGENT,), _f32),
    ),
    mesh=plsc.VectorSubcoreMesh(core_axis_name="c", subcore_axis_name="s"),
    compiler_params=pltpu.CompilerParams(needs_layout_passes=False),
    scratch_types=[
        pltpu.VMEM((N,), _f32),
        pltpu.VMEM((N,), _f32),
        pltpu.VMEM((N,), _f32),
        pltpu.VMEM((N,), _f32),
        pltpu.VMEM((256,), _f32),
        pltpu.VMEM((N_AGENT,), _i32),
        pltpu.VMEM((HALF_Q * KPAD,), _i32),
        pltpu.VMEM((3 * HALF_Q * KPAD,), _f32),
        pltpu.VMEM((CLS * HALF_Q * KPAD,), _f32),
        pltpu.VMEM((32, N_AGENT), _i32),
        pltpu.VMEM((32 * N_AGENT,), _f32),
        pltpu.SemaphoreType.DMA,
    ],
)(_sc_body)


QB = 128


def _tc_body(patches_ref, pcd_agentT_ref,
             cW1r, cB1r, cW2r, cB2r, lW1r, lB1r, lW2r, lB2r,
             dW1r, dB1r, dW2r, dB2r, dW3r, dB3r,
             eW1r, eB1r, eW2r, eB2r, eW3r, eB3r, out_ref):
    X = patches_ref[...].reshape(CH, QB, KPAD)
    X = X - X[:, :, 0:1]
    cord = X[0:3].reshape(3, QB * KPAD)
    label = X[3:CH].reshape(CLS, QB * KPAD)

    def mm(Wr, x):
        return jnp.dot(Wr[...].astype(jnp.bfloat16), x.astype(jnp.bfloat16),
                       preferred_element_type=jnp.float32)

    kmask = lax.broadcasted_iota(_i32, (1, 1, KPAD), 2) < N_KNN

    def patch_stack(x, W1r, b1r, W2r, b2r):
        hh = jnp.maximum(mm(W1r, x) + b1r[...][:, None], 0.0)
        ff = mm(W2r, hh) + b2r[...][:, None]
        ff = ff.reshape(64, QB, KPAD)
        ff = jnp.where(kmask, ff, -BIG)
        return jnp.max(ff, axis=2)

    cf = patch_stack(cord, cW1r, cB1r, cW2r, cB2r)
    lf = patch_stack(label, lW1r, lB1r, lW2r, lB2r)

    hd = jnp.maximum(cf, 0.0)
    hd = jnp.maximum(mm(dW1r, hd) + dB1r[...][:, None], 0.0)
    hd = jnp.maximum(mm(dW2r, hd) + dB2r[...][:, None], 0.0)
    child_cmp = jnp.tanh(mm(dW3r, hd) + dB3r[...][:, None]) * RADIUS

    he = jnp.maximum(lf, 0.0)
    he = jnp.maximum(mm(eW1r, he) + eB1r[...][:, None], 0.0)
    he = jnp.maximum(mm(eW2r, he) + eB2r[...][:, None], 0.0)
    child_label = jnp.tanh(mm(eW3r, he) + eB3r[...][:, None]) * RADIUS

    local_trans = jnp.concatenate([child_cmp, child_label], axis=0)
    out_ref[...] = pcd_agentT_ref[...] + local_trans


def _pad_copy_body(src_ref, out_ref):
    c = src_ref.shape[1]
    out_ref[:, :, :N] = src_ref[...]
    out_ref[:, :, N:] = jnp.zeros((1, c, N_AGENT), _f32)


def _pad_copy(src):
    c = src.shape[1]
    return pl.pallas_call(
        _pad_copy_body,
        grid=(B,),
        in_specs=[pl.BlockSpec((1, c, N), lambda b: (b, 0, 0))],
        out_specs=pl.BlockSpec((1, c, N + N_AGENT), lambda b: (b, 0, 0)),
        out_shape=jax.ShapeDtypeStruct((B, c, N + N_AGENT), _f32),
    )(src)


def _tail_body(pad_ref, agents_ref, out_ref):
    out_ref[:, :, :N_AGENT] = agents_ref[...]


def _tail_write(padded, agents):
    c = padded.shape[1]
    return pl.pallas_call(
        _tail_body,
        grid=(B,),
        in_specs=[pl.BlockSpec((1, c, 128), lambda b: (b, 0, N // 128)),
                  pl.BlockSpec((1, c, N_AGENT), lambda b: (b, 0, 0))],
        out_specs=pl.BlockSpec((1, c, 128), lambda b: (b, 0, N // 128)),
        out_shape=jax.ShapeDtypeStruct((B, c, N + N_AGENT), _f32),
        input_output_aliases={0: 0},
    )(padded, agents)


def kernel(pcd_coarse, trans_cord, k_prev, cW1, cB1, cW2, cB2, lW1, lB1,
           lW2, lB2, dW1, dB1, dW2, dB2, dW3, dB3, eW1, eB1, eW2, eB2,
           eW3, eB3):
    patches, pcd_agentT, kprev_agent = _sc_knn(
        pcd_coarse.reshape(-1), trans_cord.reshape(-1), k_prev.reshape(-1))

    wspecs = [pl.BlockSpec(w.shape, lambda i, nd=w.ndim: (0,) * nd)
              for w in (cW1, cB1, cW2, cB2, lW1, lB1, lW2, lB2,
                        dW1, dB1, dW2, dB2, dW3, dB3,
                        eW1, eB1, eW2, eB2, eW3, eB3)]
    agentsT = pl.pallas_call(
        _tc_body,
        grid=(NQ // QB,),
        in_specs=[pl.BlockSpec((CH, QB * KPAD), lambda i: (0, i)),
                  pl.BlockSpec((CH, QB), lambda i: (0, i))] + wspecs,
        out_specs=pl.BlockSpec((CH, QB), lambda i: (0, i)),
        out_shape=jax.ShapeDtypeStruct((CH, NQ), _f32),
    )(patches.reshape(CH, NQ * KPAD), pcd_agentT.reshape(CH, NQ),
      cW1, cB1, cW2, cB2, lW1, lB1, lW2, lB2,
      dW1, dB1, dW2, dB2, dW3, dB3, eW1, eB1, eW2, eB2, eW3, eB3)

    agents = agentsT.reshape(CH, B, N_AGENT).transpose(1, 0, 2)
    pcd_local = _tail_write(_pad_copy(pcd_coarse), agents)
    kpa = kprev_agent.reshape(B, KPC, N_AGENT)
    k_prev_out = _tail_write(_pad_copy(k_prev), kpa)
    return (pcd_local, k_prev_out)

# --- scband reference (transcript-rebuilt; emitter-appended) ---
"""Pipeline reference for scband-local-branch-11888469475440 (READ-ONLY COPY).

The authoritative reference and input builder live on the scoring server;
editing this copy changes nothing except your own understanding.
"""

import jax, jax.numpy as jnp
import numpy as np

CLS = 16
N_AGENT = 96
N_KNN = 20
RADIUS = 0.2

def _param(key, shape, scale=0.1):
    return jax.random.normal(key, shape, dtype=jnp.float32) * scale

def setup_inputs(seed: int = 0):
    key = jax.random.key(seed)
    ks = jax.random.split(key, 24)
    B, C, N = 16, 3 + CLS, 16384
    return {
        'pcd_coarse': jax.random.normal(ks[0], (B, C, N), dtype=jnp.float32),
        'trans_cord': jax.random.normal(ks[1], (B, 3, N), dtype=jnp.float32),
        'k_prev': jax.random.normal(ks[2], (B, 64, N), dtype=jnp.float32),
        'cW1': _param(ks[3], (32, 3)), 'cB1': _param(ks[4], (32,)),
        'cW2': _param(ks[5], (64, 32)), 'cB2': _param(ks[6], (64,)),
        'lW1': _param(ks[7], (32, CLS)), 'lB1': _param(ks[8], (32,)),
        'lW2': _param(ks[9], (64, 32)), 'lB2': _param(ks[10], (64,)),
        'dW1': _param(ks[11], (128, 64)), 'dB1': _param(ks[12], (128,)),
        'dW2': _param(ks[13], (64, 128)), 'dB2': _param(ks[14], (64,)),
        'dW3': _param(ks[15], (3, 64)), 'dB3': _param(ks[16], (3,)),
        'eW1': _param(ks[17], (128, 64)), 'eB1': _param(ks[18], (128,)),
        'eW2': _param(ks[19], (64, 128)), 'eB2': _param(ks[20], (64,)),
        'eW3': _param(ks[21], (CLS, 64)), 'eB3': _param(ks[22], (CLS,)),
    }

def _c2(x, W, b):
    return jnp.einsum('oc,bcmk->bomk', W, x) + b[None, :, None, None]

def _c1(x, W, b):
    return jnp.einsum('oc,bcm->bom', W, x) + b[None, :, None]

def _group(feat, idx):
    B, C, N = feat.shape
    M, K = idx.shape[1], idx.shape[2]
    idxb = jnp.broadcast_to(idx.reshape(B, 1, M * K), (B, C, M * K))
    return jnp.take_along_axis(feat, idxb, axis=2).reshape(B, C, M, K)

def reference(pcd_coarse, trans_cord, k_prev, cW1, cB1, cW2, cB2, lW1, lB1, lW2, lB2, dW1, dB1, dW2, dB2, dW3, dB3, eW1, eB1, eW2, eB2, eW3, eB3):
    # agent selection via top-k of squared norm of trans_cord (i == 0 branch)
    trans_dist = jnp.sum(jnp.transpose(trans_cord, (0, 2, 1)) ** 2, axis=2)
    _, idx_agent = jax.lax.top_k(trans_dist, N_AGENT)
    pcd_agent = jnp.take_along_axis(pcd_coarse, idx_agent[:, None, :], axis=2)
    # brute-force KNN: ref = all points, query = agents
    ref = pcd_coarse[:, 0:3, :]
    q = pcd_agent[:, 0:3, :]
    qT = jnp.transpose(q, (0, 2, 1))
    rT = jnp.transpose(ref, (0, 2, 1))
    d2 = jnp.sum(qT ** 2, -1)[:, :, None] + jnp.sum(rT ** 2, -1)[:, None, :] - 2.0 * jnp.einsum('bqd,bnd->bqn', qT, rT)
    _, idx_knn = jax.lax.top_k(-d2, N_KNN)  # [B, n_agent, k], nearest first
    cord_patch = _group(ref, idx_knn)
    label_patch = _group(pcd_coarse[:, 3:, :], idx_knn)
    cord_patch = cord_patch - cord_patch[:, :, :, 0:1]
    label_patch = label_patch - label_patch[:, :, :, 0:1]
    cf = _c2(jax.nn.relu(_c2(cord_patch, cW1, cB1)), cW2, cB2)
    lf = _c2(jax.nn.relu(_c2(label_patch, lW1, lB1)), lW2, lB2)
    cf = jnp.max(cf, axis=3)
    lf = jnp.max(lf, axis=3)
    h = jax.nn.relu(cf)
    h = jax.nn.relu(_c1(h, dW1, dB1))
    h = jax.nn.relu(_c1(h, dW2, dB2))
    child_cmp = jnp.tanh(_c1(h, dW3, dB3)) * RADIUS
    g = jax.nn.relu(lf)
    g = jax.nn.relu(_c1(g, eW1, eB1))
    g = jax.nn.relu(_c1(g, eW2, eB2))
    child_label = jnp.tanh(_c1(g, eW3, eB3)) * RADIUS
    local_trans = jnp.concatenate([child_cmp, child_label], axis=1)
    pcd_local = pcd_agent + local_trans
    pcd_local = jnp.concatenate([pcd_coarse, pcd_local], axis=2)
    k_prev_agent = jnp.take_along_axis(k_prev, idx_agent[:, None, :], axis=2)
    k_prev_out = jnp.concatenate([k_prev, k_prev_agent], axis=2)
    return (pcd_local, k_prev_out)

if __name__ == "__main__":
    import jax
    _d = setup_inputs()
    print(jax.jit(kernel)(*tuple(_d.values())))

</pallas_src>

<mosaic_0001>
#map = affine_map<(d0, d1) -> (0)>
module attributes {stable_mosaic.version = 14 : i64} {
  func.func @_sc_body(%arg0: i32, %arg1: i32, %arg2: memref<4980736xf32, #tpu.memory_space<hbm>>, %arg3: memref<786432xf32, #tpu.memory_space<hbm>>, %arg4: memref<16777216xf32, #tpu.memory_space<hbm>>, %arg5: memref<933888xf32, #tpu.memory_space<hbm>>, %arg6: memref<29184xf32, #tpu.memory_space<hbm>>, %arg7: memref<98304xf32, #tpu.memory_space<hbm>>, %arg8: memref<16384xf32, #tpu.memory_space<vmem>>, %arg9: memref<16384xf32, #tpu.memory_space<vmem>>, %arg10: memref<16384xf32, #tpu.memory_space<vmem>>, %arg11: memref<16384xf32, #tpu.memory_space<vmem>>, %arg12: memref<256xf32, #tpu.memory_space<vmem>>, %arg13: memref<96xi32, #tpu.memory_space<vmem>>, %arg14: memref<1536xi32, #tpu.memory_space<vmem>>, %arg15: memref<4608xf32, #tpu.memory_space<vmem>>, %arg16: memref<24576xf32, #tpu.memory_space<vmem>>, %arg17: memref<32x96xi32, #tpu.memory_space<vmem>>, %arg18: memref<3072xf32, #tpu.memory_space<vmem>>, %arg19: memref<!tpu.dma_semaphore, #tpu.memory_space<semaphore_mem>>) attributes {dimension_semantics = [#tpu.dimension_semantics<core_parallel>, #tpu.dimension_semantics<subcore_parallel>], iteration_bounds = array<i64: 2, 16>, scalar_prefetch = 0 : i64, scratch_operands = 12 : i64, tpu.core_type = #tpu.core_type<sc_vector_subcore>, window_params = [{transform_indices = #map}, {transform_indices = #map}, {transform_indices = #map}, {transform_indices = #map}, {transform_indices = #map}, {transform_indices = #map}]} {
    %iota3A = tpu.iota {dimensions = array<i32: 0>} : vector<16xi32>
    %broadcast_in_dim3A = arith.constant 0.000000e+00 : f32
    %broadcast_in_dim3A_0 = vector.broadcast %broadcast_in_dim3A : f32 to vector<16xf32>
    %mul3A = arith.constant 3 : i32
    %mul3A_1 = arith.muli %arg1, %mul3A : i32
    %add3A = arith.constant 0 : i32
    %add3A_2 = arith.addi %mul3A_1, %add3A : i32
    %mul3A_3 = arith.constant 16384 : i32
    %mul3A_4 = arith.muli %add3A_2, %mul3A_3 : i32
    "tpu.region"() ({
      %run_scoped3A = tpu.sem_alloc : memref<!tpu.dma_semaphore, #tpu.memory_space<semaphore_mem>>
      %dma_start3A = tpu.memref_slice %arg3[%mul3A_4] : memref<786432xf32, #tpu.memory_space<hbm>> -> memref<16384xf32, #tpu.memory_space<hbm>>
      %dma_start3A_303 = tpu.memref_slice %arg3[%mul3A_4] : memref<786432xf32, #tpu.memory_space<hbm>> -> memref<16384xf32, #tpu.memory_space<hbm>>
      tpu.enqueue_dma source(%dma_start3A_303 : memref<16384xf32, #tpu.memory_space<hbm>>) target(%arg8 : memref<16384xf32, #tpu.memory_space<vmem>>) target_semaphore(%run_scoped3A : memref<!tpu.dma_semaphore, #tpu.memory_space<semaphore_mem>>)
      %dma_wait3A = tpu.memref_slice %arg3[%mul3A_4] : memref<786432xf32, #tpu.memory_space<hbm>> -> memref<16384xf32, #tpu.memory_space<hbm>>
      %dma_wait3A_304 = tpu.memref_slice %arg3[%mul3A_4] : memref<786432xf32, #tpu.memory_space<hbm>> -> memref<16384xf32, #tpu.memory_space<hbm>>
      tpu.wait_dma2 semaphore(%run_scoped3A : memref<!tpu.dma_semaphore, #tpu.memory_space<semaphore_mem>>) src(%dma_wait3A_304 : memref<16384xf32, #tpu.memory_space<hbm>>) dst(%arg8 : memref<16384xf32, #tpu.memory_space<vmem>>)
      tpu.yield
    }) : () -> ()
    %mul3A_5 = arith.constant 3 : i32
    %mul3A_6 = arith.muli %arg1, %mul3A_5 : i32
    %add3A_7 = arith.constant 1 : i32
    %add3A_8 = arith.addi %mul3A_6, %add3A_7 : i32
    %mul3A_9 = arith.constant 16384 : i32
    %mul3A_10 = arith.muli %add3A_8, %mul3A_9 : i32
    "tpu.region"() ({
      %run_scoped3A = tpu.sem_alloc : memref<!tpu.dma_semaphore, #tpu.memory_space<semaphore_mem>>
      %dma_start3A = tpu.memref_slice %arg3[%mul3A_10] : memref<786432xf32, #tpu.memory_space<hbm>> -> memref<16384xf32, #tpu.memory_space<hbm>>
      %dma_start3A_303 = tpu.memref_slice %arg3[%mul3A_10] : memref<786432xf32, #tpu.memory_space<hbm>> -> memref<16384xf32, #tpu.memory_space<hbm>>
      tpu.enqueue_dma source(%dma_start3A_303 : memref<16384xf32, #tpu.memory_space<hbm>>) target(%arg9 : memref<16384xf32, #tpu.memory_space<vmem>>) target_semaphore(%run_scoped3A : memref<!tpu.dma_semaphore, #tpu.memory_space<semaphore_mem>>)
      %dma_wait3A = tpu.memref_slice %arg3[%mul3A_10] : memref<786432xf32, #tpu.memory_space<hbm>> -> memref<16384xf32, #tpu.memory_space<hbm>>
      %dma_wait3A_304 = tpu.memref_slice %arg3[%mul3A_10] : memref<786432xf32, #tpu.memory_space<hbm>> -> memref<16384xf32, #tpu.memory_space<hbm>>
      tpu.wait_dma2 semaphore(%run_scoped3A : memref<!tpu.dma_semaphore, #tpu.memory_space<semaphore_mem>>) src(%dma_wait3A_304 : memref<16384xf32, #tpu.memory_space<hbm>>) dst(%arg9 : memref<16384xf32, #tpu.memory_space<vmem>>)
      tpu.yield
    }) : () -> ()
    %mul3A_11 = arith.constant 3 : i32
    %mul3A_12 = arith.muli %arg1, %mul3A_11 : i32
    %add3A_13 = arith.constant 2 : i32
    %add3A_14 = arith.addi %mul3A_12, %add3A_13 : i32
    %mul3A_15 = arith.constant 16384 : i32
    %mul3A_16 = arith.muli %add3A_14, %mul3A_15 : i32
    "tpu.region"() ({
      %run_scoped3A = tpu.sem_alloc : memref<!tpu.dma_semaphore, #tpu.memory_space<semaphore_mem>>
      %dma_start3A = tpu.memref_slice %arg3[%mul3A_16] : memref<786432xf32, #tpu.memory_space<hbm>> -> memref<16384xf32, #tpu.memory_space<hbm>>
      %dma_start3A_303 = tpu.memref_slice %arg3[%mul3A_16] : memref<786432xf32, #tpu.memory_space<hbm>> -> memref<16384xf32, #tpu.memory_space<hbm>>
      tpu.enqueue_dma source(%dma_start3A_303 : memref<16384xf32, #tpu.memory_space<hbm>>) target(%arg10 : memref<16384xf32, #tpu.memory_space<vmem>>) target_semaphore(%run_scoped3A : memref<!tpu.dma_semaphore, #tpu.memory_space<semaphore_mem>>)
      %dma_wait3A = tpu.memref_slice %arg3[%mul3A_16] : memref<786432xf32, #tpu.memory_space<hbm>> -> memref<16384xf32, #tpu.memory_space<hbm>>
      %dma_wait3A_304 = tpu.memref_slice %arg3[%mul3A_16] : memref<786432xf32, #tpu.memory_space<hbm>> -> memref<16384xf32, #tpu.memory_space<hbm>>
      tpu.wait_dma2 semaphore(%run_scoped3A : memref<!tpu.dma_semaphore, #tpu.memory_space<semaphore_mem>>) src(%dma_wait3A_304 : memref<16384xf32, #tpu.memory_space<hbm>>) dst(%arg10 : memref<16384xf32, #tpu.memory_space<vmem>>)
      tpu.yield
    }) : () -> ()
    %broadcast_in_dim3A_17 = arith.constant -1.000000e+00 : f32
    %broadcast_in_dim3A_18 = vector.broadcast %broadcast_in_dim3A_17 : f32 to vector<16xf32>
    %iota3A_19 = tpu.iota {dimensions = array<i32: 0>} : vector<16xi32>
    %broadcast_in_dim3A_20 = arith.constant 1.000000e+30 : f32
    %broadcast_in_dim3A_21 = vector.broadcast %broadcast_in_dim3A_20 : f32 to vector<16xf32>
    %broadcast_in_dim3A_22 = arith.constant 1.000000e+30 : f32
    %broadcast_in_dim3A_23 = vector.broadcast %broadcast_in_dim3A_22 : f32 to vector<16xf32>
    %broadcast_in_dim3A_24 = arith.constant 1.000000e+30 : f32
    %broadcast_in_dim3A_25 = vector.broadcast %broadcast_in_dim3A_24 : f32 to vector<16xf32>
    %broadcast_in_dim3A_26 = arith.constant 1.000000e+30 : f32
    %broadcast_in_dim3A_27 = vector.broadcast %broadcast_in_dim3A_26 : f32 to vector<16xf32>
    %broadcast_in_dim3A_28 = arith.constant 1.000000e+30 : f32
    %broadcast_in_dim3A_29 = vector.broadcast %broadcast_in_dim3A_28 : f32 to vector<16xf32>
    %broadcast_in_dim3A_30 = arith.constant 1.000000e+30 : f32
    %broadcast_in_dim3A_31 = vector.broadcast %broadcast_in_dim3A_30 : f32 to vector<16xf32>
    %broadcast_in_dim3A_32 = arith.constant 1.000000e+30 : f32
    %broadcast_in_dim3A_33 = vector.broadcast %broadcast_in_dim3A_32 : f32 to vector<16xf32>
    %broadcast_in_dim3A_34 = arith.constant 1.000000e+30 : f32
    %broadcast_in_dim3A_35 = vector.broadcast %broadcast_in_dim3A_34 : f32 to vector<16xf32>
    %broadcast_in_dim3A_36 = arith.constant 1.000000e+30 : f32
    %broadcast_in_dim3A_37 = vector.broadcast %broadcast_in_dim3A_36 : f32 to vector<16xf32>
    %broadcast_in_dim3A_38 = arith.constant 1.000000e+30 : f32
    %broadcast_in_dim3A_39 = vector.broadcast %broadcast_in_dim3A_38 : f32 to vector<16xf32>
    %broadcast_in_dim3A_40 = arith.constant 1.000000e+30 : f32
    %broadcast_in_dim3A_41 = vector.broadcast %broadcast_in_dim3A_40 : f32 to vector<16xf32>
    %broadcast_in_dim3A_42 = arith.constant 1.000000e+30 : f32
    %broadcast_in_dim3A_43 = vector.broadcast %broadcast_in_dim3A_42 : f32 to vector<16xf32>
    %broadcast_in_dim3A_44 = arith.constant 1.000000e+30 : f32
    %broadcast_in_dim3A_45 = vector.broadcast %broadcast_in_dim3A_44 : f32 to vector<16xf32>
    %broadcast_in_dim3A_46 = arith.constant 1.000000e+30 : f32
    %broadcast_in_dim3A_47 = vector.broadcast %broadcast_in_dim3A_46 : f32 to vector<16xf32>
    %broadcast_in_dim3A_48 = arith.constant 1.000000e+30 : f32
    %broadcast_in_dim3A_49 = vector.broadcast %broadcast_in_dim3A_48 : f32 to vector<16xf32>
    %broadcast_in_dim3A_50 = arith.constant 1.000000e+30 : f32
    %broadcast_in_dim3A_51 = vector.broadcast %broadcast_in_dim3A_50 : f32 to vector<16xf32>
    %scan3A = arith.constant 0 : i32
    %scan3A_52 = arith.constant 64 : i32
    %scan3A_53 = arith.addi %scan3A, %scan3A_52 : i32
    %scan3A_54 = arith.constant 2 : i32
    %scan3A_55:16 = scf.for %scan3A_303 = %scan3A to %scan3A_53 step %scan3A_54 iter_args(%scan3A_304 = %broadcast_in_dim3A_21, %scan3A_305 = %broadcast_in_dim3A_23, %scan3A_306 = %broadcast_in_dim3A_25, %scan3A_307 = %broadcast_in_dim3A_27, %scan3A_308 = %broadcast_in_dim3A_29, %scan3A_309 = %broadcast_in_dim3A_31, %scan3A_310 = %broadcast_in_dim3A_33, %scan3A_311 = %broadcast_in_dim3A_35, %scan3A_312 = %broadcast_in_dim3A_37, %scan3A_313 = %broadcast_in_dim3A_39, %scan3A_314 = %broadcast_in_dim3A_41, %scan3A_315 = %broadcast_in_dim3A_43, %scan3A_316 = %broadcast_in_dim3A_45, %scan3A_317 = %broadcast_in_dim3A_47, %scan3A_318 = %broadcast_in_dim3A_49, %scan3A_319 = %broadcast_in_dim3A_51) -> (vector<16xf32>, vector<16xf32>, vector<16xf32>, vector<16xf32>, vector<16xf32>, vector<16xf32>, vector<16xf32>, vector<16xf32>, vector<16xf32>, vector<16xf32>, vector<16xf32>, vector<16xf32>, vector<16xf32>, vector<16xf32>, vector<16xf32>, vector<16xf32>)  : i32 {
      %mul3A_320 = arith.constant 1 : i32
      %mul3A_321 = arith.muli %scan3A_303, %mul3A_320 : i32
      %add3A_322 = arith.constant 0 : i32
      %add3A_323 = arith.addi %add3A_322, %mul3A_321 : i32
      %mul3A_324 = arith.constant 256 : i32
      %mul3A_325 = arith.muli %add3A_323, %mul3A_324 : i32
      %multiple_of3A = tpu.assume_multiple %mul3A_325, 256 : i32
      %add3A_326 = arith.constant 0 : i32
      %add3A_327 = arith.addi %multiple_of3A, %add3A_326 : i32
      %get3A = arith.index_cast %add3A_327 : i32 to index
      %get3A_328 = tpu.vector_load %arg8[%get3A] {strides = array<i32>} : memref<16384xf32, #tpu.memory_space<vmem>>, vector<16xf32>,
      %get3A_329 = arith.index_cast %add3A_327 : i32 to index
      %get3A_330 = tpu.vector_load %arg9[%get3A_329] {strides = array<i32>} : memref<16384xf32, #tpu.memory_space<vmem>>, vector<16xf32>,
      %get3A_331 = arith.index_cast %add3A_327 : i32 to index
      %get3A_332 = tpu.vector_load %arg10[%get3A_331] {strides = array<i32>} : memref<16384xf32, #tpu.memory_space<vmem>>, vector<16xf32>,
      %sub3A = arith.subf %get3A_328, %broadcast_in_dim3A_0 : vector<16xf32>
      %sub3A_333 = arith.subf %get3A_330, %broadcast_in_dim3A_0 : vector<16xf32>
      %sub3A_334 = arith.subf %get3A_332, %broadcast_in_dim3A_0 : vector<16xf32>
      %mul3A_335 = arith.mulf %sub3A, %sub3A : vector<16xf32>
      %mul3A_336 = arith.mulf %sub3A_333, %sub3A_333 : vector<16xf32>
      %add3A_337 = arith.addf %mul3A_335, %mul3A_336 : vector<16xf32>
      %mul3A_338 = arith.mulf %sub3A_334, %sub3A_334 : vector<16xf32>
      %add3A_339 = arith.addf %add3A_337, %mul3A_338 : vector<16xf32>
      %mul3A_340 = arith.mulf %add3A_339, %broadcast_in_dim3A_18 : vector<16xf32>
      %swap3A_341 = arith.index_cast %add3A_327 : i32 to index
      %swap3A_342 = tpu.vector_load %arg11[%swap3A_341] {strides = array<i32>} : memref<16384xf32, #tpu.memory_space<vmem>>, vector<16xf32>,
      tpu.vector_store %arg11[%swap3A_341], %mul3A_340 {strides = array<i32>} : memref<16384xf32, #tpu.memory_space<vmem>>, vector<16xf32>,
      %min3A = arith.minimumf %scan3A_304, %mul3A_340 : vector<16xf32>
      %add3A_343 = arith.constant 16 : i32
      %add3A_344 = arith.addi %multiple_of3A, %add3A_343 : i32
      %get3A_345 = arith.index_cast %add3A_344 : i32 to index
      %get3A_346 = tpu.vector_load %arg8[%get3A_345] {strides = array<i32>} : memref<16384xf32, #tpu.memory_space<vmem>>, vector<16xf32>,
      %get3A_347 = arith.index_cast %add3A_344 : i32 to index
      %get3A_348 = tpu.vector_load %arg9[%get3A_347] {strides = array<i32>} : memref<16384xf32, #tpu.memory_space<vmem>>, vector<16xf32>,
      %get3A_349 = arith.index_cast %add3A_344 : i32 to index
      %get3A_350 = tpu.vector_load %arg10[%get3A_349] {strides = array<i32>} : memref<16384xf32, #tpu.memory_space<vmem>>, vector<16xf32>,
      %sub3A_351 = arith.subf %get3A_346, %broadcast_in_dim3A_0 : vector<16xf32>
      %sub3A_352 = arith.subf %get3A_348, %broadcast_in_dim3A_0 : vector<16xf32>
      %sub3A_353 = arith.subf %get3A_350, %broadcast_in_dim3A_0 : vector<16xf32>
      %mul3A_354 = arith.mulf %sub3A_351, %sub3A_351 : vector<16xf32>
      %mul3A_355 = arith.mulf %sub3A_352, %sub3A_352 : vector<16xf32>
      %add3A_356 = arith.addf %mul3A_354, %mul3A_355 : vector<16xf32>
      %mul3A_357 = arith.mulf %sub3A_353, %sub3A_353 : vector<16xf32>
      %add3A_358 = arith.addf %add3A_356, %mul3A_357 : vector<16xf32>
      %mul3A_359 = arith.mulf %add3A_358, %broadcast_in_dim3A_18 : vector<16xf32>
      %swap3A_360 = arith.index_cast %add3A_344 : i32 to index
      %swap3A_361 = tpu.vector_load %arg11[%swap3A_360] {strides = array<i32>} : memref<16384xf32, #tpu.memory_space<vmem>>, vector<16xf32>,
      tpu.vector_store %arg11[%swap3A_360], %mul3A_359 {strides = array<i32>} : memref<16384xf32, #tpu.memory_space<vmem>>, vector<16xf32>,
      %min3A_362 = arith.minimumf %scan3A_305, %mul3A_359 : vector<16xf32>
      %add3A_363 = arith.constant 32 : i32
      %add3A_364 = arith.addi %multiple_of3A, %add3A_363 : i32
      %get3A_365 = arith.index_cast %add3A_364 : i32 to index
      %get3A_366 = tpu.vector_load %arg8[%get3A_365] {strides = array<i32>} : memref<16384xf32, #tpu.memory_space<vmem>>, vector<16xf32>,
      %get3A_367 = arith.index_cast %add3A_364 : i32 to index
      %get3A_368 = tpu.vector_load %arg9[%get3A_367] {strides = array<i32>} : memref<16384xf32, #tpu.memory_space<vmem>>, vector<16xf32>,
      %get3A_369 = arith.index_cast %add3A_364 : i32 to index
      %get3A_370 = tpu.vector_load %arg10[%get3A_369] {strides = array<i32>} : memref<16384xf32, #tpu.memory_space<vmem>>, vector<16xf32>,
      %sub3A_371 = arith.subf %get3A_366, %broadcast_in_dim3A_0 : vector<16xf32>
      %sub3A_372 = arith.subf %get3A_368, %broadcast_in_dim3A_0 : vector<16xf32>
      %sub3A_373 = arith.subf %get3A_370, %broadcast_in_dim3A_0 : vector<16xf32>
      %mul3A_374 = arith.mulf %sub3A_371, %sub3A_371 : vector<16xf32>
      %mul3A_375 = arith.mulf %sub3A_372, %sub3A_372 : vector<16xf32>
      %add3A_376 = arith.addf %mul3A_374, %mul3A_375 : vector<16xf32>
      %mul3A_377 = arith.mulf %sub3A_373, %sub3A_373 : vector<16xf32>
      %add3A_378 = arith.addf %add3A_376, %mul3A_377 : vector<16xf32>
      %mul3A_379 = arith.mulf %add3A_378, %broadcast_in_dim3A_18 : vector<16xf32>
      %swap3A_380 = arith.index_cast %add3A_364 : i32 to index
      %swap3A_381 = tpu.vector_load %arg11[%swap3A_380] {strides = array<i32>} : memref<16384xf32, #tpu.memory_space<vmem>>, vector<16xf32>,
      tpu.vector_store %arg11[%swap3A_380], %mul3A_379 {strides = array<i32>} : memref<16384xf32, #tpu.memory_space<vmem>>, vector<16xf32>,
      %min3A_382 = arith.minimumf %scan3A_306, %mul3A_379 : vector<16xf32>
      %add3A_383 = arith.constant 48 : i32
      %add3A_384 = arith.addi %multiple_of3A, %add3A_383 : i32
      %get3A_385 = arith.index_cast %add3A_384 : i32 to index
      %get3A_386 = tpu.vector_load %arg8[%get3A_385] {strides = array<i32>} : memref<16384xf32, #tpu.memory_space<vmem>>, vector<16xf32>,
      %get3A_387 = arith.index_cast %add3A_384 : i32 to index
      %get3A_388 = tpu.vector_load %arg9[%get3A_387] {strides = array<i32>} : memref<16384xf32, #tpu.memory_space<vmem>>, vector<16xf32>,
      %get3A_389 = arith.index_cast %add3A_384 : i32 to index
      %get3A_390 = tpu.vector_load %arg10[%get3A_389] {strides = array<i32>} : memref<16384xf32, #tpu.memory_space<vmem>>, vector<16xf32>,
      %sub3A_391 = arith.subf %get3A_386, %broadcast_in_dim3A_0 : vector<16xf32>
      %sub3A_392 = arith.subf %get3A_388, %broadcast_in_dim3A_0 : vector<16xf32>
      %sub3A_393 = arith.subf %get3A_390, %broadcast_in_dim3A_0 : vector<16xf32>
      %mul3A_394 = arith.mulf %sub3A_391, %sub3A_391 : vector<16xf32>
      %mul3A_395 = arith.mulf %sub3A_392, %sub3A_392 : vector<16xf32>
      %add3A_396 = arith.addf %mul3A_394, %mul3A_395 : vector<16xf32>
      %mul3A_397 = arith.mulf %sub3A_393, %sub3A_393 : vector<16xf32>
      %add3A_398 = arith.addf %add3A_396, %mul3A_397 : vector<16xf32>
      %mul3A_399 = arith.mulf %add3A_398, %broadcast_in_dim3A_18 : vector<16xf32>
      %swap3A_400 = arith.index_cast %add3A_384 : i32 to index
      %swap3A_401 = tpu.vector_load %arg11[%swap3A_400] {strides = array<i32>} : memref<16384xf32, #tpu.memory_space<vmem>>, vector<16xf32>,
      tpu.vector_store %arg11[%swap3A_400], %mul3A_399 {strides = array<i32>} : memref<16384xf32, #tpu.memory_space<vmem>>, vector<16xf32>,
      %min3A_402 = arith.minimumf %scan3A_307, %mul3A_399 : vector<16xf32>
      %add3A_403 = arith.constant 64 : i32
      %add3A_404 = arith.addi %multiple_of3A, %add3A_403 : i32
      %get3A_405 = arith.index_cast %add3A_404 : i32 to index
      %get3A_406 = tpu.vector_load %arg8[%get3A_405] {strides = array<i32>} : memref<16384xf32, #tpu.memory_space<vmem>>, vector<16xf32>,
      %get3A_407 = arith.index_cast %add3A_404 : i32 to index
      %get3A_408 = tpu.vector_load %arg9[%get3A_407] {strides = array<i32>} : memref<16384xf32, #tpu.memory_space<vmem>>, vector<16xf32>,
      %get3A_409 = arith.index_cast %add3A_404 : i32 to index
      %get3A_410 = tpu.vector_load %arg10[%get3A_409] {strides = array<i32>} : memref<16384xf32, #tpu.memory_space<vmem>>, vector<16xf32>,
      %sub3A_411 = arith.subf %get3A_406, %broadcast_in_dim3A_0 : vector<16xf32>
      %sub3A_412 = arith.subf %get3A_408, %broadcast_in_dim3A_0 : vector<16xf32>
      %sub3A_413 = arith.subf %get3A_410, %broadcast_in_dim3A_0 : vector<16xf32>
      %mul3A_414 = arith.mulf %sub3A_411, %sub3A_411 : vector<16xf32>
      %mul3A_415 = arith.mulf %sub3A_412, %sub3A_412 : vector<16xf32>
      %add3A_416 = arith.addf %mul3A_414, %mul3A_415 : vector<16xf32>
      %mul3A_417 = arith.mulf %sub3A_413, %sub3A_413 : vector<16xf32>
      %add3A_418 = arith.addf %add3A_416, %mul3A_417 : vector<16xf32>
      %mul3A_419 = arith.mulf %add3A_418, %broadcast_in_dim3A_18 : vector<16xf32>
      %swap3A_420 = arith.index_cast %add3A_404 : i32 to index
      %swap3A_421 = tpu.vector_load %arg11[%swap3A_420] {strides = array<i32>} : memref<16384xf32, #tpu.memory_space<vmem>>, vector<16xf32>,
      tpu.vector_store %arg11[%swap3A_420], %mul3A_419 {strides = array<i32>} : memref<16384xf32, #tpu.memory_space<vmem>>, vector<16xf32>,
      %min3A_422 = arith.minimumf %scan3A_308, %mul3A_419 : vector<16xf32>
      %add3A_423 = arith.constant 80 : i32
      %add3A_424 = arith.addi %multiple_of3A, %add3A_423 : i32
      %get3A_425 = arith.index_cast %add3A_424 : i32 to index
      %get3A_426 = tpu.vector_load %arg8[%get3A_425] {strides = array<i32>} : memref<16384xf32, #tpu.memory_space<vmem>>, vector<16xf32>,
      %get3A_427 = arith.index_cast %add3A_424 : i32 to index
      %get3A_428 = tpu.vector_load %arg9[%get3A_427] {strides = array<i32>} : memref<16384xf32, #tpu.memory_space<vmem>>, vector<16xf32>,
      %get3A_429 = arith.index_cast %add3A_424 : i32 to index
      %get3A_430 = tpu.vector_load %arg10[%get3A_429] {strides = array<i32>} : memref<16384xf32, #tpu.memory_space<vmem>>, vector<16xf32>,
      %sub3A_431 = arith.subf %get3A_426, %broadcast_in_dim3A_0 : vector<16xf32>
      %sub3A_432 = arith.subf %get3A_428, %broadcast_in_dim3A_0 : vector<16xf32>
      %sub3A_433 = arith.subf %get3A_430, %broadcast_in_dim3A_0 : vector<16xf32>
      %mul3A_434 = arith.mulf %sub3A_431, %sub3A_431 : vector<16xf32>
      %mul3A_435 = arith.mulf %sub3A_432, %sub3A_432 : vector<16xf32>
      %add3A_436 = arith.addf %mul3A_434, %mul3A_435 : vector<16xf32>
      %mul3A_437 = arith.mulf %sub3A_433, %sub3A_433 : vector<16xf32>
      %add3A_438 = arith.addf %add3A_436, %mul3A_437 : vector<16xf32>
      %mul3A_439 = arith.mulf %add3A_438, %broadcast_in_dim3A_18 : vector<16xf32>
      %swap3A_440 = arith.index_cast %add3A_424 : i32 to index
      %swap3A_441 = tpu.vector_load %arg11[%swap3A_440] {strides = array<i32>} : memref<16384xf32, #tpu.memory_space<vmem>>, vector<16xf32>,
      tpu.vector_store %arg11[%swap3A_440], %mul3A_439 {strides = array<i32>} : memref<16384xf32, #tpu.memory_space<vmem>>, vector<16xf32>,
      %min3A_442 = arith.minimumf %scan3A_309, %mul3A_439 : vector<16xf32>
      %add3A_443 = arith.constant 96 : i32
      %add3A_444 = arith.addi %multiple_of3A, %add3A_443 : i32
      %get3A_445 = arith.index_cast %add3A_444 : i32 to index
      %get3A_446 = tpu.vector_load %arg8[%get3A_445] {strides = array<i32>} : memref<16384xf32, #tpu.memory_space<vmem>>, vector<16xf32>,
      %get3A_447 = arith.index_cast %add3A_444 : i32 to index
      %get3A_448 = tpu.vector_load %arg9[%get3A_447] {strides = array<i32>} : memref<16384xf32, #tpu.memory_space<vmem>>, vector<16xf32>,
      %get3A_449 = arith.index_cast %add3A_444 : i32 to index
      %get3A_450 = tpu.vector_load %arg10[%get3A_449] {strides = array<i32>} : memref<16384xf32, #tpu.memory_space<vmem>>, vector<16xf32>,
      %sub3A_451 = arith.subf %get3A_446, %broadcast_in_dim3A_0 : vector<16xf32>
      %sub3A_452 = arith.subf %get3A_448, %broadcast_in_dim3A_0 : vector<16xf32>
      %sub3A_453 = arith.subf %get3A_450, %broadcast_in_dim3A_0 : vector<16xf32>
      %mul3A_454 = arith.mulf %sub3A_451, %sub3A_451 : vector<16xf32>
      %mul3A_455 = arith.mulf %sub3A_452, %sub3A_452 : vector<16xf32>
      %add3A_456 = arith.addf %mul3A_454, %mul3A_455 : vector<16xf32>
      %mul3A_457 = arith.mulf %sub3A_453, %sub3A_453 : vector<16xf32>
      %add3A_458 = arith.addf %add3A_456, %mul3A_457 : vector<16xf32>
      %mul3A_459 = arith.mulf %add3A_458, %broadcast_in_dim3A_18 : vector<16xf32>
      %swap3A_460 = arith.index_cast %add3A_444 : i32 to index
      %swap3A_461 = tpu.vector_load %arg11[%swap3A_460] {strides = array<i32>} : memref<16384xf32, #tpu.memory_space<vmem>>, vector<16xf32>,
      tpu.vector_store %arg11[%swap3A_460], %mul3A_459 {strides = array<i32>} : memref<16384xf32, #tpu.memory_space<vmem>>, vector<16xf32>,
      %min3A_462 = arith.minimumf %scan3A_310, %mul3A_459 : vector<16xf32>
      %add3A_463 = arith.constant 112 : i32
      %add3A_464 = arith.addi %multiple_of3A, %add3A_463 : i32
      %get3A_465 = arith.index_cast %add3A_464 : i32 to index
      %get3A_466 = tpu.vector_load %arg8[%get3A_465] {strides = array<i32>} : memref<16384xf32, #tpu.memory_space<vmem>>, vector<16xf32>,
      %get3A_467 = arith.index_cast %add3A_464 : i32 to index
      %get3A_468 = tpu.vector_load %arg9[%get3A_467] {strides = array<i32>} : memref<16384xf32, #tpu.memory_space<vmem>>, vector<16xf32>,
      %get3A_469 = arith.index_cast %add3A_464 : i32 to index
      %get3A_470 = tpu.vector_load %arg10[%get3A_469] {strides = array<i32>} : memref<16384xf32, #tpu.memory_space<vmem>>, vector<16xf32>,
      %sub3A_471 = arith.subf %get3A_466, %broadcast_in_dim3A_0 : vector<16xf32>
      %sub3A_472 = arith.subf %get3A_468, %broadcast_in_dim3A_0 : vector<16xf32>
      %sub3A_473 = arith.subf %get3A_470, %broadcast_in_dim3A_0 : vector<16xf32>
      %mul3A_474 = arith.mulf %sub3A_471, %sub3A_471 : vector<16xf32>
      %mul3A_475 = arith.mulf %sub3A_472, %sub3A_472 : vector<16xf32>
      %add3A_476 = arith.addf %mul3A_474, %mul3A_475 : vector<16xf32>
      %mul3A_477 = arith.mulf %sub3A_473, %sub3A_473 : vector<16xf32>
      %add3A_478 = arith.addf %add3A_476, %mul3A_477 : vector<16xf32>
      %mul3A_479 = arith.mulf %add3A_478, %broadcast_in_dim3A_18 : vector<16xf32>
      %swap3A_480 = arith.index_cast %add3A_464 : i32 to index
      %swap3A_481 = tpu.vector_load %arg11[%swap3A_480] {strides = array<i32>} : memref<16384xf32, #tpu.memory_space<vmem>>, vector<16xf32>,
      tpu.vector_store %arg11[%swap3A_480], %mul3A_479 {strides = array<i32>} : memref<16384xf32, #tpu.memory_space<vmem>>, vector<16xf32>,
      %min3A_482 = arith.minimumf %scan3A_311, %mul3A_479 : vector<16xf32>
      %add3A_483 = arith.constant 128 : i32
      %add3A_484 = arith.addi %multiple_of3A, %add3A_483 : i32
      %get3A_485 = arith.index_cast %add3A_484 : i32 to index
      %get3A_486 = tpu.vector_load %arg8[%get3A_485] {strides = array<i32>} : memref<16384xf32, #tpu.memory_space<vmem>>, vector<16xf32>,
      %get3A_487 = arith.index_cast %add3A_484 : i32 to index
      %get3A_488 = tpu.vector_load %arg9[%get3A_487] {strides = array<i32>} : memref<16384xf32, #tpu.memory_space<vmem>>, vector<16xf32>,
      %get3A_489 = arith.index_cast %add3A_484 : i32 to index
      %get3A_490 = tpu.vector_load %arg10[%get3A_489] {strides = array<i32>} : memref<16384xf32, #tpu.memory_space<vmem>>, vector<16xf32>,
      %sub3A_491 = arith.subf %get3A_486, %broadcast_in_dim3A_0 : vector<16xf32>
      %sub3A_492 = arith.subf %get3A_488, %broadcast_in_dim3A_0 : vector<16xf32>
      %sub3A_493 = arith.subf %get3A_490, %broadcast_in_dim3A_0 : vector<16xf32>
      %mul3A_494 = arith.mulf %sub3A_491, %sub3A_491 : vector<16xf32>
      %mul3A_495 = arith.mulf %sub3A_492, %sub3A_492 : vector<16xf32>
      %add3A_496 = arith.addf %mul3A_494, %mul3A_495 : vector<16xf32>
      %mul3A_497 = arith.mulf %sub3A_493, %sub3A_493 : vector<16xf32>
      %add3A_498 = arith.addf %add3A_496, %mul3A_497 : vector<16xf32>
      %mul3A_499 = arith.mulf %add3A_498, %broadcast_in_dim3A_18 : vector<16xf32>
      %swap3A_500 = arith.index_cast %add3A_484 : i32 to index
      %swap3A_501 = tpu.vector_load %arg11[%swap3A_500] {strides = array<i32>} : memref<16384xf32, #tpu.memory_space<vmem>>, vector<16xf32>,
      tpu.vector_store %arg11[%swap3A_500], %mul3A_499 {strides = array<i32>} : memref<16384xf32, #tpu.memory_space<vmem>>, vector<16xf32>,
      %min3A_502 = arith.minimumf %scan3A_312, %mul3A_499 : vector<16xf32>
      %add3A_503 = arith.constant 144 : i32
      %add3A_504 = arith.addi %multiple_of3A, %add3A_503 : i32
      %get3A_505 = arith.index_cast %add3A_504 : i32 to index
      %get3A_506 = tpu.vector_load %arg8[%get3A_505] {strides = array<i32>} : memref<16384xf32, #tpu.memory_space<vmem>>, vector<16xf32>,
      %get3A_507 = arith.index_cast %add3A_504 : i32 to index
      %get3A_508 = tpu.vector_load %arg9[%get3A_507] {strides = array<i32>} : memref<16384xf32, #tpu.memory_space<vmem>>, vector<16xf32>,
      %get3A_509 = arith.index_cast %add3A_504 : i32 to index
      %get3A_510 = tpu.vector_load %arg10[%get3A_509] {strides = array<i32>} : memref<16384xf32, #tpu.memory_space<vmem>>, vector<16xf32>,
      %sub3A_511 = arith.subf %get3A_506, %broadcast_in_dim3A_0 : vector<16xf32>
      %sub3A_512 = arith.subf %get3A_508, %broadcast_in_dim3A_0 : vector<16xf32>
      %sub3A_513 = arith.subf %get3A_510, %broadcast_in_dim3A_0 : vector<16xf32>
      %mul3A_514 = arith.mulf %sub3A_511, %sub3A_511 : vector<16xf32>
      %mul3A_515 = arith.mulf %sub3A_512, %sub3A_512 : vector<16xf32>
      %add3A_516 = arith.addf %mul3A_514, %mul3A_515 : vector<16xf32>
      %mul3A_517 = arith.mulf %sub3A_513, %sub3A_513 : vector<16xf32>
      %add3A_518 = arith.addf %add3A_516, %mul3A_517 : vector<16xf32>
      %mul3A_519 = arith.mulf %add3A_518, %broadcast_in_dim3A_18 : vector<16xf32>
      %swap3A_520 = arith.index_cast %add3A_504 : i32 to index
      %swap3A_521 = tpu.vector_load %arg11[%swap3A_520] {strides = array<i32>} : memref<16384xf32, #tpu.memory_space<vmem>>, vector<16xf32>,
      tpu.vector_store %arg11[%swap3A_520], %mul3A_519 {strides = array<i32>} : memref<16384xf32, #tpu.memory_space<vmem>>, vector<16xf32>,
      %min3A_522 = arith.minimumf %scan3A_313, %mul3A_519 : vector<16xf32>
      %add3A_523 = arith.constant 160 : i32
      %add3A_524 = arith.addi %multiple_of3A, %add3A_523 : i32
      %get3A_525 = arith.index_cast %add3A_524 : i32 to index
      %get3A_526 = tpu.vector_load %arg8[%get3A_525] {strides = array<i32>} : memref<16384xf32, #tpu.memory_space<vmem>>, vector<16xf32>,
      %get3A_527 = arith.index_cast %add3A_524 : i32 to index
      %get3A_528 = tpu.vector_load %arg9[%get3A_527] {strides = array<i32>} : memref<16384xf32, #tpu.memory_space<vmem>>, vector<16xf32>,
      %get3A_529 = arith.index_cast %add3A_524 : i32 to index
      %get3A_530 = tpu.vector_load %arg10[%get3A_529] {strides = array<i32>} : memref<16384xf32, #tpu.memory_space<vmem>>, vector<16xf32>,
      %sub3A_531 = arith.subf %get3A_526, %broadcast_in_dim3A_0 : vector<16xf32>
      %sub3A_532 = arith.subf %get3A_528, %broadcast_in_dim3A_0 : vector<16xf32>
      %sub3A_533 = arith.subf %get3A_530, %broadcast_in_dim3A_0 : vector<16xf32>
      %mul3A_534 = arith.mulf %sub3A_531, %sub3A_531 : vector<16xf32>
      %mul3A_535 = arith.mulf %sub3A_532, %sub3A_532 : vector<16xf32>
      %add3A_536 = arith.addf %mul3A_534, %mul3A_535 : vector<16xf32>
      %mul3A_537 = arith.mulf %sub3A_533, %sub3A_533 : vector<16xf32>
      %add3A_538 = arith.addf %add3A_536, %mul3A_537 : vector<16xf32>
      %mul3A_539 = arith.mulf %add3A_538, %broadcast_in_dim3A_18 : vector<16xf32>
      %swap3A_540 = arith.index_cast %add3A_524 : i32 to index
      %swap3A_541 = tpu.vector_load %arg11[%swap3A_540] {strides = array<i32>} : memref<16384xf32, #tpu.memory_space<vmem>>, vector<16xf32>,
      tpu.vector_store %arg11[%swap3A_540], %mul3A_539 {strides = array<i32>} : memref<16384xf32, #tpu.memory_space<vmem>>, vector<16xf32>,
      %min3A_542 = arith.minimumf %scan3A_314, %mul3A_539 : vector<16xf32>
      %add3A_543 = arith.constant 176 : i32
      %add3A_544 = arith.addi %multiple_of3A, %add3A_543 : i32
      %get3A_545 = arith.index_cast %add3A_544 : i32 to index
      %get3A_546 = tpu.vector_load %arg8[%get3A_545] {strides = array<i32>} : memref<16384xf32, #tpu.memory_space<vmem>>, vector<16xf32>,
      %get3A_547 = arith.index_cast %add3A_544 : i32 to index
      %get3A_548 = tpu.vector_load %arg9[%get3A_547] {strides = array<i32>} : memref<16384xf32, #tpu.memory_space<vmem>>, vector<16xf32>,
      %get3A_549 = arith.index_cast %add3A_544 : i32 to index
      %get3A_550 = tpu.vector_load %arg10[%get3A_549] {strides = array<i32>} : memref<16384xf32, #tpu.memory_space<vmem>>, vector<16xf32>,
      %sub3A_551 = arith.subf %get3A_546, %broadcast_in_dim3A_0 : vector<16xf32>
      %sub3A_552 = arith.subf %get3A_548, %broadcast_in_dim3A_0 : vector<16xf32>
      %sub3A_553 = arith.subf %get3A_550, %broadcast_in_dim3A_0 : vector<16xf32>
      %mul3A_554 = arith.mulf %sub3A_551, %sub3A_551 : vector<16xf32>
      %mul3A_555 = arith.mulf %sub3A_552, %sub3A_552 : vector<16xf32>
      %add3A_556 = arith.addf %mul3A_554, %mul3A_555 : vector<16xf32>
      %mul3A_557 = arith.mulf %sub3A_553, %sub3A_553 : vector<16xf32>
      %add3A_558 = arith.addf %add3A_556, %mul3A_557 : vector<16xf32>
      %mul3A_559 = arith.mulf %add3A_558, %broadcast_in_dim3A_18 : vector<16xf32>
      %swap3A_560 = arith.index_cast %add3A_544 : i32 to index
      %swap3A_561 = tpu.vector_load %arg11[%swap3A_560] {strides = array<i32>} : memref<16384xf32, #tpu.memory_space<vmem>>, vector<16xf32>,
      tpu.vector_store %arg11[%swap3A_560], %mul3A_559 {strides = array<i32>} : memref<16384xf32, #tpu.memory_space<vmem>>, vector<16xf32>,
      %min3A_562 = arith.minimumf %scan3A_315, %mul3A_559 : vector<16xf32>
      %add3A_563 = arith.constant 192 : i32
      %add3A_564 = arith.addi %multiple_of3A, %add3A_563 : i32
      %get3A_565 = arith.index_cast %add3A_564 : i32 to index
      %get3A_566 = tpu.vector_load %arg8[%get3A_565] {strides = array<i32>} : memref<16384xf32, #tpu.memory_space<vmem>>, vector<16xf32>,
      %get3A_567 = arith.index_cast %add3A_564 : i32 to index
      %get3A_568 = tpu.vector_load %arg9[%get3A_567] {strides = array<i32>} : memref<16384xf32, #tpu.memory_space<vmem>>, vector<16xf32>,
      %get3A_569 = arith.index_cast %add3A_564 : i32 to index
      %get3A_570 = tpu.vector_load %arg10[%get3A_569] {strides = array<i32>} : memref<16384xf32, #tpu.memory_space<vmem>>, vector<16xf32>,
      %sub3A_571 = arith.subf %get3A_566, %broadcast_in_dim3A_0 : vector<16xf32>
      %sub3A_572 = arith.subf %get3A_568, %broadcast_in_dim3A_0 : vector<16xf32>
      %sub3A_573 = arith.subf %get3A_570, %broadcast_in_dim3A_0 : vector<16xf32>
      %mul3A_574 = arith.mulf %sub3A_571, %sub3A_571 : vector<16xf32>
      %mul3A_575 = arith.mulf %sub3A_572, %sub3A_572 : vector<16xf32>
      %add3A_576 = arith.addf %mul3A_574, %mul3A_575 : vector<16xf32>
      %mul3A_577 = arith.mulf %sub3A_573, %sub3A_573 : vector<16xf32>
      %add3A_578 = arith.addf %add3A_576, %mul3A_577 : vector<16xf32>
      %mul3A_579 = arith.mulf %add3A_578, %broadcast_in_dim3A_18 : vector<16xf32>
      %swap3A_580 = arith.index_cast %add3A_564 : i32 to index
      %swap3A_581 = tpu.vector_load %arg11[%swap3A_580] {strides = array<i32>} : memref<16384xf32, #tpu.memory_space<vmem>>, vector<16xf32>,
      tpu.vector_store %arg11[%swap3A_580], %mul3A_579 {strides = array<i32>} : memref<16384xf32, #tpu.memory_space<vmem>>, vector<16xf32>,
      %min3A_582 = arith.minimumf %scan3A_316, %mul3A_579 : vector<16xf32>
      %add3A_583 = arith.constant 208 : i32
      %add3A_584 = arith.addi %multiple_of3A, %add3A_583 : i32
      %get3A_585 = arith.index_cast %add3A_584 : i32 to index
      %get3A_586 = tpu.vector_load %arg8[%get3A_585] {strides = array<i32>} : memref<16384xf32, #tpu.memory_space<vmem>>, vector<16xf32>,
      %get3A_587 = arith.index_cast %add3A_584 : i32 to index
      %get3A_588 = tpu.vector_load %arg9[%get3A_587] {strides = array<i32>} : memref<16384xf32, #tpu.memory_space<vmem>>, vector<16xf32>,
      %get3A_589 = arith.index_cast %add3A_584 : i32 to index
      %get3A_590 = tpu.vector_load %arg10[%get3A_589] {strides = array<i32>} : memref<16384xf32, #tpu.memory_space<vmem>>, vector<16xf32>,
      %sub3A_591 = arith.subf %get3A_586, %broadcast_in_dim3A_0 : vector<16xf32>
      %sub3A_592 = arith.subf %get3A_588, %broadcast_in_dim3A_0 : vector<16xf32>
      %sub3A_593 = arith.subf %get3A_590, %broadcast_in_dim3A_0 : vector<16xf32>
      %mul3A_594 = arith.mulf %sub3A_591, %sub3A_591 : vector<16xf32>
      %mul3A_595 = arith.mulf %sub3A_592, %sub3A_592 : vector<16xf32>
      %add3A_596 = arith.addf %mul3A_594, %mul3A_595 : vector<16xf32>
      %mul3A_597 = arith.mulf %sub3A_593, %sub3A_593 : vector<16xf32>
      %add3A_598 = arith.addf %add3A_596, %mul3A_597 : vector<16xf32>
      %mul3A_599 = arith.mulf %add3A_598, %broadcast_in_dim3A_18 : vector<16xf32>
      %swap3A_600 = arith.index_cast %add3A_584 : i32 to index
      %swap3A_601 = tpu.vector_load %arg11[%swap3A_600] {strides = array<i32>} : memref<16384xf32, #tpu.memory_space<vmem>>, vector<16xf32>,
      tpu.vector_store %arg11[%swap3A_600], %mul3A_599 {strides = array<i32>} : memref<16384xf32, #tpu.memory_space<vmem>>, vector<16xf32>,
      %min3A_602 = arith.minimumf %scan3A_317, %mul3A_599 : vector<16xf32>
      %add3A_603 = arith.constant 224 : i32
      %add3A_604 = arith.addi %multiple_of3A, %add3A_603 : i32
      %get3A_605 = arith.index_cast %add3A_604 : i32 to index
      %get3A_606 = tpu.vector_load %arg8[%get3A_605] {strides = array<i32>} : memref<16384xf32, #tpu.memory_space<vmem>>, vector<16xf32>,
      %get3A_607 = arith.index_cast %add3A_604 : i32 to index
      %get3A_608 = tpu.vector_load %arg9[%get3A_607] {strides = array<i32>} : memref<16384xf32, #tpu.memory_space<vmem>>, vector<16xf32>,
      %get3A_609 = arith.index_cast %add3A_604 : i32 to index
      %get3A_610 = tpu.vector_load %arg10[%get3A_609] {strides = array<i32>} : memref<16384xf32, #tpu.memory_space<vmem>>, vector<16xf32>,
      %sub3A_611 = arith.subf %get3A_606, %broadcast_in_dim3A_0 : vector<16xf32>
      %sub3A_612 = arith.subf %get3A_608, %broadcast_in_dim3A_0 : vector<16xf32>
      %sub3A_613 = arith.subf %get3A_610, %broadcast_in_dim3A_0 : vector<16xf32>
      %mul3A_614 = arith.mulf %sub3A_611, %sub3A_611 : vector<16xf32>
      %mul3A_615 = arith.mulf %sub3A_612, %sub3A_612 : vector<16xf32>
      %add3A_616 = arith.addf %mul3A_614, %mul3A_615 : vector<16xf32>
      %mul3A_617 = arith.mulf %sub3A_613, %sub3A_613 : vector<16xf32>
      %add3A_618 = arith.addf %add3A_616, %mul3A_617 : vector<16xf32>
      %mul3A_619 = arith.mulf %add3A_618, %broadcast_in_dim3A_18 : vector<16xf32>
      %swap3A_620 = arith.index_cast %add3A_604 : i32 to index
      %swap3A_621 = tpu.vector_load %arg11[%swap3A_620] {strides = array<i32>} : memref<16384xf32, #tpu.memory_space<vmem>>, vector<16xf32>,
      tpu.vector_store %arg11[%swap3A_620], %mul3A_619 {strides = array<i32>} : memref<16384xf32, #tpu.memory_space<vmem>>, vector<16xf32>,
      %min3A_622 = arith.minimumf %scan3A_318, %mul3A_619 : vector<16xf32>
      %add3A_623 = arith.constant 240 : i32
      %add3A_624 = arith.addi %multiple_of3A, %add3A_623 : i32
      %get3A_625 = arith.index_cast %add3A_624 : i32 to index
      %get3A_626 = tpu.vector_load %arg8[%get3A_625] {strides = array<i32>} : memref<16384xf32, #tpu.memory_space<vmem>>, vector<16xf32>,
      %get3A_627 = arith.index_cast %add3A_624 : i32 to index
      %get3A_628 = tpu.vector_load %arg9[%get3A_627] {strides = array<i32>} : memref<16384xf32, #tpu.memory_space<vmem>>, vector<16xf32>,
      %get3A_629 = arith.index_cast %add3A_624 : i32 to index
      %get3A_630 = tpu.vector_load %arg10[%get3A_629] {strides = array<i32>} : memref<16384xf32, #tpu.memory_space<vmem>>, vector<16xf32>,
      %sub3A_631 = arith.subf %get3A_626, %broadcast_in_dim3A_0 : vector<16xf32>
      %sub3A_632 = arith.subf %get3A_628, %broadcast_in_dim3A_0 : vector<16xf32>
      %sub3A_633 = arith.subf %get3A_630, %broadcast_in_dim3A_0 : vector<16xf32>
      %mul3A_634 = arith.mulf %sub3A_631, %sub3A_631 : vector<16xf32>
      %mul3A_635 = arith.mulf %sub3A_632, %sub3A_632 : vector<16xf32>
      %add3A_636 = arith.addf %mul3A_634, %mul3A_635 : vector<16xf32>
      %mul3A_637 = arith.mulf %sub3A_633, %sub3A_633 : vector<16xf32>
      %add3A_638 = arith.addf %add3A_636, %mul3A_637 : vector<16xf32>
      %mul3A_639 = arith.mulf %add3A_638, %broadcast_in_dim3A_18 : vector<16xf32>
      %swap3A_640 = arith.index_cast %add3A_624 : i32 to index
      %swap3A_641 = tpu.vector_load %arg11[%swap3A_640] {strides = array<i32>} : memref<16384xf32, #tpu.memory_space<vmem>>, vector<16xf32>,
      tpu.vector_store %arg11[%swap3A_640], %mul3A_639 {strides = array<i32>} : memref<16384xf32, #tpu.memory_space<vmem>>, vector<16xf32>,
      %min3A_642 = arith.minimumf %scan3A_319, %mul3A_639 : vector<16xf32>
      %scan3A_643 = arith.constant 1 : i32
      %scan3A_644 = arith.addi %scan3A_303, %scan3A_643 : i32
      %mul3A_645 = arith.constant 1 : i32
      %mul3A_646 = arith.muli %scan3A_644, %mul3A_645 : i32
      %add3A_647 = arith.constant 0 : i32
      %add3A_648 = arith.addi %add3A_647, %mul3A_646 : i32
      %mul3A_649 = arith.constant 256 : i32
      %mul3A_650 = arith.muli %add3A_648, %mul3A_649 : i32
      %multiple_of3A_651 = tpu.assume_multiple %mul3A_650, 256 : i32
      %add3A_652 = arith.constant 0 : i32
      %add3A_653 = arith.addi %multiple_of3A_651, %add3A_652 : i32
      %get3A_654 = arith.index_cast %add3A_653 : i32 to index
      %get3A_655 = tpu.vector_load %arg8[%get3A_654] {strides = array<i32>} : memref<16384xf32, #tpu.memory_space<vmem>>, vector<16xf32>,
      %get3A_656 = arith.index_cast %add3A_653 : i32 to index
      %get3A_657 = tpu.vector_load %arg9[%get3A_656] {strides = array<i32>} : memref<16384xf32, #tpu.memory_space<vmem>>, vector<16xf32>,
      %get3A_658 = arith.index_cast %add3A_653 : i32 to index
      %get3A_659 = tpu.vector_load %arg10[%get3A_658] {strides = array<i32>} : memref<16384xf32, #tpu.memory_space<vmem>>, vector<16xf32>,
      %sub3A_660 = arith.subf %get3A_655, %broadcast_in_dim3A_0 : vector<16xf32>
      %sub3A_661 = arith.subf %get3A_657, %broadcast_in_dim3A_0 : vector<16xf32>
      %sub3A_662 = arith.subf %get3A_659, %broadcast_in_dim3A_0 : vector<16xf32>
      %mul3A_663 = arith.mulf %sub3A_660, %sub3A_660 : vector<16xf32>
      %mul3A_664 = arith.mulf %sub3A_661, %sub3A_661 : vector<16xf32>
      %add3A_665 = arith.addf %mul3A_663, %mul3A_664 : vector<16xf32>
      %mul3A_666 = arith.mulf %sub3A_662, %sub3A_662 : vector<16xf32>
      %add3A_667 = arith.addf %add3A_665, %mul3A_666 : vector<16xf32>
      %mul3A_668 = arith.mulf %add3A_667, %broadcast_in_dim3A_18 : vector<16xf32>
      %swap3A_669 = arith.index_cast %add3A_653 : i32 to index
      %swap3A_670 = tpu.vector_load %arg11[%swap3A_669] {strides = array<i32>} : memref<16384xf32, #tpu.memory_space<vmem>>, vector<16xf32>,
      tpu.vector_store %arg11[%swap3A_669], %mul3A_668 {strides = array<i32>} : memref<16384xf32, #tpu.memory_space<vmem>>, vector<16xf32>,
      %min3A_671 = arith.minimumf %min3A, %mul3A_668 : vector<16xf32>
      %add3A_672 = arith.constant 16 : i32
      %add3A_673 = arith.addi %multiple_of3A_651, %add3A_672 : i32
      %get3A_674 = arith.index_cast %add3A_673 : i32 to index
      %get3A_675 = tpu.vector_load %arg8[%get3A_674] {strides = array<i32>} : memref<16384xf32, #tpu.memory_space<vmem>>, vector<16xf32>,
      %get3A_676 = arith.index_cast %add3A_673 : i32 to index
      %get3A_677 = tpu.vector_load %arg9[%get3A_676] {strides = array<i32>} : memref<16384xf32, #tpu.memory_space<vmem>>, vector<16xf32>,
      %get3A_678 = arith.index_cast %add3A_673 : i32 to index
      %get3A_679 = tpu.vector_load %arg10[%get3A_678] {strides = array<i32>} : memref<16384xf32, #tpu.memory_space<vmem>>, vector<16xf32>,
      %sub3A_680 = arith.subf %get3A_675, %broadcast_in_dim3A_0 : vector<16xf32>
      %sub3A_681 = arith.subf %get3A_677, %broadcast_in_dim3A_0 : vector<16xf32>
      %sub3A_682 = arith.subf %get3A_679, %broadcast_in_dim3A_0 : vector<16xf32>
      %mul3A_683 = arith.mulf %sub3A_680, %sub3A_680 : vector<16xf32>
      %mul3A_684 = arith.mulf %sub3A_681, %sub3A_681 : vector<16xf32>
      %add3A_685 = arith.addf %mul3A_683, %mul3A_684 : vector<16xf32>
      %mul3A_686 = arith.mulf %sub3A_682, %sub3A_682 : vector<16xf32>
      %add3A_687 = arith.addf %add3A_685, %mul3A_686 : vector<16xf32>
      %mul3A_688 = arith.mulf %add3A_687, %broadcast_in_dim3A_18 : vector<16xf32>
      %swap3A_689 = arith.index_cast %add3A_673 : i32 to index
      %swap3A_690 = tpu.vector_load %arg11[%swap3A_689] {strides = array<i32>} : memref<16384xf32, #tpu.memory_space<vmem>>, vector<16xf32>,
      tpu.vector_store %arg11[%swap3A_689], %mul3A_688 {strides = array<i32>} : memref<16384xf32, #tpu.memory_space<vmem>>, vector<16xf32>,
      %min3A_691 = arith.minimumf %min3A_362, %mul3A_688 : vector<16xf32>
      %add3A_692 = arith.constant 32 : i32
      %add3A_693 = arith.addi %multiple_of3A_651, %add3A_692 : i32
      %get3A_694 = arith.index_cast %add3A_693 : i32 to index
      %get3A_695 = tpu.vector_load %arg8[%get3A_694] {strides = array<i32>} : memref<16384xf32, #tpu.memory_space<vmem>>, vector<16xf32>,
      %get3A_696 = arith.index_cast %add3A_693 : i32 to index
      %get3A_697 = tpu.vector_load %arg9[%get3A_696] {strides = array<i32>} : memref<16384xf32, #tpu.memory_space<vmem>>, vector<16xf32>,
      %get3A_698 = arith.index_cast %add3A_693 : i32 to index
      %get3A_699 = tpu.vector_load %arg10[%get3A_698] {strides = array<i32>} : memref<16384xf32, #tpu.memory_space<vmem>>, vector<16xf32>,
      %sub3A_700 = arith.subf %get3A_695, %broadcast_in_dim3A_0 : vector<16xf32>
      %sub3A_701 = arith.subf %get3A_697, %broadcast_in_dim3A_0 : vector<16xf32>
      %sub3A_702 = arith.subf %get3A_699, %broadcast_in_dim3A_0 : vector<16xf32>
      %mul3A_703 = arith.mulf %sub3A_700, %sub3A_700 : vector<16xf32>
      %mul3A_704 = arith.mulf %sub3A_701, %sub3A_701 : vector<16xf32>
      %add3A_705 = arith.addf %mul3A_703, %mul3A_704 : vector<16xf32>
      %mul3A_706 = arith.mulf %sub3A_702, %sub3A_702 : vector<16xf32>
      %add3A_707 = arith.addf %add3A_705, %mul3A_706 : vector<16xf32>
      %mul3A_708 = arith.mulf %add3A_707, %broadcast_in_dim3A_18 : vector<16xf32>
      %swap3A_709 = arith.index_cast %add3A_693 : i32 to index
      %swap3A_710 = tpu.vector_load %arg11[%swap3A_709] {strides = array<i32>} : memref<16384xf32, #tpu.memory_space<vmem>>, vector<16xf32>,
      tpu.vector_store %arg11[%swap3A_709], %mul3A_708 {strides = array<i32>} : memref<16384xf32, #tpu.memory_space<vmem>>, vector<16xf32>,
      %min3A_711 = arith.minimumf %min3A_382, %mul3A_708 : vector<16xf32>
      %add3A_712 = arith.constant 48 : i32
      %add3A_713 = arith.addi %multiple_of3A_651, %add3A_712 : i32
      %get3A_714 = arith.index_cast %add3A_713 : i32 to index
      %get3A_715 = tpu.vector_load %arg8[%get3A_714] {strides = array<i32>} : memref<16384xf32, #tpu.memory_space<vmem>>, vector<16xf32>,
      %get3A_716 = arith.index_cast %add3A_713 : i32 to index
      %get3A_717 = tpu.vector_load %arg9[%get3A_716] {strides = array<i32>} : memref<16384xf32, #tpu.memory_space<vmem>>, vector<16xf32>,
      %get3A_718 = arith.index_cast %add3A_713 : i32 to index
      %get3A_719 = tpu.vector_load %arg10[%get3A_718] {strides = array<i32>} : memref<16384xf32, #tpu.memory_space<vmem>>, vector<16xf32>,
      %sub3A_720 = arith.subf %get3A_715, %broadcast_in_dim3A_0 : vector<16xf32>
      %sub3A_721 = arith.subf %get3A_717, %broadcast_in_dim3A_0 : vector<16xf32>
      %sub3A_722 = arith.subf %get3A_719, %broadcast_in_dim3A_0 : vector<16xf32>
      %mul3A_723 = arith.mulf %sub3A_720, %sub3A_720 : vector<16xf32>
      %mul3A_724 = arith.mulf %sub3A_721, %sub3A_721 : vector<16xf32>
      %add3A_725 = arith.addf %mul3A_723, %mul3A_724 : vector<16xf32>
      %mul3A_726 = arith.mulf %sub3A_722, %sub3A_722 : vector<16xf32>
      %add3A_727 = arith.addf %add3A_725, %mul3A_726 : vector<16xf32>
      %mul3A_728 = arith.mulf %add3A_727, %broadcast_in_dim3A_18 : vector<16xf32>
      %swap3A_729 = arith.index_cast %add3A_713 : i32 to index
      %swap3A_730 = tpu.vector_load %arg11[%swap3A_729] {strides = array<i32>} : memref<16384xf32, #tpu.memory_space<vmem>>, vector<16xf32>,
      tpu.vector_store %arg11[%swap3A_729], %mul3A_728 {strides = array<i32>} : memref<16384xf32, #tpu.memory_space<vmem>>, vector<16xf32>,
      %min3A_731 = arith.minimumf %min3A_402, %mul3A_728 : vector<16xf32>
      %add3A_732 = arith.constant 64 : i32
      %add3A_733 = arith.addi %multiple_of3A_651, %add3A_732 : i32
      %get3A_734 = arith.index_cast %add3A_733 : i32 to index
      %get3A_735 = tpu.vector_load %arg8[%get3A_734] {strides = array<i32>} : memref<16384xf32, #tpu.memory_space<vmem>>, vector<16xf32>,
      %get3A_736 = arith.index_cast %add3A_733 : i32 to index
      %get3A_737 = tpu.vector_load %arg9[%get3A_736] {strides = array<i32>} : memref<16384xf32, #tpu.memory_space<vmem>>, vector<16xf32>,
      %get3A_738 = arith.index_cast %add3A_733 : i32 to index
      %get3A_739 = tpu.vector_load %arg10[%get3A_738] {strides = array<i32>} : memref<16384xf32, #tpu.memory_space<vmem>>, vector<16xf32>,
      %sub3A_740 = arith.subf %get3A_735, %broadcast_in_dim3A_0 : vector<16xf32>
      %sub3A_741 = arith.subf %get3A_737, %broadcast_in_dim3A_0 : vector<16xf32>
      %sub3A_742 = arith.subf %get3A_739, %broadcast_in_dim3A_0 : vector<16xf32>
      %mul3A_743 = arith.mulf %sub3A_740, %sub3A_740 : vector<16xf32>
      %mul3A_744 = arith.mulf %sub3A_741, %sub3A_741 : vector<16xf32>
      %add3A_745 = arith.addf %mul3A_743, %mul3A_744 : vector<16xf32>
      %mul3A_746 = arith.mulf %sub3A_742, %sub3A_742 : vector<16xf32>
      %add3A_747 = arith.addf %add3A_745, %mul3A_746 : vector<16xf32>
      %mul3A_748 = arith.mulf %add3A_747, %broadcast_in_dim3A_18 : vector<16xf32>
      %swap3A_749 = arith.index_cast %add3A_733 : i32 to index
      %swap3A_750 = tpu.vector_load %arg11[%swap3A_749] {strides = array<i32>} : memref<16384xf32, #tpu.memory_space<vmem>>, vector<16xf32>,
      tpu.vector_store %arg11[%swap3A_749], %mul3A_748 {strides = array<i32>} : memref<16384xf32, #tpu.memory_space<vmem>>, vector<16xf32>,
      %min3A_751 = arith.minimumf %min3A_422, %mul3A_748 : vector<16xf32>
      %add3A_752 = arith.constant 80 : i32
      %add3A_753 = arith.addi %multiple_of3A_651, %add3A_752 : i32
      %get3A_754 = arith.index_cast %add3A_753 : i32 to index
      %get3A_755 = tpu.vector_load %arg8[%get3A_754] {strides = array<i32>} : memref<16384xf32, #tpu.memory_space<vmem>>, vector<16xf32>,
      %get3A_756 = arith.index_cast %add3A_753 : i32 to index
      %get3A_757 = tpu.vector_load %arg9[%get3A_756] {strides = array<i32>} : memref<16384xf32, #tpu.memory_space<vmem>>, vector<16xf32>,
      %get3A_758 = arith.index_cast %add3A_753 : i32 to index
      %get3A_759 = tpu.vector_load %arg10[%get3A_758] {strides = array<i32>} : memref<16384xf32, #tpu.memory_space<vmem>>, vector<16xf32>,
      %sub3A_760 = arith.subf %get3A_755, %broadcast_in_dim3A_0 : vector<16xf32>
      %sub3A_761 = arith.subf %get3A_757, %broadcast_in_dim3A_0 : vector<16xf32>
      %sub3A_762 = arith.subf %get3A_759, %broadcast_in_dim3A_0 : vector<16xf32>
      %mul3A_763 = arith.mulf %sub3A_760, %sub3A_760 : vector<16xf32>
      %mul3A_764 = arith.mulf %sub3A_761, %sub3A_761 : vector<16xf32>
      %add3A_765 = arith.addf %mul3A_763, %mul3A_764 : vector<16xf32>
      %mul3A_766 = arith.mulf %sub3A_762, %sub3A_762 : vector<16xf32>
      %add3A_767 = arith.addf %add3A_765, %mul3A_766 : vector<16xf32>
      %mul3A_768 = arith.mulf %add3A_767, %broadcast_in_dim3A_18 : vector<16xf32>
      %swap3A_769 = arith.index_cast %add3A_753 : i32 to index
      %swap3A_770 = tpu.vector_load %arg11[%swap3A_769] {strides = array<i32>} : memref<16384xf32, #tpu.memory_space<vmem>>, vector<16xf32>,
      tpu.vector_store %arg11[%swap3A_769], %mul3A_768 {strides = array<i32>} : memref<16384xf32, #tpu.memory_space<vmem>>, vector<16xf32>,
      %min3A_771 = arith.minimumf %min3A_442, %mul3A_768 : vector<16xf32>
      %add3A_772 = arith.constant 96 : i32
      %add3A_773 = arith.addi %multiple_of3A_651, %add3A_772 : i32
      %get3A_774 = arith.index_cast %add3A_773 : i32 to index
      %get3A_775 = tpu.vector_load %arg8[%get3A_774] {strides = array<i32>} : memref<16384xf32, #tpu.memory_space<vmem>>, vector<16xf32>,
      %get3A_776 = arith.index_cast %add3A_773 : i32 to index
      %get3A_777 = tpu.vector_load %arg9[%get3A_776] {strides = array<i32>} : memref<16384xf32, #tpu.memory_space<vmem>>, vector<16xf32>,
      %get3A_778 = arith.index_cast %add3A_773 : i32 to index
      %get3A_779 = tpu.vector_load %arg10[%get3A_778] {strides = array<i32>} : memref<16384xf32, #tpu.memory_space<vmem>>, vector<16xf32>,
      %sub3A_780 = arith.subf %get3A_775, %broadcast_in_dim3A_0 : vector<16xf32>
      %sub3A_781 = arith.subf %get3A_777, %broadcast_in_dim3A_0 : vector<16xf32>
      %sub3A_782 = arith.subf %get3A_779, %broadcast_in_dim3A_0 : vector<16xf32>
      %mul3A_783 = arith.mulf %sub3A_780, %sub3A_780 : vector<16xf32>
      %mul3A_784 = arith.mulf %sub3A_781, %sub3A_781 : vector<16xf32>
      %add3A_785 = arith.addf %mul3A_783, %mul3A_784 : vector<16xf32>
      %mul3A_786 = arith.mulf %sub3A_782, %sub3A_782 : vector<16xf32>
      %add3A_787 = arith.addf %add3A_785, %mul3A_786 : vector<16xf32>
      %mul3A_788 = arith.mulf %add3A_787, %broadcast_in_dim3A_18 : vector<16xf32>
      %swap3A_789 = arith.index_cast %add3A_773 : i32 to index
      %swap3A_790 = tpu.vector_load %arg11[%swap3A_789] {strides = array<i32>} : memref<16384xf32, #tpu.memory_space<vmem>>, vector<16xf32>,
      tpu.vector_store %arg11[%swap3A_789], %mul3A_788 {strides = array<i32>} : memref<16384xf32, #tpu.memory_space<vmem>>, vector<16xf32>,
      %min3A_791 = arith.minimumf %min3A_462, %mul3A_788 : vector<16xf32>
      %add3A_792 = arith.constant 112 : i32
      %add3A_793 = arith.addi %multiple_of3A_651, %add3A_792 : i32
      %get3A_794 = arith.index_cast %add3A_793 : i32 to index
      %get3A_795 = tpu.vector_load %arg8[%get3A_794] {strides = array<i32>} : memref<16384xf32, #tpu.memory_space<vmem>>, vector<16xf32>,
      %get3A_796 = arith.index_cast %add3A_793 : i32 to index
      %get3A_797 = tpu.vector_load %arg9[%get3A_796] {strides = array<i32>} : memref<16384xf32, #tpu.memory_space<vmem>>, vector<16xf32>,
      %get3A_798 = arith.index_cast %add3A_793 : i32 to index
      %get3A_799 = tpu.vector_load %arg10[%get3A_798] {strides = array<i32>} : memref<16384xf32, #tpu.memory_space<vmem>>, vector<16xf32>,
      %sub3A_800 = arith.subf %get3A_795, %broadcast_in_dim3A_0 : vector<16xf32>
      %sub3A_801 = arith.subf %get3A_797, %broadcast_in_dim3A_0 : vector<16xf32>
      %sub3A_802 = arith.subf %get3A_799, %broadcast_in_dim3A_0 : vector<16xf32>
      %mul3A_803 = arith.mulf %sub3A_800, %sub3A_800 : vector<16xf32>
      %mul3A_804 = arith.mulf %sub3A_801, %sub3A_801 : vector<16xf32>
      %add3A_805 = arith.addf %mul3A_803, %mul3A_804 : vector<16xf32>
      %mul3A_806 = arith.mulf %sub3A_802, %sub3A_802 : vector<16xf32>
      %add3A_807 = arith.addf %add3A_805, %mul3A_806 : vector<16xf32>
      %mul3A_808 = arith.mulf %add3A_807, %broadcast_in_dim3A_18 : vector<16xf32>
      %swap3A_809 = arith.index_cast %add3A_793 : i32 to index
      %swap3A_810 = tpu.vector_load %arg11[%swap3A_809] {strides = array<i32>} : memref<16384xf32, #tpu.memory_space<vmem>>, vector<16xf32>,
      tpu.vector_store %arg11[%swap3A_809], %mul3A_808 {strides = array<i32>} : memref<16384xf32, #tpu.memory_space<vmem>>, vector<16xf32>,
      %min3A_811 = arith.minimumf %min3A_482, %mul3A_808 : vector<16xf32>
      %add3A_812 = arith.constant 128 : i32
      %add3A_813 = arith.addi %multiple_of3A_651, %add3A_812 : i32
      %get3A_814 = arith.index_cast %add3A_813 : i32 to index
      %get3A_815 = tpu.vector_load %arg8[%get3A_814] {strides = array<i32>} : memref<16384xf32, #tpu.memory_space<vmem>>, vector<16xf32>,
      %get3A_816 = arith.index_cast %add3A_813 : i32 to index
      %get3A_817 = tpu.vector_load %arg9[%get3A_816] {strides = array<i32>} : memref<16384xf32, #tpu.memory_space<vmem>>, vector<16xf32>,
      %get3A_818 = arith.index_cast %add3A_813 : i32 to index
      %get3A_819 = tpu.vector_load %arg10[%get3A_818] {strides = array<i32>} : memref<16384xf32, #tpu.memory_space<vmem>>, vector<16xf32>,
      %sub3A_820 = arith.subf %get3A_815, %broadcast_in_dim3A_0 : vector<16xf32>
      %sub3A_821 = arith.subf %get3A_817, %broadcast_in_dim3A_0 : vector<16xf32>
      %sub3A_822 = arith.subf %get3A_819, %broadcast_in_dim3A_0 : vector<16xf32>
      %mul3A_823 = arith.mulf %sub3A_820, %sub3A_820 : vector<16xf32>
      %mul3A_824 = arith.mulf %sub3A_821, %sub3A_821 : vector<16xf32>
      %add3A_825 = arith.addf %mul3A_823, %mul3A_824 : vector<16xf32>
      %mul3A_826 = arith.mulf %sub3A_822, %sub3A_822 : vector<16xf32>
      %add3A_827 = arith.addf %add3A_825, %mul3A_826 : vector<16xf32>
      %mul3A_828 = arith.mulf %add3A_827, %broadcast_in_dim3A_18 : vector<16xf32>
      %swap3A_829 = arith.index_cast %add3A_813 : i32 to index
      %swap3A_830 = tpu.vector_load %arg11[%swap3A_829] {strides = array<i32>} : memref<16384xf32, #tpu.memory_space<vmem>>, vector<16xf32>,
      tpu.vector_store %arg11[%swap3A_829], %mul3A_828 {strides = array<i32>} : memref<16384xf32, #tpu.memory_space<vmem>>, vector<16xf32>,
      %min3A_831 = arith.minimumf %min3A_502, %mul3A_828 : vector<16xf32>
      %add3A_832 = arith.constant 144 : i32
      %add3A_833 = arith.addi %multiple_of3A_651, %add3A_832 : i32
      %get3A_834 = arith.index_cast %add3A_833 : i32 to index
      %get3A_835 = tpu.vector_load %arg8[%get3A_834] {strides = array<i32>} : memref<16384xf32, #tpu.memory_space<vmem>>, vector<16xf32>,
      %get3A_836 = arith.index_cast %add3A_833 : i32 to index
      %get3A_837 = tpu.vector_load %arg9[%get3A_836] {strides = array<i32>} : memref<16384xf32, #tpu.memory_space<vmem>>, vector<16xf32>,
      %get3A_838 = arith.index_cast %add3A_833 : i32 to index
      %get3A_839 = tpu.vector_load %arg10[%get3A_838] {strides = array<i32>} : memref<16384xf32, #tpu.memory_space<vmem>>, vector<16xf32>,
      %sub3A_840 = arith.subf %get3A_835, %broadcast_in_dim3A_0 : vector<16xf32>
      %sub3A_841 = arith.subf %get3A_837, %broadcast_in_dim3A_0 : vector<16xf32>
      %sub3A_842 = arith.subf %get3A_839, %broadcast_in_dim3A_0 : vector<16xf32>
      %mul3A_843 = arith.mulf %sub3A_840, %sub3A_840 : vector<16xf32>
      %mul3A_844 = arith.mulf %sub3A_841, %sub3A_841 : vector<16xf32>
      %add3A_845 = arith.addf %mul3A_843, %mul3A_844 : vector<16xf32>
      %mul3A_846 = arith.mulf %sub3A_842, %sub3A_842 : vector<16xf32>
      %add3A_847 = arith.addf %add3A_845, %mul3A_846 : vector<16xf32>
      %mul3A_848 = arith.mulf %add3A_847, %broadcast_in_dim3A_18 : vector<16xf32>
      %swap3A_849 = arith.index_cast %add3A_833 : i32 to index
      %swap3A_850 = tpu.vector_load %arg11[%swap3A_849] {strides = array<i32>} : memref<16384xf32, #tpu.memory_space<vmem>>, vector<16xf32>,
      tpu.vector_store %arg11[%swap3A_849], %mul3A_848 {strides = array<i32>} : memref<16384xf32, #tpu.memory_space<vmem>>, vector<16xf32>,
      %min3A_851 = arith.minimumf %min3A_522, %mul3A_848 : vector<16xf32>
      %add3A_852 = arith.constant 160 : i32
      %add3A_853 = arith.addi %multiple_of3A_651, %add3A_852 : i32
      %get3A_854 = arith.index_cast %add3A_853 : i32 to index
      %get3A_855 = tpu.vector_load %arg8[%get3A_854] {strides = array<i32>} : memref<16384xf32, #tpu.memory_space<vmem>>, vector<16xf32>,
      %get3A_856 = arith.index_cast %add3A_853 : i32 to index
      %get3A_857 = tpu.vector_load %arg9[%get3A_856] {strides = array<i32>} : memref<16384xf32, #tpu.memory_space<vmem>>, vector<16xf32>,
      %get3A_858 = arith.index_cast %add3A_853 : i32 to index
      %get3A_859 = tpu.vector_load %arg10[%get3A_858] {strides = array<i32>} : memref<16384xf32, #tpu.memory_space<vmem>>, vector<16xf32>,
      %sub3A_860 = arith.subf %get3A_855, %broadcast_in_dim3A_0 : vector<16xf32>
      %sub3A_861 = arith.subf %get3A_857, %broadcast_in_dim3A_0 : vector<16xf32>
      %sub3A_862 = arith.subf %get3A_859, %broadcast_in_dim3A_0 : vector<16xf32>
      %mul3A_863 = arith.mulf %sub3A_860, %sub3A_860 : vector<16xf32>
      %mul3A_864 = arith.mulf %sub3A_861, %sub3A_861 : vector<16xf32>
      %add3A_865 = arith.addf %mul3A_863, %mul3A_864 : vector<16xf32>
      %mul3A_866 = arith.mulf %sub3A_862, %sub3A_862 : vector<16xf32>
      %add3A_867 = arith.addf %add3A_865, %mul3A_866 : vector<16xf32>
      %mul3A_868 = arith.mulf %add3A_867, %broadcast_in_dim3A_18 : vector<16xf32>
      %swap3A_869 = arith.index_cast %add3A_853 : i32 to index
      %swap3A_870 = tpu.vector_load %arg11[%swap3A_869] {strides = array<i32>} : memref<16384xf32, #tpu.memory_space<vmem>>, vector<16xf32>,
      tpu.vector_store %arg11[%swap3A_869], %mul3A_868 {strides = array<i32>} : memref<16384xf32, #tpu.memory_space<vmem>>, vector<16xf32>,
      %min3A_871 = arith.minimumf %min3A_542, %mul3A_868 : vector<16xf32>
      %add3A_872 = arith.constant 176 : i32
      %add3A_873 = arith.addi %multiple_of3A_651, %add3A_872 : i32
      %get3A_874 = arith.index_cast %add3A_873 : i32 to index
      %get3A_875 = tpu.vector_load %arg8[%get3A_874] {strides = array<i32>} : memref<16384xf32, #tpu.memory_space<vmem>>, vector<16xf32>,
      %get3A_876 = arith.index_cast %add3A_873 : i32 to index
      %get3A_877 = tpu.vector_load %arg9[%get3A_876] {strides = array<i32>} : memref<16384xf32, #tpu.memory_space<vmem>>, vector<16xf32>,
      %get3A_878 = arith.index_cast %add3A_873 : i32 to index
      %get3A_879 = tpu.vector_load %arg10[%get3A_878] {strides = array<i32>} : memref<16384xf32, #tpu.memory_space<vmem>>, vector<16xf32>,
      %sub3A_880 = arith.subf %get3A_875, %broadcast_in_dim3A_0 : vector<16xf32>
      %sub3A_881 = arith.subf %get3A_877, %broadcast_in_dim3A_0 : vector<16xf32>
      %sub3A_882 = arith.subf %get3A_879, %broadcast_in_dim3A_0 : vector<16xf32>
      %mul3A_883 = arith.mulf %sub3A_880, %sub3A_880 : vector<16xf32>
      %mul3A_884 = arith.mulf %sub3A_881, %sub3A_881 : vector<16xf32>
      %add3A_885 = arith.addf %mul3A_883, %mul3A_884 : vector<16xf32>
      %mul3A_886 = arith.mulf %sub3A_882, %sub3A_882 : vector<16xf32>
      %add3A_887 = arith.addf %add3A_885, %mul3A_886 : vector<16xf32>
      %mul3A_888 = arith.mulf %add3A_887, %broadcast_in_dim3A_18 : vector<16xf32>
      %swap3A_889 = arith.index_cast %add3A_873 : i32 to index
      %swap3A_890 = tpu.vector_load %arg11[%swap3A_889] {strides = array<i32>} : memref<16384xf32, #tpu.memory_space<vmem>>, vector<16xf32>,
      tpu.vector_store %arg11[%swap3A_889], %mul3A_888 {strides = array<i32>} : memref<16384xf32, #tpu.memory_space<vmem>>, vector<16xf32>,
      %min3A_891 = arith.minimumf %min3A_562, %mul3A_888 : vector<16xf32>
      %add3A_892 = arith.constant 192 : i32
      %add3A_893 = arith.addi %multiple_of3A_651, %add3A_892 : i32
      %get3A_894 = arith.index_cast %add3A_893 : i32 to index
      %get3A_895 = tpu.vector_load %arg8[%get3A_894] {strides = array<i32>} : memref<16384xf32, #tpu.memory_space<vmem>>, vector<16xf32>,
      %get3A_896 = arith.index_cast %add3A_893 : i32 to index
      %get3A_897 = tpu.vector_load %arg9[%get3A_896] {strides = array<i32>} : memref<16384xf32, #tpu.memory_space<vmem>>, vector<16xf32>,
      %get3A_898 = arith.index_cast %add3A_893 : i32 to index
      %get3A_899 = tpu.vector_load %arg10[%get3A_898] {strides = array<i32>} : memref<16384xf32, #tpu.memory_space<vmem>>, vector<16xf32>,
      %sub3A_900 = arith.subf %get3A_895, %broadcast_in_dim3A_0 : vector<16xf32>
      %sub3A_901 = arith.subf %get3A_897, %broadcast_in_dim3A_0 : vector<16xf32>
      %sub3A_902 = arith.subf %get3A_899, %broadcast_in_dim3A_0 : vector<16xf32>
      %mul3A_903 = arith.mulf %sub3A_900, %sub3A_900 : vector<16xf32>
      %mul3A_904 = arith.mulf %sub3A_901, %sub3A_901 : vector<16xf32>
      %add3A_905 = arith.addf %mul3A_903, %mul3A_904 : vector<16xf32>
      %mul3A_906 = arith.mulf %sub3A_902, %sub3A_902 : vector<16xf32>
      %add3A_907 = arith.addf %add3A_905, %mul3A_906 : vector<16xf32>
      %mul3A_908 = arith.mulf %add3A_907, %broadcast_in_dim3A_18 : vector<16xf32>
      %swap3A_909 = arith.index_cast %add3A_893 : i32 to index
      %swap3A_910 = tpu.vector_load %arg11[%swap3A_909] {strides = array<i32>} : memref<16384xf32, #tpu.memory_space<vmem>>, vector<16xf32>,
      tpu.vector_store %arg11[%swap3A_909], %mul3A_908 {strides = array<i32>} : memref<16384xf32, #tpu.memory_space<vmem>>, vector<16xf32>,
      %min3A_911 = arith.minimumf %min3A_582, %mul3A_908 : vector<16xf32>
      %add3A_912 = arith.constant 208 : i32
      %add3A_913 = arith.addi %multiple_of3A_651, %add3A_912 : i32
      %get3A_914 = arith.index_cast %add3A_913 : i32 to index
      %get3A_915 = tpu.vector_load %arg8[%get3A_914] {strides = array<i32>} : memref<16384xf32, #tpu.memory_space<vmem>>, vector<16xf32>,
      %get3A_916 = arith.index_cast %add3A_913 : i32 to index
      %get3A_917 = tpu.vector_load %arg9[%get3A_916] {strides = array<i32>} : memref<16384xf32, #tpu.memory_space<vmem>>, vector<16xf32>,
      %get3A_918 = arith.index_cast %add3A_913 : i32 to index
      %get3A_919 = tpu.vector_load %arg10[%get3A_918] {strides = array<i32>} : memref<16384xf32, #tpu.memory_space<vmem>>, vector<16xf32>,
      %sub3A_920 = arith.subf %get3A_915, %broadcast_in_dim3A_0 : vector<16xf32>
      %sub3A_921 = arith.subf %get3A_917, %broadcast_in_dim3A_0 : vector<16xf32>
      %sub3A_922 = arith.subf %get3A_919, %broadcast_in_dim3A_0 : vector<16xf32>
      %mul3A_923 = arith.mulf %sub3A_920, %sub3A_920 : vector<16xf32>
      %mul3A_924 = arith.mulf %sub3A_921, %sub3A_921 : vector<16xf32>
      %add3A_925 = arith.addf %mul3A_923, %mul3A_924 : vector<16xf32>
      %mul3A_926 = arith.mulf %sub3A_922, %sub3A_922 : vector<16xf32>
      %add3A_927 = arith.addf %add3A_925, %mul3A_926 : vector<16xf32>
      %mul3A_928 = arith.mulf %add3A_927, %broadcast_in_dim3A_18 : vector<16xf32>
      %swap3A_929 = arith.index_cast %add3A_913 : i32 to index
      %swap3A_930 = tpu.vector_load %arg11[%swap3A_929] {strides = array<i32>} : memref<16384xf32, #tpu.memory_space<vmem>>, vector<16xf32>,
      tpu.vector_store %arg11[%swap3A_929], %mul3A_928 {strides = array<i32>} : memref<16384xf32, #tpu.memory_space<vmem>>, vector<16xf32>,
      %min3A_931 = arith.minimumf %min3A_602, %mul3A_928 : vector<16xf32>
      %add3A_932 = arith.constant 224 : i32
      %add3A_933 = arith.addi %multiple_of3A_651, %add3A_932 : i32
      %get3A_934 = arith.index_cast %add3A_933 : i32 to index
      %get3A_935 = tpu.vector_load %arg8[%get3A_934] {strides = array<i32>} : memref<16384xf32, #tpu.memory_space<vmem>>, vector<16xf32>,
      %get3A_936 = arith.index_cast %add3A_933 : i32 to index
      %get3A_937 = tpu.vector_load %arg9[%get3A_936] {strides = array<i32>} : memref<16384xf32, #tpu.memory_space<vmem>>, vector<16xf32>,
      %get3A_938 = arith.index_cast %add3A_933 : i32 to index
      %get3A_939 = tpu.vector_load %arg10[%get3A_938] {strides = array<i32>} : memref<16384xf32, #tpu.memory_space<vmem>>, vector<16xf32>,
      %sub3A_940 = arith.subf %get3A_935, %broadcast_in_dim3A_0 : vector<16xf32>
      %sub3A_941 = arith.subf %get3A_937, %broadcast_in_dim3A_0 : vector<16xf32>
      %sub3A_942 = arith.subf %get3A_939, %broadcast_in_dim3A_0 : vector<16xf32>
      %mul3A_943 = arith.mulf %sub3A_940, %sub3A_940 : vector<16xf32>
      %mul3A_944 = arith.mulf %sub3A_941, %sub3A_941 : vector<16xf32>
      %add3A_945 = arith.addf %mul3A_943, %mul3A_944 : vector<16xf32>
      %mul3A_946 = arith.mulf %sub3A_942, %sub3A_942 : vector<16xf32>
      %add3A_947 = arith.addf %add3A_945, %mul3A_946 : vector<16xf32>
      %mul3A_948 = arith.mulf %add3A_947, %broadcast_in_dim3A_18 : vector<16xf32>
      %swap3A_949 = arith.index_cast %add3A_933 : i32 to index
      %swap3A_950 = tpu.vector_load %arg11[%swap3A_949] {strides = array<i32>} : memref<16384xf32, #tpu.memory_space<vmem>>, vector<16xf32>,
      tpu.vector_store %arg11[%swap3A_949], %mul3A_948 {strides = array<i32>} : memref<16384xf32, #tpu.memory_space<vmem>>, vector<16xf32>,
      %min3A_951 = arith.minimumf %min3A_622, %mul3A_948 : vector<16xf32>
      %add3A_952 = arith.constant 240 : i32
      %add3A_953 = arith.addi %multiple_of3A_651, %add3A_952 : i32
      %get3A_954 = arith.index_cast %add3A_953 : i32 to index
      %get3A_955 = tpu.vector_load %arg8[%get3A_954] {strides = array<i32>} : memref<16384xf32, #tpu.memory_space<vmem>>, vector<16xf32>,
      %get3A_956 = arith.index_cast %add3A_953 : i32 to index
      %get3A_957 = tpu.vector_load %arg9[%get3A_956] {strides = array<i32>} : memref<16384xf32, #tpu.memory_space<vmem>>, vector<16xf32>,
      %get3A_958 = arith.index_cast %add3A_953 : i32 to index
      %get3A_959 = tpu.vector_load %arg10[%get3A_958] {strides = array<i32>} : memref<16384xf32, #tpu.memory_space<vmem>>, vector<16xf32>,
      %sub3A_960 = arith.subf %get3A_955, %broadcast_in_dim3A_0 : vector<16xf32>
      %sub3A_961 = arith.subf %get3A_957, %broadcast_in_dim3A_0 : vector<16xf32>
      %sub3A_962 = arith.subf %get3A_959, %broadcast_in_dim3A_0 : vector<16xf32>
      %mul3A_963 = arith.mulf %sub3A_960, %sub3A_960 : vector<16xf32>
      %mul3A_964 = arith.mulf %sub3A_961, %sub3A_961 : vector<16xf32>
      %add3A_965 = arith.addf %mul3A_963, %mul3A_964 : vector<16xf32>
      %mul3A_966 = arith.mulf %sub3A_962, %sub3A_962 : vector<16xf32>
      %add3A_967 = arith.addf %add3A_965, %mul3A_966 : vector<16xf32>
      %mul3A_968 = arith.mulf %add3A_967, %broadcast_in_dim3A_18 : vector<16xf32>
      %swap3A_969 = arith.index_cast %add3A_953 : i32 to index
      %swap3A_970 = tpu.vector_load %arg11[%swap3A_969] {strides = array<i32>} : memref<16384xf32, #tpu.memory_space<vmem>>, vector<16xf32>,
      tpu.vector_store %arg11[%swap3A_969], %mul3A_968 {strides = array<i32>} : memref<16384xf32, #tpu.memory_space<vmem>>, vector<16xf32>,
      %min3A_971 = arith.minimumf %min3A_642, %mul3A_968 : vector<16xf32>
      scf.yield %min3A_671, %min3A_691, %min3A_711, %min3A_731, %min3A_751, %min3A_771, %min3A_791, %min3A_811, %min3A_831, %min3A_851, %min3A_871, %min3A_891, %min3A_911, %min3A_931, %min3A_951, %min3A_971 : vector<16xf32>, vector<16xf32>, vector<16xf32>, vector<16xf32>, vector<16xf32>, vector<16xf32>, vector<16xf32>, vector<16xf32>, vector<16xf32>, vector<16xf32>, vector<16xf32>, vector<16xf32>, vector<16xf32>, vector<16xf32>, vector<16xf32>, vector<16xf32>
    }
    %scan3A_56 = arith.constant 64 : i32
    %broadcast_in_dim3A_57 = arith.constant 1.000000e+30 : f32
    %broadcast_in_dim3A_58 = vector.broadcast %broadcast_in_dim3A_57 : f32 to vector<16xf32>
    %swap3A = arith.constant 0 : index
    %swap3A_59 = tpu.vector_load %arg12[%swap3A] {strides = array<i32>} : memref<256xf32, #tpu.memory_space<vmem>>, vector<16xf32>,
    tpu.vector_store %arg12[%swap3A], %scan3A_55#0 {strides = array<i32>} : memref<256xf32, #tpu.memory_space<vmem>>, vector<16xf32>,
    %eq3A = arith.constant 0 : i32
    %eq3A_60 = vector.broadcast %eq3A : i32 to vector<16xi32>
    %eq3A_61 = arith.cmpi eq, %iota3A_19, %eq3A_60 : vector<16xi32>
    %reduce_min3A = arith.constant true
    %reduce_min3A_62 = vector.broadcast %reduce_min3A : i1 to vector<16xi1>
    %reduce_min3A_63 = tpu.scan <min>, %scan3A_55#0 masked %reduce_min3A_62 : vector<16xf32>, vector<16xi1> -> vector<16xf32>
    %reduce_min3A_64 = vector.extract %reduce_min3A_63[15] : f32 from vector<16xf32>
    %broadcast_in_dim3A_65 = vector.broadcast %reduce_min3A_64 : f32 to vector<16xf32>
    %select_n3A = arith.select %eq3A_61, %broadcast_in_dim3A_65, %broadcast_in_dim3A_58 : vector<16xi1>, vector<16xf32>
    %swap3A_66 = arith.constant 16 : index
    %swap3A_67 = tpu.vector_load %arg12[%swap3A_66] {strides = array<i32>} : memref<256xf32, #tpu.memory_space<vmem>>, vector<16xf32>,
    tpu.vector_store %arg12[%swap3A_66], %scan3A_55#1 {strides = array<i32>} : memref<256xf32, #tpu.memory_space<vmem>>, vector<16xf32>,
    %eq3A_68 = arith.constant 1 : i32
    %eq3A_69 = vector.broadcast %eq3A_68 : i32 to vector<16xi32>
    %eq3A_70 = arith.cmpi eq, %iota3A_19, %eq3A_69 : vector<16xi32>
    %reduce_min3A_71 = arith.constant true
    %reduce_min3A_72 = vector.broadcast %reduce_min3A_71 : i1 to vector<16xi1>
    %reduce_min3A_73 = tpu.scan <min>, %scan3A_55#1 masked %reduce_min3A_72 : vector<16xf32>, vector<16xi1> -> vector<16xf32>
    %reduce_min3A_74 = vector.extract %reduce_min3A_73[15] : f32 from vector<16xf32>
    %broadcast_in_dim3A_75 = vector.broadcast %reduce_min3A_74 : f32 to vector<16xf32>
    %select_n3A_76 = arith.select %eq3A_70, %broadcast_in_dim3A_75, %select_n3A : vector<16xi1>, vector<16xf32>
    %swap3A_77 = arith.constant 32 : index
    %swap3A_78 = tpu.vector_load %arg12[%swap3A_77] {strides = array<i32>} : memref<256xf32, #tpu.memory_space<vmem>>, vector<16xf32>,
    tpu.vector_store %arg12[%swap3A_77], %scan3A_55#2 {strides = array<i32>} : memref<256xf32, #tpu.memory_space<vmem>>, vector<16xf32>,
    %eq3A_79 = arith.constant 2 : i32
    %eq3A_80 = vector.broadcast %eq3A_79 : i32 to vector<16xi32>
    %eq3A_81 = arith.cmpi eq, %iota3A_19, %eq3A_80 : vector<16xi32>
    %reduce_min3A_82 = arith.constant true
    %reduce_min3A_83 = vector.broadcast %reduce_min3A_82 : i1 to vector<16xi1>
    %reduce_min3A_84 = tpu.scan <min>, %scan3A_55#2 masked %reduce_min3A_83 : vector<16xf32>, vector<16xi1> -> vector<16xf32>
    %reduce_min3A_85 = vector.extract %reduce_min3A_84[15] : f32 from vector<16xf32>
    %broadcast_in_dim3A_86 = vector.broadcast %reduce_min3A_85 : f32 to vector<16xf32>
    %select_n3A_87 = arith.select %eq3A_81, %broadcast_in_dim3A_86, %select_n3A_76 : vector<16xi1>, vector<16xf32>
    %swap3A_88 = arith.constant 48 : index
    %swap3A_89 = tpu.vector_load %arg12[%swap3A_88] {strides = array<i32>} : memref<256xf32, #tpu.memory_space<vmem>>, vector<16xf32>,
    tpu.vector_store %arg12[%swap3A_88], %scan3A_55#3 {strides = array<i32>} : memref<256xf32, #tpu.memory_space<vmem>>, vector<16xf32>,
    %eq3A_90 = arith.constant 3 : i32
    %eq3A_91 = vector.broadcast %eq3A_90 : i32 to vector<16xi32>
    %eq3A_92 = arith.cmpi eq, %iota3A_19, %eq3A_91 : vector<16xi32>
    %reduce_min3A_93 = arith.constant true
    %reduce_min3A_94 = vector.broadcast %reduce_min3A_93 : i1 to vector<16xi1>
    %reduce_min3A_95 = tpu.scan <min>, %scan3A_55#3 masked %reduce_min3A_94 : vector<16xf32>, vector<16xi1> -> vector<16xf32>
    %reduce_min3A_96 = vector.extract %reduce_min3A_95[15] : f32 from vector<16xf32>
    %broadcast_in_dim3A_97 = vector.broadcast %reduce_min3A_96 : f32 to vector<16xf32>
    %select_n3A_98 = arith.select %eq3A_92, %broadcast_in_dim3A_97, %select_n3A_87 : vector<16xi1>, vector<16xf32>
    %swap3A_99 = arith.constant 64 : index
    %swap3A_100 = tpu.vector_load %arg12[%swap3A_99] {strides = array<i32>} : memref<256xf32, #tpu.memory_space<vmem>>, vector<16xf32>,
    tpu.vector_store %arg12[%swap3A_99], %scan3A_55#4 {strides = array<i32>} : memref<256xf32, #tpu.memory_space<vmem>>, vector<16xf32>,
    %eq3A_101 = arith.constant 4 : i32
    %eq3A_102 = vector.broadcast %eq3A_101 : i32 to vector<16xi32>
    %eq3A_103 = arith.cmpi eq, %iota3A_19, %eq3A_102 : vector<16xi32>
    %reduce_min3A_104 = arith.constant true
    %reduce_min3A_105 = vector.broadcast %reduce_min3A_104 : i1 to vector<16xi1>
    %reduce_min3A_106 = tpu.scan <min>, %scan3A_55#4 masked %reduce_min3A_105 : vector<16xf32>, vector<16xi1> -> vector<16xf32>
    %reduce_min3A_107 = vector.extract %reduce_min3A_106[15] : f32 from vector<16xf32>
    %broadcast_in_dim3A_108 = vector.broadcast %reduce_min3A_107 : f32 to vector<16xf32>
    %select_n3A_109 = arith.select %eq3A_103, %broadcast_in_dim3A_108, %select_n3A_98 : vector<16xi1>, vector<16xf32>
    %swap3A_110 = arith.constant 80 : index
    %swap3A_111 = tpu.vector_load %arg12[%swap3A_110] {strides = array<i32>} : memref<256xf32, #tpu.memory_space<vmem>>, vector<16xf32>,
    tpu.vector_store %arg12[%swap3A_110], %scan3A_55#5 {strides = array<i32>} : memref<256xf32, #tpu.memory_space<vmem>>, vector<16xf32>,
    %eq3A_112 = arith.constant 5 : i32
    %eq3A_113 = vector.broadcast %eq3A_112 : i32 to vector<16xi32>
    %eq3A_114 = arith.cmpi eq, %iota3A_19, %eq3A_113 : vector<16xi32>
    %reduce_min3A_115 = arith.constant true
    %reduce_min3A_116 = vector.broadcast %reduce_min3A_115 : i1 to vector<16xi1>
    %reduce_min3A_117 = tpu.scan <min>, %scan3A_55#5 masked %reduce_min3A_116 : vector<16xf32>, vector<16xi1> -> vector<16xf32>
    %reduce_min3A_118 = vector.extract %reduce_min3A_117[15] : f32 from vector<16xf32>
    %broadcast_in_dim3A_119 = vector.broadcast %reduce_min3A_118 : f32 to vector<16xf32>
    %select_n3A_120 = arith.select %eq3A_114, %broadcast_in_dim3A_119, %select_n3A_109 : vector<16xi1>, vector<16xf32>
    %swap3A_121 = arith.constant 96 : index
    %swap3A_122 = tpu.vector_load %arg12[%swap3A_121] {strides = array<i32>} : memref<256xf32, #tpu.memory_space<vmem>>, vector<16xf32>,
    tpu.vector_store %arg12[%swap3A_121], %scan3A_55#6 {strides = array<i32>} : memref<256xf32, #tpu.memory_space<vmem>>, vector<16xf32>,
    %eq3A_123 = arith.constant 6 : i32
    %eq3A_124 = vector.broadcast %eq3A_123 : i32 to vector<16xi32>
    %eq3A_125 = arith.cmpi eq, %iota3A_19, %eq3A_124 : vector<16xi32>
    %reduce_min3A_126 = arith.constant true
    %reduce_min3A_127 = vector.broadcast %reduce_min3A_126 : i1 to vector<16xi1>
    %reduce_min3A_128 = tpu.scan <min>, %scan3A_55#6 masked %reduce_min3A_127 : vector<16xf32>, vector<16xi1> -> vector<16xf32>
    %reduce_min3A_129 = vector.extract %reduce_min3A_128[15] : f32 from vector<16xf32>
    %broadcast_in_dim3A_130 = vector.broadcast %reduce_min3A_129 : f32 to vector<16xf32>
    %select_n3A_131 = arith.select %eq3A_125, %broadcast_in_dim3A_130, %select_n3A_120 : vector<16xi1>, vector<16xf32>
    %swap3A_132 = arith.constant 112 : index
    %swap3A_133 = tpu.vector_load %arg12[%swap3A_132] {strides = array<i32>} : memref<256xf32, #tpu.memory_space<vmem>>, vector<16xf32>,
    tpu.vector_store %arg12[%swap3A_132], %scan3A_55#7 {strides = array<i32>} : memref<256xf32, #tpu.memory_space<vmem>>, vector<16xf32>,
    %eq3A_134 = arith.constant 7 : i32
    %eq3A_135 = vector.broadcast %eq3A_134 : i32 to vector<16xi32>
    %eq3A_136 = arith.cmpi eq, %iota3A_19, %eq3A_135 : vector<16xi32>
    %reduce_min3A_137 = arith.constant true
    %reduce_min3A_138 = vector.broadcast %reduce_min3A_137 : i1 to vector<16xi1>
    %reduce_min3A_139 = tpu.scan <min>, %scan3A_55#7 masked %reduce_min3A_138 : vector<16xf32>, vector<16xi1> -> vector<16xf32>
    %reduce_min3A_140 = vector.extract %reduce_min3A_139[15] : f32 from vector<16xf32>
    %broadcast_in_dim3A_141 = vector.broadcast %reduce_min3A_140 : f32 to vector<16xf32>
    %select_n3A_142 = arith.select %eq3A_136, %broadcast_in_dim3A_141, %select_n3A_131 : vector<16xi1>, vector<16xf32>
    %swap3A_143 = arith.constant 128 : index
    %swap3A_144 = tpu.vector_load %arg12[%swap3A_143] {strides = array<i32>} : memref<256xf32, #tpu.memory_space<vmem>>, vector<16xf32>,
    tpu.vector_store %arg12[%swap3A_143], %scan3A_55#8 {strides = array<i32>} : memref<256xf32, #tpu.memory_space<vmem>>, vector<16xf32>,
    %eq3A_145 = arith.constant 8 : i32
    %eq3A_146 = vector.broadcast %eq3A_145 : i32 to vector<16xi32>
    %eq3A_147 = arith.cmpi eq, %iota3A_19, %eq3A_146 : vector<16xi32>
    %reduce_min3A_148 = arith.constant true
    %reduce_min3A_149 = vector.broadcast %reduce_min3A_148 : i1 to vector<16xi1>
    %reduce_min3A_150 = tpu.scan <min>, %scan3A_55#8 masked %reduce_min3A_149 : vector<16xf32>, vector<16xi1> -> vector<16xf32>
    %reduce_min3A_151 = vector.extract %reduce_min3A_150[15] : f32 from vector<16xf32>
    %broadcast_in_dim3A_152 = vector.broadcast %reduce_min3A_151 : f32 to vector<16xf32>
    %select_n3A_153 = arith.select %eq3A_147, %broadcast_in_dim3A_152, %select_n3A_142 : vector<16xi1>, vector<16xf32>
    %swap3A_154 = arith.constant 144 : index
    %swap3A_155 = tpu.vector_load %arg12[%swap3A_154] {strides = array<i32>} : memref<256xf32, #tpu.memory_space<vmem>>, vector<16xf32>,
    tpu.vector_store %arg12[%swap3A_154], %scan3A_55#9 {strides = array<i32>} : memref<256xf32, #tpu.memory_space<vmem>>, vector<16xf32>,
    %eq3A_156 = arith.constant 9 : i32
    %eq3A_157 = vector.broadcast %eq3A_156 : i32 to vector<16xi32>
    %eq3A_158 = arith.cmpi eq, %iota3A_19, %eq3A_157 : vector<16xi32>
    %reduce_min3A_159 = arith.constant true
    %reduce_min3A_160 = vector.broadcast %reduce_min3A_159 : i1 to vector<16xi1>
    %reduce_min3A_161 = tpu.scan <min>, %scan3A_55#9 masked %reduce_min3A_160 : vector<16xf32>, vector<16xi1> -> vector<16xf32>
    %reduce_min3A_162 = vector.extract %reduce_min3A_161[15] : f32 from vector<16xf32>
    %broadcast_in_dim3A_163 = vector.broadcast %reduce_min3A_162 : f32 to vector<16xf32>
    %select_n3A_164 = arith.select %eq3A_158, %broadcast_in_dim3A_163, %select_n3A_153 : vector<16xi1>, vector<16xf32>
    %swap3A_165 = arith.constant 160 : index
    %swap3A_166 = tpu.vector_load %arg12[%swap3A_165] {strides = array<i32>} : memref<256xf32, #tpu.memory_space<vmem>>, vector<16xf32>,
    tpu.vector_store %arg12[%swap3A_165], %scan3A_55#10 {strides = array<i32>} : memref<256xf32, #tpu.memory_space<vmem>>, vector<16xf32>,
    %eq3A_167 = arith.constant 10 : i32
    %eq3A_168 = vector.broadcast %eq3A_167 : i32 to vector<16xi32>
    %eq3A_169 = arith.cmpi eq, %iota3A_19, %eq3A_168 : vector<16xi32>
    %reduce_min3A_170 = arith.constant true
    %reduce_min3A_171 = vector.broadcast %reduce_min3A_170 : i1 to vector<16xi1>
    %reduce_min3A_172 = tpu.scan <min>, %scan3A_55#10 masked %reduce_min3A_171 : vector<16xf32>, vector<16xi1> -> vector<16xf32>
    %reduce_min3A_173 = vector.extract %reduce_min3A_172[15] : f32 from vector<16xf32>
    %broadcast_in_dim3A_174 = vector.broadcast %reduce_min3A_173 : f32 to vector<16xf32>
    %select_n3A_175 = arith.select %eq3A_169, %broadcast_in_dim3A_174, %select_n3A_164 : vector<16xi1>, vector<16xf32>
    %swap3A_176 = arith.constant 176 : index
    %swap3A_177 = tpu.vector_load %arg12[%swap3A_176] {strides = array<i32>} : memref<256xf32, #tpu.memory_space<vmem>>, vector<16xf32>,
    tpu.vector_store %arg12[%swap3A_176], %scan3A_55#11 {strides = array<i32>} : memref<256xf32, #tpu.memory_space<vmem>>, vector<16xf32>,
    %eq3A_178 = arith.constant 11 : i32
    %eq3A_179 = vector.broadcast %eq3A_178 : i32 to vector<16xi32>
    %eq3A_180 = arith.cmpi eq, %iota3A_19, %eq3A_179 : vector<16xi32>
    %reduce_min3A_181 = arith.constant true
    %reduce_min3A_182 = vector.broadcast %reduce_min3A_181 : i1 to vector<16xi1>
    %reduce_min3A_183 = tpu.scan <min>, %scan3A_55#11 masked %reduce_min3A_182 : vector<16xf32>, vector<16xi1> -> vector<16xf32>
    %reduce_min3A_184 = vector.extract %reduce_min3A_183[15] : f32 from vector<16xf32>
    %broadcast_in_dim3A_185 = vector.broadcast %reduce_min3A_184 : f32 to vector<16xf32>
    %select_n3A_186 = arith.select %eq3A_180, %broadcast_in_dim3A_185, %select_n3A_175 : vector<16xi1>, vector<16xf32>
    %swap3A_187 = arith.constant 192 : index
    %swap3A_188 = tpu.vector_load %arg12[%swap3A_187] {strides = array<i32>} : memref<256xf32, #tpu.memory_space<vmem>>, vector<16xf32>,
    tpu.vector_store %arg12[%swap3A_187], %scan3A_55#12 {strides = array<i32>} : memref<256xf32, #tpu.memory_space<vmem>>, vector<16xf32>,
    %eq3A_189 = arith.constant 12 : i32
    %eq3A_190 = vector.broadcast %eq3A_189 : i32 to vector<16xi32>
    %eq3A_191 = arith.cmpi eq, %iota3A_19, %eq3A_190 : vector<16xi32>
    %reduce_min3A_192 = arith.constant true
    %reduce_min3A_193 = vector.broadcast %reduce_min3A_192 : i1 to vector<16xi1>
    %reduce_min3A_194 = tpu.scan <min>, %scan3A_55#12 masked %reduce_min3A_193 : vector<16xf32>, vector<16xi1> -> vector<16xf32>
    %reduce_min3A_195 = vector.extract %reduce_min3A_194[15] : f32 from vector<16xf32>
    %broadcast_in_dim3A_196 = vector.broadcast %reduce_min3A_195 : f32 to vector<16xf32>
    %select_n3A_197 = arith.select %eq3A_191, %broadcast_in_dim3A_196, %select_n3A_186 : vector<16xi1>, vector<16xf32>
    %swap3A_198 = arith.constant 208 : index
    %swap3A_199 = tpu.vector_load %arg12[%swap3A_198] {strides = array<i32>} : memref<256xf32, #tpu.memory_space<vmem>>, vector<16xf32>,
    tpu.vector_store %arg12[%swap3A_198], %scan3A_55#13 {strides = array<i32>} : memref<256xf32, #tpu.memory_space<vmem>>, vector<16xf32>,
    %eq3A_200 = arith.constant 13 : i32
    %eq3A_201 = vector.broadcast %eq3A_200 : i32 to vector<16xi32>
    %eq3A_202 = arith.cmpi eq, %iota3A_19, %eq3A_201 : vector<16xi32>
    %reduce_min3A_203 = arith.constant true
    %reduce_min3A_204 = vector.broadcast %reduce_min3A_203 : i1 to vector<16xi1>
    %reduce_min3A_205 = tpu.scan <min>, %scan3A_55#13 masked %reduce_min3A_204 : vector<16xf32>, vector<16xi1> -> vector<16xf32>
    %reduce_min3A_206 = vector.extract %reduce_min3A_205[15] : f32 from vector<16xf32>
    %broadcast_in_dim3A_207 = vector.broadcast %reduce_min3A_206 : f32 to vector<16xf32>
    %select_n3A_208 = arith.select %eq3A_202, %broadcast_in_dim3A_207, %select_n3A_197 : vector<16xi1>, vector<16xf32>
    %swap3A_209 = arith.constant 224 : index
    %swap3A_210 = tpu.vector_load %arg12[%swap3A_209] {strides = array<i32>} : memref<256xf32, #tpu.memory_space<vmem>>, vector<16xf32>,
    tpu.vector_store %arg12[%swap3A_209], %scan3A_55#14 {strides = array<i32>} : memref<256xf32, #tpu.memory_space<vmem>>, vector<16xf32>,
    %eq3A_211 = arith.constant 14 : i32
    %eq3A_212 = vector.broadcast %eq3A_211 : i32 to vector<16xi32>
    %eq3A_213 = arith.cmpi eq, %iota3A_19, %eq3A_212 : vector<16xi32>
    %reduce_min3A_214 = arith.constant true
    %reduce_min3A_215 = vector.broadcast %reduce_min3A_214 : i1 to vector<16xi1>
    %reduce_min3A_216 = tpu.scan <min>, %scan3A_55#14 masked %reduce_min3A_215 : vector<16xf32>, vector<16xi1> -> vector<16xf32>
    %reduce_min3A_217 = vector.extract %reduce_min3A_216[15] : f32 from vector<16xf32>
    %broadcast_in_dim3A_218 = vector.broadcast %reduce_min3A_217 : f32 to vector<16xf32>
    %select_n3A_219 = arith.select %eq3A_213, %broadcast_in_dim3A_218, %select_n3A_208 : vector<16xi1>, vector<16xf32>
    %swap3A_220 = arith.constant 240 : index
    %swap3A_221 = tpu.vector_load %arg12[%swap3A_220] {strides = array<i32>} : memref<256xf32, #tpu.memory_space<vmem>>, vector<16xf32>,
    tpu.vector_store %arg12[%swap3A_220], %scan3A_55#15 {strides = array<i32>} : memref<256xf32, #tpu.memory_space<vmem>>, vector<16xf32>,
    %eq3A_222 = arith.constant 15 : i32
    %eq3A_223 = vector.broadcast %eq3A_222 : i32 to vector<16xi32>
    %eq3A_224 = arith.cmpi eq, %iota3A_19, %eq3A_223 : vector<16xi32>
    %reduce_min3A_225 = arith.constant true
    %reduce_min3A_226 = vector.broadcast %reduce_min3A_225 : i1 to vector<16xi1>
    %reduce_min3A_227 = tpu.scan <min>, %scan3A_55#15 masked %reduce_min3A_226 : vector<16xf32>, vector<16xi1> -> vector<16xf32>
    %reduce_min3A_228 = vector.extract %reduce_min3A_227[15] : f32 from vector<16xf32>
    %broadcast_in_dim3A_229 = vector.broadcast %reduce_min3A_228 : f32 to vector<16xf32>
    %select_n3A_230 = arith.select %eq3A_224, %broadcast_in_dim3A_229, %select_n3A_219 : vector<16xi1>, vector<16xf32>
    %iota3A_231 = tpu.iota {dimensions = array<i32: 0>} : vector<16xi32>
    %scan3A_232 = arith.constant 0 : i32
    %scan3A_233 = arith.constant 96 : i32
    %scan3A_234 = arith.addi %scan3A_232, %scan3A_233 : i32
    %scan3A_235 = arith.constant 1 : i32
    %scan3A_236 = scf.for %scan3A_303 = %scan3A_232 to %scan3A_234 step %scan3A_235 iter_args(%scan3A_304 = %select_n3A_230) -> (vector<16xf32>)  : i32 {
      %mul3A_305 = arith.constant 1 : i32
      %mul3A_306 = arith.muli %scan3A_303, %mul3A_305 : i32
      %add3A_307 = arith.constant 0 : i32
      %add3A_308 = arith.addi %add3A_307, %mul3A_306 : i32
      %reduce_min3A_309 = arith.constant true
      %reduce_min3A_310 = vector.broadcast %reduce_min3A_309 : i1 to vector<16xi1>
      %reduce_min3A_311 = tpu.scan <min>, %scan3A_304 masked %reduce_min3A_310 : vector<16xf32>, vector<16xi1> -> vector<16xf32>
      %reduce_min3A_312 = vector.extract %reduce_min3A_311[15] : f32 from vector<16xf32>
      %broadcast_in_dim3A_313 = vector.broadcast %reduce_min3A_312 : f32 to vector<16xf32>
      %eq3A_314 = arith.cmpf oeq, %scan3A_304, %broadcast_in_dim3A_313 : vector<16xf32>
      %broadcast_in_dim3A_315 = arith.constant 999 : i32
      %broadcast_in_dim3A_316 = vector.broadcast %broadcast_in_dim3A_315 : i32 to vector<16xi32>
      %select_n3A_317 = arith.select %eq3A_314, %iota3A_231, %broadcast_in_dim3A_316 : vector<16xi1>, vector<16xi32>
      %reduce_min3A_318 = arith.constant true
      %reduce_min3A_319 = vector.broadcast %reduce_min3A_318 : i1 to vector<16xi1>
      %reduce_min3A_320 = arith.constant -2147483648 : i32
      %reduce_min3A_321 = vector.broadcast %reduce_min3A_320 : i32 to vector<16xi32>
      %reduce_min3A_322 = arith.xori %select_n3A_317, %reduce_min3A_321 : vector<16xi32>
      %reduce_min3A_323 = tpu.scan <min>, %reduce_min3A_322 masked %reduce_min3A_319 : vector<16xi32>, vector<16xi1> -> vector<16xi32>
      %reduce_min3A_324 = arith.xori %reduce_min3A_323, %reduce_min3A_321 : vector<16xi32>
      %reduce_min3A_325 = vector.extract %reduce_min3A_324[15] : i32 from vector<16xi32>
      %mul3A_326 = arith.constant 16 : i32
      %mul3A_327 = arith.muli %reduce_min3A_325, %mul3A_326 : i32
      %multiple_of3A = tpu.assume_multiple %mul3A_327, 16 : i32
      %get3A = arith.index_cast %multiple_of3A : i32 to index
      %get3A_328 = tpu.vector_load %arg12[%get3A] {strides = array<i32>} : memref<256xf32, #tpu.memory_space<vmem>>, vector<16xf32>,
      %eq3A_329 = arith.cmpf oeq, %get3A_328, %broadcast_in_dim3A_313 : vector<16xf32>
      %broadcast_in_dim3A_330 = arith.constant 999 : i32
      %broadcast_in_dim3A_331 = vector.broadcast %broadcast_in_dim3A_330 : i32 to vector<16xi32>
      %select_n3A_332 = arith.select %eq3A_329, %iota3A_231, %broadcast_in_dim3A_331 : vector<16xi1>, vector<16xi32>
      %reduce_min3A_333 = arith.constant true
      %reduce_min3A_334 = vector.broadcast %reduce_min3A_333 : i1 to vector<16xi1>
      %reduce_min3A_335 = arith.constant -2147483648 : i32
      %reduce_min3A_336 = vector.broadcast %reduce_min3A_335 : i32 to vector<16xi32>
      %reduce_min3A_337 = arith.xori %select_n3A_332, %reduce_min3A_336 : vector<16xi32>
      %reduce_min3A_338 = tpu.scan <min>, %reduce_min3A_337 masked %reduce_min3A_334 : vector<16xi32>, vector<16xi1> -> vector<16xi32>
      %reduce_min3A_339 = arith.xori %reduce_min3A_338, %reduce_min3A_336 : vector<16xi32>
      %reduce_min3A_340 = vector.extract %reduce_min3A_339[15] : i32 from vector<16xi32>
      %mul3A_341 = arith.constant 16 : i32
      %mul3A_342 = arith.muli %reduce_min3A_325, %mul3A_341 : i32
      %add3A_343 = arith.addi %mul3A_342, %reduce_min3A_340 : i32
      %add3A_344 = arith.constant 0 : i32
      %add3A_345 = vector.broadcast %add3A_344 : i32 to vector<16xi32>
      %add3A_346 = arith.addi %iota3A_231, %add3A_345 : vector<16xi32>
      %mul3A_347 = arith.constant 256 : i32
      %mul3A_348 = vector.broadcast %mul3A_347 : i32 to vector<16xi32>
      %mul3A_349 = arith.muli %add3A_346, %mul3A_348 : vector<16xi32>
      %add3A_350 = vector.broadcast %add3A_343 : i32 to vector<16xi32>
      %add3A_351 = arith.addi %add3A_350, %mul3A_349 : vector<16xi32>
      %gather3A = tpu.vector_load_idx %arg11[%add3A_351] : memref<16384xf32, #tpu.memory_space<vmem>>[vector<16xi32>], vector<16xf32>,
      %eq3A_352 = arith.cmpf oeq, %gather3A, %broadcast_in_dim3A_313 : vector<16xf32>
      %broadcast_in_dim3A_353 = arith.constant 999 : i32
      %broadcast_in_dim3A_354 = vector.broadcast %broadcast_in_dim3A_353 : i32 to vector<16xi32>
      %select_n3A_355 = arith.select %eq3A_352, %add3A_346, %broadcast_in_dim3A_354 : vector<16xi1>, vector<16xi32>
      %add3A_356 = arith.constant 16 : i32
      %add3A_357 = vector.broadcast %add3A_356 : i32 to vector<16xi32>
      %add3A_358 = arith.addi %iota3A_231, %add3A_357 : vector<16xi32>
      %mul3A_359 = arith.constant 256 : i32
      %mul3A_360 = vector.broadcast %mul3A_359 : i32 to vector<16xi32>
      %mul3A_361 = arith.muli %add3A_358, %mul3A_360 : vector<16xi32>
      %add3A_362 = vector.broadcast %add3A_343 : i32 to vector<16xi32>
      %add3A_363 = arith.addi %add3A_362, %mul3A_361 : vector<16xi32>
      %gather3A_364 = tpu.vector_load_idx %arg11[%add3A_363] : memref<16384xf32, #tpu.memory_space<vmem>>[vector<16xi32>], vector<16xf32>,
      %eq3A_365 = arith.cmpf oeq, %gather3A_364, %broadcast_in_dim3A_313 : vector<16xf32>
      %broadcast_in_dim3A_366 = arith.constant 999 : i32
      %broadcast_in_dim3A_367 = vector.broadcast %broadcast_in_dim3A_366 : i32 to vector<16xi32>
      %select_n3A_368 = arith.select %eq3A_365, %add3A_358, %broadcast_in_dim3A_367 : vector<16xi1>, vector<16xi32>
      %add3A_369 = arith.constant 32 : i32
      %add3A_370 = vector.broadcast %add3A_369 : i32 to vector<16xi32>
      %add3A_371 = arith.addi %iota3A_231, %add3A_370 : vector<16xi32>
      %mul3A_372 = arith.constant 256 : i32
      %mul3A_373 = vector.broadcast %mul3A_372 : i32 to vector<16xi32>
      %mul3A_374 = arith.muli %add3A_371, %mul3A_373 : vector<16xi32>
      %add3A_375 = vector.broadcast %add3A_343 : i32 to vector<16xi32>
      %add3A_376 = arith.addi %add3A_375, %mul3A_374 : vector<16xi32>
      %gather3A_377 = tpu.vector_load_idx %arg11[%add3A_376] : memref<16384xf32, #tpu.memory_space<vmem>>[vector<16xi32>], vector<16xf32>,
      %eq3A_378 = arith.cmpf oeq, %gather3A_377, %broadcast_in_dim3A_313 : vector<16xf32>
      %broadcast_in_dim3A_379 = arith.constant 999 : i32
      %broadcast_in_dim3A_380 = vector.broadcast %broadcast_in_dim3A_379 : i32 to vector<16xi32>
      %select_n3A_381 = arith.select %eq3A_378, %add3A_371, %broadcast_in_dim3A_380 : vector<16xi1>, vector<16xi32>
      %add3A_382 = arith.constant 48 : i32
      %add3A_383 = vector.broadcast %add3A_382 : i32 to vector<16xi32>
      %add3A_384 = arith.addi %iota3A_231, %add3A_383 : vector<16xi32>
      %mul3A_385 = arith.constant 256 : i32
      %mul3A_386 = vector.broadcast %mul3A_385 : i32 to vector<16xi32>
      %mul3A_387 = arith.muli %add3A_384, %mul3A_386 : vector<16xi32>
      %add3A_388 = vector.broadcast %add3A_343 : i32 to vector<16xi32>
      %add3A_389 = arith.addi %add3A_388, %mul3A_387 : vector<16xi32>
      %gather3A_390 = tpu.vector_load_idx %arg11[%add3A_389] : memref<16384xf32, #tpu.memory_space<vmem>>[vector<16xi32>], vector<16xf32>,
      %eq3A_391 = arith.cmpf oeq, %gather3A_390, %broadcast_in_dim3A_313 : vector<16xf32>
      %broadcast_in_dim3A_392 = arith.constant 999 : i32
      %broadcast_in_dim3A_393 = vector.broadcast %broadcast_in_dim3A_392 : i32 to vector<16xi32>
      %select_n3A_394 = arith.select %eq3A_391, %add3A_384, %broadcast_in_dim3A_393 : vector<16xi1>, vector<16xi32>
      %min3A = arith.minsi %select_n3A_355, %select_n3A_368 : vector<16xi32>
      %min3A_395 = arith.minsi %select_n3A_381, %select_n3A_394 : vector<16xi32>
      %min3A_396 = arith.minsi %min3A, %min3A_395 : vector<16xi32>
      %reduce_min3A_397 = arith.constant true
      %reduce_min3A_398 = vector.broadcast %reduce_min3A_397 : i1 to vector<16xi1>
      %reduce_min3A_399 = arith.constant -2147483648 : i32
      %reduce_min3A_400 = vector.broadcast %reduce_min3A_399 : i32 to vector<16xi32>
      %reduce_min3A_401 = arith.xori %min3A_396, %reduce_min3A_400 : vector<16xi32>
      %reduce_min3A_402 = tpu.scan <min>, %reduce_min3A_401 masked %reduce_min3A_398 : vector<16xi32>, vector<16xi1> -> vector<16xi32>
      %reduce_min3A_403 = arith.xori %reduce_min3A_402, %reduce_min3A_400 : vector<16xi32>
      %reduce_min3A_404 = vector.extract %reduce_min3A_403[15] : i32 from vector<16xi32>
      %mul3A_405 = arith.constant 256 : i32
      %mul3A_406 = arith.muli %reduce_min3A_404, %mul3A_405 : i32
      %add3A_407 = arith.addi %mul3A_406, %add3A_343 : i32
      %eq3A_408 = arith.constant 0 : i32
      %eq3A_409 = vector.broadcast %eq3A_408 : i32 to vector<16xi32>
      %eq3A_410 = arith.cmpi eq, %iota3A_231, %eq3A_409 : vector<16xi32>
      %add3A_411 = arith.constant 0 : i32
      %add3A_412 = arith.addi %add3A_411, %add3A_308 : i32
      %broadcast_in_dim3A_413 = vector.broadcast %add3A_412 : i32 to vector<16xi32>
      %broadcast_in_dim3A_414 = vector.broadcast %add3A_407 : i32 to vector<16xi32>
      tpu.vector_store_idx %arg13[%broadcast_in_dim3A_413], %broadcast_in_dim3A_414 masked %eq3A_410 : memref<96xi32, #tpu.memory_space<vmem>>[vector<16xi32>], vector<16xi32>, vector<16xi1>
      %broadcast_in_dim3A_415 = vector.broadcast %add3A_407 : i32 to vector<16xi32>
      %broadcast_in_dim3A_416 = arith.constant 1.000000e+30 : f32
      %broadcast_in_dim3A_417 = vector.broadcast %broadcast_in_dim3A_416 : f32 to vector<16xf32>
      tpu.vector_store_idx %arg11[%broadcast_in_dim3A_415], %broadcast_in_dim3A_417 masked %eq3A_410 : memref<16384xf32, #tpu.memory_space<vmem>>[vector<16xi32>], vector<16xf32>, vector<16xi1>
      %eq3A_418 = vector.broadcast %reduce_min3A_404 : i32 to vector<16xi32>
      %eq3A_419 = arith.cmpi eq, %add3A_346, %eq3A_418 : vector<16xi32>
      %broadcast_in_dim3A_420 = arith.constant 1.000000e+30 : f32
      %broadcast_in_dim3A_421 = vector.broadcast %broadcast_in_dim3A_420 : f32 to vector<16xf32>
      %select_n3A_422 = arith.select %eq3A_419, %broadcast_in_dim3A_421, %gather3A : vector<16xi1>, vector<16xf32>
      %eq3A_423 = vector.broadcast %reduce_min3A_404 : i32 to vector<16xi32>
      %eq3A_424 = arith.cmpi eq, %add3A_358, %eq3A_423 : vector<16xi32>
      %broadcast_in_dim3A_425 = arith.constant 1.000000e+30 : f32
      %broadcast_in_dim3A_426 = vector.broadcast %broadcast_in_dim3A_425 : f32 to vector<16xf32>
      %select_n3A_427 = arith.select %eq3A_424, %broadcast_in_dim3A_426, %gather3A_364 : vector<16xi1>, vector<16xf32>
      %eq3A_428 = vector.broadcast %reduce_min3A_404 : i32 to vector<16xi32>
      %eq3A_429 = arith.cmpi eq, %add3A_371, %eq3A_428 : vector<16xi32>
      %broadcast_in_dim3A_430 = arith.constant 1.000000e+30 : f32
      %broadcast_in_dim3A_431 = vector.broadcast %broadcast_in_dim3A_430 : f32 to vector<16xf32>
      %select_n3A_432 = arith.select %eq3A_429, %broadcast_in_dim3A_431, %gather3A_377 : vector<16xi1>, vector<16xf32>
      %eq3A_433 = vector.broadcast %reduce_min3A_404 : i32 to vector<16xi32>
      %eq3A_434 = arith.cmpi eq, %add3A_384, %eq3A_433 : vector<16xi32>
      %broadcast_in_dim3A_435 = arith.constant 1.000000e+30 : f32
      %broadcast_in_dim3A_436 = vector.broadcast %broadcast_in_dim3A_435 : f32 to vector<16xf32>
      %select_n3A_437 = arith.select %eq3A_434, %broadcast_in_dim3A_436, %gather3A_390 : vector<16xi1>, vector<16xf32>
      %min3A_438 = arith.minimumf %select_n3A_422, %select_n3A_427 : vector<16xf32>
      %min3A_439 = arith.minimumf %select_n3A_432, %select_n3A_437 : vector<16xf32>
      %min3A_440 = arith.minimumf %min3A_438, %min3A_439 : vector<16xf32>
      %reduce_min3A_441 = arith.constant true
      %reduce_min3A_442 = vector.broadcast %reduce_min3A_441 : i1 to vector<16xi1>
      %reduce_min3A_443 = tpu.scan <min>, %min3A_440 masked %reduce_min3A_442 : vector<16xf32>, vector<16xi1> -> vector<16xf32>
      %reduce_min3A_444 = vector.extract %reduce_min3A_443[15] : f32 from vector<16xf32>
      %eq3A_445 = vector.broadcast %reduce_min3A_340 : i32 to vector<16xi32>
      %eq3A_446 = arith.cmpi eq, %iota3A_231, %eq3A_445 : vector<16xi32>
      %broadcast_in_dim3A_447 = vector.broadcast %reduce_min3A_444 : f32 to vector<16xf32>
      %select_n3A_448 = arith.select %eq3A_446, %broadcast_in_dim3A_447, %get3A_328 : vector<16xi1>, vector<16xf32>
      %swap3A_449 = arith.index_cast %multiple_of3A : i32 to index
      %swap3A_450 = tpu.vector_load %arg12[%swap3A_449] {strides = array<i32>} : memref<256xf32, #tpu.memory_space<vmem>>, vector<16xf32>,
      tpu.vector_store %arg12[%swap3A_449], %select_n3A_448 {strides = array<i32>} : memref<256xf32, #tpu.memory_space<vmem>>, vector<16xf32>,
      %eq3A_451 = vector.broadcast %reduce_min3A_325 : i32 to vector<16xi32>
      %eq3A_452 = arith.cmpi eq, %iota3A_231, %eq3A_451 : vector<16xi32>
      %reduce_min3A_453 = arith.constant true
      %reduce_min3A_454 = vector.broadcast %reduce_min3A_453 : i1 to vector<16xi1>
      %reduce_min3A_455 = tpu.scan <min>, %select_n3A_448 masked %reduce_min3A_454 : vector<16xf32>, vector<16xi1> -> vector<16xf32>
      %reduce_min3A_456 = vector.extract %reduce_min3A_455[15] : f32 from vector<16xf32>
      %broadcast_in_dim3A_457 = vector.broadcast %reduce_min3A_456 : f32 to vector<16xf32>
      %select_n3A_458 = arith.select %eq3A_452, %broadcast_in_dim3A_457, %scan3A_304 : vector<16xi1>, vector<16xf32>
      scf.yield %select_n3A_458 : vector<16xf32>
    }
    %scan3A_237 = arith.constant 96 : i32
    %mul3A_238 = arith.constant 19 : i32
    %mul3A_239 = arith.muli %arg1, %mul3A_238 : i32
    %add3A_240 = arith.constant 0 : i32
    %add3A_241 = arith.addi %mul3A_239, %add3A_240 : i32
    %mul3A_242 = arith.constant 16384 : i32
    %mul3A_243 = arith.muli %add3A_241, %mul3A_242 : i32
    "tpu.region"() ({
      %run_scoped3A = tpu.sem_alloc : memref<!tpu.dma_semaphore, #tpu.memory_space<semaphore_mem>>
      %dma_start3A = tpu.memref_slice %arg2[%mul3A_243] : memref<4980736xf32, #tpu.memory_space<hbm>> -> memref<16384xf32, #tpu.memory_space<hbm>>
      %dma_start3A_303 = tpu.memref_slice %arg2[%mul3A_243] : memref<4980736xf32, #tpu.memory_space<hbm>> -> memref<16384xf32, #tpu.memory_space<hbm>>
      tpu.enqueue_dma source(%dma_start3A_303 : memref<16384xf32, #tpu.memory_space<hbm>>) target(%arg8 : memref<16384xf32, #tpu.memory_space<vmem>>) target_semaphore(%run_scoped3A : memref<!tpu.dma_semaphore, #tpu.memory_space<semaphore_mem>>)
      %dma_wait3A = tpu.memref_slice %arg2[%mul3A_243] : memref<4980736xf32, #tpu.memory_space<hbm>> -> memref<16384xf32, #tpu.memory_space<hbm>>
      %dma_wait3A_304 = tpu.memref_slice %arg2[%mul3A_243] : memref<4980736xf32, #tpu.memory_space<hbm>> -> memref<16384xf32, #tpu.memory_space<hbm>>
      tpu.wait_dma2 semaphore(%run_scoped3A : memref<!tpu.dma_semaphore, #tpu.memory_space<semaphore_mem>>) src(%dma_wait3A_304 : memref<16384xf32, #tpu.memory_space<hbm>>) dst(%arg8 : memref<16384xf32, #tpu.memory_space<vmem>>)
      tpu.yield
    }) : () -> ()
    %mul3A_244 = arith.constant 19 : i32
    %mul3A_245 = arith.muli %arg1, %mul3A_244 : i32
    %add3A_246 = arith.constant 1 : i32
    %add3A_247 = arith.addi %mul3A_245, %add3A_246 : i32
    %mul3A_248 = arith.constant 16384 : i32
    %mul3A_249 = arith.muli %add3A_247, %mul3A_248 : i32
    "tpu.region"() ({
      %run_scoped3A = tpu.sem_alloc : memref<!tpu.dma_semaphore, #tpu.memory_space<semaphore_mem>>
      %dma_start3A = tpu.memref_slice %arg2[%mul3A_249] : memref<4980736xf32, #tpu.memory_space<hbm>> -> memref<16384xf32, #tpu.memory_space<hbm>>
      %dma_start3A_303 = tpu.memref_slice %arg2[%mul3A_249] : memref<4980736xf32, #tpu.memory_space<hbm>> -> memref<16384xf32, #tpu.memory_space<hbm>>
      tpu.enqueue_dma source(%dma_start3A_303 : memref<16384xf32, #tpu.memory_space<hbm>>) target(%arg9 : memref<16384xf32, #tpu.memory_space<vmem>>) target_semaphore(%run_scoped3A : memref<!tpu.dma_semaphore, #tpu.memory_space<semaphore_mem>>)
      %dma_wait3A = tpu.memref_slice %arg2[%mul3A_249] : memref<4980736xf32, #tpu.memory_space<hbm>> -> memref<16384xf32, #tpu.memory_space<hbm>>
      %dma_wait3A_304 = tpu.memref_slice %arg2[%mul3A_249] : memref<4980736xf32, #tpu.memory_space<hbm>> -> memref<16384xf32, #tpu.memory_space<hbm>>
      tpu.wait_dma2 semaphore(%run_scoped3A : memref<!tpu.dma_semaphore, #tpu.memory_space<semaphore_mem>>) src(%dma_wait3A_304 : memref<16384xf32, #tpu.memory_space<hbm>>) dst(%arg9 : memref<16384xf32, #tpu.memory_space<vmem>>)
      tpu.yield
    }) : () -> ()
    %mul3A_250 = arith.constant 19 : i32
    %mul3A_251 = arith.muli %arg1, %mul3A_250 : i32
    %add3A_252 = arith.constant 2 : i32
    %add3A_253 = arith.addi %mul3A_251, %add3A_252 : i32
    %mul3A_254 = arith.constant 16384 : i32
    %mul3A_255 = arith.muli %add3A_253, %mul3A_254 : i32
    "tpu.region"() ({
      %run_scoped3A = tpu.sem_alloc : memref<!tpu.dma_semaphore, #tpu.memory_space<semaphore_mem>>
      %dma_start3A = tpu.memref_slice %arg2[%mul3A_255] : memref<4980736xf32, #tpu.memory_space<hbm>> -> memref<16384xf32, #tpu.memory_space<hbm>>
      %dma_start3A_303 = tpu.memref_slice %arg2[%mul3A_255] : memref<4980736xf32, #tpu.memory_space<hbm>> -> memref<16384xf32, #tpu.memory_space<hbm>>
      tpu.enqueue_dma source(%dma_start3A_303 : memref<16384xf32, #tpu.memory_space<hbm>>) target(%arg10 : memref<16384xf32, #tpu.memory_space<vmem>>) target_semaphore(%run_scoped3A : memref<!tpu.dma_semaphore, #tpu.memory_space<semaphore_mem>>)
      %dma_wait3A = tpu.memref_slice %arg2[%mul3A_255] : memref<4980736xf32, #tpu.memory_space<hbm>> -> memref<16384xf32, #tpu.memory_space<hbm>>
      %dma_wait3A_304 = tpu.memref_slice %arg2[%mul3A_255] : memref<4980736xf32, #tpu.memory_space<hbm>> -> memref<16384xf32, #tpu.memory_space<hbm>>
      tpu.wait_dma2 semaphore(%run_scoped3A : memref<!tpu.dma_semaphore, #tpu.memory_space<semaphore_mem>>) src(%dma_wait3A_304 : memref<16384xf32, #tpu.memory_space<hbm>>) dst(%arg10 : memref<16384xf32, #tpu.memory_space<vmem>>)
      tpu.yield
    }) : () -> ()
    %scan3A_256 = arith.constant 0 : i32
    %scan3A_257 = arith.constant 32 : i32
    %scan3A_258 = arith.addi %scan3A_256, %scan3A_257 : i32
    %scan3A_259 = arith.constant 1 : i32
    scf.for %scan3A_303 = %scan3A_256 to %scan3A_258 step %scan3A_259  : i32 {
      %mul3A_304 = arith.constant 1 : i32
      %mul3A_305 = arith.muli %scan3A_303, %mul3A_304 : i32
      %add3A_306 = arith.constant 0 : i32
      %add3A_307 = arith.addi %add3A_306, %mul3A_305 : i32
      %mul3A_308 = arith.constant 64 : i32
      %mul3A_309 = arith.muli %arg1, %mul3A_308 : i32
      %mul3A_310 = arith.constant 32 : i32
      %mul3A_311 = arith.muli %arg0, %mul3A_310 : i32
      %add3A_312 = arith.addi %mul3A_309, %mul3A_311 : i32
      %add3A_313 = arith.addi %add3A_312, %add3A_307 : i32
      %mul3A_314 = arith.constant 16384 : i32
      %mul3A_315 = arith.muli %add3A_313, %mul3A_314 : i32
      %get3A = arith.constant 0 : index
      %get3A_316 = tpu.vector_load %arg13[%get3A] {strides = array<i32>} : memref<96xi32, #tpu.memory_space<vmem>>, vector<16xi32>,
      %add3A_317 = vector.broadcast %mul3A_315 : i32 to vector<16xi32>
      %add3A_318 = arith.addi %get3A_316, %add3A_317 : vector<16xi32>
      %swap3A_319 = arith.index_cast %add3A_307 : i32 to index
      %swap3A_320 = arith.constant 0 : index
      %swap3A_321 = tpu.vector_load %arg17[%swap3A_319, %swap3A_320] {strides = array<i32>} : memref<32x96xi32, #tpu.memory_space<vmem>>, vector<16xi32>,
      tpu.vector_store %arg17[%swap3A_319, %swap3A_320], %add3A_318 {strides = array<i32>} : memref<32x96xi32, #tpu.memory_space<vmem>>, vector<16xi32>,
      %get3A_322 = arith.constant 16 : index
      %get3A_323 = tpu.vector_load %arg13[%get3A_322] {strides = array<i32>} : memref<96xi32, #tpu.memory_space<vmem>>, vector<16xi32>,
      %add3A_324 = vector.broadcast %mul3A_315 : i32 to vector<16xi32>
      %add3A_325 = arith.addi %get3A_323, %add3A_324 : vector<16xi32>
      %swap3A_326 = arith.index_cast %add3A_307 : i32 to index
      %swap3A_327 = arith.constant 16 : index
      %swap3A_328 = tpu.vector_load %arg17[%swap3A_326, %swap3A_327] {strides = array<i32>} : memref<32x96xi32, #tpu.memory_space<vmem>>, vector<16xi32>,
      tpu.vector_store %arg17[%swap3A_326, %swap3A_327], %add3A_325 {strides = array<i32>} : memref<32x96xi32, #tpu.memory_space<vmem>>, vector<16xi32>,
      %get3A_329 = arith.constant 32 : index
      %get3A_330 = tpu.vector_load %arg13[%get3A_329] {strides = array<i32>} : memref<96xi32, #tpu.memory_space<vmem>>, vector<16xi32>,
      %add3A_331 = vector.broadcast %mul3A_315 : i32 to vector<16xi32>
      %add3A_332 = arith.addi %get3A_330, %add3A_331 : vector<16xi32>
      %swap3A_333 = arith.index_cast %add3A_307 : i32 to index
      %swap3A_334 = arith.constant 32 : index
      %swap3A_335 = tpu.vector_load %arg17[%swap3A_333, %swap3A_334] {strides = array<i32>} : memref<32x96xi32, #tpu.memory_space<vmem>>, vector<16xi32>,
      tpu.vector_store %arg17[%swap3A_333, %swap3A_334], %add3A_332 {strides = array<i32>} : memref<32x96xi32, #tpu.memory_space<vmem>>, vector<16xi32>,
      %get3A_336 = arith.constant 48 : index
      %get3A_337 = tpu.vector_load %arg13[%get3A_336] {strides = array<i32>} : memref<96xi32, #tpu.memory_space<vmem>>, vector<16xi32>,
      %add3A_338 = vector.broadcast %mul3A_315 : i32 to vector<16xi32>
      %add3A_339 = arith.addi %get3A_337, %add3A_338 : vector<16xi32>
      %swap3A_340 = arith.index_cast %add3A_307 : i32 to index
      %swap3A_341 = arith.constant 48 : index
      %swap3A_342 = tpu.vector_load %arg17[%swap3A_340, %swap3A_341] {strides = array<i32>} : memref<32x96xi32, #tpu.memory_space<vmem>>, vector<16xi32>,
      tpu.vector_store %arg17[%swap3A_340, %swap3A_341], %add3A_339 {strides = array<i32>} : memref<32x96xi32, #tpu.memory_space<vmem>>, vector<16xi32>,
      %get3A_343 = arith.constant 64 : index
      %get3A_344 = tpu.vector_load %arg13[%get3A_343] {strides = array<i32>} : memref<96xi32, #tpu.memory_space<vmem>>, vector<16xi32>,
      %add3A_345 = vector.broadcast %mul3A_315 : i32 to vector<16xi32>
      %add3A_346 = arith.addi %get3A_344, %add3A_345 : vector<16xi32>
      %swap3A_347 = arith.index_cast %add3A_307 : i32 to index
      %swap3A_348 = arith.constant 64 : index
      %swap3A_349 = tpu.vector_load %arg17[%swap3A_347, %swap3A_348] {strides = array<i32>} : memref<32x96xi32, #tpu.memory_space<vmem>>, vector<16xi32>,
      tpu.vector_store %arg17[%swap3A_347, %swap3A_348], %add3A_346 {strides = array<i32>} : memref<32x96xi32, #tpu.memory_space<vmem>>, vector<16xi32>,
      %get3A_350 = arith.constant 80 : index
      %get3A_351 = tpu.vector_load %arg13[%get3A_350] {strides = array<i32>} : memref<96xi32, #tpu.memory_space<vmem>>, vector<16xi32>,
      %add3A_352 = vector.broadcast %mul3A_315 : i32 to vector<16xi32>
      %add3A_353 = arith.addi %get3A_351, %add3A_352 : vector<16xi32>
      %swap3A_354 = arith.index_cast %add3A_307 : i32 to index
      %swap3A_355 = arith.constant 80 : index
      %swap3A_356 = tpu.vector_load %arg17[%swap3A_354, %swap3A_355] {strides = array<i32>} : memref<32x96xi32, #tpu.memory_space<vmem>>, vector<16xi32>,
      tpu.vector_store %arg17[%swap3A_354, %swap3A_355], %add3A_353 {strides = array<i32>} : memref<32x96xi32, #tpu.memory_space<vmem>>, vector<16xi32>,
      %mul3A_357 = arith.constant 96 : i32
      %mul3A_358 = arith.muli %add3A_307, %mul3A_357 : i32
      %dma_start3A = tpu.memref_slice %arg18[%mul3A_358] : memref<3072xf32, #tpu.memory_space<vmem>> -> memref<96xf32, #tpu.memory_space<vmem>>
      %dma_start3A_359 = arith.constant 0 : i32
      %dma_start3A_360 = tpu.memref_slice %arg17[%add3A_307, %dma_start3A_359] : memref<32x96xi32, #tpu.memory_space<vmem>> -> memref<1x96xi32, #tpu.memory_space<vmem>>
      %dma_start3A_361 = tpu.memref_squeeze %dma_start3A_360 : memref<1x96xi32, #tpu.memory_space<vmem>> -> memref<96xi32, #tpu.memory_space<vmem>>
      %dma_start3A_362 = arith.constant 0 : i32
      %dma_start3A_363 = tpu.memref_slice %arg4[%dma_start3A_362] : memref<16777216xf32, #tpu.memory_space<hbm>> -> memref<16777216xf32, #tpu.memory_space<hbm>>
      tpu.enqueue_indirect_dma source(%dma_start3A_363 : memref<16777216xf32, #tpu.memory_space<hbm>>) target(%dma_start3A : memref<96xf32, #tpu.memory_space<vmem>>) offsets(%dma_start3A_361 : memref<96xi32, #tpu.memory_space<vmem>>) semaphore(%arg19 : memref<!tpu.dma_semaphore, #tpu.memory_space<semaphore_mem>>)
      %dma_wait3A = tpu.memref_slice %arg18[%mul3A_358] : memref<3072xf32, #tpu.memory_space<vmem>> -> memref<96xf32, #tpu.memory_space<vmem>>
      %dma_wait3A_364 = arith.constant 0 : i32
      %dma_wait3A_365 = tpu.memref_slice %arg17[%add3A_307, %dma_wait3A_364] : memref<32x96xi32, #tpu.memory_space<vmem>> -> memref<1x96xi32, #tpu.memory_space<vmem>>
      %dma_wait3A_366 = tpu.memref_squeeze %dma_wait3A_365 : memref<1x96xi32, #tpu.memory_space<vmem>> -> memref<96xi32, #tpu.memory_space<vmem>>
      %dma_wait3A_367 = arith.constant 0 : i32
      %dma_wait3A_368 = tpu.memref_slice %arg4[%dma_wait3A_367] : memref<16777216xf32, #tpu.memory_space<hbm>> -> memref<16777216xf32, #tpu.memory_space<hbm>>
      tpu.wait_indirect_dma semaphore(%arg19 : memref<!tpu.dma_semaphore, #tpu.memory_space<semaphore_mem>>) src(%dma_wait3A_368 : memref<16777216xf32, #tpu.memory_space<hbm>>) dst(%dma_wait3A : memref<96xf32, #tpu.memory_space<vmem>>)
    }
    %scan3A_260 = arith.constant 32 : i32
    %mul3A_261 = arith.constant 64 : i32
    %mul3A_262 = arith.muli %arg1, %mul3A_261 : i32
    %mul3A_263 = arith.constant 96 : i32
    %mul3A_264 = arith.muli %mul3A_262, %mul3A_263 : i32
    %mul3A_265 = arith.constant 32 : i32
    %mul3A_266 = arith.muli %arg0, %mul3A_265 : i32
    %mul3A_267 = arith.constant 96 : i32
    %mul3A_268 = arith.muli %mul3A_266, %mul3A_267 : i32
    %add3A_269 = arith.addi %mul3A_264, %mul3A_268 : i32
    "tpu.region"() ({
      %run_scoped3A = tpu.sem_alloc : memref<!tpu.dma_semaphore, #tpu.memory_space<semaphore_mem>>
      %dma_start3A = arith.constant 0 : i32
      %dma_start3A_303 = tpu.memref_slice %arg18[%dma_start3A] : memref<3072xf32, #tpu.memory_space<vmem>> -> memref<3072xf32, #tpu.memory_space<vmem>>
      %dma_start3A_304 = tpu.memref_slice %arg7[%add3A_269] : memref<98304xf32, #tpu.memory_space<hbm>> -> memref<3072xf32, #tpu.memory_space<hbm>>
      %dma_start3A_305 = tpu.memref_slice %arg7[%add3A_269] : memref<98304xf32, #tpu.memory_space<hbm>> -> memref<3072xf32, #tpu.memory_space<hbm>>
      %dma_start3A_306 = arith.constant 0 : i32
      %dma_start3A_307 = tpu.memref_slice %arg18[%dma_start3A_306] : memref<3072xf32, #tpu.memory_space<vmem>> -> memref<3072xf32, #tpu.memory_space<vmem>>
      tpu.enqueue_dma source(%dma_start3A_307 : memref<3072xf32, #tpu.memory_space<vmem>>) target(%dma_start3A_305 : memref<3072xf32, #tpu.memory_space<hbm>>) target_semaphore(%run_scoped3A : memref<!tpu.dma_semaphore, #tpu.memory_space<semaphore_mem>>)
      %dma_wait3A = arith.constant 0 : i32
      %dma_wait3A_308 = tpu.memref_slice %arg18[%dma_wait3A] : memref<3072xf32, #tpu.memory_space<vmem>> -> memref<3072xf32, #tpu.memory_space<vmem>>
      %dma_wait3A_309 = tpu.memref_slice %arg7[%add3A_269] : memref<98304xf32, #tpu.memory_space<hbm>> -> memref<3072xf32, #tpu.memory_space<hbm>>
      %dma_wait3A_310 = tpu.memref_slice %arg7[%add3A_269] : memref<98304xf32, #tpu.memory_space<hbm>> -> memref<3072xf32, #tpu.memory_space<hbm>>
      %dma_wait3A_311 = arith.constant 0 : i32
      %dma_wait3A_312 = tpu.memref_slice %arg18[%dma_wait3A_311] : memref<3072xf32, #tpu.memory_space<vmem>> -> memref<3072xf32, #tpu.memory_space<vmem>>
      tpu.wait_dma2 semaphore(%run_scoped3A : memref<!tpu.dma_semaphore, #tpu.memory_space<semaphore_mem>>) src(%dma_wait3A_312 : memref<3072xf32, #tpu.memory_space<vmem>>) dst(%dma_wait3A_310 : memref<3072xf32, #tpu.memory_space<hbm>>)
      tpu.yield
    }) : () -> ()
    %scan3A_270 = arith.constant 0 : i32
    %scan3A_271 = arith.constant 10 : i32
    %scan3A_272 = arith.addi %scan3A_270, %scan3A_271 : i32
    %scan3A_273 = arith.constant 1 : i32
    scf.for %scan3A_303 = %scan3A_270 to %scan3A_272 step %scan3A_273  : i32 {
      %mul3A_304 = arith.constant 1 : i32
      %mul3A_305 = arith.muli %scan3A_303, %mul3A_304 : i32
      %add3A_306 = arith.constant 0 : i32
      %add3A_307 = arith.addi %add3A_306, %mul3A_305 : i32
      %mul3A_308 = arith.constant 19 : i32
      %mul3A_309 = arith.muli %arg1, %mul3A_308 : i32
      %mul3A_310 = arith.constant 9 : i32
      %mul3A_311 = arith.muli %arg0, %mul3A_310 : i32
      %add3A_312 = arith.addi %mul3A_309, %mul3A_311 : i32
      %add3A_313 = arith.addi %add3A_312, %add3A_307 : i32
      %mul3A_314 = arith.constant 16384 : i32
      %mul3A_315 = arith.muli %add3A_313, %mul3A_314 : i32
      %get3A = arith.constant 0 : index
      %get3A_316 = tpu.vector_load %arg13[%get3A] {strides = array<i32>} : memref<96xi32, #tpu.memory_space<vmem>>, vector<16xi32>,
      %add3A_317 = vector.broadcast %mul3A_315 : i32 to vector<16xi32>
      %add3A_318 = arith.addi %get3A_316, %add3A_317 : vector<16xi32>
      %swap3A_319 = arith.index_cast %add3A_307 : i32 to index
      %swap3A_320 = arith.constant 0 : index
      %swap3A_321 = tpu.vector_load %arg17[%swap3A_319, %swap3A_320] {strides = array<i32>} : memref<32x96xi32, #tpu.memory_space<vmem>>, vector<16xi32>,
      tpu.vector_store %arg17[%swap3A_319, %swap3A_320], %add3A_318 {strides = array<i32>} : memref<32x96xi32, #tpu.memory_space<vmem>>, vector<16xi32>,
      %get3A_322 = arith.constant 16 : index
      %get3A_323 = tpu.vector_load %arg13[%get3A_322] {strides = array<i32>} : memref<96xi32, #tpu.memory_space<vmem>>, vector<16xi32>,
      %add3A_324 = vector.broadcast %mul3A_315 : i32 to vector<16xi32>
      %add3A_325 = arith.addi %get3A_323, %add3A_324 : vector<16xi32>
      %swap3A_326 = arith.index_cast %add3A_307 : i32 to index
      %swap3A_327 = arith.constant 16 : index
      %swap3A_328 = tpu.vector_load %arg17[%swap3A_326, %swap3A_327] {strides = array<i32>} : memref<32x96xi32, #tpu.memory_space<vmem>>, vector<16xi32>,
      tpu.vector_store %arg17[%swap3A_326, %swap3A_327], %add3A_325 {strides = array<i32>} : memref<32x96xi32, #tpu.memory_space<vmem>>, vector<16xi32>,
      %get3A_329 = arith.constant 32 : index
      %get3A_330 = tpu.vector_load %arg13[%get3A_329] {strides = array<i32>} : memref<96xi32, #tpu.memory_space<vmem>>, vector<16xi32>,
      %add3A_331 = vector.broadcast %mul3A_315 : i32 to vector<16xi32>
      %add3A_332 = arith.addi %get3A_330, %add3A_331 : vector<16xi32>
      %swap3A_333 = arith.index_cast %add3A_307 : i32 to index
      %swap3A_334 = arith.constant 32 : index
      %swap3A_335 = tpu.vector_load %arg17[%swap3A_333, %swap3A_334] {strides = array<i32>} : memref<32x96xi32, #tpu.memory_space<vmem>>, vector<16xi32>,
      tpu.vector_store %arg17[%swap3A_333, %swap3A_334], %add3A_332 {strides = array<i32>} : memref<32x96xi32, #tpu.memory_space<vmem>>, vector<16xi32>,
      %get3A_336 = arith.constant 48 : index
      %get3A_337 = tpu.vector_load %arg13[%get3A_336] {strides = array<i32>} : memref<96xi32, #tpu.memory_space<vmem>>, vector<16xi32>,
      %add3A_338 = vector.broadcast %mul3A_315 : i32 to vector<16xi32>
      %add3A_339 = arith.addi %get3A_337, %add3A_338 : vector<16xi32>
      %swap3A_340 = arith.index_cast %add3A_307 : i32 to index
      %swap3A_341 = arith.constant 48 : index
      %swap3A_342 = tpu.vector_load %arg17[%swap3A_340, %swap3A_341] {strides = array<i32>} : memref<32x96xi32, #tpu.memory_space<vmem>>, vector<16xi32>,
      tpu.vector_store %arg17[%swap3A_340, %swap3A_341], %add3A_339 {strides = array<i32>} : memref<32x96xi32, #tpu.memory_space<vmem>>, vector<16xi32>,
      %get3A_343 = arith.constant 64 : index
      %get3A_344 = tpu.vector_load %arg13[%get3A_343] {strides = array<i32>} : memref<96xi32, #tpu.memory_space<vmem>>, vector<16xi32>,
      %add3A_345 = vector.broadcast %mul3A_315 : i32 to vector<16xi32>
      %add3A_346 = arith.addi %get3A_344, %add3A_345 : vector<16xi32>
      %swap3A_347 = arith.index_cast %add3A_307 : i32 to index
      %swap3A_348 = arith.constant 64 : index
      %swap3A_349 = tpu.vector_load %arg17[%swap3A_347, %swap3A_348] {strides = array<i32>} : memref<32x96xi32, #tpu.memory_space<vmem>>, vector<16xi32>,
      tpu.vector_store %arg17[%swap3A_347, %swap3A_348], %add3A_346 {strides = array<i32>} : memref<32x96xi32, #tpu.memory_space<vmem>>, vector<16xi32>,
      %get3A_350 = arith.constant 80 : index
      %get3A_351 = tpu.vector_load %arg13[%get3A_350] {strides = array<i32>} : memref<96xi32, #tpu.memory_space<vmem>>, vector<16xi32>,
      %add3A_352 = vector.broadcast %mul3A_315 : i32 to vector<16xi32>
      %add3A_353 = arith.addi %get3A_351, %add3A_352 : vector<16xi32>
      %swap3A_354 = arith.index_cast %add3A_307 : i32 to index
      %swap3A_355 = arith.constant 80 : index
      %swap3A_356 = tpu.vector_load %arg17[%swap3A_354, %swap3A_355] {strides = array<i32>} : memref<32x96xi32, #tpu.memory_space<vmem>>, vector<16xi32>,
      tpu.vector_store %arg17[%swap3A_354, %swap3A_355], %add3A_353 {strides = array<i32>} : memref<32x96xi32, #tpu.memory_space<vmem>>, vector<16xi32>,
      %mul3A_357 = arith.constant 96 : i32
      %mul3A_358 = arith.muli %add3A_307, %mul3A_357 : i32
      %dma_start3A = tpu.memref_slice %arg18[%mul3A_358] : memref<3072xf32, #tpu.memory_space<vmem>> -> memref<96xf32, #tpu.memory_space<vmem>>
      %dma_start3A_359 = arith.constant 0 : i32
      %dma_start3A_360 = tpu.memref_slice %arg17[%add3A_307, %dma_start3A_359] : memref<32x96xi32, #tpu.memory_space<vmem>> -> memref<1x96xi32, #tpu.memory_space<vmem>>
      %dma_start3A_361 = tpu.memref_squeeze %dma_start3A_360 : memref<1x96xi32, #tpu.memory_space<vmem>> -> memref<96xi32, #tpu.memory_space<vmem>>
      %dma_start3A_362 = arith.constant 0 : i32
      %dma_start3A_363 = tpu.memref_slice %arg2[%dma_start3A_362] : memref<4980736xf32, #tpu.memory_space<hbm>> -> memref<4980736xf32, #tpu.memory_space<hbm>>
      tpu.enqueue_indirect_dma source(%dma_start3A_363 : memref<4980736xf32, #tpu.memory_space<hbm>>) target(%dma_start3A : memref<96xf32, #tpu.memory_space<vmem>>) offsets(%dma_start3A_361 : memref<96xi32, #tpu.memory_space<vmem>>) semaphore(%arg19 : memref<!tpu.dma_semaphore, #tpu.memory_space<semaphore_mem>>)
      %dma_wait3A = tpu.memref_slice %arg18[%mul3A_358] : memref<3072xf32, #tpu.memory_space<vmem>> -> memref<96xf32, #tpu.memory_space<vmem>>
      %dma_wait3A_364 = arith.constant 0 : i32
      %dma_wait3A_365 = tpu.memref_slice %arg17[%add3A_307, %dma_wait3A_364] : memref<32x96xi32, #tpu.memory_space<vmem>> -> memref<1x96xi32, #tpu.memory_space<vmem>>
      %dma_wait3A_366 = tpu.memref_squeeze %dma_wait3A_365 : memref<1x96xi32, #tpu.memory_space<vmem>> -> memref<96xi32, #tpu.memory_space<vmem>>
      %dma_wait3A_367 = arith.constant 0 : i32
      %dma_wait3A_368 = tpu.memref_slice %arg2[%dma_wait3A_367] : memref<4980736xf32, #tpu.memory_space<hbm>> -> memref<4980736xf32, #tpu.memory_space<hbm>>
      tpu.wait_indirect_dma semaphore(%arg19 : memref<!tpu.dma_semaphore, #tpu.memory_space<semaphore_mem>>) src(%dma_wait3A_368 : memref<4980736xf32, #tpu.memory_space<hbm>>) dst(%dma_wait3A : memref<96xf32, #tpu.memory_space<vmem>>)
      %mul3A_369 = arith.constant 96 : i32
      %mul3A_370 = arith.muli %add3A_307, %mul3A_369 : i32
      %mul3A_371 = arith.constant 9 : i32
      %mul3A_372 = arith.muli %arg0, %mul3A_371 : i32
      %add3A_373 = arith.addi %mul3A_372, %add3A_307 : i32
      %mul3A_374 = arith.constant 1536 : i32
      %mul3A_375 = arith.muli %add3A_373, %mul3A_374 : i32
      %mul3A_376 = arith.constant 96 : i32
      %mul3A_377 = arith.muli %arg1, %mul3A_376 : i32
      %add3A_378 = arith.addi %mul3A_375, %mul3A_377 : i32
      "tpu.region"() ({
        %run_scoped3A = tpu.sem_alloc : memref<!tpu.dma_semaphore, #tpu.memory_space<semaphore_mem>>
        %dma_start3A_379 = tpu.memref_slice %arg18[%mul3A_370] : memref<3072xf32, #tpu.memory_space<vmem>> -> memref<96xf32, #tpu.memory_space<vmem>>
        %dma_start3A_380 = tpu.memref_slice %arg6[%add3A_378] : memref<29184xf32, #tpu.memory_space<hbm>> -> memref<96xf32, #tpu.memory_space<hbm>>
        %dma_start3A_381 = tpu.memref_slice %arg6[%add3A_378] : memref<29184xf32, #tpu.memory_space<hbm>> -> memref<96xf32, #tpu.memory_space<hbm>>
        %dma_start3A_382 = tpu.memref_slice %arg18[%mul3A_370] : memref<3072xf32, #tpu.memory_space<vmem>> -> memref<96xf32, #tpu.memory_space<vmem>>
        tpu.enqueue_dma source(%dma_start3A_382 : memref<96xf32, #tpu.memory_space<vmem>>) target(%dma_start3A_381 : memref<96xf32, #tpu.memory_space<hbm>>) target_semaphore(%run_scoped3A : memref<!tpu.dma_semaphore, #tpu.memory_space<semaphore_mem>>)
        %dma_wait3A_383 = tpu.memref_slice %arg18[%mul3A_370] : memref<3072xf32, #tpu.memory_space<vmem>> -> memref<96xf32, #tpu.memory_space<vmem>>
        %dma_wait3A_384 = tpu.memref_slice %arg6[%add3A_378] : memref<29184xf32, #tpu.memory_space<hbm>> -> memref<96xf32, #tpu.memory_space<hbm>>
        %dma_wait3A_385 = tpu.memref_slice %arg6[%add3A_378] : memref<29184xf32, #tpu.memory_space<hbm>> -> memref<96xf32, #tpu.memory_space<hbm>>
        %dma_wait3A_386 = tpu.memref_slice %arg18[%mul3A_370] : memref<3072xf32, #tpu.memory_space<vmem>> -> memref<96xf32, #tpu.memory_space<vmem>>
        tpu.wait_dma2 semaphore(%run_scoped3A : memref<!tpu.dma_semaphore, #tpu.memory_space<semaphore_mem>>) src(%dma_wait3A_386 : memref<96xf32, #tpu.memory_space<vmem>>) dst(%dma_wait3A_385 : memref<96xf32, #tpu.memory_space<hbm>>)
        tpu.yield
      }) : () -> ()
    }
    %scan3A_274 = arith.constant 10 : i32
    %scan3A_275 = arith.constant 0 : i32
    %scan3A_276 = arith.constant 48 : i32
    %scan3A_277 = arith.addi %scan3A_275, %scan3A_276 : i32
    %scan3A_278 = arith.constant 1 : i32
    scf.for %scan3A_303 = %scan3A_275 to %scan3A_277 step %scan3A_278  : i32 {
      %mul3A_304 = arith.constant 1 : i32
      %mul3A_305 = arith.muli %scan3A_303, %mul3A_304 : i32
      %add3A_306 = arith.constant 0 : i32
      %add3A_307 = arith.addi %add3A_306, %mul3A_305 : i32
      %mul3A_308 = arith.constant 48 : i32
      %mul3A_309 = arith.muli %arg0, %mul3A_308 : i32
      %add3A_310 = arith.addi %mul3A_309, %add3A_307 : i32
      %jit3A = arith.constant 16 : i32
      %div3A = arith.divsi %add3A_310, %jit3A : i32
      %sign3A = arith.constant 0 : i32
      %sign3A_311 = arith.cmpi sgt, %add3A_310, %sign3A : i32
      %sign3A_312 = arith.extui %sign3A_311 : i1 to i32
      %sign3A_313 = arith.constant 0 : i32
      %sign3A_314 = arith.cmpi slt, %add3A_310, %sign3A_313 : i32
      %sign3A_315 = arith.extui %sign3A_314 : i1 to i32
      %sign3A_316 = arith.subi %sign3A_312, %sign3A_315 : i32
      %sign3A_317 = arith.constant 0 : i32
      %sign3A_318 = arith.cmpi sgt, %jit3A, %sign3A_317 : i32
      %sign3A_319 = arith.extui %sign3A_318 : i1 to i32
      %sign3A_320 = arith.constant 0 : i32
      %sign3A_321 = arith.cmpi slt, %jit3A, %sign3A_320 : i32
      %sign3A_322 = arith.extui %sign3A_321 : i1 to i32
      %sign3A_323 = arith.subi %sign3A_319, %sign3A_322 : i32
      %ne3A = arith.cmpi ne, %sign3A_316, %sign3A_323 : i32
      %rem3A = arith.remsi %add3A_310, %jit3A : i32
      %ne3A_324 = arith.constant 0 : i32
      %ne3A_325 = arith.cmpi ne, %rem3A, %ne3A_324 : i32
      %and3A = arith.andi %ne3A, %ne3A_325 : i1
      %sub3A = arith.constant 1 : i32
      %sub3A_326 = arith.subi %div3A, %sub3A : i32
      %select_n3A_327 = arith.select %and3A, %sub3A_326, %div3A : i32
      %mul3A_328 = arith.constant 16 : i32
      %mul3A_329 = arith.muli %select_n3A_327, %mul3A_328 : i32
      %multiple_of3A = tpu.assume_multiple %mul3A_329, 16 : i32
      %get3A = arith.index_cast %multiple_of3A : i32 to index
      %get3A_330 = tpu.vector_load %arg13[%get3A] {strides = array<i32>} : memref<96xi32, #tpu.memory_space<vmem>>, vector<16xi32>,
      %jit3A_331 = arith.constant 16 : i32
      %eq3A_332 = arith.constant 0 : i32
      %eq3A_333 = arith.cmpi eq, %jit3A_331, %eq3A_332 : i32
      %jit3A_334 = arith.constant 1 : i32
      %select_n3A_335 = arith.select %eq3A_333, %jit3A_334, %jit3A_331 : i32
      %rem3A_336 = arith.remsi %add3A_310, %select_n3A_335 : i32
      %ne3A_337 = arith.constant 0 : i32
      %ne3A_338 = arith.cmpi ne, %rem3A_336, %ne3A_337 : i32
      %lt3A = arith.constant 0 : i32
      %lt3A_339 = arith.cmpi slt, %rem3A_336, %lt3A : i32
      %lt3A_340 = arith.constant 0 : i32
      %lt3A_341 = arith.cmpi slt, %select_n3A_335, %lt3A_340 : i32
      %ne3A_342 = arith.xori %lt3A_339, %lt3A_341 : i1
      %and3A_343 = arith.andi %ne3A_342, %ne3A_338 : i1
      %add3A_344 = arith.addi %rem3A_336, %select_n3A_335 : i32
      %select_n3A_345 = arith.select %and3A_343, %add3A_344, %rem3A_336 : i32
      %eq3A_346 = vector.broadcast %select_n3A_345 : i32 to vector<16xi32>
      %eq3A_347 = arith.cmpi eq, %iota3A, %eq3A_346 : vector<16xi32>
      %broadcast_in_dim3A_348 = arith.constant 0 : i32
      %broadcast_in_dim3A_349 = vector.broadcast %broadcast_in_dim3A_348 : i32 to vector<16xi32>
      %select_n3A_350 = arith.select %eq3A_347, %get3A_330, %broadcast_in_dim3A_349 : vector<16xi1>, vector<16xi32>
      %reduce_sum3A = arith.constant true
      %reduce_sum3A_351 = vector.broadcast %reduce_sum3A : i1 to vector<16xi1>
      %reduce_sum3A_352 = tpu.scan <sum>, %select_n3A_350 masked %reduce_sum3A_351 : vector<16xi32>, vector<16xi1> -> vector<16xi32>
      %reduce_sum3A_353 = vector.extract %reduce_sum3A_352[15] : i32 from vector<16xi32>
      %broadcast_in_dim3A_354 = vector.broadcast %reduce_sum3A_353 : i32 to vector<16xi32>
      %gather3A = tpu.vector_load_idx %arg8[%broadcast_in_dim3A_354] : memref<16384xf32, #tpu.memory_space<vmem>>[vector<16xi32>], vector<16xf32>,
      %gather3A_355 = tpu.vector_load_idx %arg9[%broadcast_in_dim3A_354] : memref<16384xf32, #tpu.memory_space<vmem>>[vector<16xi32>], vector<16xf32>,
      %gather3A_356 = tpu.vector_load_idx %arg10[%broadcast_in_dim3A_354] : memref<16384xf32, #tpu.memory_space<vmem>>[vector<16xi32>], vector<16xf32>,
      %broadcast_in_dim3A_357 = arith.constant 1.000000e+00 : f32
      %broadcast_in_dim3A_358 = vector.broadcast %broadcast_in_dim3A_357 : f32 to vector<16xf32>
      %iota3A_359 = tpu.iota {dimensions = array<i32: 0>} : vector<16xi32>
      %broadcast_in_dim3A_360 = arith.constant 1.000000e+30 : f32
      %broadcast_in_dim3A_361 = vector.broadcast %broadcast_in_dim3A_360 : f32 to vector<16xf32>
      %broadcast_in_dim3A_362 = arith.constant 1.000000e+30 : f32
      %broadcast_in_dim3A_363 = vector.broadcast %broadcast_in_dim3A_362 : f32 to vector<16xf32>
      %broadcast_in_dim3A_364 = arith.constant 1.000000e+30 : f32
      %broadcast_in_dim3A_365 = vector.broadcast %broadcast_in_dim3A_364 : f32 to vector<16xf32>
      %broadcast_in_dim3A_366 = arith.constant 1.000000e+30 : f32
      %broadcast_in_dim3A_367 = vector.broadcast %broadcast_in_dim3A_366 : f32 to vector<16xf32>
      %broadcast_in_dim3A_368 = arith.constant 1.000000e+30 : f32
      %broadcast_in_dim3A_369 = vector.broadcast %broadcast_in_dim3A_368 : f32 to vector<16xf32>
      %broadcast_in_dim3A_370 = arith.constant 1.000000e+30 : f32
      %broadcast_in_dim3A_371 = vector.broadcast %broadcast_in_dim3A_370 : f32 to vector<16xf32>
      %broadcast_in_dim3A_372 = arith.constant 1.000000e+30 : f32
      %broadcast_in_dim3A_373 = vector.broadcast %broadcast_in_dim3A_372 : f32 to vector<16xf32>
      %broadcast_in_dim3A_374 = arith.constant 1.000000e+30 : f32
      %broadcast_in_dim3A_375 = vector.broadcast %broadcast_in_dim3A_374 : f32 to vector<16xf32>
      %broadcast_in_dim3A_376 = arith.constant 1.000000e+30 : f32
      %broadcast_in_dim3A_377 = vector.broadcast %broadcast_in_dim3A_376 : f32 to vector<16xf32>
      %broadcast_in_dim3A_378 = arith.constant 1.000000e+30 : f32
      %broadcast_in_dim3A_379 = vector.broadcast %broadcast_in_dim3A_378 : f32 to vector<16xf32>
      %broadcast_in_dim3A_380 = arith.constant 1.000000e+30 : f32
      %broadcast_in_dim3A_381 = vector.broadcast %broadcast_in_dim3A_380 : f32 to vector<16xf32>
      %broadcast_in_dim3A_382 = arith.constant 1.000000e+30 : f32
      %broadcast_in_dim3A_383 = vector.broadcast %broadcast_in_dim3A_382 : f32 to vector<16xf32>
      %broadcast_in_dim3A_384 = arith.constant 1.000000e+30 : f32
      %broadcast_in_dim3A_385 = vector.broadcast %broadcast_in_dim3A_384 : f32 to vector<16xf32>
      %broadcast_in_dim3A_386 = arith.constant 1.000000e+30 : f32
      %broadcast_in_dim3A_387 = vector.broadcast %broadcast_in_dim3A_386 : f32 to vector<16xf32>
      %broadcast_in_dim3A_388 = arith.constant 1.000000e+30 : f32
      %broadcast_in_dim3A_389 = vector.broadcast %broadcast_in_dim3A_388 : f32 to vector<16xf32>
      %broadcast_in_dim3A_390 = arith.constant 1.000000e+30 : f32
      %broadcast_in_dim3A_391 = vector.broadcast %broadcast_in_dim3A_390 : f32 to vector<16xf32>
      %scan3A_392 = arith.constant 0 : i32
      %scan3A_393 = arith.constant 64 : i32
      %scan3A_394 = arith.addi %scan3A_392, %scan3A_393 : i32
      %scan3A_395 = arith.constant 2 : i32
      %scan3A_396:16 = scf.for %scan3A_671 = %scan3A_392 to %scan3A_394 step %scan3A_395 iter_args(%scan3A_672 = %broadcast_in_dim3A_361, %scan3A_673 = %broadcast_in_dim3A_363, %scan3A_674 = %broadcast_in_dim3A_365, %scan3A_675 = %broadcast_in_dim3A_367, %scan3A_676 = %broadcast_in_dim3A_369, %scan3A_677 = %broadcast_in_dim3A_371, %scan3A_678 = %broadcast_in_dim3A_373, %scan3A_679 = %broadcast_in_dim3A_375, %scan3A_680 = %broadcast_in_dim3A_377, %scan3A_681 = %broadcast_in_dim3A_379, %scan3A_682 = %broadcast_in_dim3A_381, %scan3A_683 = %broadcast_in_dim3A_383, %scan3A_684 = %broadcast_in_dim3A_385, %scan3A_685 = %broadcast_in_dim3A_387, %scan3A_686 = %broadcast_in_dim3A_389, %scan3A_687 = %broadcast_in_dim3A_391) -> (vector<16xf32>, vector<16xf32>, vector<16xf32>, vector<16xf32>, vector<16xf32>, vector<16xf32>, vector<16xf32>, vector<16xf32>, vector<16xf32>, vector<16xf32>, vector<16xf32>, vector<16xf32>, vector<16xf32>, vector<16xf32>, vector<16xf32>, vector<16xf32>)  : i32 {
        %mul3A_688 = arith.constant 1 : i32
        %mul3A_689 = arith.muli %scan3A_671, %mul3A_688 : i32
        %add3A_690 = arith.constant 0 : i32
        %add3A_691 = arith.addi %add3A_690, %mul3A_689 : i32
        %mul3A_692 = arith.constant 256 : i32
        %mul3A_693 = arith.muli %add3A_691, %mul3A_692 : i32
        %multiple_of3A_694 = tpu.assume_multiple %mul3A_693, 256 : i32
        %add3A_695 = arith.constant 0 : i32
        %add3A_696 = arith.addi %multiple_of3A_694, %add3A_695 : i32
        %get3A_697 = arith.index_cast %add3A_696 : i32 to index
        %get3A_698 = tpu.vector_load %arg8[%get3A_697] {strides = array<i32>} : memref<16384xf32, #tpu.memory_space<vmem>>, vector<16xf32>,
        %get3A_699 = arith.index_cast %add3A_696 : i32 to index
        %get3A_700 = tpu.vector_load %arg9[%get3A_699] {strides = array<i32>} : memref<16384xf32, #tpu.memory_space<vmem>>, vector<16xf32>,
        %get3A_701 = arith.index_cast %add3A_696 : i32 to index
        %get3A_702 = tpu.vector_load %arg10[%get3A_701] {strides = array<i32>} : memref<16384xf32, #tpu.memory_space<vmem>>, vector<16xf32>,
        %sub3A_703 = arith.subf %get3A_698, %gather3A : vector<16xf32>
        %sub3A_704 = arith.subf %get3A_700, %gather3A_355 : vector<16xf32>
        %sub3A_705 = arith.subf %get3A_702, %gather3A_356 : vector<16xf32>
        %mul3A_706 = arith.mulf %sub3A_703, %sub3A_703 : vector<16xf32>
        %mul3A_707 = arith.mulf %sub3A_704, %sub3A_704 : vector<16xf32>
        %add3A_708 = arith.addf %mul3A_706, %mul3A_707 : vector<16xf32>
        %mul3A_709 = arith.mulf %sub3A_705, %sub3A_705 : vector<16xf32>
        %add3A_710 = arith.addf %add3A_708, %mul3A_709 : vector<16xf32>
        %mul3A_711 = arith.mulf %add3A_710, %broadcast_in_dim3A_358 : vector<16xf32>
        %swap3A_712 = arith.index_cast %add3A_696 : i32 to index
        %swap3A_713 = tpu.vector_load %arg11[%swap3A_712] {strides = array<i32>} : memref<16384xf32, #tpu.memory_space<vmem>>, vector<16xf32>,
        tpu.vector_store %arg11[%swap3A_712], %mul3A_711 {strides = array<i32>} : memref<16384xf32, #tpu.memory_space<vmem>>, vector<16xf32>,
        %min3A = arith.minimumf %scan3A_672, %mul3A_711 : vector<16xf32>
        %add3A_714 = arith.constant 16 : i32
        %add3A_715 = arith.addi %multiple_of3A_694, %add3A_714 : i32
        %get3A_716 = arith.index_cast %add3A_715 : i32 to index
        %get3A_717 = tpu.vector_load %arg8[%get3A_716] {strides = array<i32>} : memref<16384xf32, #tpu.memory_space<vmem>>, vector<16xf32>,
        %get3A_718 = arith.index_cast %add3A_715 : i32 to index
        %get3A_719 = tpu.vector_load %arg9[%get3A_718] {strides = array<i32>} : memref<16384xf32, #tpu.memory_space<vmem>>, vector<16xf32>,
        %get3A_720 = arith.index_cast %add3A_715 : i32 to index
        %get3A_721 = tpu.vector_load %arg10[%get3A_720] {strides = array<i32>} : memref<16384xf32, #tpu.memory_space<vmem>>, vector<16xf32>,
        %sub3A_722 = arith.subf %get3A_717, %gather3A : vector<16xf32>
        %sub3A_723 = arith.subf %get3A_719, %gather3A_355 : vector<16xf32>
        %sub3A_724 = arith.subf %get3A_721, %gather3A_356 : vector<16xf32>
        %mul3A_725 = arith.mulf %sub3A_722, %sub3A_722 : vector<16xf32>
        %mul3A_726 = arith.mulf %sub3A_723, %sub3A_723 : vector<16xf32>
        %add3A_727 = arith.addf %mul3A_725, %mul3A_726 : vector<16xf32>
        %mul3A_728 = arith.mulf %sub3A_724, %sub3A_724 : vector<16xf32>
        %add3A_729 = arith.addf %add3A_727, %mul3A_728 : vector<16xf32>
        %mul3A_730 = arith.mulf %add3A_729, %broadcast_in_dim3A_358 : vector<16xf32>
        %swap3A_731 = arith.index_cast %add3A_715 : i32 to index
        %swap3A_732 = tpu.vector_load %arg11[%swap3A_731] {strides = array<i32>} : memref<16384xf32, #tpu.memory_space<vmem>>, vector<16xf32>,
        tpu.vector_store %arg11[%swap3A_731], %mul3A_730 {strides = array<i32>} : memref<16384xf32, #tpu.memory_space<vmem>>, vector<16xf32>,
        %min3A_733 = arith.minimumf %scan3A_673, %mul3A_730 : vector<16xf32>
        %add3A_734 = arith.constant 32 : i32
        %add3A_735 = arith.addi %multiple_of3A_694, %add3A_734 : i32
        %get3A_736 = arith.index_cast %add3A_735 : i32 to index
        %get3A_737 = tpu.vector_load %arg8[%get3A_736] {strides = array<i32>} : memref<16384xf32, #tpu.memory_space<vmem>>, vector<16xf32>,
        %get3A_738 = arith.index_cast %add3A_735 : i32 to index
        %get3A_739 = tpu.vector_load %arg9[%get3A_738] {strides = array<i32>} : memref<16384xf32, #tpu.memory_space<vmem>>, vector<16xf32>,
        %get3A_740 = arith.index_cast %add3A_735 : i32 to index
        %get3A_741 = tpu.vector_load %arg10[%get3A_740] {strides = array<i32>} : memref<16384xf32, #tpu.memory_space<vmem>>, vector<16xf32>,
        %sub3A_742 = arith.subf %get3A_737, %gather3A : vector<16xf32>
        %sub3A_743 = arith.subf %get3A_739, %gather3A_355 : vector<16xf32>
        %sub3A_744 = arith.subf %get3A_741, %gather3A_356 : vector<16xf32>
        %mul3A_745 = arith.mulf %sub3A_742, %sub3A_742 : vector<16xf32>
        %mul3A_746 = arith.mulf %sub3A_743, %sub3A_743 : vector<16xf32>
        %add3A_747 = arith.addf %mul3A_745, %mul3A_746 : vector<16xf32>
        %mul3A_748 = arith.mulf %sub3A_744, %sub3A_744 : vector<16xf32>
        %add3A_749 = arith.addf %add3A_747, %mul3A_748 : vector<16xf32>
        %mul3A_750 = arith.mulf %add3A_749, %broadcast_in_dim3A_358 : vector<16xf32>
        %swap3A_751 = arith.index_cast %add3A_735 : i32 to index
        %swap3A_752 = tpu.vector_load %arg11[%swap3A_751] {strides = array<i32>} : memref<16384xf32, #tpu.memory_space<vmem>>, vector<16xf32>,
        tpu.vector_store %arg11[%swap3A_751], %mul3A_750 {strides = array<i32>} : memref<16384xf32, #tpu.memory_space<vmem>>, vector<16xf32>,
        %min3A_753 = arith.minimumf %scan3A_674, %mul3A_750 : vector<16xf32>
        %add3A_754 = arith.constant 48 : i32
        %add3A_755 = arith.addi %multiple_of3A_694, %add3A_754 : i32
        %get3A_756 = arith.index_cast %add3A_755 : i32 to index
        %get3A_757 = tpu.vector_load %arg8[%get3A_756] {strides = array<i32>} : memref<16384xf32, #tpu.memory_space<vmem>>, vector<16xf32>,
        %get3A_758 = arith.index_cast %add3A_755 : i32 to index
        %get3A_759 = tpu.vector_load %arg9[%get3A_758] {strides = array<i32>} : memref<16384xf32, #tpu.memory_space<vmem>>, vector<16xf32>,
        %get3A_760 = arith.index_cast %add3A_755 : i32 to index
        %get3A_761 = tpu.vector_load %arg10[%get3A_760] {strides = array<i32>} : memref<16384xf32, #tpu.memory_space<vmem>>, vector<16xf32>,
        %sub3A_762 = arith.subf %get3A_757, %gather3A : vector<16xf32>
        %sub3A_763 = arith.subf %get3A_759, %gather3A_355 : vector<16xf32>
        %sub3A_764 = arith.subf %get3A_761, %gather3A_356 : vector<16xf32>
        %mul3A_765 = arith.mulf %sub3A_762, %sub3A_762 : vector<16xf32>
        %mul3A_766 = arith.mulf %sub3A_763, %sub3A_763 : vector<16xf32>
        %add3A_767 = arith.addf %mul3A_765, %mul3A_766 : vector<16xf32>
        %mul3A_768 = arith.mulf %sub3A_764, %sub3A_764 : vector<16xf32>
        %add3A_769 = arith.addf %add3A_767, %mul3A_768 : vector<16xf32>
        %mul3A_770 = arith.mulf %add3A_769, %broadcast_in_dim3A_358 : vector<16xf32>
        %swap3A_771 = arith.index_cast %add3A_755 : i32 to index
        %swap3A_772 = tpu.vector_load %arg11[%swap3A_771] {strides = array<i32>} : memref<16384xf32, #tpu.memory_space<vmem>>, vector<16xf32>,
        tpu.vector_store %arg11[%swap3A_771], %mul3A_770 {strides = array<i32>} : memref<16384xf32, #tpu.memory_space<vmem>>, vector<16xf32>,
        %min3A_773 = arith.minimumf %scan3A_675, %mul3A_770 : vector<16xf32>
        %add3A_774 = arith.constant 64 : i32
        %add3A_775 = arith.addi %multiple_of3A_694, %add3A_774 : i32
        %get3A_776 = arith.index_cast %add3A_775 : i32 to index
        %get3A_777 = tpu.vector_load %arg8[%get3A_776] {strides = array<i32>} : memref<16384xf32, #tpu.memory_space<vmem>>, vector<16xf32>,
        %get3A_778 = arith.index_cast %add3A_775 : i32 to index
        %get3A_779 = tpu.vector_load %arg9[%get3A_778] {strides = array<i32>} : memref<16384xf32, #tpu.memory_space<vmem>>, vector<16xf32>,
        %get3A_780 = arith.index_cast %add3A_775 : i32 to index
        %get3A_781 = tpu.vector_load %arg10[%get3A_780] {strides = array<i32>} : memref<16384xf32, #tpu.memory_space<vmem>>, vector<16xf32>,
        %sub3A_782 = arith.subf %get3A_777, %gather3A : vector<16xf32>
        %sub3A_783 = arith.subf %get3A_779, %gather3A_355 : vector<16xf32>
        %sub3A_784 = arith.subf %get3A_781, %gather3A_356 : vector<16xf32>
        %mul3A_785 = arith.mulf %sub3A_782, %sub3A_782 : vector<16xf32>
        %mul3A_786 = arith.mulf %sub3A_783, %sub3A_783 : vector<16xf32>
        %add3A_787 = arith.addf %mul3A_785, %mul3A_786 : vector<16xf32>
        %mul3A_788 = arith.mulf %sub3A_784, %sub3A_784 : vector<16xf32>
        %add3A_789 = arith.addf %add3A_787, %mul3A_788 : vector<16xf32>
        %mul3A_790 = arith.mulf %add3A_789, %broadcast_in_dim3A_358 : vector<16xf32>
        %swap3A_791 = arith.index_cast %add3A_775 : i32 to index
        %swap3A_792 = tpu.vector_load %arg11[%swap3A_791] {strides = array<i32>} : memref<16384xf32, #tpu.memory_space<vmem>>, vector<16xf32>,
        tpu.vector_store %arg11[%swap3A_791], %mul3A_790 {strides = array<i32>} : memref<16384xf32, #tpu.memory_space<vmem>>, vector<16xf32>,
        %min3A_793 = arith.minimumf %scan3A_676, %mul3A_790 : vector<16xf32>
        %add3A_794 = arith.constant 80 : i32
        %add3A_795 = arith.addi %multiple_of3A_694, %add3A_794 : i32
        %get3A_796 = arith.index_cast %add3A_795 : i32 to index
        %get3A_797 = tpu.vector_load %arg8[%get3A_796] {strides = array<i32>} : memref<16384xf32, #tpu.memory_space<vmem>>, vector<16xf32>,
        %get3A_798 = arith.index_cast %add3A_795 : i32 to index
        %get3A_799 = tpu.vector_load %arg9[%get3A_798] {strides = array<i32>} : memref<16384xf32, #tpu.memory_space<vmem>>, vector<16xf32>,
        %get3A_800 = arith.index_cast %add3A_795 : i32 to index
        %get3A_801 = tpu.vector_load %arg10[%get3A_800] {strides = array<i32>} : memref<16384xf32, #tpu.memory_space<vmem>>, vector<16xf32>,
        %sub3A_802 = arith.subf %get3A_797, %gather3A : vector<16xf32>
        %sub3A_803 = arith.subf %get3A_799, %gather3A_355 : vector<16xf32>
        %sub3A_804 = arith.subf %get3A_801, %gather3A_356 : vector<16xf32>
        %mul3A_805 = arith.mulf %sub3A_802, %sub3A_802 : vector<16xf32>
        %mul3A_806 = arith.mulf %sub3A_803, %sub3A_803 : vector<16xf32>
        %add3A_807 = arith.addf %mul3A_805, %mul3A_806 : vector<16xf32>
        %mul3A_808 = arith.mulf %sub3A_804, %sub3A_804 : vector<16xf32>
        %add3A_809 = arith.addf %add3A_807, %mul3A_808 : vector<16xf32>
        %mul3A_810 = arith.mulf %add3A_809, %broadcast_in_dim3A_358 : vector<16xf32>
        %swap3A_811 = arith.index_cast %add3A_795 : i32 to index
        %swap3A_812 = tpu.vector_load %arg11[%swap3A_811] {strides = array<i32>} : memref<16384xf32, #tpu.memory_space<vmem>>, vector<16xf32>,
        tpu.vector_store %arg11[%swap3A_811], %mul3A_810 {strides = array<i32>} : memref<16384xf32, #tpu.memory_space<vmem>>, vector<16xf32>,
        %min3A_813 = arith.minimumf %scan3A_677, %mul3A_810 : vector<16xf32>
        %add3A_814 = arith.constant 96 : i32
        %add3A_815 = arith.addi %multiple_of3A_694, %add3A_814 : i32
        %get3A_816 = arith.index_cast %add3A_815 : i32 to index
        %get3A_817 = tpu.vector_load %arg8[%get3A_816] {strides = array<i32>} : memref<16384xf32, #tpu.memory_space<vmem>>, vector<16xf32>,
        %get3A_818 = arith.index_cast %add3A_815 : i32 to index
        %get3A_819 = tpu.vector_load %arg9[%get3A_818] {strides = array<i32>} : memref<16384xf32, #tpu.memory_space<vmem>>, vector<16xf32>,
        %get3A_820 = arith.index_cast %add3A_815 : i32 to index
        %get3A_821 = tpu.vector_load %arg10[%get3A_820] {strides = array<i32>} : memref<16384xf32, #tpu.memory_space<vmem>>, vector<16xf32>,
        %sub3A_822 = arith.subf %get3A_817, %gather3A : vector<16xf32>
        %sub3A_823 = arith.subf %get3A_819, %gather3A_355 : vector<16xf32>
        %sub3A_824 = arith.subf %get3A_821, %gather3A_356 : vector<16xf32>
        %mul3A_825 = arith.mulf %sub3A_822, %sub3A_822 : vector<16xf32>
        %mul3A_826 = arith.mulf %sub3A_823, %sub3A_823 : vector<16xf32>
        %add3A_827 = arith.addf %mul3A_825, %mul3A_826 : vector<16xf32>
        %mul3A_828 = arith.mulf %sub3A_824, %sub3A_824 : vector<16xf32>
        %add3A_829 = arith.addf %add3A_827, %mul3A_828 : vector<16xf32>
        %mul3A_830 = arith.mulf %add3A_829, %broadcast_in_dim3A_358 : vector<16xf32>
        %swap3A_831 = arith.index_cast %add3A_815 : i32 to index
        %swap3A_832 = tpu.vector_load %arg11[%swap3A_831] {strides = array<i32>} : memref<16384xf32, #tpu.memory_space<vmem>>, vector<16xf32>,
        tpu.vector_store %arg11[%swap3A_831], %mul3A_830 {strides = array<i32>} : memref<16384xf32, #tpu.memory_space<vmem>>, vector<16xf32>,
        %min3A_833 = arith.minimumf %scan3A_678, %mul3A_830 : vector<16xf32>
        %add3A_834 = arith.constant 112 : i32
        %add3A_835 = arith.addi %multiple_of3A_694, %add3A_834 : i32
        %get3A_836 = arith.index_cast %add3A_835 : i32 to index
        %get3A_837 = tpu.vector_load %arg8[%get3A_836] {strides = array<i32>} : memref<16384xf32, #tpu.memory_space<vmem>>, vector<16xf32>,
        %get3A_838 = arith.index_cast %add3A_835 : i32 to index
        %get3A_839 = tpu.vector_load %arg9[%get3A_838] {strides = array<i32>} : memref<16384xf32, #tpu.memory_space<vmem>>, vector<16xf32>,
        %get3A_840 = arith.index_cast %add3A_835 : i32 to index
        %get3A_841 = tpu.vector_load %arg10[%get3A_840] {strides = array<i32>} : memref<16384xf32, #tpu.memory_space<vmem>>, vector<16xf32>,
        %sub3A_842 = arith.subf %get3A_837, %gather3A : vector<16xf32>
        %sub3A_843 = arith.subf %get3A_839, %gather3A_355 : vector<16xf32>
        %sub3A_844 = arith.subf %get3A_841, %gather3A_356 : vector<16xf32>
        %mul3A_845 = arith.mulf %sub3A_842, %sub3A_842 : vector<16xf32>
        %mul3A_846 = arith.mulf %sub3A_843, %sub3A_843 : vector<16xf32>
        %add3A_847 = arith.addf %mul3A_845, %mul3A_846 : vector<16xf32>
        %mul3A_848 = arith.mulf %sub3A_844, %sub3A_844 : vector<16xf32>
        %add3A_849 = arith.addf %add3A_847, %mul3A_848 : vector<16xf32>
        %mul3A_850 = arith.mulf %add3A_849, %broadcast_in_dim3A_358 : vector<16xf32>
        %swap3A_851 = arith.index_cast %add3A_835 : i32 to index
        %swap3A_852 = tpu.vector_load %arg11[%swap3A_851] {strides = array<i32>} : memref<16384xf32, #tpu.memory_space<vmem>>, vector<16xf32>,
        tpu.vector_store %arg11[%swap3A_851], %mul3A_850 {strides = array<i32>} : memref<16384xf32, #tpu.memory_space<vmem>>, vector<16xf32>,
        %min3A_853 = arith.minimumf %scan3A_679, %mul3A_850 : vector<16xf32>
        %add3A_854 = arith.constant 128 : i32
        %add3A_855 = arith.addi %multiple_of3A_694, %add3A_854 : i32
        %get3A_856 = arith.index_cast %add3A_855 : i32 to index
        %get3A_857 = tpu.vector_load %arg8[%get3A_856] {strides = array<i32>} : memref<16384xf32, #tpu.memory_space<vmem>>, vector<16xf32>,
        %get3A_858 = arith.index_cast %add3A_855 : i32 to index
        %get3A_859 = tpu.vector_load %arg9[%get3A_858] {strides = array<i32>} : memref<16384xf32, #tpu.memory_space<vmem>>, vector<16xf32>,
        %get3A_860 = arith.index_cast %add3A_855 : i32 to index
        %get3A_861 = tpu.vector_load %arg10[%get3A_860] {strides = array<i32>} : memref<16384xf32, #tpu.memory_space<vmem>>, vector<16xf32>,
        %sub3A_862 = arith.subf %get3A_857, %gather3A : vector<16xf32>
        %sub3A_863 = arith.subf %get3A_859, %gather3A_355 : vector<16xf32>
        %sub3A_864 = arith.subf %get3A_861, %gather3A_356 : vector<16xf32>
        %mul3A_865 = arith.mulf %sub3A_862, %sub3A_862 : vector<16xf32>
        %mul3A_866 = arith.mulf %sub3A_863, %sub3A_863 : vector<16xf32>
        %add3A_867 = arith.addf %mul3A_865, %mul3A_866 : vector<16xf32>
        %mul3A_868 = arith.mulf %sub3A_864, %sub3A_864 : vector<16xf32>
        %add3A_869 = arith.addf %add3A_867, %mul3A_868 : vector<16xf32>
        %mul3A_870 = arith.mulf %add3A_869, %broadcast_in_dim3A_358 : vector<16xf32>
        %swap3A_871 = arith.index_cast %add3A_855 : i32 to index
        %swap3A_872 = tpu.vector_load %arg11[%swap3A_871] {strides = array<i32>} : memref<16384xf32, #tpu.memory_space<vmem>>, vector<16xf32>,
        tpu.vector_store %arg11[%swap3A_871], %mul3A_870 {strides = array<i32>} : memref<16384xf32, #tpu.memory_space<vmem>>, vector<16xf32>,
        %min3A_873 = arith.minimumf %scan3A_680, %mul3A_870 : vector<16xf32>
        %add3A_874 = arith.constant 144 : i32
        %add3A_875 = arith.addi %multiple_of3A_694, %add3A_874 : i32
        %get3A_876 = arith.index_cast %add3A_875 : i32 to index
        %get3A_877 = tpu.vector_load %arg8[%get3A_876] {strides = array<i32>} : memref<16384xf32, #tpu.memory_space<vmem>>, vector<16xf32>,
        %get3A_878 = arith.index_cast %add3A_875 : i32 to index
        %get3A_879 = tpu.vector_load %arg9[%get3A_878] {strides = array<i32>} : memref<16384xf32, #tpu.memory_space<vmem>>, vector<16xf32>,
        %get3A_880 = arith.index_cast %add3A_875 : i32 to index
        %get3A_881 = tpu.vector_load %arg10[%get3A_880] {strides = array<i32>} : memref<16384xf32, #tpu.memory_space<vmem>>, vector<16xf32>,
        %sub3A_882 = arith.subf %get3A_877, %gather3A : vector<16xf32>
        %sub3A_883 = arith.subf %get3A_879, %gather3A_355 : vector<16xf32>
        %sub3A_884 = arith.subf %get3A_881, %gather3A_356 : vector<16xf32>
        %mul3A_885 = arith.mulf %sub3A_882, %sub3A_882 : vector<16xf32>
        %mul3A_886 = arith.mulf %sub3A_883, %sub3A_883 : vector<16xf32>
        %add3A_887 = arith.addf %mul3A_885, %mul3A_886 : vector<16xf32>
        %mul3A_888 = arith.mulf %sub3A_884, %sub3A_884 : vector<16xf32>
        %add3A_889 = arith.addf %add3A_887, %mul3A_888 : vector<16xf32>
        %mul3A_890 = arith.mulf %add3A_889, %broadcast_in_dim3A_358 : vector<16xf32>
        %swap3A_891 = arith.index_cast %add3A_875 : i32 to index
        %swap3A_892 = tpu.vector_load %arg11[%swap3A_891] {strides = array<i32>} : memref<16384xf32, #tpu.memory_space<vmem>>, vector<16xf32>,
        tpu.vector_store %arg11[%swap3A_891], %mul3A_890 {strides = array<i32>} : memref<16384xf32, #tpu.memory_space<vmem>>, vector<16xf32>,
        %min3A_893 = arith.minimumf %scan3A_681, %mul3A_890 : vector<16xf32>
        %add3A_894 = arith.constant 160 : i32
        %add3A_895 = arith.addi %multiple_of3A_694, %add3A_894 : i32
        %get3A_896 = arith.index_cast %add3A_895 : i32 to index
        %get3A_897 = tpu.vector_load %arg8[%get3A_896] {strides = array<i32>} : memref<16384xf32, #tpu.memory_space<vmem>>, vector<16xf32>,
        %get3A_898 = arith.index_cast %add3A_895 : i32 to index
        %get3A_899 = tpu.vector_load %arg9[%get3A_898] {strides = array<i32>} : memref<16384xf32, #tpu.memory_space<vmem>>, vector<16xf32>,
        %get3A_900 = arith.index_cast %add3A_895 : i32 to index
        %get3A_901 = tpu.vector_load %arg10[%get3A_900] {strides = array<i32>} : memref<16384xf32, #tpu.memory_space<vmem>>, vector<16xf32>,
        %sub3A_902 = arith.subf %get3A_897, %gather3A : vector<16xf32>
        %sub3A_903 = arith.subf %get3A_899, %gather3A_355 : vector<16xf32>
        %sub3A_904 = arith.subf %get3A_901, %gather3A_356 : vector<16xf32>
        %mul3A_905 = arith.mulf %sub3A_902, %sub3A_902 : vector<16xf32>
        %mul3A_906 = arith.mulf %sub3A_903, %sub3A_903 : vector<16xf32>
        %add3A_907 = arith.addf %mul3A_905, %mul3A_906 : vector<16xf32>
        %mul3A_908 = arith.mulf %sub3A_904, %sub3A_904 : vector<16xf32>
        %add3A_909 = arith.addf %add3A_907, %mul3A_908 : vector<16xf32>
        %mul3A_910 = arith.mulf %add3A_909, %broadcast_in_dim3A_358 : vector<16xf32>
        %swap3A_911 = arith.index_cast %add3A_895 : i32 to index
        %swap3A_912 = tpu.vector_load %arg11[%swap3A_911] {strides = array<i32>} : memref<16384xf32, #tpu.memory_space<vmem>>, vector<16xf32>,
        tpu.vector_store %arg11[%swap3A_911], %mul3A_910 {strides = array<i32>} : memref<16384xf32, #tpu.memory_space<vmem>>, vector<16xf32>,
        %min3A_913 = arith.minimumf %scan3A_682, %mul3A_910 : vector<16xf32>
        %add3A_914 = arith.constant 176 : i32
        %add3A_915 = arith.addi %multiple_of3A_694, %add3A_914 : i32
        %get3A_916 = arith.index_cast %add3A_915 : i32 to index
        %get3A_917 = tpu.vector_load %arg8[%get3A_916] {strides = array<i32>} : memref<16384xf32, #tpu.memory_space<vmem>>, vector<16xf32>,
        %get3A_918 = arith.index_cast %add3A_915 : i32 to index
        %get3A_919 = tpu.vector_load %arg9[%get3A_918] {strides = array<i32>} : memref<16384xf32, #tpu.memory_space<vmem>>, vector<16xf32>,
        %get3A_920 = arith.index_cast %add3A_915 : i32 to index
        %get3A_921 = tpu.vector_load %arg10[%get3A_920] {strides = array<i32>} : memref<16384xf32, #tpu.memory_space<vmem>>, vector<16xf32>,
        %sub3A_922 = arith.subf %get3A_917, %gather3A : vector<16xf32>
        %sub3A_923 = arith.subf %get3A_919, %gather3A_355 : vector<16xf32>
        %sub3A_924 = arith.subf %get3A_921, %gather3A_356 : vector<16xf32>
        %mul3A_925 = arith.mulf %sub3A_922, %sub3A_922 : vector<16xf32>
        %mul3A_926 = arith.mulf %sub3A_923, %sub3A_923 : vector<16xf32>
        %add3A_927 = arith.addf %mul3A_925, %mul3A_926 : vector<16xf32>
        %mul3A_928 = arith.mulf %sub3A_924, %sub3A_924 : vector<16xf32>
        %add3A_929 = arith.addf %add3A_927, %mul3A_928 : vector<16xf32>
        %mul3A_930 = arith.mulf %add3A_929, %broadcast_in_dim3A_358 : vector<16xf32>
        %swap3A_931 = arith.index_cast %add3A_915 : i32 to index
        %swap3A_932 = tpu.vector_load %arg11[%swap3A_931] {strides = array<i32>} : memref<16384xf32, #tpu.memory_space<vmem>>, vector<16xf32>,
        tpu.vector_store %arg11[%swap3A_931], %mul3A_930 {strides = array<i32>} : memref<16384xf32, #tpu.memory_space<vmem>>, vector<16xf32>,
        %min3A_933 = arith.minimumf %scan3A_683, %mul3A_930 : vector<16xf32>
        %add3A_934 = arith.constant 192 : i32
        %add3A_935 = arith.addi %multiple_of3A_694, %add3A_934 : i32
        %get3A_936 = arith.index_cast %add3A_935 : i32 to index
        %get3A_937 = tpu.vector_load %arg8[%get3A_936] {strides = array<i32>} : memref<16384xf32, #tpu.memory_space<vmem>>, vector<16xf32>,
        %get3A_938 = arith.index_cast %add3A_935 : i32 to index
        %get3A_939 = tpu.vector_load %arg9[%get3A_938] {strides = array<i32>} : memref<16384xf32, #tpu.memory_space<vmem>>, vector<16xf32>,
        %get3A_940 = arith.index_cast %add3A_935 : i32 to index
        %get3A_941 = tpu.vector_load %arg10[%get3A_940] {strides = array<i32>} : memref<16384xf32, #tpu.memory_space<vmem>>, vector<16xf32>,
        %sub3A_942 = arith.subf %get3A_937, %gather3A : vector<16xf32>
        %sub3A_943 = arith.subf %get3A_939, %gather3A_355 : vector<16xf32>
        %sub3A_944 = arith.subf %get3A_941, %gather3A_356 : vector<16xf32>
        %mul3A_945 = arith.mulf %sub3A_942, %sub3A_942 : vector<16xf32>
        %mul3A_946 = arith.mulf %sub3A_943, %sub3A_943 : vector<16xf32>
        %add3A_947 = arith.addf %mul3A_945, %mul3A_946 : vector<16xf32>
        %mul3A_948 = arith.mulf %sub3A_944, %sub3A_944 : vector<16xf32>
        %add3A_949 = arith.addf %add3A_947, %mul3A_948 : vector<16xf32>
        %mul3A_950 = arith.mulf %add3A_949, %broadcast_in_dim3A_358 : vector<16xf32>
        %swap3A_951 = arith.index_cast %add3A_935 : i32 to index
        %swap3A_952 = tpu.vector_load %arg11[%swap3A_951] {strides = array<i32>} : memref<16384xf32, #tpu.memory_space<vmem>>, vector<16xf32>,
        tpu.vector_store %arg11[%swap3A_951], %mul3A_950 {strides = array<i32>} : memref<16384xf32, #tpu.memory_space<vmem>>, vector<16xf32>,
        %min3A_953 = arith.minimumf %scan3A_684, %mul3A_950 : vector<16xf32>
        %add3A_954 = arith.constant 208 : i32
        %add3A_955 = arith.addi %multiple_of3A_694, %add3A_954 : i32
        %get3A_956 = arith.index_cast %add3A_955 : i32 to index
        %get3A_957 = tpu.vector_load %arg8[%get3A_956] {strides = array<i32>} : memref<16384xf32, #tpu.memory_space<vmem>>, vector<16xf32>,
        %get3A_958 = arith.index_cast %add3A_955 : i32 to index
        %get3A_959 = tpu.vector_load %arg9[%get3A_958] {strides = array<i32>} : memref<16384xf32, #tpu.memory_space<vmem>>, vector<16xf32>,
        %get3A_960 = arith.index_cast %add3A_955 : i32 to index
        %get3A_961 = tpu.vector_load %arg10[%get3A_960] {strides = array<i32>} : memref<16384xf32, #tpu.memory_space<vmem>>, vector<16xf32>,
        %sub3A_962 = arith.subf %get3A_957, %gather3A : vector<16xf32>
        %sub3A_963 = arith.subf %get3A_959, %gather3A_355 : vector<16xf32>
        %sub3A_964 = arith.subf %get3A_961, %gather3A_356 : vector<16xf32>
        %mul3A_965 = arith.mulf %sub3A_962, %sub3A_962 : vector<16xf32>
        %mul3A_966 = arith.mulf %sub3A_963, %sub3A_963 : vector<16xf32>
        %add3A_967 = arith.addf %mul3A_965, %mul3A_966 : vector<16xf32>
        %mul3A_968 = arith.mulf %sub3A_964, %sub3A_964 : vector<16xf32>
        %add3A_969 = arith.addf %add3A_967, %mul3A_968 : vector<16xf32>
        %mul3A_970 = arith.mulf %add3A_969, %broadcast_in_dim3A_358 : vector<16xf32>
        %swap3A_971 = arith.index_cast %add3A_955 : i32 to index
        %swap3A_972 = tpu.vector_load %arg11[%swap3A_971] {strides = array<i32>} : memref<16384xf32, #tpu.memory_space<vmem>>, vector<16xf32>,
        tpu.vector_store %arg11[%swap3A_971], %mul3A_970 {strides = array<i32>} : memref<16384xf32, #tpu.memory_space<vmem>>, vector<16xf32>,
        %min3A_973 = arith.minimumf %scan3A_685, %mul3A_970 : vector<16xf32>
        %add3A_974 = arith.constant 224 : i32
        %add3A_975 = arith.addi %multiple_of3A_694, %add3A_974 : i32
        %get3A_976 = arith.index_cast %add3A_975 : i32 to index
        %get3A_977 = tpu.vector_load %arg8[%get3A_976] {strides = array<i32>} : memref<16384xf32, #tpu.memory_space<vmem>>, vector<16xf32>,
        %get3A_978 = arith.index_cast %add3A_975 : i32 to index
        %get3A_979 = tpu.vector_load %arg9[%get3A_978] {strides = array<i32>} : memref<16384xf32, #tpu.memory_space<vmem>>, vector<16xf32>,
        %get3A_980 = arith.index_cast %add3A_975 : i32 to index
        %get3A_981 = tpu.vector_load %arg10[%get3A_980] {strides = array<i32>} : memref<16384xf32, #tpu.memory_space<vmem>>, vector<16xf32>,
        %sub3A_982 = arith.subf %get3A_977, %gather3A : vector<16xf32>
        %sub3A_983 = arith.subf %get3A_979, %gather3A_355 : vector<16xf32>
        %sub3A_984 = arith.subf %get3A_981, %gather3A_356 : vector<16xf32>
        %mul3A_985 = arith.mulf %sub3A_982, %sub3A_982 : vector<16xf32>
        %mul3A_986 = arith.mulf %sub3A_983, %sub3A_983 : vector<16xf32>
        %add3A_987 = arith.addf %mul3A_985, %mul3A_986 : vector<16xf32>
        %mul3A_988 = arith.mulf %sub3A_984, %sub3A_984 : vector<16xf32>
        %add3A_989 = arith.addf %add3A_987, %mul3A_988 : vector<16xf32>
        %mul3A_990 = arith.mulf %add3A_989, %broadcast_in_dim3A_358 : vector<16xf32>
        %swap3A_991 = arith.index_cast %add3A_975 : i32 to index
        %swap3A_992 = tpu.vector_load %arg11[%swap3A_991] {strides = array<i32>} : memref<16384xf32, #tpu.memory_space<vmem>>, vector<16xf32>,
        tpu.vector_store %arg11[%swap3A_991], %mul3A_990 {strides = array<i32>} : memref<16384xf32, #tpu.memory_space<vmem>>, vector<16xf32>,
        %min3A_993 = arith.minimumf %scan3A_686, %mul3A_990 : vector<16xf32>
        %add3A_994 = arith.constant 240 : i32
        %add3A_995 = arith.addi %multiple_of3A_694, %add3A_994 : i32
        %get3A_996 = arith.index_cast %add3A_995 : i32 to index
        %get3A_997 = tpu.vector_load %arg8[%get3A_996] {strides = array<i32>} : memref<16384xf32, #tpu.memory_space<vmem>>, vector<16xf32>,
        %get3A_998 = arith.index_cast %add3A_995 : i32 to index
        %get3A_999 = tpu.vector_load %arg9[%get3A_998] {strides = array<i32>} : memref<16384xf32, #tpu.memory_space<vmem>>, vector<16xf32>,
        %get3A_1000 = arith.index_cast %add3A_995 : i32 to index
        %get3A_1001 = tpu.vector_load %arg10[%get3A_1000] {strides = array<i32>} : memref<16384xf32, #tpu.memory_space<vmem>>, vector<16xf32>,
        %sub3A_1002 = arith.subf %get3A_997, %gather3A : vector<16xf32>
        %sub3A_1003 = arith.subf %get3A_999, %gather3A_355 : vector<16xf32>
        %sub3A_1004 = arith.subf %get3A_1001, %gather3A_356 : vector<16xf32>
        %mul3A_1005 = arith.mulf %sub3A_1002, %sub3A_1002 : vector<16xf32>
        %mul3A_1006 = arith.mulf %sub3A_1003, %sub3A_1003 : vector<16xf32>
        %add3A_1007 = arith.addf %mul3A_1005, %mul3A_1006 : vector<16xf32>
        %mul3A_1008 = arith.mulf %sub3A_1004, %sub3A_1004 : vector<16xf32>
        %add3A_1009 = arith.addf %add3A_1007, %mul3A_1008 : vector<16xf32>
        %mul3A_1010 = arith.mulf %add3A_1009, %broadcast_in_dim3A_358 : vector<16xf32>
        %swap3A_1011 = arith.index_cast %add3A_995 : i32 to index
        %swap3A_1012 = tpu.vector_load %arg11[%swap3A_1011] {strides = array<i32>} : memref<16384xf32, #tpu.memory_space<vmem>>, vector<16xf32>,
        tpu.vector_store %arg11[%swap3A_1011], %mul3A_1010 {strides = array<i32>} : memref<16384xf32, #tpu.memory_space<vmem>>, vector<16xf32>,
        %min3A_1013 = arith.minimumf %scan3A_687, %mul3A_1010 : vector<16xf32>
        %scan3A_1014 = arith.constant 1 : i32
        %scan3A_1015 = arith.addi %scan3A_671, %scan3A_1014 : i32
        %mul3A_1016 = arith.constant 1 : i32
        %mul3A_1017 = arith.muli %scan3A_1015, %mul3A_1016 : i32
        %add3A_1018 = arith.constant 0 : i32
        %add3A_1019 = arith.addi %add3A_1018, %mul3A_1017 : i32
        %mul3A_1020 = arith.constant 256 : i32
        %mul3A_1021 = arith.muli %add3A_1019, %mul3A_1020 : i32
        %multiple_of3A_1022 = tpu.assume_multiple %mul3A_1021, 256 : i32
        %add3A_1023 = arith.constant 0 : i32
        %add3A_1024 = arith.addi %multiple_of3A_1022, %add3A_1023 : i32
        %get3A_1025 = arith.index_cast %add3A_1024 : i32 to index
        %get3A_1026 = tpu.vector_load %arg8[%get3A_1025] {strides = array<i32>} : memref<16384xf32, #tpu.memory_space<vmem>>, vector<16xf32>,
        %get3A_1027 = arith.index_cast %add3A_1024 : i32 to index
        %get3A_1028 = tpu.vector_load %arg9[%get3A_1027] {strides = array<i32>} : memref<16384xf32, #tpu.memory_space<vmem>>, vector<16xf32>,
        %get3A_1029 = arith.index_cast %add3A_1024 : i32 to index
        %get3A_1030 = tpu.vector_load %arg10[%get3A_1029] {strides = array<i32>} : memref<16384xf32, #tpu.memory_space<vmem>>, vector<16xf32>,
        %sub3A_1031 = arith.subf %get3A_1026, %gather3A : vector<16xf32>
        %sub3A_1032 = arith.subf %get3A_1028, %gather3A_355 : vector<16xf32>
        %sub3A_1033 = arith.subf %get3A_1030, %gather3A_356 : vector<16xf32>
        %mul3A_1034 = arith.mulf %sub3A_1031, %sub3A_1031 : vector<16xf32>
        %mul3A_1035 = arith.mulf %sub3A_1032, %sub3A_1032 : vector<16xf32>
        %add3A_1036 = arith.addf %mul3A_1034, %mul3A_1035 : vector<16xf32>
        %mul3A_1037 = arith.mulf %sub3A_1033, %sub3A_1033 : vector<16xf32>
        %add3A_1038 = arith.addf %add3A_1036, %mul3A_1037 : vector<16xf32>
        %mul3A_1039 = arith.mulf %add3A_1038, %broadcast_in_dim3A_358 : vector<16xf32>
        %swap3A_1040 = arith.index_cast %add3A_1024 : i32 to index
        %swap3A_1041 = tpu.vector_load %arg11[%swap3A_1040] {strides = array<i32>} : memref<16384xf32, #tpu.memory_space<vmem>>, vector<16xf32>,
        tpu.vector_store %arg11[%swap3A_1040], %mul3A_1039 {strides = array<i32>} : memref<16384xf32, #tpu.memory_space<vmem>>, vector<16xf32>,
        %min3A_1042 = arith.minimumf %min3A, %mul3A_1039 : vector<16xf32>
        %add3A_1043 = arith.constant 16 : i32
        %add3A_1044 = arith.addi %multiple_of3A_1022, %add3A_1043 : i32
        %get3A_1045 = arith.index_cast %add3A_1044 : i32 to index
        %get3A_1046 = tpu.vector_load %arg8[%get3A_1045] {strides = array<i32>} : memref<16384xf32, #tpu.memory_space<vmem>>, vector<16xf32>,
        %get3A_1047 = arith.index_cast %add3A_1044 : i32 to index
        %get3A_1048 = tpu.vector_load %arg9[%get3A_1047] {strides = array<i32>} : memref<16384xf32, #tpu.memory_space<vmem>>, vector<16xf32>,
        %get3A_1049 = arith.index_cast %add3A_1044 : i32 to index
        %get3A_1050 = tpu.vector_load %arg10[%get3A_1049] {strides = array<i32>} : memref<16384xf32, #tpu.memory_space<vmem>>, vector<16xf32>,
        %sub3A_1051 = arith.subf %get3A_1046, %gather3A : vector<16xf32>
        %sub3A_1052 = arith.subf %get3A_1048, %gather3A_355 : vector<16xf32>
        %sub3A_1053 = arith.subf %get3A_1050, %gather3A_356 : vector<16xf32>
        %mul3A_1054 = arith.mulf %sub3A_1051, %sub3A_1051 : vector<16xf32>
        %mul3A_1055 = arith.mulf %sub3A_1052, %sub3A_1052 : vector<16xf32>
        %add3A_1056 = arith.addf %mul3A_1054, %mul3A_1055 : vector<16xf32>
        %mul3A_1057 = arith.mulf %sub3A_1053, %sub3A_1053 : vector<16xf32>
        %add3A_1058 = arith.addf %add3A_1056, %mul3A_1057 : vector<16xf32>
        %mul3A_1059 = arith.mulf %add3A_1058, %broadcast_in_dim3A_358 : vector<16xf32>
        %swap3A_1060 = arith.index_cast %add3A_1044 : i32 to index
        %swap3A_1061 = tpu.vector_load %arg11[%swap3A_1060] {strides = array<i32>} : memref<16384xf32, #tpu.memory_space<vmem>>, vector<16xf32>,
        tpu.vector_store %arg11[%swap3A_1060], %mul3A_1059 {strides = array<i32>} : memref<16384xf32, #tpu.memory_space<vmem>>, vector<16xf32>,
        %min3A_1062 = arith.minimumf %min3A_733, %mul3A_1059 : vector<16xf32>
        %add3A_1063 = arith.constant 32 : i32
        %add3A_1064 = arith.addi %multiple_of3A_1022, %add3A_1063 : i32
        %get3A_1065 = arith.index_cast %add3A_1064 : i32 to index
        %get3A_1066 = tpu.vector_load %arg8[%get3A_1065] {strides = array<i32>} : memref<16384xf32, #tpu.memory_space<vmem>>, vector<16xf32>,
        %get3A_1067 = arith.index_cast %add3A_1064 : i32 to index
        %get3A_1068 = tpu.vector_load %arg9[%get3A_1067] {strides = array<i32>} : memref<16384xf32, #tpu.memory_space<vmem>>, vector<16xf32>,
        %get3A_1069 = arith.index_cast %add3A_1064 : i32 to index
        %get3A_1070 = tpu.vector_load %arg10[%get3A_1069] {strides = array<i32>} : memref<16384xf32, #tpu.memory_space<vmem>>, vector<16xf32>,
        %sub3A_1071 = arith.subf %get3A_1066, %gather3A : vector<16xf32>
        %sub3A_1072 = arith.subf %get3A_1068, %gather3A_355 : vector<16xf32>
        %sub3A_1073 = arith.subf %get3A_1070, %gather3A_356 : vector<16xf32>
        %mul3A_1074 = arith.mulf %sub3A_1071, %sub3A_1071 : vector<16xf32>
        %mul3A_1075 = arith.mulf %sub3A_1072, %sub3A_1072 : vector<16xf32>
        %add3A_1076 = arith.addf %mul3A_1074, %mul3A_1075 : vector<16xf32>
        %mul3A_1077 = arith.mulf %sub3A_1073, %sub3A_1073 : vector<16xf32>
        %add3A_1078 = arith.addf %add3A_1076, %mul3A_1077 : vector<16xf32>
        %mul3A_1079 = arith.mulf %add3A_1078, %broadcast_in_dim3A_358 : vector<16xf32>
        %swap3A_1080 = arith.index_cast %add3A_1064 : i32 to index
        %swap3A_1081 = tpu.vector_load %arg11[%swap3A_1080] {strides = array<i32>} : memref<16384xf32, #tpu.memory_space<vmem>>, vector<16xf32>,
        tpu.vector_store %arg11[%swap3A_1080], %mul3A_1079 {strides = array<i32>} : memref<16384xf32, #tpu.memory_space<vmem>>, vector<16xf32>,
        %min3A_1082 = arith.minimumf %min3A_753, %mul3A_1079 : vector<16xf32>
        %add3A_1083 = arith.constant 48 : i32
        %add3A_1084 = arith.addi %multiple_of3A_1022, %add3A_1083 : i32
        %get3A_1085 = arith.index_cast %add3A_1084 : i32 to index
        %get3A_1086 = tpu.vector_load %arg8[%get3A_1085] {strides = array<i32>} : memref<16384xf32, #tpu.memory_space<vmem>>, vector<16xf32>,
        %get3A_1087 = arith.index_cast %add3A_1084 : i32 to index
        %get3A_1088 = tpu.vector_load %arg9[%get3A_1087] {strides = array<i32>} : memref<16384xf32, #tpu.memory_space<vmem>>, vector<16xf32>,
        %get3A_1089 = arith.index_cast %add3A_1084 : i32 to index
        %get3A_1090 = tpu.vector_load %arg10[%get3A_1089] {strides = array<i32>} : memref<16384xf32, #tpu.memory_space<vmem>>, vector<16xf32>,
        %sub3A_1091 = arith.subf %get3A_1086, %gather3A : vector<16xf32>
        %sub3A_1092 = arith.subf %get3A_1088, %gather3A_355 : vector<16xf32>
        %sub3A_1093 = arith.subf %get3A_1090, %gather3A_356 : vector<16xf32>
        %mul3A_1094 = arith.mulf %sub3A_1091, %sub3A_1091 : vector<16xf32>
        %mul3A_1095 = arith.mulf %sub3A_1092, %sub3A_1092 : vector<16xf32>
        %add3A_1096 = arith.addf %mul3A_1094, %mul3A_1095 : vector<16xf32>
        %mul3A_1097 = arith.mulf %sub3A_1093, %sub3A_1093 : vector<16xf32>
        %add3A_1098 = arith.addf %add3A_1096, %mul3A_1097 : vector<16xf32>
        %mul3A_1099 = arith.mulf %add3A_1098, %broadcast_in_dim3A_358 : vector<16xf32>
        %swap3A_1100 = arith.index_cast %add3A_1084 : i32 to index
        %swap3A_1101 = tpu.vector_load %arg11[%swap3A_1100] {strides = array<i32>} : memref<16384xf32, #tpu.memory_space<vmem>>, vector<16xf32>,
        tpu.vector_store %arg11[%swap3A_1100], %mul3A_1099 {strides = array<i32>} : memref<16384xf32, #tpu.memory_space<vmem>>, vector<16xf32>,
        %min3A_1102 = arith.minimumf %min3A_773, %mul3A_1099 : vector<16xf32>
        %add3A_1103 = arith.constant 64 : i32
        %add3A_1104 = arith.addi %multiple_of3A_1022, %add3A_1103 : i32
        %get3A_1105 = arith.index_cast %add3A_1104 : i32 to index
        %get3A_1106 = tpu.vector_load %arg8[%get3A_1105] {strides = array<i32>} : memref<16384xf32, #tpu.memory_space<vmem>>, vector<16xf32>,
        %get3A_1107 = arith.index_cast %add3A_1104 : i32 to index
        %get3A_1108 = tpu.vector_load %arg9[%get3A_1107] {strides = array<i32>} : memref<16384xf32, #tpu.memory_space<vmem>>, vector<16xf32>,
        %get3A_1109 = arith.index_cast %add3A_1104 : i32 to index
        %get3A_1110 = tpu.vector_load %arg10[%get3A_1109] {strides = array<i32>} : memref<16384xf32, #tpu.memory_space<vmem>>, vector<16xf32>,
        %sub3A_1111 = arith.subf %get3A_1106, %gather3A : vector<16xf32>
        %sub3A_1112 = arith.subf %get3A_1108, %gather3A_355 : vector<16xf32>
        %sub3A_1113 = arith.subf %get3A_1110, %gather3A_356 : vector<16xf32>
        %mul3A_1114 = arith.mulf %sub3A_1111, %sub3A_1111 : vector<16xf32>
        %mul3A_1115 = arith.mulf %sub3A_1112, %sub3A_1112 : vector<16xf32>
        %add3A_1116 = arith.addf %mul3A_1114, %mul3A_1115 : vector<16xf32>
        %mul3A_1117 = arith.mulf %sub3A_1113, %sub3A_1113 : vector<16xf32>
        %add3A_1118 = arith.addf %add3A_1116, %mul3A_1117 : vector<16xf32>
        %mul3A_1119 = arith.mulf %add3A_1118, %broadcast_in_dim3A_358 : vector<16xf32>
        %swap3A_1120 = arith.index_cast %add3A_1104 : i32 to index
        %swap3A_1121 = tpu.vector_load %arg11[%swap3A_1120] {strides = array<i32>} : memref<16384xf32, #tpu.memory_space<vmem>>, vector<16xf32>,
        tpu.vector_store %arg11[%swap3A_1120], %mul3A_1119 {strides = array<i32>} : memref<16384xf32, #tpu.memory_space<vmem>>, vector<16xf32>,
        %min3A_1122 = arith.minimumf %min3A_793, %mul3A_1119 : vector<16xf32>
        %add3A_1123 = arith.constant 80 : i32
        %add3A_1124 = arith.addi %multiple_of3A_1022, %add3A_1123 : i32
        %get3A_1125 = arith.index_cast %add3A_1124 : i32 to index
        %get3A_1126 = tpu.vector_load %arg8[%get3A_1125] {strides = array<i32>} : memref<16384xf32, #tpu.memory_space<vmem>>, vector<16xf32>,
        %get3A_1127 = arith.index_cast %add3A_1124 : i32 to index
        %get3A_1128 = tpu.vector_load %arg9[%get3A_1127] {strides = array<i32>} : memref<16384xf32, #tpu.memory_space<vmem>>, vector<16xf32>,
        %get3A_1129 = arith.index_cast %add3A_1124 : i32 to index
        %get3A_1130 = tpu.vector_load %arg10[%get3A_1129] {strides = array<i32>} : memref<16384xf32, #tpu.memory_space<vmem>>, vector<16xf32>,
        %sub3A_1131 = arith.subf %get3A_1126, %gather3A : vector<16xf32>
        %sub3A_1132 = arith.subf %get3A_1128, %gather3A_355 : vector<16xf32>
        %sub3A_1133 = arith.subf %get3A_1130, %gather3A_356 : vector<16xf32>
        %mul3A_1134 = arith.mulf %sub3A_1131, %sub3A_1131 : vector<16xf32>
        %mul3A_1135 = arith.mulf %sub3A_1132, %sub3A_1132 : vector<16xf32>
        %add3A_1136 = arith.addf %mul3A_1134, %mul3A_1135 : vector<16xf32>
        %mul3A_1137 = arith.mulf %sub3A_1133, %sub3A_1133 : vector<16xf32>
        %add3A_1138 = arith.addf %add3A_1136, %mul3A_1137 : vector<16xf32>
        %mul3A_1139 = arith.mulf %add3A_1138, %broadcast_in_dim3A_358 : vector<16xf32>
        %swap3A_1140 = arith.index_cast %add3A_1124 : i32 to index
        %swap3A_1141 = tpu.vector_load %arg11[%swap3A_1140] {strides = array<i32>} : memref<16384xf32, #tpu.memory_space<vmem>>, vector<16xf32>,
        tpu.vector_store %arg11[%swap3A_1140], %mul3A_1139 {strides = array<i32>} : memref<16384xf32, #tpu.memory_space<vmem>>, vector<16xf32>,
        %min3A_1142 = arith.minimumf %min3A_813, %mul3A_1139 : vector<16xf32>
        %add3A_1143 = arith.constant 96 : i32
        %add3A_1144 = arith.addi %multiple_of3A_1022, %add3A_1143 : i32
        %get3A_1145 = arith.index_cast %add3A_1144 : i32 to index
        %get3A_1146 = tpu.vector_load %arg8[%get3A_1145] {strides = array<i32>} : memref<16384xf32, #tpu.memory_space<vmem>>, vector<16xf32>,
        %get3A_1147 = arith.index_cast %add3A_1144 : i32 to index
        %get3A_1148 = tpu.vector_load %arg9[%get3A_1147] {strides = array<i32>} : memref<16384xf32, #tpu.memory_space<vmem>>, vector<16xf32>,
        %get3A_1149 = arith.index_cast %add3A_1144 : i32 to index
        %get3A_1150 = tpu.vector_load %arg10[%get3A_1149] {strides = array<i32>} : memref<16384xf32, #tpu.memory_space<vmem>>, vector<16xf32>,
        %sub3A_1151 = arith.subf %get3A_1146, %gather3A : vector<16xf32>
        %sub3A_1152 = arith.subf %get3A_1148, %gather3A_355 : vector<16xf32>
        %sub3A_1153 = arith.subf %get3A_1150, %gather3A_356 : vector<16xf32>
        %mul3A_1154 = arith.mulf %sub3A_1151, %sub3A_1151 : vector<16xf32>
        %mul3A_1155 = arith.mulf %sub3A_1152, %sub3A_1152 : vector<16xf32>
        %add3A_1156 = arith.addf %mul3A_1154, %mul3A_1155 : vector<16xf32>
        %mul3A_1157 = arith.mulf %sub3A_1153, %sub3A_1153 : vector<16xf32>
        %add3A_1158 = arith.addf %add3A_1156, %mul3A_1157 : vector<16xf32>
        %mul3A_1159 = arith.mulf %add3A_1158, %broadcast_in_dim3A_358 : vector<16xf32>
        %swap3A_1160 = arith.index_cast %add3A_1144 : i32 to index
        %swap3A_1161 = tpu.vector_load %arg11[%swap3A_1160] {strides = array<i32>} : memref<16384xf32, #tpu.memory_space<vmem>>, vector<16xf32>,
        tpu.vector_store %arg11[%swap3A_1160], %mul3A_1159 {strides = array<i32>} : memref<16384xf32, #tpu.memory_space<vmem>>, vector<16xf32>,
        %min3A_1162 = arith.minimumf %min3A_833, %mul3A_1159 : vector<16xf32>
        %add3A_1163 = arith.constant 112 : i32
        %add3A_1164 = arith.addi %multiple_of3A_1022, %add3A_1163 : i32
        %get3A_1165 = arith.index_cast %add3A_1164 : i32 to index
        %get3A_1166 = tpu.vector_load %arg8[%get3A_1165] {strides = array<i32>} : memref<16384xf32, #tpu.memory_space<vmem>>, vector<16xf32>,
        %get3A_1167 = arith.index_cast %add3A_1164 : i32 to index
        %get3A_1168 = tpu.vector_load %arg9[%get3A_1167] {strides = array<i32>} : memref<16384xf32, #tpu.memory_space<vmem>>, vector<16xf32>,
        %get3A_1169 = arith.index_cast %add3A_1164 : i32 to index
        %get3A_1170 = tpu.vector_load %arg10[%get3A_1169] {strides = array<i32>} : memref<16384xf32, #tpu.memory_space<vmem>>, vector<16xf32>,
        %sub3A_1171 = arith.subf %get3A_1166, %gather3A : vector<16xf32>
        %sub3A_1172 = arith.subf %get3A_1168, %gather3A_355 : vector<16xf32>
        %sub3A_1173 = arith.subf %get3A_1170, %gather3A_356 : vector<16xf32>
        %mul3A_1174 = arith.mulf %sub3A_1171, %sub3A_1171 : vector<16xf32>
        %mul3A_1175 = arith.mulf %sub3A_1172, %sub3A_1172 : vector<16xf32>
        %add3A_1176 = arith.addf %mul3A_1174, %mul3A_1175 : vector<16xf32>
        %mul3A_1177 = arith.mulf %sub3A_1173, %sub3A_1173 : vector<16xf32>
        %add3A_1178 = arith.addf %add3A_1176, %mul3A_1177 : vector<16xf32>
        %mul3A_1179 = arith.mulf %add3A_1178, %broadcast_in_dim3A_358 : vector<16xf32>
        %swap3A_1180 = arith.index_cast %add3A_1164 : i32 to index
        %swap3A_1181 = tpu.vector_load %arg11[%swap3A_1180] {strides = array<i32>} : memref<16384xf32, #tpu.memory_space<vmem>>, vector<16xf32>,
        tpu.vector_store %arg11[%swap3A_1180], %mul3A_1179 {strides = array<i32>} : memref<16384xf32, #tpu.memory_space<vmem>>, vector<16xf32>,
        %min3A_1182 = arith.minimumf %min3A_853, %mul3A_1179 : vector<16xf32>
        %add3A_1183 = arith.constant 128 : i32
        %add3A_1184 = arith.addi %multiple_of3A_1022, %add3A_1183 : i32
        %get3A_1185 = arith.index_cast %add3A_1184 : i32 to index
        %get3A_1186 = tpu.vector_load %arg8[%get3A_1185] {strides = array<i32>} : memref<16384xf32, #tpu.memory_space<vmem>>, vector<16xf32>,
        %get3A_1187 = arith.index_cast %add3A_1184 : i32 to index
        %get3A_1188 = tpu.vector_load %arg9[%get3A_1187] {strides = array<i32>} : memref<16384xf32, #tpu.memory_space<vmem>>, vector<16xf32>,
        %get3A_1189 = arith.index_cast %add3A_1184 : i32 to index
        %get3A_1190 = tpu.vector_load %arg10[%get3A_1189] {strides = array<i32>} : memref<16384xf32, #tpu.memory_space<vmem>>, vector<16xf32>,
        %sub3A_1191 = arith.subf %get3A_1186, %gather3A : vector<16xf32>
        %sub3A_1192 = arith.subf %get3A_1188, %gather3A_355 : vector<16xf32>
        %sub3A_1193 = arith.subf %get3A_1190, %gather3A_356 : vector<16xf32>
        %mul3A_1194 = arith.mulf %sub3A_1191, %sub3A_1191 : vector<16xf32>
        %mul3A_1195 = arith.mulf %sub3A_1192, %sub3A_1192 : vector<16xf32>
        %add3A_1196 = arith.addf %mul3A_1194, %mul3A_1195 : vector<16xf32>
        %mul3A_1197 = arith.mulf %sub3A_1193, %sub3A_1193 : vector<16xf32>
        %add3A_1198 = arith.addf %add3A_1196, %mul3A_1197 : vector<16xf32>
        %mul3A_1199 = arith.mulf %add3A_1198, %broadcast_in_dim3A_358 : vector<16xf32>
        %swap3A_1200 = arith.index_cast %add3A_1184 : i32 to index
        %swap3A_1201 = tpu.vector_load %arg11[%swap3A_1200] {strides = array<i32>} : memref<16384xf32, #tpu.memory_space<vmem>>, vector<16xf32>,
        tpu.vector_store %arg11[%swap3A_1200], %mul3A_1199 {strides = array<i32>} : memref<16384xf32, #tpu.memory_space<vmem>>, vector<16xf32>,
        %min3A_1202 = arith.minimumf %min3A_873, %mul3A_1199 : vector<16xf32>
        %add3A_1203 = arith.constant 144 : i32
        %add3A_1204 = arith.addi %multiple_of3A_1022, %add3A_1203 : i32
        %get3A_1205 = arith.index_cast %add3A_1204 : i32 to index
        %get3A_1206 = tpu.vector_load %arg8[%get3A_1205] {strides = array<i32>} : memref<16384xf32, #tpu.memory_space<vmem>>, vector<16xf32>,
        %get3A_1207 = arith.index_cast %add3A_1204 : i32 to index
        %get3A_1208 = tpu.vector_load %arg9[%get3A_1207] {strides = array<i32>} : memref<16384xf32, #tpu.memory_space<vmem>>, vector<16xf32>,
        %get3A_1209 = arith.index_cast %add3A_1204 : i32 to index
        %get3A_1210 = tpu.vector_load %arg10[%get3A_1209] {strides = array<i32>} : memref<16384xf32, #tpu.memory_space<vmem>>, vector<16xf32>,
        %sub3A_1211 = arith.subf %get3A_1206, %gather3A : vector<16xf32>
        %sub3A_1212 = arith.subf %get3A_1208, %gather3A_355 : vector<16xf32>
        %sub3A_1213 = arith.subf %get3A_1210, %gather3A_356 : vector<16xf32>
        %mul3A_1214 = arith.mulf %sub3A_1211, %sub3A_1211 : vector<16xf32>
        %mul3A_1215 = arith.mulf %sub3A_1212, %sub3A_1212 : vector<16xf32>
        %add3A_1216 = arith.addf %mul3A_1214, %mul3A_1215 : vector<16xf32>
        %mul3A_1217 = arith.mulf %sub3A_1213, %sub3A_1213 : vector<16xf32>
        %add3A_1218 = arith.addf %add3A_1216, %mul3A_1217 : vector<16xf32>
        %mul3A_1219 = arith.mulf %add3A_1218, %broadcast_in_dim3A_358 : vector<16xf32>
        %swap3A_1220 = arith.index_cast %add3A_1204 : i32 to index
        %swap3A_1221 = tpu.vector_load %arg11[%swap3A_1220] {strides = array<i32>} : memref<16384xf32, #tpu.memory_space<vmem>>, vector<16xf32>,
        tpu.vector_store %arg11[%swap3A_1220], %mul3A_1219 {strides = array<i32>} : memref<16384xf32, #tpu.memory_space<vmem>>, vector<16xf32>,
        %min3A_1222 = arith.minimumf %min3A_893, %mul3A_1219 : vector<16xf32>
        %add3A_1223 = arith.constant 160 : i32
        %add3A_1224 = arith.addi %multiple_of3A_1022, %add3A_1223 : i32
        %get3A_1225 = arith.index_cast %add3A_1224 : i32 to index
        %get3A_1226 = tpu.vector_load %arg8[%get3A_1225] {strides = array<i32>} : memref<16384xf32, #tpu.memory_space<vmem>>, vector<16xf32>,
        %get3A_1227 = arith.index_cast %add3A_1224 : i32 to index
        %get3A_1228 = tpu.vector_load %arg9[%get3A_1227] {strides = array<i32>} : memref<16384xf32, #tpu.memory_space<vmem>>, vector<16xf32>,
        %get3A_1229 = arith.index_cast %add3A_1224 : i32 to index
        %get3A_1230 = tpu.vector_load %arg10[%get3A_1229] {strides = array<i32>} : memref<16384xf32, #tpu.memory_space<vmem>>, vector<16xf32>,
        %sub3A_1231 = arith.subf %get3A_1226, %gather3A : vector<16xf32>
        %sub3A_1232 = arith.subf %get3A_1228, %gather3A_355 : vector<16xf32>
        %sub3A_1233 = arith.subf %get3A_1230, %gather3A_356 : vector<16xf32>
        %mul3A_1234 = arith.mulf %sub3A_1231, %sub3A_1231 : vector<16xf32>
        %mul3A_1235 = arith.mulf %sub3A_1232, %sub3A_1232 : vector<16xf32>
        %add3A_1236 = arith.addf %mul3A_1234, %mul3A_1235 : vector<16xf32>
        %mul3A_1237 = arith.mulf %sub3A_1233, %sub3A_1233 : vector<16xf32>
        %add3A_1238 = arith.addf %add3A_1236, %mul3A_1237 : vector<16xf32>
        %mul3A_1239 = arith.mulf %add3A_1238, %broadcast_in_dim3A_358 : vector<16xf32>
        %swap3A_1240 = arith.index_cast %add3A_1224 : i32 to index
        %swap3A_1241 = tpu.vector_load %arg11[%swap3A_1240] {strides = array<i32>} : memref<16384xf32, #tpu.memory_space<vmem>>, vector<16xf32>,
        tpu.vector_store %arg11[%swap3A_1240], %mul3A_1239 {strides = array<i32>} : memref<16384xf32, #tpu.memory_space<vmem>>, vector<16xf32>,
        %min3A_1242 = arith.minimumf %min3A_913, %mul3A_1239 : vector<16xf32>
        %add3A_1243 = arith.constant 176 : i32
        %add3A_1244 = arith.addi %multiple_of3A_1022, %add3A_1243 : i32
        %get3A_1245 = arith.index_cast %add3A_1244 : i32 to index
        %get3A_1246 = tpu.vector_load %arg8[%get3A_1245] {strides = array<i32>} : memref<16384xf32, #tpu.memory_space<vmem>>, vector<16xf32>,
        %get3A_1247 = arith.index_cast %add3A_1244 : i32 to index
        %get3A_1248 = tpu.vector_load %arg9[%get3A_1247] {strides = array<i32>} : memref<16384xf32, #tpu.memory_space<vmem>>, vector<16xf32>,
        %get3A_1249 = arith.index_cast %add3A_1244 : i32 to index
        %get3A_1250 = tpu.vector_load %arg10[%get3A_1249] {strides = array<i32>} : memref<16384xf32, #tpu.memory_space<vmem>>, vector<16xf32>,
        %sub3A_1251 = arith.subf %get3A_1246, %gather3A : vector<16xf32>
        %sub3A_1252 = arith.subf %get3A_1248, %gather3A_355 : vector<16xf32>
        %sub3A_1253 = arith.subf %get3A_1250, %gather3A_356 : vector<16xf32>
        %mul3A_1254 = arith.mulf %sub3A_1251, %sub3A_1251 : vector<16xf32>
        %mul3A_1255 = arith.mulf %sub3A_1252, %sub3A_1252 : vector<16xf32>
        %add3A_1256 = arith.addf %mul3A_1254, %mul3A_1255 : vector<16xf32>
        %mul3A_1257 = arith.mulf %sub3A_1253, %sub3A_1253 : vector<16xf32>
        %add3A_1258 = arith.addf %add3A_1256, %mul3A_1257 : vector<16xf32>
        %mul3A_1259 = arith.mulf %add3A_1258, %broadcast_in_dim3A_358 : vector<16xf32>
        %swap3A_1260 = arith.index_cast %add3A_1244 : i32 to index
        %swap3A_1261 = tpu.vector_load %arg11[%swap3A_1260] {strides = array<i32>} : memref<16384xf32, #tpu.memory_space<vmem>>, vector<16xf32>,
        tpu.vector_store %arg11[%swap3A_1260], %mul3A_1259 {strides = array<i32>} : memref<16384xf32, #tpu.memory_space<vmem>>, vector<16xf32>,
        %min3A_1262 = arith.minimumf %min3A_933, %mul3A_1259 : vector<16xf32>
        %add3A_1263 = arith.constant 192 : i32
        %add3A_1264 = arith.addi %multiple_of3A_1022, %add3A_1263 : i32
        %get3A_1265 = arith.index_cast %add3A_1264 : i32 to index
        %get3A_1266 = tpu.vector_load %arg8[%get3A_1265] {strides = array<i32>} : memref<16384xf32, #tpu.memory_space<vmem>>, vector<16xf32>,
        %get3A_1267 = arith.index_cast %add3A_1264 : i32 to index
        %get3A_1268 = tpu.vector_load %arg9[%get3A_1267] {strides = array<i32>} : memref<16384xf32, #tpu.memory_space<vmem>>, vector<16xf32>,
        %get3A_1269 = arith.index_cast %add3A_1264 : i32 to index
        %get3A_1270 = tpu.vector_load %arg10[%get3A_1269] {strides = array<i32>} : memref<16384xf32, #tpu.memory_space<vmem>>, vector<16xf32>,
        %sub3A_1271 = arith.subf %get3A_1266, %gather3A : vector<16xf32>
        %sub3A_1272 = arith.subf %get3A_1268, %gather3A_355 : vector<16xf32>
        %sub3A_1273 = arith.subf %get3A_1270, %gather3A_356 : vector<16xf32>
        %mul3A_1274 = arith.mulf %sub3A_1271, %sub3A_1271 : vector<16xf32>
        %mul3A_1275 = arith.mulf %sub3A_1272, %sub3A_1272 : vector<16xf32>
        %add3A_1276 = arith.addf %mul3A_1274, %mul3A_1275 : vector<16xf32>
        %mul3A_1277 = arith.mulf %sub3A_1273, %sub3A_1273 : vector<16xf32>
        %add3A_1278 = arith.addf %add3A_1276, %mul3A_1277 : vector<16xf32>
        %mul3A_1279 = arith.mulf %add3A_1278, %broadcast_in_dim3A_358 : vector<16xf32>
        %swap3A_1280 = arith.index_cast %add3A_1264 : i32 to index
        %swap3A_1281 = tpu.vector_load %arg11[%swap3A_1280] {strides = array<i32>} : memref<16384xf32, #tpu.memory_space<vmem>>, vector<16xf32>,
        tpu.vector_store %arg11[%swap3A_1280], %mul3A_1279 {strides = array<i32>} : memref<16384xf32, #tpu.memory_space<vmem>>, vector<16xf32>,
        %min3A_1282 = arith.minimumf %min3A_953, %mul3A_1279 : vector<16xf32>
        %add3A_1283 = arith.constant 208 : i32
        %add3A_1284 = arith.addi %multiple_of3A_1022, %add3A_1283 : i32
        %get3A_1285 = arith.index_cast %add3A_1284 : i32 to index
        %get3A_1286 = tpu.vector_load %arg8[%get3A_1285] {strides = array<i32>} : memref<16384xf32, #tpu.memory_space<vmem>>, vector<16xf32>,
        %get3A_1287 = arith.index_cast %add3A_1284 : i32 to index
        %get3A_1288 = tpu.vector_load %arg9[%get3A_1287] {strides = array<i32>} : memref<16384xf32, #tpu.memory_space<vmem>>, vector<16xf32>,
        %get3A_1289 = arith.index_cast %add3A_1284 : i32 to index
        %get3A_1290 = tpu.vector_load %arg10[%get3A_1289] {strides = array<i32>} : memref<16384xf32, #tpu.memory_space<vmem>>, vector<16xf32>,
        %sub3A_1291 = arith.subf %get3A_1286, %gather3A : vector<16xf32>
        %sub3A_1292 = arith.subf %get3A_1288, %gather3A_355 : vector<16xf32>
        %sub3A_1293 = arith.subf %get3A_1290, %gather3A_356 : vector<16xf32>
        %mul3A_1294 = arith.mulf %sub3A_1291, %sub3A_1291 : vector<16xf32>
        %mul3A_1295 = arith.mulf %sub3A_1292, %sub3A_1292 : vector<16xf32>
        %add3A_1296 = arith.addf %mul3A_1294, %mul3A_1295 : vector<16xf32>
        %mul3A_1297 = arith.mulf %sub3A_1293, %sub3A_1293 : vector<16xf32>
        %add3A_1298 = arith.addf %add3A_1296, %mul3A_1297 : vector<16xf32>
        %mul3A_1299 = arith.mulf %add3A_1298, %broadcast_in_dim3A_358 : vector<16xf32>
        %swap3A_1300 = arith.index_cast %add3A_1284 : i32 to index
        %swap3A_1301 = tpu.vector_load %arg11[%swap3A_1300] {strides = array<i32>} : memref<16384xf32, #tpu.memory_space<vmem>>, vector<16xf32>,
        tpu.vector_store %arg11[%swap3A_1300], %mul3A_1299 {strides = array<i32>} : memref<16384xf32, #tpu.memory_space<vmem>>, vector<16xf32>,
        %min3A_1302 = arith.minimumf %min3A_973, %mul3A_1299 : vector<16xf32>
        %add3A_1303 = arith.constant 224 : i32
        %add3A_1304 = arith.addi %multiple_of3A_1022, %add3A_1303 : i32
        %get3A_1305 = arith.index_cast %add3A_1304 : i32 to index
        %get3A_1306 = tpu.vector_load %arg8[%get3A_1305] {strides = array<i32>} : memref<16384xf32, #tpu.memory_space<vmem>>, vector<16xf32>,
        %get3A_1307 = arith.index_cast %add3A_1304 : i32 to index
        %get3A_1308 = tpu.vector_load %arg9[%get3A_1307] {strides = array<i32>} : memref<16384xf32, #tpu.memory_space<vmem>>, vector<16xf32>,
        %get3A_1309 = arith.index_cast %add3A_1304 : i32 to index
        %get3A_1310 = tpu.vector_load %arg10[%get3A_1309] {strides = array<i32>} : memref<16384xf32, #tpu.memory_space<vmem>>, vector<16xf32>,
        %sub3A_1311 = arith.subf %get3A_1306, %gather3A : vector<16xf32>
        %sub3A_1312 = arith.subf %get3A_1308, %gather3A_355 : vector<16xf32>
        %sub3A_1313 = arith.subf %get3A_1310, %gather3A_356 : vector<16xf32>
        %mul3A_1314 = arith.mulf %sub3A_1311, %sub3A_1311 : vector<16xf32>
        %mul3A_1315 = arith.mulf %sub3A_1312, %sub3A_1312 : vector<16xf32>
        %add3A_1316 = arith.addf %mul3A_1314, %mul3A_1315 : vector<16xf32>
        %mul3A_1317 = arith.mulf %sub3A_1313, %sub3A_1313 : vector<16xf32>
        %add3A_1318 = arith.addf %add3A_1316, %mul3A_1317 : vector<16xf32>
        %mul3A_1319 = arith.mulf %add3A_1318, %broadcast_in_dim3A_358 : vector<16xf32>
        %swap3A_1320 = arith.index_cast %add3A_1304 : i32 to index
        %swap3A_1321 = tpu.vector_load %arg11[%swap3A_1320] {strides = array<i32>} : memref<16384xf32, #tpu.memory_space<vmem>>, vector<16xf32>,
        tpu.vector_store %arg11[%swap3A_1320], %mul3A_1319 {strides = array<i32>} : memref<16384xf32, #tpu.memory_space<vmem>>, vector<16xf32>,
        %min3A_1322 = arith.minimumf %min3A_993, %mul3A_1319 : vector<16xf32>
        %add3A_1323 = arith.constant 240 : i32
        %add3A_1324 = arith.addi %multiple_of3A_1022, %add3A_1323 : i32
        %get3A_1325 = arith.index_cast %add3A_1324 : i32 to index
        %get3A_1326 = tpu.vector_load %arg8[%get3A_1325] {strides = array<i32>} : memref<16384xf32, #tpu.memory_space<vmem>>, vector<16xf32>,
        %get3A_1327 = arith.index_cast %add3A_1324 : i32 to index
        %get3A_1328 = tpu.vector_load %arg9[%get3A_1327] {strides = array<i32>} : memref<16384xf32, #tpu.memory_space<vmem>>, vector<16xf32>,
        %get3A_1329 = arith.index_cast %add3A_1324 : i32 to index
        %get3A_1330 = tpu.vector_load %arg10[%get3A_1329] {strides = array<i32>} : memref<16384xf32, #tpu.memory_space<vmem>>, vector<16xf32>,
        %sub3A_1331 = arith.subf %get3A_1326, %gather3A : vector<16xf32>
        %sub3A_1332 = arith.subf %get3A_1328, %gather3A_355 : vector<16xf32>
        %sub3A_1333 = arith.subf %get3A_1330, %gather3A_356 : vector<16xf32>
        %mul3A_1334 = arith.mulf %sub3A_1331, %sub3A_1331 : vector<16xf32>
        %mul3A_1335 = arith.mulf %sub3A_1332, %sub3A_1332 : vector<16xf32>
        %add3A_1336 = arith.addf %mul3A_1334, %mul3A_1335 : vector<16xf32>
        %mul3A_1337 = arith.mulf %sub3A_1333, %sub3A_1333 : vector<16xf32>
        %add3A_1338 = arith.addf %add3A_1336, %mul3A_1337 : vector<16xf32>
        %mul3A_1339 = arith.mulf %add3A_1338, %broadcast_in_dim3A_358 : vector<16xf32>
        %swap3A_1340 = arith.index_cast %add3A_1324 : i32 to index
        %swap3A_1341 = tpu.vector_load %arg11[%swap3A_1340] {strides = array<i32>} : memref<16384xf32, #tpu.memory_space<vmem>>, vector<16xf32>,
        tpu.vector_store %arg11[%swap3A_1340], %mul3A_1339 {strides = array<i32>} : memref<16384xf32, #tpu.memory_space<vmem>>, vector<16xf32>,
        %min3A_1342 = arith.minimumf %min3A_1013, %mul3A_1339 : vector<16xf32>
        scf.yield %min3A_1042, %min3A_1062, %min3A_1082, %min3A_1102, %min3A_1122, %min3A_1142, %min3A_1162, %min3A_1182, %min3A_1202, %min3A_1222, %min3A_1242, %min3A_1262, %min3A_1282, %min3A_1302, %min3A_1322, %min3A_1342 : vector<16xf32>, vector<16xf32>, vector<16xf32>, vector<16xf32>, vector<16xf32>, vector<16xf32>, vector<16xf32>, vector<16xf32>, vector<16xf32>, vector<16xf32>, vector<16xf32>, vector<16xf32>, vector<16xf32>, vector<16xf32>, vector<16xf32>, vector<16xf32>
      }
      %scan3A_397 = arith.constant 64 : i32
      %broadcast_in_dim3A_398 = arith.constant 1.000000e+30 : f32
      %broadcast_in_dim3A_399 = vector.broadcast %broadcast_in_dim3A_398 : f32 to vector<16xf32>
      %swap3A_400 = arith.constant 0 : index
      %swap3A_401 = tpu.vector_load %arg12[%swap3A_400] {strides = array<i32>} : memref<256xf32, #tpu.memory_space<vmem>>, vector<16xf32>,
      tpu.vector_store %arg12[%swap3A_400], %scan3A_396#0 {strides = array<i32>} : memref<256xf32, #tpu.memory_space<vmem>>, vector<16xf32>,
      %eq3A_402 = arith.constant 0 : i32
      %eq3A_403 = vector.broadcast %eq3A_402 : i32 to vector<16xi32>
      %eq3A_404 = arith.cmpi eq, %iota3A_359, %eq3A_403 : vector<16xi32>
      %reduce_min3A_405 = arith.constant true
      %reduce_min3A_406 = vector.broadcast %reduce_min3A_405 : i1 to vector<16xi1>
      %reduce_min3A_407 = tpu.scan <min>, %scan3A_396#0 masked %reduce_min3A_406 : vector<16xf32>, vector<16xi1> -> vector<16xf32>
      %reduce_min3A_408 = vector.extract %reduce_min3A_407[15] : f32 from vector<16xf32>
      %broadcast_in_dim3A_409 = vector.broadcast %reduce_min3A_408 : f32 to vector<16xf32>
      %select_n3A_410 = arith.select %eq3A_404, %broadcast_in_dim3A_409, %broadcast_in_dim3A_399 : vector<16xi1>, vector<16xf32>
      %swap3A_411 = arith.constant 16 : index
      %swap3A_412 = tpu.vector_load %arg12[%swap3A_411] {strides = array<i32>} : memref<256xf32, #tpu.memory_space<vmem>>, vector<16xf32>,
      tpu.vector_store %arg12[%swap3A_411], %scan3A_396#1 {strides = array<i32>} : memref<256xf32, #tpu.memory_space<vmem>>, vector<16xf32>,
      %eq3A_413 = arith.constant 1 : i32
      %eq3A_414 = vector.broadcast %eq3A_413 : i32 to vector<16xi32>
      %eq3A_415 = arith.cmpi eq, %iota3A_359, %eq3A_414 : vector<16xi32>
      %reduce_min3A_416 = arith.constant true
      %reduce_min3A_417 = vector.broadcast %reduce_min3A_416 : i1 to vector<16xi1>
      %reduce_min3A_418 = tpu.scan <min>, %scan3A_396#1 masked %reduce_min3A_417 : vector<16xf32>, vector<16xi1> -> vector<16xf32>
      %reduce_min3A_419 = vector.extract %reduce_min3A_418[15] : f32 from vector<16xf32>
      %broadcast_in_dim3A_420 = vector.broadcast %reduce_min3A_419 : f32 to vector<16xf32>
      %select_n3A_421 = arith.select %eq3A_415, %broadcast_in_dim3A_420, %select_n3A_410 : vector<16xi1>, vector<16xf32>
      %swap3A_422 = arith.constant 32 : index
      %swap3A_423 = tpu.vector_load %arg12[%swap3A_422] {strides = array<i32>} : memref<256xf32, #tpu.memory_space<vmem>>, vector<16xf32>,
      tpu.vector_store %arg12[%swap3A_422], %scan3A_396#2 {strides = array<i32>} : memref<256xf32, #tpu.memory_space<vmem>>, vector<16xf32>,
      %eq3A_424 = arith.constant 2 : i32
      %eq3A_425 = vector.broadcast %eq3A_424 : i32 to vector<16xi32>
      %eq3A_426 = arith.cmpi eq, %iota3A_359, %eq3A_425 : vector<16xi32>
      %reduce_min3A_427 = arith.constant true
      %reduce_min3A_428 = vector.broadcast %reduce_min3A_427 : i1 to vector<16xi1>
      %reduce_min3A_429 = tpu.scan <min>, %scan3A_396#2 masked %reduce_min3A_428 : vector<16xf32>, vector<16xi1> -> vector<16xf32>
      %reduce_min3A_430 = vector.extract %reduce_min3A_429[15] : f32 from vector<16xf32>
      %broadcast_in_dim3A_431 = vector.broadcast %reduce_min3A_430 : f32 to vector<16xf32>
      %select_n3A_432 = arith.select %eq3A_426, %broadcast_in_dim3A_431, %select_n3A_421 : vector<16xi1>, vector<16xf32>
      %swap3A_433 = arith.constant 48 : index
      %swap3A_434 = tpu.vector_load %arg12[%swap3A_433] {strides = array<i32>} : memref<256xf32, #tpu.memory_space<vmem>>, vector<16xf32>,
      tpu.vector_store %arg12[%swap3A_433], %scan3A_396#3 {strides = array<i32>} : memref<256xf32, #tpu.memory_space<vmem>>, vector<16xf32>,
      %eq3A_435 = arith.constant 3 : i32
      %eq3A_436 = vector.broadcast %eq3A_435 : i32 to vector<16xi32>
      %eq3A_437 = arith.cmpi eq, %iota3A_359, %eq3A_436 : vector<16xi32>
      %reduce_min3A_438 = arith.constant true
      %reduce_min3A_439 = vector.broadcast %reduce_min3A_438 : i1 to vector<16xi1>
      %reduce_min3A_440 = tpu.scan <min>, %scan3A_396#3 masked %reduce_min3A_439 : vector<16xf32>, vector<16xi1> -> vector<16xf32>
      %reduce_min3A_441 = vector.extract %reduce_min3A_440[15] : f32 from vector<16xf32>
      %broadcast_in_dim3A_442 = vector.broadcast %reduce_min3A_441 : f32 to vector<16xf32>
      %select_n3A_443 = arith.select %eq3A_437, %broadcast_in_dim3A_442, %select_n3A_432 : vector<16xi1>, vector<16xf32>
      %swap3A_444 = arith.constant 64 : index
      %swap3A_445 = tpu.vector_load %arg12[%swap3A_444] {strides = array<i32>} : memref<256xf32, #tpu.memory_space<vmem>>, vector<16xf32>,
      tpu.vector_store %arg12[%swap3A_444], %scan3A_396#4 {strides = array<i32>} : memref<256xf32, #tpu.memory_space<vmem>>, vector<16xf32>,
      %eq3A_446 = arith.constant 4 : i32
      %eq3A_447 = vector.broadcast %eq3A_446 : i32 to vector<16xi32>
      %eq3A_448 = arith.cmpi eq, %iota3A_359, %eq3A_447 : vector<16xi32>
      %reduce_min3A_449 = arith.constant true
      %reduce_min3A_450 = vector.broadcast %reduce_min3A_449 : i1 to vector<16xi1>
      %reduce_min3A_451 = tpu.scan <min>, %scan3A_396#4 masked %reduce_min3A_450 : vector<16xf32>, vector<16xi1> -> vector<16xf32>
      %reduce_min3A_452 = vector.extract %reduce_min3A_451[15] : f32 from vector<16xf32>
      %broadcast_in_dim3A_453 = vector.broadcast %reduce_min3A_452 : f32 to vector<16xf32>
      %select_n3A_454 = arith.select %eq3A_448, %broadcast_in_dim3A_453, %select_n3A_443 : vector<16xi1>, vector<16xf32>
      %swap3A_455 = arith.constant 80 : index
      %swap3A_456 = tpu.vector_load %arg12[%swap3A_455] {strides = array<i32>} : memref<256xf32, #tpu.memory_space<vmem>>, vector<16xf32>,
      tpu.vector_store %arg12[%swap3A_455], %scan3A_396#5 {strides = array<i32>} : memref<256xf32, #tpu.memory_space<vmem>>, vector<16xf32>,
      %eq3A_457 = arith.constant 5 : i32
      %eq3A_458 = vector.broadcast %eq3A_457 : i32 to vector<16xi32>
      %eq3A_459 = arith.cmpi eq, %iota3A_359, %eq3A_458 : vector<16xi32>
      %reduce_min3A_460 = arith.constant true
      %reduce_min3A_461 = vector.broadcast %reduce_min3A_460 : i1 to vector<16xi1>
      %reduce_min3A_462 = tpu.scan <min>, %scan3A_396#5 masked %reduce_min3A_461 : vector<16xf32>, vector<16xi1> -> vector<16xf32>
      %reduce_min3A_463 = vector.extract %reduce_min3A_462[15] : f32 from vector<16xf32>
      %broadcast_in_dim3A_464 = vector.broadcast %reduce_min3A_463 : f32 to vector<16xf32>
      %select_n3A_465 = arith.select %eq3A_459, %broadcast_in_dim3A_464, %select_n3A_454 : vector<16xi1>, vector<16xf32>
      %swap3A_466 = arith.constant 96 : index
      %swap3A_467 = tpu.vector_load %arg12[%swap3A_466] {strides = array<i32>} : memref<256xf32, #tpu.memory_space<vmem>>, vector<16xf32>,
      tpu.vector_store %arg12[%swap3A_466], %scan3A_396#6 {strides = array<i32>} : memref<256xf32, #tpu.memory_space<vmem>>, vector<16xf32>,
      %eq3A_468 = arith.constant 6 : i32
      %eq3A_469 = vector.broadcast %eq3A_468 : i32 to vector<16xi32>
      %eq3A_470 = arith.cmpi eq, %iota3A_359, %eq3A_469 : vector<16xi32>
      %reduce_min3A_471 = arith.constant true
      %reduce_min3A_472 = vector.broadcast %reduce_min3A_471 : i1 to vector<16xi1>
      %reduce_min3A_473 = tpu.scan <min>, %scan3A_396#6 masked %reduce_min3A_472 : vector<16xf32>, vector<16xi1> -> vector<16xf32>
      %reduce_min3A_474 = vector.extract %reduce_min3A_473[15] : f32 from vector<16xf32>
      %broadcast_in_dim3A_475 = vector.broadcast %reduce_min3A_474 : f32 to vector<16xf32>
      %select_n3A_476 = arith.select %eq3A_470, %broadcast_in_dim3A_475, %select_n3A_465 : vector<16xi1>, vector<16xf32>
      %swap3A_477 = arith.constant 112 : index
      %swap3A_478 = tpu.vector_load %arg12[%swap3A_477] {strides = array<i32>} : memref<256xf32, #tpu.memory_space<vmem>>, vector<16xf32>,
      tpu.vector_store %arg12[%swap3A_477], %scan3A_396#7 {strides = array<i32>} : memref<256xf32, #tpu.memory_space<vmem>>, vector<16xf32>,
      %eq3A_479 = arith.constant 7 : i32
      %eq3A_480 = vector.broadcast %eq3A_479 : i32 to vector<16xi32>
      %eq3A_481 = arith.cmpi eq, %iota3A_359, %eq3A_480 : vector<16xi32>
      %reduce_min3A_482 = arith.constant true
      %reduce_min3A_483 = vector.broadcast %reduce_min3A_482 : i1 to vector<16xi1>
      %reduce_min3A_484 = tpu.scan <min>, %scan3A_396#7 masked %reduce_min3A_483 : vector<16xf32>, vector<16xi1> -> vector<16xf32>
      %reduce_min3A_485 = vector.extract %reduce_min3A_484[15] : f32 from vector<16xf32>
      %broadcast_in_dim3A_486 = vector.broadcast %reduce_min3A_485 : f32 to vector<16xf32>
      %select_n3A_487 = arith.select %eq3A_481, %broadcast_in_dim3A_486, %select_n3A_476 : vector<16xi1>, vector<16xf32>
      %swap3A_488 = arith.constant 128 : index
      %swap3A_489 = tpu.vector_load %arg12[%swap3A_488] {strides = array<i32>} : memref<256xf32, #tpu.memory_space<vmem>>, vector<16xf32>,
      tpu.vector_store %arg12[%swap3A_488], %scan3A_396#8 {strides = array<i32>} : memref<256xf32, #tpu.memory_space<vmem>>, vector<16xf32>,
      %eq3A_490 = arith.constant 8 : i32
      %eq3A_491 = vector.broadcast %eq3A_490 : i32 to vector<16xi32>
      %eq3A_492 = arith.cmpi eq, %iota3A_359, %eq3A_491 : vector<16xi32>
      %reduce_min3A_493 = arith.constant true
      %reduce_min3A_494 = vector.broadcast %reduce_min3A_493 : i1 to vector<16xi1>
      %reduce_min3A_495 = tpu.scan <min>, %scan3A_396#8 masked %reduce_min3A_494 : vector<16xf32>, vector<16xi1> -> vector<16xf32>
      %reduce_min3A_496 = vector.extract %reduce_min3A_495[15] : f32 from vector<16xf32>
      %broadcast_in_dim3A_497 = vector.broadcast %reduce_min3A_496 : f32 to vector<16xf32>
      %select_n3A_498 = arith.select %eq3A_492, %broadcast_in_dim3A_497, %select_n3A_487 : vector<16xi1>, vector<16xf32>
      %swap3A_499 = arith.constant 144 : index
      %swap3A_500 = tpu.vector_load %arg12[%swap3A_499] {strides = array<i32>} : memref<256xf32, #tpu.memory_space<vmem>>, vector<16xf32>,
      tpu.vector_store %arg12[%swap3A_499], %scan3A_396#9 {strides = array<i32>} : memref<256xf32, #tpu.memory_space<vmem>>, vector<16xf32>,
      %eq3A_501 = arith.constant 9 : i32
      %eq3A_502 = vector.broadcast %eq3A_501 : i32 to vector<16xi32>
      %eq3A_503 = arith.cmpi eq, %iota3A_359, %eq3A_502 : vector<16xi32>
      %reduce_min3A_504 = arith.constant true
      %reduce_min3A_505 = vector.broadcast %reduce_min3A_504 : i1 to vector<16xi1>
      %reduce_min3A_506 = tpu.scan <min>, %scan3A_396#9 masked %reduce_min3A_505 : vector<16xf32>, vector<16xi1> -> vector<16xf32>
      %reduce_min3A_507 = vector.extract %reduce_min3A_506[15] : f32 from vector<16xf32>
      %broadcast_in_dim3A_508 = vector.broadcast %reduce_min3A_507 : f32 to vector<16xf32>
      %select_n3A_509 = arith.select %eq3A_503, %broadcast_in_dim3A_508, %select_n3A_498 : vector<16xi1>, vector<16xf32>
      %swap3A_510 = arith.constant 160 : index
      %swap3A_511 = tpu.vector_load %arg12[%swap3A_510] {strides = array<i32>} : memref<256xf32, #tpu.memory_space<vmem>>, vector<16xf32>,
      tpu.vector_store %arg12[%swap3A_510], %scan3A_396#10 {strides = array<i32>} : memref<256xf32, #tpu.memory_space<vmem>>, vector<16xf32>,
      %eq3A_512 = arith.constant 10 : i32
      %eq3A_513 = vector.broadcast %eq3A_512 : i32 to vector<16xi32>
      %eq3A_514 = arith.cmpi eq, %iota3A_359, %eq3A_513 : vector<16xi32>
      %reduce_min3A_515 = arith.constant true
      %reduce_min3A_516 = vector.broadcast %reduce_min3A_515 : i1 to vector<16xi1>
      %reduce_min3A_517 = tpu.scan <min>, %scan3A_396#10 masked %reduce_min3A_516 : vector<16xf32>, vector<16xi1> -> vector<16xf32>
      %reduce_min3A_518 = vector.extract %reduce_min3A_517[15] : f32 from vector<16xf32>
      %broadcast_in_dim3A_519 = vector.broadcast %reduce_min3A_518 : f32 to vector<16xf32>
      %select_n3A_520 = arith.select %eq3A_514, %broadcast_in_dim3A_519, %select_n3A_509 : vector<16xi1>, vector<16xf32>
      %swap3A_521 = arith.constant 176 : index
      %swap3A_522 = tpu.vector_load %arg12[%swap3A_521] {strides = array<i32>} : memref<256xf32, #tpu.memory_space<vmem>>, vector<16xf32>,
      tpu.vector_store %arg12[%swap3A_521], %scan3A_396#11 {strides = array<i32>} : memref<256xf32, #tpu.memory_space<vmem>>, vector<16xf32>,
      %eq3A_523 = arith.constant 11 : i32
      %eq3A_524 = vector.broadcast %eq3A_523 : i32 to vector<16xi32>
      %eq3A_525 = arith.cmpi eq, %iota3A_359, %eq3A_524 : vector<16xi32>
      %reduce_min3A_526 = arith.constant true
      %reduce_min3A_527 = vector.broadcast %reduce_min3A_526 : i1 to vector<16xi1>
      %reduce_min3A_528 = tpu.scan <min>, %scan3A_396#11 masked %reduce_min3A_527 : vector<16xf32>, vector<16xi1> -> vector<16xf32>
      %reduce_min3A_529 = vector.extract %reduce_min3A_528[15] : f32 from vector<16xf32>
      %broadcast_in_dim3A_530 = vector.broadcast %reduce_min3A_529 : f32 to vector<16xf32>
      %select_n3A_531 = arith.select %eq3A_525, %broadcast_in_dim3A_530, %select_n3A_520 : vector<16xi1>, vector<16xf32>
      %swap3A_532 = arith.constant 192 : index
      %swap3A_533 = tpu.vector_load %arg12[%swap3A_532] {strides = array<i32>} : memref<256xf32, #tpu.memory_space<vmem>>, vector<16xf32>,
      tpu.vector_store %arg12[%swap3A_532], %scan3A_396#12 {strides = array<i32>} : memref<256xf32, #tpu.memory_space<vmem>>, vector<16xf32>,
      %eq3A_534 = arith.constant 12 : i32
      %eq3A_535 = vector.broadcast %eq3A_534 : i32 to vector<16xi32>
      %eq3A_536 = arith.cmpi eq, %iota3A_359, %eq3A_535 : vector<16xi32>
      %reduce_min3A_537 = arith.constant true
      %reduce_min3A_538 = vector.broadcast %reduce_min3A_537 : i1 to vector<16xi1>
      %reduce_min3A_539 = tpu.scan <min>, %scan3A_396#12 masked %reduce_min3A_538 : vector<16xf32>, vector<16xi1> -> vector<16xf32>
      %reduce_min3A_540 = vector.extract %reduce_min3A_539[15] : f32 from vector<16xf32>
      %broadcast_in_dim3A_541 = vector.broadcast %reduce_min3A_540 : f32 to vector<16xf32>
      %select_n3A_542 = arith.select %eq3A_536, %broadcast_in_dim3A_541, %select_n3A_531 : vector<16xi1>, vector<16xf32>
      %swap3A_543 = arith.constant 208 : index
      %swap3A_544 = tpu.vector_load %arg12[%swap3A_543] {strides = array<i32>} : memref<256xf32, #tpu.memory_space<vmem>>, vector<16xf32>,
      tpu.vector_store %arg12[%swap3A_543], %scan3A_396#13 {strides = array<i32>} : memref<256xf32, #tpu.memory_space<vmem>>, vector<16xf32>,
      %eq3A_545 = arith.constant 13 : i32
      %eq3A_546 = vector.broadcast %eq3A_545 : i32 to vector<16xi32>
      %eq3A_547 = arith.cmpi eq, %iota3A_359, %eq3A_546 : vector<16xi32>
      %reduce_min3A_548 = arith.constant true
      %reduce_min3A_549 = vector.broadcast %reduce_min3A_548 : i1 to vector<16xi1>
      %reduce_min3A_550 = tpu.scan <min>, %scan3A_396#13 masked %reduce_min3A_549 : vector<16xf32>, vector<16xi1> -> vector<16xf32>
      %reduce_min3A_551 = vector.extract %reduce_min3A_550[15] : f32 from vector<16xf32>
      %broadcast_in_dim3A_552 = vector.broadcast %reduce_min3A_551 : f32 to vector<16xf32>
      %select_n3A_553 = arith.select %eq3A_547, %broadcast_in_dim3A_552, %select_n3A_542 : vector<16xi1>, vector<16xf32>
      %swap3A_554 = arith.constant 224 : index
      %swap3A_555 = tpu.vector_load %arg12[%swap3A_554] {strides = array<i32>} : memref<256xf32, #tpu.memory_space<vmem>>, vector<16xf32>,
      tpu.vector_store %arg12[%swap3A_554], %scan3A_396#14 {strides = array<i32>} : memref<256xf32, #tpu.memory_space<vmem>>, vector<16xf32>,
      %eq3A_556 = arith.constant 14 : i32
      %eq3A_557 = vector.broadcast %eq3A_556 : i32 to vector<16xi32>
      %eq3A_558 = arith.cmpi eq, %iota3A_359, %eq3A_557 : vector<16xi32>
      %reduce_min3A_559 = arith.constant true
      %reduce_min3A_560 = vector.broadcast %reduce_min3A_559 : i1 to vector<16xi1>
      %reduce_min3A_561 = tpu.scan <min>, %scan3A_396#14 masked %reduce_min3A_560 : vector<16xf32>, vector<16xi1> -> vector<16xf32>
      %reduce_min3A_562 = vector.extract %reduce_min3A_561[15] : f32 from vector<16xf32>
      %broadcast_in_dim3A_563 = vector.broadcast %reduce_min3A_562 : f32 to vector<16xf32>
      %select_n3A_564 = arith.select %eq3A_558, %broadcast_in_dim3A_563, %select_n3A_553 : vector<16xi1>, vector<16xf32>
      %swap3A_565 = arith.constant 240 : index
      %swap3A_566 = tpu.vector_load %arg12[%swap3A_565] {strides = array<i32>} : memref<256xf32, #tpu.memory_space<vmem>>, vector<16xf32>,
      tpu.vector_store %arg12[%swap3A_565], %scan3A_396#15 {strides = array<i32>} : memref<256xf32, #tpu.memory_space<vmem>>, vector<16xf32>,
      %eq3A_567 = arith.constant 15 : i32
      %eq3A_568 = vector.broadcast %eq3A_567 : i32 to vector<16xi32>
      %eq3A_569 = arith.cmpi eq, %iota3A_359, %eq3A_568 : vector<16xi32>
      %reduce_min3A_570 = arith.constant true
      %reduce_min3A_571 = vector.broadcast %reduce_min3A_570 : i1 to vector<16xi1>
      %reduce_min3A_572 = tpu.scan <min>, %scan3A_396#15 masked %reduce_min3A_571 : vector<16xf32>, vector<16xi1> -> vector<16xf32>
      %reduce_min3A_573 = vector.extract %reduce_min3A_572[15] : f32 from vector<16xf32>
      %broadcast_in_dim3A_574 = vector.broadcast %reduce_min3A_573 : f32 to vector<16xf32>
      %select_n3A_575 = arith.select %eq3A_569, %broadcast_in_dim3A_574, %select_n3A_564 : vector<16xi1>, vector<16xf32>
      %broadcast_in_dim3A_576 = arith.constant 0 : i32
      %broadcast_in_dim3A_577 = vector.broadcast %broadcast_in_dim3A_576 : i32 to vector<16xi32>
      %mul3A_578 = arith.constant 32 : i32
      %mul3A_579 = arith.muli %add3A_307, %mul3A_578 : i32
      %add3A_580 = arith.constant 16 : i32
      %add3A_581 = arith.addi %mul3A_579, %add3A_580 : i32
      %swap3A_582 = arith.index_cast %add3A_581 : i32 to index
      %swap3A_583 = tpu.vector_load %arg14[%swap3A_582] {strides = array<i32>} : memref<1536xi32, #tpu.memory_space<vmem>>, vector<16xi32>,
      tpu.vector_store %arg14[%swap3A_582], %broadcast_in_dim3A_577 {strides = array<i32>} : memref<1536xi32, #tpu.memory_space<vmem>>, vector<16xi32>,
      %mul3A_584 = arith.constant 32 : i32
      %mul3A_585 = arith.muli %add3A_307, %mul3A_584 : i32
      %iota3A_586 = tpu.iota {dimensions = array<i32: 0>} : vector<16xi32>
      %scan3A_587 = arith.constant 0 : i32
      %scan3A_588 = arith.constant 20 : i32
      %scan3A_589 = arith.addi %scan3A_587, %scan3A_588 : i32
      %scan3A_590 = arith.constant 1 : i32
      %scan3A_591 = scf.for %scan3A_671 = %scan3A_587 to %scan3A_589 step %scan3A_590 iter_args(%scan3A_672 = %select_n3A_575) -> (vector<16xf32>)  : i32 {
        %mul3A_673 = arith.constant 1 : i32
        %mul3A_674 = arith.muli %scan3A_671, %mul3A_673 : i32
        %add3A_675 = arith.constant 0 : i32
        %add3A_676 = arith.addi %add3A_675, %mul3A_674 : i32
        %reduce_min3A_677 = arith.constant true
        %reduce_min3A_678 = vector.broadcast %reduce_min3A_677 : i1 to vector<16xi1>
        %reduce_min3A_679 = tpu.scan <min>, %scan3A_672 masked %reduce_min3A_678 : vector<16xf32>, vector<16xi1> -> vector<16xf32>
        %reduce_min3A_680 = vector.extract %reduce_min3A_679[15] : f32 from vector<16xf32>
        %broadcast_in_dim3A_681 = vector.broadcast %reduce_min3A_680 : f32 to vector<16xf32>
        %eq3A_682 = arith.cmpf oeq, %scan3A_672, %broadcast_in_dim3A_681 : vector<16xf32>
        %broadcast_in_dim3A_683 = arith.constant 999 : i32
        %broadcast_in_dim3A_684 = vector.broadcast %broadcast_in_dim3A_683 : i32 to vector<16xi32>
        %select_n3A_685 = arith.select %eq3A_682, %iota3A_586, %broadcast_in_dim3A_684 : vector<16xi1>, vector<16xi32>
        %reduce_min3A_686 = arith.constant true
        %reduce_min3A_687 = vector.broadcast %reduce_min3A_686 : i1 to vector<16xi1>
        %reduce_min3A_688 = arith.constant -2147483648 : i32
        %reduce_min3A_689 = vector.broadcast %reduce_min3A_688 : i32 to vector<16xi32>
        %reduce_min3A_690 = arith.xori %select_n3A_685, %reduce_min3A_689 : vector<16xi32>
        %reduce_min3A_691 = tpu.scan <min>, %reduce_min3A_690 masked %reduce_min3A_687 : vector<16xi32>, vector<16xi1> -> vector<16xi32>
        %reduce_min3A_692 = arith.xori %reduce_min3A_691, %reduce_min3A_689 : vector<16xi32>
        %reduce_min3A_693 = vector.extract %reduce_min3A_692[15] : i32 from vector<16xi32>
        %mul3A_694 = arith.constant 16 : i32
        %mul3A_695 = arith.muli %reduce_min3A_693, %mul3A_694 : i32
        %multiple_of3A_696 = tpu.assume_multiple %mul3A_695, 16 : i32
        %get3A_697 = arith.index_cast %multiple_of3A_696 : i32 to index
        %get3A_698 = tpu.vector_load %arg12[%get3A_697] {strides = array<i32>} : memref<256xf32, #tpu.memory_space<vmem>>, vector<16xf32>,
        %eq3A_699 = arith.cmpf oeq, %get3A_698, %broadcast_in_dim3A_681 : vector<16xf32>
        %broadcast_in_dim3A_700 = arith.constant 999 : i32
        %broadcast_in_dim3A_701 = vector.broadcast %broadcast_in_dim3A_700 : i32 to vector<16xi32>
        %select_n3A_702 = arith.select %eq3A_699, %iota3A_586, %broadcast_in_dim3A_701 : vector<16xi1>, vector<16xi32>
        %reduce_min3A_703 = arith.constant true
        %reduce_min3A_704 = vector.broadcast %reduce_min3A_703 : i1 to vector<16xi1>
        %reduce_min3A_705 = arith.constant -2147483648 : i32
        %reduce_min3A_706 = vector.broadcast %reduce_min3A_705 : i32 to vector<16xi32>
        %reduce_min3A_707 = arith.xori %select_n3A_702, %reduce_min3A_706 : vector<16xi32>
        %reduce_min3A_708 = tpu.scan <min>, %reduce_min3A_707 masked %reduce_min3A_704 : vector<16xi32>, vector<16xi1> -> vector<16xi32>
        %reduce_min3A_709 = arith.xori %reduce_min3A_708, %reduce_min3A_706 : vector<16xi32>
        %reduce_min3A_710 = vector.extract %reduce_min3A_709[15] : i32 from vector<16xi32>
        %mul3A_711 = arith.constant 16 : i32
        %mul3A_712 = arith.muli %reduce_min3A_693, %mul3A_711 : i32
        %add3A_713 = arith.addi %mul3A_712, %reduce_min3A_710 : i32
        %add3A_714 = arith.constant 0 : i32
        %add3A_715 = vector.broadcast %add3A_714 : i32 to vector<16xi32>
        %add3A_716 = arith.addi %iota3A_586, %add3A_715 : vector<16xi32>
        %mul3A_717 = arith.constant 256 : i32
        %mul3A_718 = vector.broadcast %mul3A_717 : i32 to vector<16xi32>
        %mul3A_719 = arith.muli %add3A_716, %mul3A_718 : vector<16xi32>
        %add3A_720 = vector.broadcast %add3A_713 : i32 to vector<16xi32>
        %add3A_721 = arith.addi %add3A_720, %mul3A_719 : vector<16xi32>
        %gather3A_722 = tpu.vector_load_idx %arg11[%add3A_721] : memref<16384xf32, #tpu.memory_space<vmem>>[vector<16xi32>], vector<16xf32>,
        %eq3A_723 = arith.cmpf oeq, %gather3A_722, %broadcast_in_dim3A_681 : vector<16xf32>
        %broadcast_in_dim3A_724 = arith.constant 999 : i32
        %broadcast_in_dim3A_725 = vector.broadcast %broadcast_in_dim3A_724 : i32 to vector<16xi32>
        %select_n3A_726 = arith.select %eq3A_723, %add3A_716, %broadcast_in_dim3A_725 : vector<16xi1>, vector<16xi32>
        %add3A_727 = arith.constant 16 : i32
        %add3A_728 = vector.broadcast %add3A_727 : i32 to vector<16xi32>
        %add3A_729 = arith.addi %iota3A_586, %add3A_728 : vector<16xi32>
        %mul3A_730 = arith.constant 256 : i32
        %mul3A_731 = vector.broadcast %mul3A_730 : i32 to vector<16xi32>
        %mul3A_732 = arith.muli %add3A_729, %mul3A_731 : vector<16xi32>
        %add3A_733 = vector.broadcast %add3A_713 : i32 to vector<16xi32>
        %add3A_734 = arith.addi %add3A_733, %mul3A_732 : vector<16xi32>
        %gather3A_735 = tpu.vector_load_idx %arg11[%add3A_734] : memref<16384xf32, #tpu.memory_space<vmem>>[vector<16xi32>], vector<16xf32>,
        %eq3A_736 = arith.cmpf oeq, %gather3A_735, %broadcast_in_dim3A_681 : vector<16xf32>
        %broadcast_in_dim3A_737 = arith.constant 999 : i32
        %broadcast_in_dim3A_738 = vector.broadcast %broadcast_in_dim3A_737 : i32 to vector<16xi32>
        %select_n3A_739 = arith.select %eq3A_736, %add3A_729, %broadcast_in_dim3A_738 : vector<16xi1>, vector<16xi32>
        %add3A_740 = arith.constant 32 : i32
        %add3A_741 = vector.broadcast %add3A_740 : i32 to vector<16xi32>
        %add3A_742 = arith.addi %iota3A_586, %add3A_741 : vector<16xi32>
        %mul3A_743 = arith.constant 256 : i32
        %mul3A_744 = vector.broadcast %mul3A_743 : i32 to vector<16xi32>
        %mul3A_745 = arith.muli %add3A_742, %mul3A_744 : vector<16xi32>
        %add3A_746 = vector.broadcast %add3A_713 : i32 to vector<16xi32>
        %add3A_747 = arith.addi %add3A_746, %mul3A_745 : vector<16xi32>
        %gather3A_748 = tpu.vector_load_idx %arg11[%add3A_747] : memref<16384xf32, #tpu.memory_space<vmem>>[vector<16xi32>], vector<16xf32>,
        %eq3A_749 = arith.cmpf oeq, %gather3A_748, %broadcast_in_dim3A_681 : vector<16xf32>
        %broadcast_in_dim3A_750 = arith.constant 999 : i32
        %broadcast_in_dim3A_751 = vector.broadcast %broadcast_in_dim3A_750 : i32 to vector<16xi32>
        %select_n3A_752 = arith.select %eq3A_749, %add3A_742, %broadcast_in_dim3A_751 : vector<16xi1>, vector<16xi32>
        %add3A_753 = arith.constant 48 : i32
        %add3A_754 = vector.broadcast %add3A_753 : i32 to vector<16xi32>
        %add3A_755 = arith.addi %iota3A_586, %add3A_754 : vector<16xi32>
        %mul3A_756 = arith.constant 256 : i32
        %mul3A_757 = vector.broadcast %mul3A_756 : i32 to vector<16xi32>
        %mul3A_758 = arith.muli %add3A_755, %mul3A_757 : vector<16xi32>
        %add3A_759 = vector.broadcast %add3A_713 : i32 to vector<16xi32>
        %add3A_760 = arith.addi %add3A_759, %mul3A_758 : vector<16xi32>
        %gather3A_761 = tpu.vector_load_idx %arg11[%add3A_760] : memref<16384xf32, #tpu.memory_space<vmem>>[vector<16xi32>], vector<16xf32>,
        %eq3A_762 = arith.cmpf oeq, %gather3A_761, %broadcast_in_dim3A_681 : vector<16xf32>
        %broadcast_in_dim3A_763 = arith.constant 999 : i32
        %broadcast_in_dim3A_764 = vector.broadcast %broadcast_in_dim3A_763 : i32 to vector<16xi32>
        %select_n3A_765 = arith.select %eq3A_762, %add3A_755, %broadcast_in_dim3A_764 : vector<16xi1>, vector<16xi32>
        %min3A = arith.minsi %select_n3A_726, %select_n3A_739 : vector<16xi32>
        %min3A_766 = arith.minsi %select_n3A_752, %select_n3A_765 : vector<16xi32>
        %min3A_767 = arith.minsi %min3A, %min3A_766 : vector<16xi32>
        %reduce_min3A_768 = arith.constant true
        %reduce_min3A_769 = vector.broadcast %reduce_min3A_768 : i1 to vector<16xi1>
        %reduce_min3A_770 = arith.constant -2147483648 : i32
        %reduce_min3A_771 = vector.broadcast %reduce_min3A_770 : i32 to vector<16xi32>
        %reduce_min3A_772 = arith.xori %min3A_767, %reduce_min3A_771 : vector<16xi32>
        %reduce_min3A_773 = tpu.scan <min>, %reduce_min3A_772 masked %reduce_min3A_769 : vector<16xi32>, vector<16xi1> -> vector<16xi32>
        %reduce_min3A_774 = arith.xori %reduce_min3A_773, %reduce_min3A_771 : vector<16xi32>
        %reduce_min3A_775 = vector.extract %reduce_min3A_774[15] : i32 from vector<16xi32>
        %mul3A_776 = arith.constant 256 : i32
        %mul3A_777 = arith.muli %reduce_min3A_775, %mul3A_776 : i32
        %add3A_778 = arith.addi %mul3A_777, %add3A_713 : i32
        %eq3A_779 = arith.constant 0 : i32
        %eq3A_780 = vector.broadcast %eq3A_779 : i32 to vector<16xi32>
        %eq3A_781 = arith.cmpi eq, %iota3A_586, %eq3A_780 : vector<16xi32>
        %add3A_782 = arith.addi %mul3A_585, %add3A_676 : i32
        %broadcast_in_dim3A_783 = vector.broadcast %add3A_782 : i32 to vector<16xi32>
        %broadcast_in_dim3A_784 = vector.broadcast %add3A_778 : i32 to vector<16xi32>
        tpu.vector_store_idx %arg14[%broadcast_in_dim3A_783], %broadcast_in_dim3A_784 masked %eq3A_781 : memref<1536xi32, #tpu.memory_space<vmem>>[vector<16xi32>], vector<16xi32>, vector<16xi1>
        %broadcast_in_dim3A_785 = vector.broadcast %add3A_778 : i32 to vector<16xi32>
        %broadcast_in_dim3A_786 = arith.constant 1.000000e+30 : f32
        %broadcast_in_dim3A_787 = vector.broadcast %broadcast_in_dim3A_786 : f32 to vector<16xf32>
        tpu.vector_store_idx %arg11[%broadcast_in_dim3A_785], %broadcast_in_dim3A_787 masked %eq3A_781 : memref<16384xf32, #tpu.memory_space<vmem>>[vector<16xi32>], vector<16xf32>, vector<16xi1>
        %eq3A_788 = vector.broadcast %reduce_min3A_775 : i32 to vector<16xi32>
        %eq3A_789 = arith.cmpi eq, %add3A_716, %eq3A_788 : vector<16xi32>
        %broadcast_in_dim3A_790 = arith.constant 1.000000e+30 : f32
        %broadcast_in_dim3A_791 = vector.broadcast %broadcast_in_dim3A_790 : f32 to vector<16xf32>
        %select_n3A_792 = arith.select %eq3A_789, %broadcast_in_dim3A_791, %gather3A_722 : vector<16xi1>, vector<16xf32>
        %eq3A_793 = vector.broadcast %reduce_min3A_775 : i32 to vector<16xi32>
        %eq3A_794 = arith.cmpi eq, %add3A_729, %eq3A_793 : vector<16xi32>
        %broadcast_in_dim3A_795 = arith.constant 1.000000e+30 : f32
        %broadcast_in_dim3A_796 = vector.broadcast %broadcast_in_dim3A_795 : f32 to vector<16xf32>
        %select_n3A_797 = arith.select %eq3A_794, %broadcast_in_dim3A_796, %gather3A_735 : vector<16xi1>, vector<16xf32>
        %eq3A_798 = vector.broadcast %reduce_min3A_775 : i32 to vector<16xi32>
        %eq3A_799 = arith.cmpi eq, %add3A_742, %eq3A_798 : vector<16xi32>
        %broadcast_in_dim3A_800 = arith.constant 1.000000e+30 : f32
        %broadcast_in_dim3A_801 = vector.broadcast %broadcast_in_dim3A_800 : f32 to vector<16xf32>
        %select_n3A_802 = arith.select %eq3A_799, %broadcast_in_dim3A_801, %gather3A_748 : vector<16xi1>, vector<16xf32>
        %eq3A_803 = vector.broadcast %reduce_min3A_775 : i32 to vector<16xi32>
        %eq3A_804 = arith.cmpi eq, %add3A_755, %eq3A_803 : vector<16xi32>
        %broadcast_in_dim3A_805 = arith.constant 1.000000e+30 : f32
        %broadcast_in_dim3A_806 = vector.broadcast %broadcast_in_dim3A_805 : f32 to vector<16xf32>
        %select_n3A_807 = arith.select %eq3A_804, %broadcast_in_dim3A_806, %gather3A_761 : vector<16xi1>, vector<16xf32>
        %min3A_808 = arith.minimumf %select_n3A_792, %select_n3A_797 : vector<16xf32>
        %min3A_809 = arith.minimumf %select_n3A_802, %select_n3A_807 : vector<16xf32>
        %min3A_810 = arith.minimumf %min3A_808, %min3A_809 : vector<16xf32>
        %reduce_min3A_811 = arith.constant true
        %reduce_min3A_812 = vector.broadcast %reduce_min3A_811 : i1 to vector<16xi1>
        %reduce_min3A_813 = tpu.scan <min>, %min3A_810 masked %reduce_min3A_812 : vector<16xf32>, vector<16xi1> -> vector<16xf32>
        %reduce_min3A_814 = vector.extract %reduce_min3A_813[15] : f32 from vector<16xf32>
        %eq3A_815 = vector.broadcast %reduce_min3A_710 : i32 to vector<16xi32>
        %eq3A_816 = arith.cmpi eq, %iota3A_586, %eq3A_815 : vector<16xi32>
        %broadcast_in_dim3A_817 = vector.broadcast %reduce_min3A_814 : f32 to vector<16xf32>
        %select_n3A_818 = arith.select %eq3A_816, %broadcast_in_dim3A_817, %get3A_698 : vector<16xi1>, vector<16xf32>
        %swap3A_819 = arith.index_cast %multiple_of3A_696 : i32 to index
        %swap3A_820 = tpu.vector_load %arg12[%swap3A_819] {strides = array<i32>} : memref<256xf32, #tpu.memory_space<vmem>>, vector<16xf32>,
        tpu.vector_store %arg12[%swap3A_819], %select_n3A_818 {strides = array<i32>} : memref<256xf32, #tpu.memory_space<vmem>>, vector<16xf32>,
        %eq3A_821 = vector.broadcast %reduce_min3A_693 : i32 to vector<16xi32>
        %eq3A_822 = arith.cmpi eq, %iota3A_586, %eq3A_821 : vector<16xi32>
        %reduce_min3A_823 = arith.constant true
        %reduce_min3A_824 = vector.broadcast %reduce_min3A_823 : i1 to vector<16xi1>
        %reduce_min3A_825 = tpu.scan <min>, %select_n3A_818 masked %reduce_min3A_824 : vector<16xf32>, vector<16xi1> -> vector<16xf32>
        %reduce_min3A_826 = vector.extract %reduce_min3A_825[15] : f32 from vector<16xf32>
        %broadcast_in_dim3A_827 = vector.broadcast %reduce_min3A_826 : f32 to vector<16xf32>
        %select_n3A_828 = arith.select %eq3A_822, %broadcast_in_dim3A_827, %scan3A_672 : vector<16xi1>, vector<16xf32>
        scf.yield %select_n3A_828 : vector<16xf32>
      }
      %scan3A_592 = arith.constant 20 : i32
      %mul3A_593 = arith.constant 32 : i32
      %mul3A_594 = arith.muli %add3A_307, %mul3A_593 : i32
      %get3A_595 = arith.index_cast %mul3A_594 : i32 to index
      %get3A_596 = tpu.vector_load %arg14[%get3A_595] {strides = array<i32>} : memref<1536xi32, #tpu.memory_space<vmem>>, vector<16xi32>,
      %mul3A_597 = arith.constant 32 : i32
      %mul3A_598 = arith.muli %add3A_307, %mul3A_597 : i32
      %add3A_599 = arith.constant 16 : i32
      %add3A_600 = arith.addi %mul3A_598, %add3A_599 : i32
      %get3A_601 = arith.index_cast %add3A_600 : i32 to index
      %get3A_602 = tpu.vector_load %arg14[%get3A_601] {strides = array<i32>} : memref<1536xi32, #tpu.memory_space<vmem>>, vector<16xi32>,
      %eq3A_603 = arith.constant 0 : i32
      %eq3A_604 = vector.broadcast %eq3A_603 : i32 to vector<16xi32>
      %eq3A_605 = arith.cmpi eq, %iota3A, %eq3A_604 : vector<16xi32>
      %broadcast_in_dim3A_606 = arith.constant 0 : i32
      %broadcast_in_dim3A_607 = vector.broadcast %broadcast_in_dim3A_606 : i32 to vector<16xi32>
      %select_n3A_608 = arith.select %eq3A_605, %get3A_596, %broadcast_in_dim3A_607 : vector<16xi1>, vector<16xi32>
      %reduce_sum3A_609 = arith.constant true
      %reduce_sum3A_610 = vector.broadcast %reduce_sum3A_609 : i1 to vector<16xi1>
      %reduce_sum3A_611 = tpu.scan <sum>, %select_n3A_608 masked %reduce_sum3A_610 : vector<16xi32>, vector<16xi1> -> vector<16xi32>
      %reduce_sum3A_612 = vector.extract %reduce_sum3A_611[15] : i32 from vector<16xi32>
      %broadcast_in_dim3A_613 = vector.broadcast %reduce_sum3A_612 : i32 to vector<16xi32>
      %gather3A_614 = tpu.vector_load_idx %arg8[%broadcast_in_dim3A_613] : memref<16384xf32, #tpu.memory_space<vmem>>[vector<16xi32>], vector<16xf32>,
      %gather3A_615 = tpu.vector_load_idx %arg8[%get3A_596] : memref<16384xf32, #tpu.memory_space<vmem>>[vector<16xi32>], vector<16xf32>,
      %sub3A_616 = arith.subf %gather3A_615, %gather3A_614 : vector<16xf32>
      %mul3A_617 = arith.constant 32 : i32
      %mul3A_618 = arith.muli %add3A_307, %mul3A_617 : i32
      %add3A_619 = arith.constant 0 : i32
      %add3A_620 = arith.addi %add3A_619, %mul3A_618 : i32
      %swap3A_621 = arith.index_cast %add3A_620 : i32 to index
      %swap3A_622 = tpu.vector_load %arg15[%swap3A_621] {strides = array<i32>} : memref<4608xf32, #tpu.memory_space<vmem>>, vector<16xf32>,
      tpu.vector_store %arg15[%swap3A_621], %sub3A_616 {strides = array<i32>} : memref<4608xf32, #tpu.memory_space<vmem>>, vector<16xf32>,
      %gather3A_623 = tpu.vector_load_idx %arg8[%get3A_602] : memref<16384xf32, #tpu.memory_space<vmem>>[vector<16xi32>], vector<16xf32>,
      %sub3A_624 = arith.subf %gather3A_623, %gather3A_614 : vector<16xf32>
      %mul3A_625 = arith.constant 32 : i32
      %mul3A_626 = arith.muli %add3A_307, %mul3A_625 : i32
      %add3A_627 = arith.constant 0 : i32
      %add3A_628 = arith.addi %add3A_627, %mul3A_626 : i32
      %add3A_629 = arith.constant 16 : i32
      %add3A_630 = arith.addi %add3A_628, %add3A_629 : i32
      %swap3A_631 = arith.index_cast %add3A_630 : i32 to index
      %swap3A_632 = tpu.vector_load %arg15[%swap3A_631] {strides = array<i32>} : memref<4608xf32, #tpu.memory_space<vmem>>, vector<16xf32>,
      tpu.vector_store %arg15[%swap3A_631], %sub3A_624 {strides = array<i32>} : memref<4608xf32, #tpu.memory_space<vmem>>, vector<16xf32>,
      %gather3A_633 = tpu.vector_load_idx %arg9[%broadcast_in_dim3A_613] : memref<16384xf32, #tpu.memory_space<vmem>>[vector<16xi32>], vector<16xf32>,
      %gather3A_634 = tpu.vector_load_idx %arg9[%get3A_596] : memref<16384xf32, #tpu.memory_space<vmem>>[vector<16xi32>], vector<16xf32>,
      %sub3A_635 = arith.subf %gather3A_634, %gather3A_633 : vector<16xf32>
      %mul3A_636 = arith.constant 32 : i32
      %mul3A_637 = arith.muli %add3A_307, %mul3A_636 : i32
      %add3A_638 = arith.constant 1536 : i32
      %add3A_639 = arith.addi %add3A_638, %mul3A_637 : i32
      %swap3A_640 = arith.index_cast %add3A_639 : i32 to index
      %swap3A_641 = tpu.vector_load %arg15[%swap3A_640] {strides = array<i32>} : memref<4608xf32, #tpu.memory_space<vmem>>, vector<16xf32>,
      tpu.vector_store %arg15[%swap3A_640], %sub3A_635 {strides = array<i32>} : memref<4608xf32, #tpu.memory_space<vmem>>, vector<16xf32>,
      %gather3A_642 = tpu.vector_load_idx %arg9[%get3A_602] : memref<16384xf32, #tpu.memory_space<vmem>>[vector<16xi32>], vector<16xf32>,
      %sub3A_643 = arith.subf %gather3A_642, %gather3A_633 : vector<16xf32>
      %mul3A_644 = arith.constant 32 : i32
      %mul3A_645 = arith.muli %add3A_307, %mul3A_644 : i32
      %add3A_646 = arith.constant 1536 : i32
      %add3A_647 = arith.addi %add3A_646, %mul3A_645 : i32
      %add3A_648 = arith.constant 16 : i32
      %add3A_649 = arith.addi %add3A_647, %add3A_648 : i32
      %swap3A_650 = arith.index_cast %add3A_649 : i32 to index
      %swap3A_651 = tpu.vector_load %arg15[%swap3A_650] {strides = array<i32>} : memref<4608xf32, #tpu.memory_space<vmem>>, vector<16xf32>,
      tpu.vector_store %arg15[%swap3A_650], %sub3A_643 {strides = array<i32>} : memref<4608xf32, #tpu.memory_space<vmem>>, vector<16xf32>,
      %gather3A_652 = tpu.vector_load_idx %arg10[%broadcast_in_dim3A_613] : memref<16384xf32, #tpu.memory_space<vmem>>[vector<16xi32>], vector<16xf32>,
      %gather3A_653 = tpu.vector_load_idx %arg10[%get3A_596] : memref<16384xf32, #tpu.memory_space<vmem>>[vector<16xi32>], vector<16xf32>,
      %sub3A_654 = arith.subf %gather3A_653, %gather3A_652 : vector<16xf32>
      %mul3A_655 = arith.constant 32 : i32
      %mul3A_656 = arith.muli %add3A_307, %mul3A_655 : i32
      %add3A_657 = arith.constant 3072 : i32
      %add3A_658 = arith.addi %add3A_657, %mul3A_656 : i32
      %swap3A_659 = arith.index_cast %add3A_658 : i32 to index
      %swap3A_660 = tpu.vector_load %arg15[%swap3A_659] {strides = array<i32>} : memref<4608xf32, #tpu.memory_space<vmem>>, vector<16xf32>,
      tpu.vector_store %arg15[%swap3A_659], %sub3A_654 {strides = array<i32>} : memref<4608xf32, #tpu.memory_space<vmem>>, vector<16xf32>,
      %gather3A_661 = tpu.vector_load_idx %arg10[%get3A_602] : memref<16384xf32, #tpu.memory_space<vmem>>[vector<16xi32>], vector<16xf32>,
      %sub3A_662 = arith.subf %gather3A_661, %gather3A_652 : vector<16xf32>
      %mul3A_663 = arith.constant 32 : i32
      %mul3A_664 = arith.muli %add3A_307, %mul3A_663 : i32
      %add3A_665 = arith.constant 3072 : i32
      %add3A_666 = arith.addi %add3A_665, %mul3A_664 : i32
      %add3A_667 = arith.constant 16 : i32
      %add3A_668 = arith.addi %add3A_666, %add3A_667 : i32
      %swap3A_669 = arith.index_cast %add3A_668 : i32 to index
      %swap3A_670 = tpu.vector_load %arg15[%swap3A_669] {strides = array<i32>} : memref<4608xf32, #tpu.memory_space<vmem>>, vector<16xf32>,
      tpu.vector_store %arg15[%swap3A_669], %sub3A_662 {strides = array<i32>} : memref<4608xf32, #tpu.memory_space<vmem>>, vector<16xf32>,
    }
    %scan3A_279 = arith.constant 48 : i32
    %mul3A_280 = arith.constant 96 : i32
    %mul3A_281 = arith.muli %arg1, %mul3A_280 : i32
    %mul3A_282 = arith.constant 48 : i32
    %mul3A_283 = arith.muli %arg0, %mul3A_282 : i32
    %add3A_284 = arith.addi %mul3A_281, %mul3A_283 : i32
    %mul3A_285 = arith.constant 32 : i32
    %mul3A_286 = arith.muli %add3A_284, %mul3A_285 : i32
    %add3A_287 = arith.constant 0 : i32
    %add3A_288 = arith.addi %add3A_287, %mul3A_286 : i32
    "tpu.region"() ({
      %run_scoped3A = tpu.sem_alloc : memref<!tpu.dma_semaphore, #tpu.memory_space<semaphore_mem>>
      %dma_start3A = arith.constant 0 : i32
      %dma_start3A_303 = tpu.memref_slice %arg15[%dma_start3A] : memref<4608xf32, #tpu.memory_space<vmem>> -> memref<1536xf32, #tpu.memory_space<vmem>>
      %dma_start3A_304 = tpu.memref_slice %arg5[%add3A_288] : memref<933888xf32, #tpu.memory_space<hbm>> -> memref<1536xf32, #tpu.memory_space<hbm>>
      %dma_start3A_305 = tpu.memref_slice %arg5[%add3A_288] : memref<933888xf32, #tpu.memory_space<hbm>> -> memref<1536xf32, #tpu.memory_space<hbm>>
      %dma_start3A_306 = arith.constant 0 : i32
      %dma_start3A_307 = tpu.memref_slice %arg15[%dma_start3A_306] : memref<4608xf32, #tpu.memory_space<vmem>> -> memref<1536xf32, #tpu.memory_space<vmem>>
      tpu.enqueue_dma source(%dma_start3A_307 : memref<1536xf32, #tpu.memory_space<vmem>>) target(%dma_start3A_305 : memref<1536xf32, #tpu.memory_space<hbm>>) target_semaphore(%run_scoped3A : memref<!tpu.dma_semaphore, #tpu.memory_space<semaphore_mem>>)
      %dma_wait3A = arith.constant 0 : i32
      %dma_wait3A_308 = tpu.memref_slice %arg15[%dma_wait3A] : memref<4608xf32, #tpu.memory_space<vmem>> -> memref<1536xf32, #tpu.memory_space<vmem>>
      %dma_wait3A_309 = tpu.memref_slice %arg5[%add3A_288] : memref<933888xf32, #tpu.memory_space<hbm>> -> memref<1536xf32, #tpu.memory_space<hbm>>
      %dma_wait3A_310 = tpu.memref_slice %arg5[%add3A_288] : memref<933888xf32, #tpu.memory_space<hbm>> -> memref<1536xf32, #tpu.memory_space<hbm>>
      %dma_wait3A_311 = arith.constant 0 : i32
      %dma_wait3A_312 = tpu.memref_slice %arg15[%dma_wait3A_311] : memref<4608xf32, #tpu.memory_space<vmem>> -> memref<1536xf32, #tpu.memory_space<vmem>>
      tpu.wait_dma2 semaphore(%run_scoped3A : memref<!tpu.dma_semaphore, #tpu.memory_space<semaphore_mem>>) src(%dma_wait3A_312 : memref<1536xf32, #tpu.memory_space<vmem>>) dst(%dma_wait3A_310 : memref<1536xf32, #tpu.memory_space<hbm>>)
      tpu.yield
    }) : () -> ()
    %add3A_289 = arith.constant 49152 : i32
    %add3A_290 = arith.addi %add3A_289, %mul3A_286 : i32
    "tpu.region"() ({
      %run_scoped3A = tpu.sem_alloc : memref<!tpu.dma_semaphore, #tpu.memory_space<semaphore_mem>>
      %dma_start3A = arith.constant 1536 : i32
      %dma_start3A_303 = tpu.memref_slice %arg15[%dma_start3A] : memref<4608xf32, #tpu.memory_space<vmem>> -> memref<1536xf32, #tpu.memory_space<vmem>>
      %dma_start3A_304 = tpu.memref_slice %arg5[%add3A_290] : memref<933888xf32, #tpu.memory_space<hbm>> -> memref<1536xf32, #tpu.memory_space<hbm>>
      %dma_start3A_305 = tpu.memref_slice %arg5[%add3A_290] : memref<933888xf32, #tpu.memory_space<hbm>> -> memref<1536xf32, #tpu.memory_space<hbm>>
      %dma_start3A_306 = arith.constant 1536 : i32
      %dma_start3A_307 = tpu.memref_slice %arg15[%dma_start3A_306] : memref<4608xf32, #tpu.memory_space<vmem>> -> memref<1536xf32, #tpu.memory_space<vmem>>
      tpu.enqueue_dma source(%dma_start3A_307 : memref<1536xf32, #tpu.memory_space<vmem>>) target(%dma_start3A_305 : memref<1536xf32, #tpu.memory_space<hbm>>) target_semaphore(%run_scoped3A : memref<!tpu.dma_semaphore, #tpu.memory_space<semaphore_mem>>)
      %dma_wait3A = arith.constant 1536 : i32
      %dma_wait3A_308 = tpu.memref_slice %arg15[%dma_wait3A] : memref<4608xf32, #tpu.memory_space<vmem>> -> memref<1536xf32, #tpu.memory_space<vmem>>
      %dma_wait3A_309 = tpu.memref_slice %arg5[%add3A_290] : memref<933888xf32, #tpu.memory_space<hbm>> -> memref<1536xf32, #tpu.memory_space<hbm>>
      %dma_wait3A_310 = tpu.memref_slice %arg5[%add3A_290] : memref<933888xf32, #tpu.memory_space<hbm>> -> memref<1536xf32, #tpu.memory_space<hbm>>
      %dma_wait3A_311 = arith.constant 1536 : i32
      %dma_wait3A_312 = tpu.memref_slice %arg15[%dma_wait3A_311] : memref<4608xf32, #tpu.memory_space<vmem>> -> memref<1536xf32, #tpu.memory_space<vmem>>
      tpu.wait_dma2 semaphore(%run_scoped3A : memref<!tpu.dma_semaphore, #tpu.memory_space<semaphore_mem>>) src(%dma_wait3A_312 : memref<1536xf32, #tpu.memory_space<vmem>>) dst(%dma_wait3A_310 : memref<1536xf32, #tpu.memory_space<hbm>>)
      tpu.yield
    }) : () -> ()
    %add3A_291 = arith.constant 98304 : i32
    %add3A_292 = arith.addi %add3A_291, %mul3A_286 : i32
    "tpu.region"() ({
      %run_scoped3A = tpu.sem_alloc : memref<!tpu.dma_semaphore, #tpu.memory_space<semaphore_mem>>
      %dma_start3A = arith.constant 3072 : i32
      %dma_start3A_303 = tpu.memref_slice %arg15[%dma_start3A] : memref<4608xf32, #tpu.memory_space<vmem>> -> memref<1536xf32, #tpu.memory_space<vmem>>
      %dma_start3A_304 = tpu.memref_slice %arg5[%add3A_292] : memref<933888xf32, #tpu.memory_space<hbm>> -> memref<1536xf32, #tpu.memory_space<hbm>>
      %dma_start3A_305 = tpu.memref_slice %arg5[%add3A_292] : memref<933888xf32, #tpu.memory_space<hbm>> -> memref<1536xf32, #tpu.memory_space<hbm>>
      %dma_start3A_306 = arith.constant 3072 : i32
      %dma_start3A_307 = tpu.memref_slice %arg15[%dma_start3A_306] : memref<4608xf32, #tpu.memory_space<vmem>> -> memref<1536xf32, #tpu.memory_space<vmem>>
      tpu.enqueue_dma source(%dma_start3A_307 : memref<1536xf32, #tpu.memory_space<vmem>>) target(%dma_start3A_305 : memref<1536xf32, #tpu.memory_space<hbm>>) target_semaphore(%run_scoped3A : memref<!tpu.dma_semaphore, #tpu.memory_space<semaphore_mem>>)
      %dma_wait3A = arith.constant 3072 : i32
      %dma_wait3A_308 = tpu.memref_slice %arg15[%dma_wait3A] : memref<4608xf32, #tpu.memory_space<vmem>> -> memref<1536xf32, #tpu.memory_space<vmem>>
      %dma_wait3A_309 = tpu.memref_slice %arg5[%add3A_292] : memref<933888xf32, #tpu.memory_space<hbm>> -> memref<1536xf32, #tpu.memory_space<hbm>>
      %dma_wait3A_310 = tpu.memref_slice %arg5[%add3A_292] : memref<933888xf32, #tpu.memory_space<hbm>> -> memref<1536xf32, #tpu.memory_space<hbm>>
      %dma_wait3A_311 = arith.constant 3072 : i32
      %dma_wait3A_312 = tpu.memref_slice %arg15[%dma_wait3A_311] : memref<4608xf32, #tpu.memory_space<vmem>> -> memref<1536xf32, #tpu.memory_space<vmem>>
      tpu.wait_dma2 semaphore(%run_scoped3A : memref<!tpu.dma_semaphore, #tpu.memory_space<semaphore_mem>>) src(%dma_wait3A_312 : memref<1536xf32, #tpu.memory_space<vmem>>) dst(%dma_wait3A_310 : memref<1536xf32, #tpu.memory_space<hbm>>)
      tpu.yield
    }) : () -> ()
    %scan3A_293 = arith.constant 0 : i32
    %scan3A_294 = arith.constant 16 : i32
    %scan3A_295 = arith.addi %scan3A_293, %scan3A_294 : i32
    %scan3A_296 = arith.constant 1 : i32
    scf.for %scan3A_303 = %scan3A_293 to %scan3A_295 step %scan3A_296  : i32 {
      %mul3A_304 = arith.constant 1 : i32
      %mul3A_305 = arith.muli %scan3A_303, %mul3A_304 : i32
      %add3A_306 = arith.constant 0 : i32
      %add3A_307 = arith.addi %add3A_306, %mul3A_305 : i32
      %mul3A_308 = arith.constant 19 : i32
      %mul3A_309 = arith.muli %arg1, %mul3A_308 : i32
      %add3A_310 = arith.constant 3 : i32
      %add3A_311 = arith.addi %mul3A_309, %add3A_310 : i32
      %add3A_312 = arith.addi %add3A_311, %add3A_307 : i32
      %mul3A_313 = arith.constant 16384 : i32
      %mul3A_314 = arith.muli %add3A_312, %mul3A_313 : i32
      "tpu.region"() ({
        %run_scoped3A = tpu.sem_alloc : memref<!tpu.dma_semaphore, #tpu.memory_space<semaphore_mem>>
        %dma_start3A = tpu.memref_slice %arg2[%mul3A_314] : memref<4980736xf32, #tpu.memory_space<hbm>> -> memref<16384xf32, #tpu.memory_space<hbm>>
        %dma_start3A_320 = tpu.memref_slice %arg2[%mul3A_314] : memref<4980736xf32, #tpu.memory_space<hbm>> -> memref<16384xf32, #tpu.memory_space<hbm>>
        tpu.enqueue_dma source(%dma_start3A_320 : memref<16384xf32, #tpu.memory_space<hbm>>) target(%arg8 : memref<16384xf32, #tpu.memory_space<vmem>>) target_semaphore(%run_scoped3A : memref<!tpu.dma_semaphore, #tpu.memory_space<semaphore_mem>>)
        %dma_wait3A = tpu.memref_slice %arg2[%mul3A_314] : memref<4980736xf32, #tpu.memory_space<hbm>> -> memref<16384xf32, #tpu.memory_space<hbm>>
        %dma_wait3A_321 = tpu.memref_slice %arg2[%mul3A_314] : memref<4980736xf32, #tpu.memory_space<hbm>> -> memref<16384xf32, #tpu.memory_space<hbm>>
        tpu.wait_dma2 semaphore(%run_scoped3A : memref<!tpu.dma_semaphore, #tpu.memory_space<semaphore_mem>>) src(%dma_wait3A_321 : memref<16384xf32, #tpu.memory_space<hbm>>) dst(%arg8 : memref<16384xf32, #tpu.memory_space<vmem>>)
        tpu.yield
      }) : () -> ()
      %scan3A_315 = arith.constant 0 : i32
      %scan3A_316 = arith.constant 48 : i32
      %scan3A_317 = arith.addi %scan3A_315, %scan3A_316 : i32
      %scan3A_318 = arith.constant 1 : i32
      scf.for %scan3A_320 = %scan3A_315 to %scan3A_317 step %scan3A_318  : i32 {
        %mul3A_321 = arith.constant 1 : i32
        %mul3A_322 = arith.muli %scan3A_320, %mul3A_321 : i32
        %add3A_323 = arith.constant 0 : i32
        %add3A_324 = arith.addi %add3A_323, %mul3A_322 : i32
        %mul3A_325 = arith.constant 32 : i32
        %mul3A_326 = arith.muli %add3A_324, %mul3A_325 : i32
        %get3A = arith.index_cast %mul3A_326 : i32 to index
        %get3A_327 = tpu.vector_load %arg14[%get3A] {strides = array<i32>} : memref<1536xi32, #tpu.memory_space<vmem>>, vector<16xi32>,
        %mul3A_328 = arith.constant 32 : i32
        %mul3A_329 = arith.muli %add3A_324, %mul3A_328 : i32
        %add3A_330 = arith.constant 16 : i32
        %add3A_331 = arith.addi %mul3A_329, %add3A_330 : i32
        %get3A_332 = arith.index_cast %add3A_331 : i32 to index
        %get3A_333 = tpu.vector_load %arg14[%get3A_332] {strides = array<i32>} : memref<1536xi32, #tpu.memory_space<vmem>>, vector<16xi32>,
        %eq3A_334 = arith.constant 0 : i32
        %eq3A_335 = vector.broadcast %eq3A_334 : i32 to vector<16xi32>
        %eq3A_336 = arith.cmpi eq, %iota3A, %eq3A_335 : vector<16xi32>
        %broadcast_in_dim3A_337 = arith.constant 0 : i32
        %broadcast_in_dim3A_338 = vector.broadcast %broadcast_in_dim3A_337 : i32 to vector<16xi32>
        %select_n3A_339 = arith.select %eq3A_336, %get3A_327, %broadcast_in_dim3A_338 : vector<16xi1>, vector<16xi32>
        %reduce_sum3A = arith.constant true
        %reduce_sum3A_340 = vector.broadcast %reduce_sum3A : i1 to vector<16xi1>
        %reduce_sum3A_341 = tpu.scan <sum>, %select_n3A_339 masked %reduce_sum3A_340 : vector<16xi32>, vector<16xi1> -> vector<16xi32>
        %reduce_sum3A_342 = vector.extract %reduce_sum3A_341[15] : i32 from vector<16xi32>
        %broadcast_in_dim3A_343 = vector.broadcast %reduce_sum3A_342 : i32 to vector<16xi32>
        %gather3A = tpu.vector_load_idx %arg8[%broadcast_in_dim3A_343] : memref<16384xf32, #tpu.memory_space<vmem>>[vector<16xi32>], vector<16xf32>,
        %gather3A_344 = tpu.vector_load_idx %arg8[%get3A_327] : memref<16384xf32, #tpu.memory_space<vmem>>[vector<16xi32>], vector<16xf32>,
        %sub3A = arith.subf %gather3A_344, %gather3A : vector<16xf32>
        %mul3A_345 = arith.constant 1536 : i32
        %mul3A_346 = arith.muli %add3A_307, %mul3A_345 : i32
        %mul3A_347 = arith.constant 32 : i32
        %mul3A_348 = arith.muli %add3A_324, %mul3A_347 : i32
        %add3A_349 = arith.addi %mul3A_346, %mul3A_348 : i32
        %swap3A_350 = arith.index_cast %add3A_349 : i32 to index
        %swap3A_351 = tpu.vector_load %arg16[%swap3A_350] {strides = array<i32>} : memref<24576xf32, #tpu.memory_space<vmem>>, vector<16xf32>,
        tpu.vector_store %arg16[%swap3A_350], %sub3A {strides = array<i32>} : memref<24576xf32, #tpu.memory_space<vmem>>, vector<16xf32>,
        %gather3A_352 = tpu.vector_load_idx %arg8[%get3A_333] : memref<16384xf32, #tpu.memory_space<vmem>>[vector<16xi32>], vector<16xf32>,
        %sub3A_353 = arith.subf %gather3A_352, %gather3A : vector<16xf32>
        %mul3A_354 = arith.constant 1536 : i32
        %mul3A_355 = arith.muli %add3A_307, %mul3A_354 : i32
        %mul3A_356 = arith.constant 32 : i32
        %mul3A_357 = arith.muli %add3A_324, %mul3A_356 : i32
        %add3A_358 = arith.addi %mul3A_355, %mul3A_357 : i32
        %add3A_359 = arith.constant 16 : i32
        %add3A_360 = arith.addi %add3A_358, %add3A_359 : i32
        %swap3A_361 = arith.index_cast %add3A_360 : i32 to index
        %swap3A_362 = tpu.vector_load %arg16[%swap3A_361] {strides = array<i32>} : memref<24576xf32, #tpu.memory_space<vmem>>, vector<16xf32>,
        tpu.vector_store %arg16[%swap3A_361], %sub3A_353 {strides = array<i32>} : memref<24576xf32, #tpu.memory_space<vmem>>, vector<16xf32>,
      }
      %scan3A_319 = arith.constant 48 : i32
    }
    %scan3A_297 = arith.constant 16 : i32
    %scan3A_298 = arith.constant 0 : i32
    %scan3A_299 = arith.constant 16 : i32
    %scan3A_300 = arith.addi %scan3A_298, %scan3A_299 : i32
    %scan3A_301 = arith.constant 1 : i32
    scf.for %scan3A_303 = %scan3A_298 to %scan3A_300 step %scan3A_301  : i32 {
      %mul3A_304 = arith.constant 1 : i32
      %mul3A_305 = arith.muli %scan3A_303, %mul3A_304 : i32
      %add3A_306 = arith.constant 0 : i32
      %add3A_307 = arith.addi %add3A_306, %mul3A_305 : i32
      %mul3A_308 = arith.constant 1536 : i32
      %mul3A_309 = arith.muli %add3A_307, %mul3A_308 : i32
      %add3A_310 = arith.constant 3 : i32
      %add3A_311 = arith.addi %add3A_310, %add3A_307 : i32
      %mul3A_312 = arith.constant 49152 : i32
      %mul3A_313 = arith.muli %add3A_311, %mul3A_312 : i32
      %add3A_314 = arith.addi %mul3A_313, %mul3A_286 : i32
      "tpu.region"() ({
        %run_scoped3A = tpu.sem_alloc : memref<!tpu.dma_semaphore, #tpu.memory_space<semaphore_mem>>
        %dma_start3A = tpu.memref_slice %arg16[%mul3A_309] : memref<24576xf32, #tpu.memory_space<vmem>> -> memref<1536xf32, #tpu.memory_space<vmem>>
        %dma_start3A_315 = tpu.memref_slice %arg5[%add3A_314] : memref<933888xf32, #tpu.memory_space<hbm>> -> memref<1536xf32, #tpu.memory_space<hbm>>
        %dma_start3A_316 = tpu.memref_slice %arg5[%add3A_314] : memref<933888xf32, #tpu.memory_space<hbm>> -> memref<1536xf32, #tpu.memory_space<hbm>>
        %dma_start3A_317 = tpu.memref_slice %arg16[%mul3A_309] : memref<24576xf32, #tpu.memory_space<vmem>> -> memref<1536xf32, #tpu.memory_space<vmem>>
        tpu.enqueue_dma source(%dma_start3A_317 : memref<1536xf32, #tpu.memory_space<vmem>>) target(%dma_start3A_316 : memref<1536xf32, #tpu.memory_space<hbm>>) target_semaphore(%run_scoped3A : memref<!tpu.dma_semaphore, #tpu.memory_space<semaphore_mem>>)
        %dma_wait3A = tpu.memref_slice %arg16[%mul3A_309] : memref<24576xf32, #tpu.memory_space<vmem>> -> memref<1536xf32, #tpu.memory_space<vmem>>
        %dma_wait3A_318 = tpu.memref_slice %arg5[%add3A_314] : memref<933888xf32, #tpu.memory_space<hbm>> -> memref<1536xf32, #tpu.memory_space<hbm>>
        %dma_wait3A_319 = tpu.memref_slice %arg5[%add3A_314] : memref<933888xf32, #tpu.memory_space<hbm>> -> memref<1536xf32, #tpu.memory_space<hbm>>
        %dma_wait3A_320 = tpu.memref_slice %arg16[%mul3A_309] : memref<24576xf32, #tpu.memory_space<vmem>> -> memref<1536xf32, #tpu.memory_space<vmem>>
        tpu.wait_dma2 semaphore(%run_scoped3A : memref<!tpu.dma_semaphore, #tpu.memory_space<semaphore_mem>>) src(%dma_wait3A_320 : memref<1536xf32, #tpu.memory_space<vmem>>) dst(%dma_wait3A_319 : memref<1536xf32, #tpu.memory_space<hbm>>)
        tpu.yield
      }) : () -> ()
    }
    %scan3A_302 = arith.constant 16 : i32
    return
  }
}

module attributes {stable_mosaic.version = 14 : i64} {
  func.func @_pad_copy_body(%arg0: i32, %arg1: memref<1x19x16384xf32, #tpu.memory_space<vmem>>, %arg2: memref<1x19x16480xf32, #tpu.memory_space<vmem>>) attributes {dimension_semantics = [#tpu.dimension_semantics<arbitrary>], iteration_bounds = array<i64: 16>, scalar_prefetch = 0 : i64, scratch_operands = 0 : i64, tpu.core_type = #tpu.core_type<tc>, window_params = [{transform_indices = @transform_0, window_bounds = array<i64: 1, 19, 16384>}, {transform_indices = @transform_1, window_bounds = array<i64: 1, 19, 16480>}]} {
    %get3A = arith.constant 0 : index
    %get3A_0 = arith.constant 0 : index
    %get3A_1 = arith.constant 0 : index
    %get3A_2 = vector.load %arg1[%get3A, %get3A_0, %get3A_1] : memref<1x19x16384xf32, #tpu.memory_space<vmem>>, vector<1x19x16384xf32>
    %swap3A = arith.constant 0 : index
    %swap3A_3 = arith.constant 0 : index
    %swap3A_4 = arith.constant 0 : index
    %swap3A_5 = vector.load %arg2[%swap3A, %swap3A_3, %swap3A_4] : memref<1x19x16480xf32, #tpu.memory_space<vmem>>, vector<1x19x16384xf32>
    tpu.vector_store %arg2[%swap3A, %swap3A_3, %swap3A_4], %get3A_2 {strides = array<i32>} : memref<1x19x16480xf32, #tpu.memory_space<vmem>>, vector<1x19x16384xf32>,
    %broadcast_in_dim3A = arith.constant 0.000000e+00 : f32
    %broadcast_in_dim3A_6 = vector.broadcast %broadcast_in_dim3A : f32 to vector<1x19x96xf32>
    %swap3A_7 = arith.constant 0 : index
    %swap3A_8 = arith.constant 0 : index
    %swap3A_9 = arith.constant 16384 : index
    %swap3A_10 = vector.load %arg2[%swap3A_7, %swap3A_8, %swap3A_9] : memref<1x19x16480xf32, #tpu.memory_space<vmem>>, vector<1x19x96xf32>
    tpu.vector_store %arg2[%swap3A_7, %swap3A_8, %swap3A_9], %broadcast_in_dim3A_6 {strides = array<i32>} : memref<1x19x16480xf32, #tpu.memory_space<vmem>>, vector<1x19x96xf32>,
    return
  }
  func.func @transform_0(%arg0: i32) -> (i32, i32, i32) {
    %c0_i32 = arith.constant 0 : i32
    %c0_i32_0 = arith.constant 0 : i32
    %c0_i32_1 = arith.constant 0 : i32
    return %arg0, %c0_i32, %c0_i32_0 : i32, i32, i32
  }
  func.func @transform_1(%arg0: i32) -> (i32, i32, i32) {
    %c0_i32 = arith.constant 0 : i32
    %c0_i32_0 = arith.constant 0 : i32
    %c0_i32_1 = arith.constant 0 : i32
    return %arg0, %c0_i32, %c0_i32_0 : i32, i32, i32
  }
}

module attributes {stable_mosaic.version = 14 : i64} {
  func.func @_pad_copy_body(%arg0: i32, %arg1: memref<1x64x16384xf32, #tpu.memory_space<vmem>>, %arg2: memref<1x64x16480xf32, #tpu.memory_space<vmem>>) attributes {dimension_semantics = [#tpu.dimension_semantics<arbitrary>], iteration_bounds = array<i64: 16>, scalar_prefetch = 0 : i64, scratch_operands = 0 : i64, tpu.core_type = #tpu.core_type<tc>, window_params = [{transform_indices = @transform_0, window_bounds = array<i64: 1, 64, 16384>}, {transform_indices = @transform_1, window_bounds = array<i64: 1, 64, 16480>}]} {
    %get3A = arith.constant 0 : index
    %get3A_0 = arith.constant 0 : index
    %get3A_1 = arith.constant 0 : index
    %get3A_2 = vector.load %arg1[%get3A, %get3A_0, %get3A_1] : memref<1x64x16384xf32, #tpu.memory_space<vmem>>, vector<1x64x16384xf32>
    %swap3A = arith.constant 0 : index
    %swap3A_3 = arith.constant 0 : index
    %swap3A_4 = arith.constant 0 : index
    %swap3A_5 = vector.load %arg2[%swap3A, %swap3A_3, %swap3A_4] : memref<1x64x16480xf32, #tpu.memory_space<vmem>>, vector<1x64x16384xf32>
    tpu.vector_store %arg2[%swap3A, %swap3A_3, %swap3A_4], %get3A_2 {strides = array<i32>} : memref<1x64x16480xf32, #tpu.memory_space<vmem>>, vector<1x64x16384xf32>,
    %broadcast_in_dim3A = arith.constant 0.000000e+00 : f32
    %broadcast_in_dim3A_6 = vector.broadcast %broadcast_in_dim3A : f32 to vector<1x64x96xf32>
    %swap3A_7 = arith.constant 0 : index
    %swap3A_8 = arith.constant 0 : index
    %swap3A_9 = arith.constant 16384 : index
    %swap3A_10 = vector.load %arg2[%swap3A_7, %swap3A_8, %swap3A_9] : memref<1x64x16480xf32, #tpu.memory_space<vmem>>, vector<1x64x96xf32>
    tpu.vector_store %arg2[%swap3A_7, %swap3A_8, %swap3A_9], %broadcast_in_dim3A_6 {strides = array<i32>} : memref<1x64x16480xf32, #tpu.memory_space<vmem>>, vector<1x64x96xf32>,
    return
  }
  func.func @transform_0(%arg0: i32) -> (i32, i32, i32) {
    %c0_i32 = arith.constant 0 : i32
    %c0_i32_0 = arith.constant 0 : i32
    %c0_i32_1 = arith.constant 0 : i32
    return %arg0, %c0_i32, %c0_i32_0 : i32, i32, i32
  }
  func.func @transform_1(%arg0: i32) -> (i32, i32, i32) {
    %c0_i32 = arith.constant 0 : i32
    %c0_i32_0 = arith.constant 0 : i32
    %c0_i32_1 = arith.constant 0 : i32
    return %arg0, %c0_i32, %c0_i32_0 : i32, i32, i32
  }
}

module attributes {stable_mosaic.version = 14 : i64} {
  func.func @_tc_body(%arg0: i32, %arg1: memref<19x4096xf32, #tpu.memory_space<vmem>>, %arg2: memref<19x128xf32, #tpu.memory_space<vmem>>, %arg3: memref<32x3xf32, #tpu.memory_space<vmem>>, %arg4: memref<32xf32, #tpu.memory_space<vmem>>, %arg5: memref<64x32xf32, #tpu.memory_space<vmem>>, %arg6: memref<64xf32, #tpu.memory_space<vmem>>, %arg7: memref<32x16xf32, #tpu.memory_space<vmem>>, %arg8: memref<32xf32, #tpu.memory_space<vmem>>, %arg9: memref<64x32xf32, #tpu.memory_space<vmem>>, %arg10: memref<64xf32, #tpu.memory_space<vmem>>, %arg11: memref<128x64xf32, #tpu.memory_space<vmem>>, %arg12: memref<128xf32, #tpu.memory_space<vmem>>, %arg13: memref<64x128xf32, #tpu.memory_space<vmem>>, %arg14: memref<64xf32, #tpu.memory_space<vmem>>, %arg15: memref<3x64xf32, #tpu.memory_space<vmem>>, %arg16: memref<3xf32, #tpu.memory_space<vmem>>, %arg17: memref<128x64xf32, #tpu.memory_space<vmem>>, %arg18: memref<128xf32, #tpu.memory_space<vmem>>, %arg19: memref<64x128xf32, #tpu.memory_space<vmem>>, %arg20: memref<64xf32, #tpu.memory_space<vmem>>, %arg21: memref<16x64xf32, #tpu.memory_space<vmem>>, %arg22: memref<16xf32, #tpu.memory_space<vmem>>, %arg23: memref<19x128xf32, #tpu.memory_space<vmem>>) attributes {dimension_semantics = [#tpu.dimension_semantics<arbitrary>], iteration_bounds = array<i64: 12>, scalar_prefetch = 0 : i64, scratch_operands = 0 : i64, tpu.core_type = #tpu.core_type<tc>, window_params = [{transform_indices = @transform_0, window_bounds = array<i64: 19, 4096>}, {transform_indices = @transform_1, window_bounds = array<i64: 19, 128>}, {pipeline_mode = #tpu.pipeline_mode<synchronous>, transform_indices = @transform_2, window_bounds = array<i64: 32, 3>}, {pipeline_mode = #tpu.pipeline_mode<synchronous>, transform_indices = @transform_3, window_bounds = array<i64: 32>}, {pipeline_mode = #tpu.pipeline_mode<synchronous>, transform_indices = @transform_4, window_bounds = array<i64: 64, 32>}, {pipeline_mode = #tpu.pipeline_mode<synchronous>, transform_indices = @transform_5, window_bounds = array<i64: 64>}, {pipeline_mode = #tpu.pipeline_mode<synchronous>, transform_indices = @transform_6, window_bounds = array<i64: 32, 16>}, {pipeline_mode = #tpu.pipeline_mode<synchronous>, transform_indices = @transform_7, window_bounds = array<i64: 32>}, {pipeline_mode = #tpu.pipeline_mode<synchronous>, transform_indices = @transform_8, window_bounds = array<i64: 64, 32>}, {pipeline_mode = #tpu.pipeline_mode<synchronous>, transform_indices = @transform_9, window_bounds = array<i64: 64>}, {pipeline_mode = #tpu.pipeline_mode<synchronous>, transform_indices = @transform_10, window_bounds = array<i64: 128, 64>}, {pipeline_mode = #tpu.pipeline_mode<synchronous>, transform_indices = @transform_11, window_bounds = array<i64: 128>}, {pipeline_mode = #tpu.pipeline_mode<synchronous>, transform_indices = @transform_12, window_bounds = array<i64: 64, 128>}, {pipeline_mode = #tpu.pipeline_mode<synchronous>, transform_indices = @transform_13, window_bounds = array<i64: 64>}, {pipeline_mode = #tpu.pipeline_mode<synchronous>, transform_indices = @transform_14, window_bounds = array<i64: 3, 64>}, {pipeline_mode = #tpu.pipeline_mode<synchronous>, transform_indices = @transform_15, window_bounds = array<i64: 3>}, {pipeline_mode = #tpu.pipeline_mode<synchronous>, transform_indices = @transform_16, window_bounds = array<i64: 128, 64>}, {pipeline_mode = #tpu.pipeline_mode<synchronous>, transform_indices = @transform_17, window_bounds = array<i64: 128>}, {pipeline_mode = #tpu.pipeline_mode<synchronous>, transform_indices = @transform_18, window_bounds = array<i64: 64, 128>}, {pipeline_mode = #tpu.pipeline_mode<synchronous>, transform_indices = @transform_19, window_bounds = array<i64: 64>}, {pipeline_mode = #tpu.pipeline_mode<synchronous>, transform_indices = @transform_20, window_bounds = array<i64: 16, 64>}, {pipeline_mode = #tpu.pipeline_mode<synchronous>, transform_indices = @transform_21, window_bounds = array<i64: 16>}, {transform_indices = @transform_22, window_bounds = array<i64: 19, 128>}]} {
    %get3A = arith.constant 0 : index
    %get3A_0 = arith.constant 0 : index
    %get3A_1 = vector.load %arg1[%get3A, %get3A_0] : memref<19x4096xf32, #tpu.memory_space<vmem>>, vector<19x4096xf32>
    %reshape3A = vector.shape_cast %get3A_1 : vector<19x4096xf32> to vector<19x128x32xf32>
    %slice3A = vector.extract_strided_slice %reshape3A {offsets = [0, 0, 0], sizes = [19, 128, 1], strides = [1, 1, 1]} : vector<19x128x32xf32> to vector<19x128x1xf32>
    %sub3A = vector.broadcast %slice3A : vector<19x128x1xf32> to vector<19x128x32xf32>
    %sub3A_2 = arith.subf %reshape3A, %sub3A : vector<19x128x32xf32>
    %slice3A_3 = vector.extract_strided_slice %sub3A_2 {offsets = [0, 0, 0], sizes = [3, 128, 32], strides = [1, 1, 1]} : vector<19x128x32xf32> to vector<3x128x32xf32>
    %reshape3A_4 = vector.shape_cast %slice3A_3 : vector<3x128x32xf32> to vector<3x4096xf32>
    %slice3A_5 = vector.extract_strided_slice %sub3A_2 {offsets = [3, 0, 0], sizes = [16, 128, 32], strides = [1, 1, 1]} : vector<19x128x32xf32> to vector<16x128x32xf32>
    %reshape3A_6 = vector.shape_cast %slice3A_5 : vector<16x128x32xf32> to vector<16x4096xf32>
    %iota3A = tpu.iota {dimensions = array<i32: 2>} : vector<1x1x32xi32>
    %lt3A = arith.constant 20 : i32
    %lt3A_7 = vector.broadcast %lt3A : i32 to vector<1x1x32xi32>
    %lt3A_8 = arith.cmpi slt, %iota3A, %lt3A_7 : vector<1x1x32xi32>
    %get3A_9 = arith.constant 0 : index
    %get3A_10 = arith.constant 0 : index
    %get3A_11 = vector.load %arg3[%get3A_9, %get3A_10] : memref<32x3xf32, #tpu.memory_space<vmem>>, vector<32x3xf32>
    %convert_element_type3A = arith.truncf %get3A_11 : vector<32x3xf32> to vector<32x3xbf16>
    %convert_element_type3A_12 = arith.truncf %reshape3A_4 : vector<3x4096xf32> to vector<3x4096xbf16>
    %dot_general3A = arith.constant dense<0.000000e+00> : vector<32x4096xf32>
    %dot_general3A_13 = tpu.matmul %convert_element_type3A, %convert_element_type3A_12, %dot_general3A {dimension_numbers = #tpu.dot_dimension_numbers<[1], [0], [0], [1], [0, 0, 1, 1], [], []>, transpose_lhs_hint = false} : vector<32x3xbf16>, vector<3x4096xbf16>, vector<32x4096xf32> -> vector<32x4096xf32>
    %get3A_14 = arith.constant 0 : index
    %get3A_15 = vector.load %arg4[%get3A_14] : memref<32xf32, #tpu.memory_space<vmem>>, vector<32xf32>
    %broadcast_in_dim3A = vector.shape_cast %get3A_15 : vector<32xf32> to vector<32x1xf32>
    %add3A = vector.broadcast %broadcast_in_dim3A : vector<32x1xf32> to vector<32x4096xf32>
    %add3A_16 = arith.addf %dot_general3A_13, %add3A : vector<32x4096xf32>
    %max3A = arith.constant 0.000000e+00 : f32
    %max3A_17 = vector.broadcast %max3A : f32 to vector<32x4096xf32>
    %max3A_18 = arith.maximumf %add3A_16, %max3A_17 : vector<32x4096xf32>
    %get3A_19 = arith.constant 0 : index
    %get3A_20 = arith.constant 0 : index
    %get3A_21 = vector.load %arg5[%get3A_19, %get3A_20] : memref<64x32xf32, #tpu.memory_space<vmem>>, vector<64x32xf32>
    %convert_element_type3A_22 = arith.truncf %get3A_21 : vector<64x32xf32> to vector<64x32xbf16>
    %convert_element_type3A_23 = arith.truncf %max3A_18 : vector<32x4096xf32> to vector<32x4096xbf16>
    %dot_general3A_24 = arith.constant dense<0.000000e+00> : vector<64x4096xf32>
    %dot_general3A_25 = tpu.matmul %convert_element_type3A_22, %convert_element_type3A_23, %dot_general3A_24 {dimension_numbers = #tpu.dot_dimension_numbers<[1], [0], [0], [1], [0, 0, 1, 1], [], []>, transpose_lhs_hint = false} : vector<64x32xbf16>, vector<32x4096xbf16>, vector<64x4096xf32> -> vector<64x4096xf32>
    %get3A_26 = arith.constant 0 : index
    %get3A_27 = vector.load %arg6[%get3A_26] : memref<64xf32, #tpu.memory_space<vmem>>, vector<64xf32>
    %broadcast_in_dim3A_28 = vector.shape_cast %get3A_27 : vector<64xf32> to vector<64x1xf32>
    %add3A_29 = vector.broadcast %broadcast_in_dim3A_28 : vector<64x1xf32> to vector<64x4096xf32>
    %add3A_30 = arith.addf %dot_general3A_25, %add3A_29 : vector<64x4096xf32>
    %reshape3A_31 = vector.shape_cast %add3A_30 : vector<64x4096xf32> to vector<64x128x32xf32>
    %jit3A = arith.constant -1.000000e+30 : f32
    %broadcast_in_dim3A_32 = vector.shape_cast %lt3A_8 : vector<1x1x32xi1> to vector<1x1x32xi1>
    %broadcast_in_dim3A_33 = vector.broadcast %broadcast_in_dim3A_32 : vector<1x1x32xi1> to vector<64x128x32xi1>
    %broadcast_in_dim3A_34 = vector.broadcast %jit3A : f32 to vector<64x128x32xf32>
    %select_n3A = arith.select %broadcast_in_dim3A_33, %reshape3A_31, %broadcast_in_dim3A_34 : vector<64x128x32xi1>, vector<64x128x32xf32>
    %reduce_max3A = arith.constant dense<0xFF800000> : vector<64x128xf32>
    %reduce_max3A_35 = vector.multi_reduction <maximumf>, %select_n3A, %reduce_max3A [2] : vector<64x128x32xf32> to vector<64x128xf32>
    %get3A_36 = arith.constant 0 : index
    %get3A_37 = arith.constant 0 : index
    %get3A_38 = vector.load %arg7[%get3A_36, %get3A_37] : memref<32x16xf32, #tpu.memory_space<vmem>>, vector<32x16xf32>
    %convert_element_type3A_39 = arith.truncf %get3A_38 : vector<32x16xf32> to vector<32x16xbf16>
    %convert_element_type3A_40 = arith.truncf %reshape3A_6 : vector<16x4096xf32> to vector<16x4096xbf16>
    %dot_general3A_41 = arith.constant dense<0.000000e+00> : vector<32x4096xf32>
    %dot_general3A_42 = tpu.matmul %convert_element_type3A_39, %convert_element_type3A_40, %dot_general3A_41 {dimension_numbers = #tpu.dot_dimension_numbers<[1], [0], [0], [1], [0, 0, 1, 1], [], []>, transpose_lhs_hint = false} : vector<32x16xbf16>, vector<16x4096xbf16>, vector<32x4096xf32> -> vector<32x4096xf32>
    %get3A_43 = arith.constant 0 : index
    %get3A_44 = vector.load %arg8[%get3A_43] : memref<32xf32, #tpu.memory_space<vmem>>, vector<32xf32>
    %broadcast_in_dim3A_45 = vector.shape_cast %get3A_44 : vector<32xf32> to vector<32x1xf32>
    %add3A_46 = vector.broadcast %broadcast_in_dim3A_45 : vector<32x1xf32> to vector<32x4096xf32>
    %add3A_47 = arith.addf %dot_general3A_42, %add3A_46 : vector<32x4096xf32>
    %max3A_48 = arith.constant 0.000000e+00 : f32
    %max3A_49 = vector.broadcast %max3A_48 : f32 to vector<32x4096xf32>
    %max3A_50 = arith.maximumf %add3A_47, %max3A_49 : vector<32x4096xf32>
    %get3A_51 = arith.constant 0 : index
    %get3A_52 = arith.constant 0 : index
    %get3A_53 = vector.load %arg9[%get3A_51, %get3A_52] : memref<64x32xf32, #tpu.memory_space<vmem>>, vector<64x32xf32>
    %convert_element_type3A_54 = arith.truncf %get3A_53 : vector<64x32xf32> to vector<64x32xbf16>
    %convert_element_type3A_55 = arith.truncf %max3A_50 : vector<32x4096xf32> to vector<32x4096xbf16>
    %dot_general3A_56 = arith.constant dense<0.000000e+00> : vector<64x4096xf32>
    %dot_general3A_57 = tpu.matmul %convert_element_type3A_54, %convert_element_type3A_55, %dot_general3A_56 {dimension_numbers = #tpu.dot_dimension_numbers<[1], [0], [0], [1], [0, 0, 1, 1], [], []>, transpose_lhs_hint = false} : vector<64x32xbf16>, vector<32x4096xbf16>, vector<64x4096xf32> -> vector<64x4096xf32>
    %get3A_58 = arith.constant 0 : index
    %get3A_59 = vector.load %arg10[%get3A_58] : memref<64xf32, #tpu.memory_space<vmem>>, vector<64xf32>
    %broadcast_in_dim3A_60 = vector.shape_cast %get3A_59 : vector<64xf32> to vector<64x1xf32>
    %add3A_61 = vector.broadcast %broadcast_in_dim3A_60 : vector<64x1xf32> to vector<64x4096xf32>
    %add3A_62 = arith.addf %dot_general3A_57, %add3A_61 : vector<64x4096xf32>
    %reshape3A_63 = vector.shape_cast %add3A_62 : vector<64x4096xf32> to vector<64x128x32xf32>
    %jit3A_64 = arith.constant -1.000000e+30 : f32
    %broadcast_in_dim3A_65 = vector.shape_cast %lt3A_8 : vector<1x1x32xi1> to vector<1x1x32xi1>
    %broadcast_in_dim3A_66 = vector.broadcast %broadcast_in_dim3A_65 : vector<1x1x32xi1> to vector<64x128x32xi1>
    %broadcast_in_dim3A_67 = vector.broadcast %jit3A_64 : f32 to vector<64x128x32xf32>
    %select_n3A_68 = arith.select %broadcast_in_dim3A_66, %reshape3A_63, %broadcast_in_dim3A_67 : vector<64x128x32xi1>, vector<64x128x32xf32>
    %reduce_max3A_69 = arith.constant dense<0xFF800000> : vector<64x128xf32>
    %reduce_max3A_70 = vector.multi_reduction <maximumf>, %select_n3A_68, %reduce_max3A_69 [2] : vector<64x128x32xf32> to vector<64x128xf32>
    %max3A_71 = arith.constant 0.000000e+00 : f32
    %max3A_72 = vector.broadcast %max3A_71 : f32 to vector<64x128xf32>
    %max3A_73 = arith.maximumf %reduce_max3A_35, %max3A_72 : vector<64x128xf32>
    %get3A_74 = arith.constant 0 : index
    %get3A_75 = arith.constant 0 : index
    %get3A_76 = vector.load %arg11[%get3A_74, %get3A_75] : memref<128x64xf32, #tpu.memory_space<vmem>>, vector<128x64xf32>
    %convert_element_type3A_77 = arith.truncf %get3A_76 : vector<128x64xf32> to vector<128x64xbf16>
    %convert_element_type3A_78 = arith.truncf %max3A_73 : vector<64x128xf32> to vector<64x128xbf16>
    %dot_general3A_79 = arith.constant dense<0.000000e+00> : vector<128x128xf32>
    %dot_general3A_80 = tpu.matmul %convert_element_type3A_77, %convert_element_type3A_78, %dot_general3A_79 {dimension_numbers = #tpu.dot_dimension_numbers<[1], [0], [0], [1], [0, 0, 1, 1], [], []>, transpose_lhs_hint = false} : vector<128x64xbf16>, vector<64x128xbf16>, vector<128x128xf32> -> vector<128x128xf32>
    %get3A_81 = arith.constant 0 : index
    %get3A_82 = vector.load %arg12[%get3A_81] : memref<128xf32, #tpu.memory_space<vmem>>, vector<128xf32>
    %broadcast_in_dim3A_83 = vector.shape_cast %get3A_82 : vector<128xf32> to vector<128x1xf32>
    %add3A_84 = vector.broadcast %broadcast_in_dim3A_83 : vector<128x1xf32> to vector<128x128xf32>
    %add3A_85 = arith.addf %dot_general3A_80, %add3A_84 : vector<128x128xf32>
    %max3A_86 = arith.constant 0.000000e+00 : f32
    %max3A_87 = vector.broadcast %max3A_86 : f32 to vector<128x128xf32>
    %max3A_88 = arith.maximumf %add3A_85, %max3A_87 : vector<128x128xf32>
    %get3A_89 = arith.constant 0 : index
    %get3A_90 = arith.constant 0 : index
    %get3A_91 = vector.load %arg13[%get3A_89, %get3A_90] : memref<64x128xf32, #tpu.memory_space<vmem>>, vector<64x128xf32>
    %convert_element_type3A_92 = arith.truncf %get3A_91 : vector<64x128xf32> to vector<64x128xbf16>
    %convert_element_type3A_93 = arith.truncf %max3A_88 : vector<128x128xf32> to vector<128x128xbf16>
    %dot_general3A_94 = arith.constant dense<0.000000e+00> : vector<64x128xf32>
    %dot_general3A_95 = tpu.matmul %convert_element_type3A_92, %convert_element_type3A_93, %dot_general3A_94 {dimension_numbers = #tpu.dot_dimension_numbers<[1], [0], [0], [1], [0, 0, 1, 1], [], []>, transpose_lhs_hint = false} : vector<64x128xbf16>, vector<128x128xbf16>, vector<64x128xf32> -> vector<64x128xf32>
    %get3A_96 = arith.constant 0 : index
    %get3A_97 = vector.load %arg14[%get3A_96] : memref<64xf32, #tpu.memory_space<vmem>>, vector<64xf32>
    %broadcast_in_dim3A_98 = vector.shape_cast %get3A_97 : vector<64xf32> to vector<64x1xf32>
    %add3A_99 = vector.broadcast %broadcast_in_dim3A_98 : vector<64x1xf32> to vector<64x128xf32>
    %add3A_100 = arith.addf %dot_general3A_95, %add3A_99 : vector<64x128xf32>
    %max3A_101 = arith.constant 0.000000e+00 : f32
    %max3A_102 = vector.broadcast %max3A_101 : f32 to vector<64x128xf32>
    %max3A_103 = arith.maximumf %add3A_100, %max3A_102 : vector<64x128xf32>
    %get3A_104 = arith.constant 0 : index
    %get3A_105 = arith.constant 0 : index
    %get3A_106 = vector.load %arg15[%get3A_104, %get3A_105] : memref<3x64xf32, #tpu.memory_space<vmem>>, vector<3x64xf32>
    %convert_element_type3A_107 = arith.truncf %get3A_106 : vector<3x64xf32> to vector<3x64xbf16>
    %convert_element_type3A_108 = arith.truncf %max3A_103 : vector<64x128xf32> to vector<64x128xbf16>
    %dot_general3A_109 = arith.constant dense<0.000000e+00> : vector<3x128xf32>
    %dot_general3A_110 = tpu.matmul %convert_element_type3A_107, %convert_element_type3A_108, %dot_general3A_109 {dimension_numbers = #tpu.dot_dimension_numbers<[1], [0], [0], [1], [0, 0, 1, 1], [], []>, transpose_lhs_hint = false} : vector<3x64xbf16>, vector<64x128xbf16>, vector<3x128xf32> -> vector<3x128xf32>
    %get3A_111 = arith.constant 0 : index
    %get3A_112 = vector.load %arg16[%get3A_111] : memref<3xf32, #tpu.memory_space<vmem>>, vector<3xf32>
    %broadcast_in_dim3A_113 = vector.shape_cast %get3A_112 : vector<3xf32> to vector<3x1xf32>
    %add3A_114 = vector.broadcast %broadcast_in_dim3A_113 : vector<3x1xf32> to vector<3x128xf32>
    %add3A_115 = arith.addf %dot_general3A_110, %add3A_114 : vector<3x128xf32>
    %tanh3A = math.tanh %add3A_115 : vector<3x128xf32>
    %mul3A = arith.constant 2.000000e-01 : f32
    %mul3A_116 = vector.broadcast %mul3A : f32 to vector<3x128xf32>
    %mul3A_117 = arith.mulf %tanh3A, %mul3A_116 : vector<3x128xf32>
    %max3A_118 = arith.constant 0.000000e+00 : f32
    %max3A_119 = vector.broadcast %max3A_118 : f32 to vector<64x128xf32>
    %max3A_120 = arith.maximumf %reduce_max3A_70, %max3A_119 : vector<64x128xf32>
    %get3A_121 = arith.constant 0 : index
    %get3A_122 = arith.constant 0 : index
    %get3A_123 = vector.load %arg17[%get3A_121, %get3A_122] : memref<128x64xf32, #tpu.memory_space<vmem>>, vector<128x64xf32>
    %convert_element_type3A_124 = arith.truncf %get3A_123 : vector<128x64xf32> to vector<128x64xbf16>
    %convert_element_type3A_125 = arith.truncf %max3A_120 : vector<64x128xf32> to vector<64x128xbf16>
    %dot_general3A_126 = arith.constant dense<0.000000e+00> : vector<128x128xf32>
    %dot_general3A_127 = tpu.matmul %convert_element_type3A_124, %convert_element_type3A_125, %dot_general3A_126 {dimension_numbers = #tpu.dot_dimension_numbers<[1], [0], [0], [1], [0, 0, 1, 1], [], []>, transpose_lhs_hint = false} : vector<128x64xbf16>, vector<64x128xbf16>, vector<128x128xf32> -> vector<128x128xf32>
    %get3A_128 = arith.constant 0 : index
    %get3A_129 = vector.load %arg18[%get3A_128] : memref<128xf32, #tpu.memory_space<vmem>>, vector<128xf32>
    %broadcast_in_dim3A_130 = vector.shape_cast %get3A_129 : vector<128xf32> to vector<128x1xf32>
    %add3A_131 = vector.broadcast %broadcast_in_dim3A_130 : vector<128x1xf32> to vector<128x128xf32>
    %add3A_132 = arith.addf %dot_general3A_127, %add3A_131 : vector<128x128xf32>
    %max3A_133 = arith.constant 0.000000e+00 : f32
    %max3A_134 = vector.broadcast %max3A_133 : f32 to vector<128x128xf32>
    %max3A_135 = arith.maximumf %add3A_132, %max3A_134 : vector<128x128xf32>
    %get3A_136 = arith.constant 0 : index
    %get3A_137 = arith.constant 0 : index
    %get3A_138 = vector.load %arg19[%get3A_136, %get3A_137] : memref<64x128xf32, #tpu.memory_space<vmem>>, vector<64x128xf32>
    %convert_element_type3A_139 = arith.truncf %get3A_138 : vector<64x128xf32> to vector<64x128xbf16>
    %convert_element_type3A_140 = arith.truncf %max3A_135 : vector<128x128xf32> to vector<128x128xbf16>
    %dot_general3A_141 = arith.constant dense<0.000000e+00> : vector<64x128xf32>
    %dot_general3A_142 = tpu.matmul %convert_element_type3A_139, %convert_element_type3A_140, %dot_general3A_141 {dimension_numbers = #tpu.dot_dimension_numbers<[1], [0], [0], [1], [0, 0, 1, 1], [], []>, transpose_lhs_hint = false} : vector<64x128xbf16>, vector<128x128xbf16>, vector<64x128xf32> -> vector<64x128xf32>
    %get3A_143 = arith.constant 0 : index
    %get3A_144 = vector.load %arg20[%get3A_143] : memref<64xf32, #tpu.memory_space<vmem>>, vector<64xf32>
    %broadcast_in_dim3A_145 = vector.shape_cast %get3A_144 : vector<64xf32> to vector<64x1xf32>
    %add3A_146 = vector.broadcast %broadcast_in_dim3A_145 : vector<64x1xf32> to vector<64x128xf32>
    %add3A_147 = arith.addf %dot_general3A_142, %add3A_146 : vector<64x128xf32>
    %max3A_148 = arith.constant 0.000000e+00 : f32
    %max3A_149 = vector.broadcast %max3A_148 : f32 to vector<64x128xf32>
    %max3A_150 = arith.maximumf %add3A_147, %max3A_149 : vector<64x128xf32>
    %get3A_151 = arith.constant 0 : index
    %get3A_152 = arith.constant 0 : index
    %get3A_153 = vector.load %arg21[%get3A_151, %get3A_152] : memref<16x64xf32, #tpu.memory_space<vmem>>, vector<16x64xf32>
    %convert_element_type3A_154 = arith.truncf %get3A_153 : vector<16x64xf32> to vector<16x64xbf16>
    %convert_element_type3A_155 = arith.truncf %max3A_150 : vector<64x128xf32> to vector<64x128xbf16>
    %dot_general3A_156 = arith.constant dense<0.000000e+00> : vector<16x128xf32>
    %dot_general3A_157 = tpu.matmul %convert_element_type3A_154, %convert_element_type3A_155, %dot_general3A_156 {dimension_numbers = #tpu.dot_dimension_numbers<[1], [0], [0], [1], [0, 0, 1, 1], [], []>, transpose_lhs_hint = false} : vector<16x64xbf16>, vector<64x128xbf16>, vector<16x128xf32> -> vector<16x128xf32>
    %get3A_158 = arith.constant 0 : index
    %get3A_159 = vector.load %arg22[%get3A_158] : memref<16xf32, #tpu.memory_space<vmem>>, vector<16xf32>
    %broadcast_in_dim3A_160 = vector.shape_cast %get3A_159 : vector<16xf32> to vector<16x1xf32>
    %add3A_161 = vector.broadcast %broadcast_in_dim3A_160 : vector<16x1xf32> to vector<16x128xf32>
    %add3A_162 = arith.addf %dot_general3A_157, %add3A_161 : vector<16x128xf32>
    %tanh3A_163 = math.tanh %add3A_162 : vector<16x128xf32>
    %mul3A_164 = arith.constant 2.000000e-01 : f32
    %mul3A_165 = vector.broadcast %mul3A_164 : f32 to vector<16x128xf32>
    %mul3A_166 = arith.mulf %tanh3A_163, %mul3A_165 : vector<16x128xf32>
    %concatenate3A = tpu.concatenate %mul3A_117, %mul3A_166 in 0 : vector<3x128xf32>, vector<16x128xf32> -> vector<19x128xf32>
    %get3A_167 = arith.constant 0 : index
    %get3A_168 = arith.constant 0 : index
    %get3A_169 = vector.load %arg2[%get3A_167, %get3A_168] : memref<19x128xf32, #tpu.memory_space<vmem>>, vector<19x128xf32>
    %add3A_170 = arith.addf %get3A_169, %concatenate3A : vector<19x128xf32>
    %swap3A = arith.constant 0 : index
    %swap3A_171 = arith.constant 0 : index
    %swap3A_172 = vector.load %arg23[%swap3A, %swap3A_171] : memref<19x128xf32, #tpu.memory_space<vmem>>, vector<19x128xf32>
    tpu.vector_store %arg23[%swap3A, %swap3A_171], %add3A_170 {strides = array<i32>} : memref<19x128xf32, #tpu.memory_space<vmem>>, vector<19x128xf32>,
    return
  }
  func.func @transform_0(%arg0: i32) -> (i32, i32) {
    %c0_i32 = arith.constant 0 : i32
    %c0_i32_0 = arith.constant 0 : i32
    return %c0_i32, %arg0 : i32, i32
  }
  func.func @transform_1(%arg0: i32) -> (i32, i32) {
    %c0_i32 = arith.constant 0 : i32
    %c0_i32_0 = arith.constant 0 : i32
    return %c0_i32, %arg0 : i32, i32
  }
  func.func @transform_2(%arg0: i32) -> (i32, i32) {
    %c0_i32 = arith.constant 0 : i32
    %c0_i32_0 = arith.constant 0 : i32
    %c0_i32_1 = arith.constant 0 : i32
    return %c0_i32, %c0_i32_0 : i32, i32
  }
  func.func @transform_3(%arg0: i32) -> i32 {
    %c0_i32 = arith.constant 0 : i32
    %c0_i32_0 = arith.constant 0 : i32
    return %c0_i32 : i32
  }
  func.func @transform_4(%arg0: i32) -> (i32, i32) {
    %c0_i32 = arith.constant 0 : i32
    %c0_i32_0 = arith.constant 0 : i32
    %c0_i32_1 = arith.constant 0 : i32
    return %c0_i32, %c0_i32_0 : i32, i32
  }
  func.func @transform_5(%arg0: i32) -> i32 {
    %c0_i32 = arith.constant 0 : i32
    %c0_i32_0 = arith.constant 0 : i32
    return %c0_i32 : i32
  }
  func.func @transform_6(%arg0: i32) -> (i32, i32) {
    %c0_i32 = arith.constant 0 : i32
    %c0_i32_0 = arith.constant 0 : i32
    %c0_i32_1 = arith.constant 0 : i32
    return %c0_i32, %c0_i32_0 : i32, i32
  }
  func.func @transform_7(%arg0: i32) -> i32 {
    %c0_i32 = arith.constant 0 : i32
    %c0_i32_0 = arith.constant 0 : i32
    return %c0_i32 : i32
  }
  func.func @transform_8(%arg0: i32) -> (i32, i32) {
    %c0_i32 = arith.constant 0 : i32
    %c0_i32_0 = arith.constant 0 : i32
    %c0_i32_1 = arith.constant 0 : i32
    return %c0_i32, %c0_i32_0 : i32, i32
  }
  func.func @transform_9(%arg0: i32) -> i32 {
    %c0_i32 = arith.constant 0 : i32
    %c0_i32_0 = arith.constant 0 : i32
    return %c0_i32 : i32
  }
  func.func @transform_10(%arg0: i32) -> (i32, i32) {
    %c0_i32 = arith.constant 0 : i32
    %c0_i32_0 = arith.constant 0 : i32
    %c0_i32_1 = arith.constant 0 : i32
    return %c0_i32, %c0_i32_0 : i32, i32
  }
  func.func @transform_11(%arg0: i32) -> i32 {
    %c0_i32 = arith.constant 0 : i32
    %c0_i32_0 = arith.constant 0 : i32
    return %c0_i32 : i32
  }
  func.func @transform_12(%arg0: i32) -> (i32, i32) {
    %c0_i32 = arith.constant 0 : i32
    %c0_i32_0 = arith.constant 0 : i32
    %c0_i32_1 = arith.constant 0 : i32
    return %c0_i32, %c0_i32_0 : i32, i32
  }
  func.func @transform_13(%arg0: i32) -> i32 {
    %c0_i32 = arith.constant 0 : i32
    %c0_i32_0 = arith.constant 0 : i32
    return %c0_i32 : i32
  }
  func.func @transform_14(%arg0: i32) -> (i32, i32) {
    %c0_i32 = arith.constant 0 : i32
    %c0_i32_0 = arith.constant 0 : i32
    %c0_i32_1 = arith.constant 0 : i32
    return %c0_i32, %c0_i32_0 : i32, i32
  }
  func.func @transform_15(%arg0: i32) -> i32 {
    %c0_i32 = arith.constant 0 : i32
    %c0_i32_0 = arith.constant 0 : i32
    return %c0_i32 : i32
  }
  func.func @transform_16(%arg0: i32) -> (i32, i32) {
    %c0_i32 = arith.constant 0 : i32
    %c0_i32_0 = arith.constant 0 : i32
    %c0_i32_1 = arith.constant 0 : i32
    return %c0_i32, %c0_i32_0 : i32, i32
  }
  func.func @transform_17(%arg0: i32) -> i32 {
    %c0_i32 = arith.constant 0 : i32
    %c0_i32_0 = arith.constant 0 : i32
    return %c0_i32 : i32
  }
  func.func @transform_18(%arg0: i32) -> (i32, i32) {
    %c0_i32 = arith.constant 0 : i32
    %c0_i32_0 = arith.constant 0 : i32
    %c0_i32_1 = arith.constant 0 : i32
    return %c0_i32, %c0_i32_0 : i32, i32
  }
  func.func @transform_19(%arg0: i32) -> i32 {
    %c0_i32 = arith.constant 0 : i32
    %c0_i32_0 = arith.constant 0 : i32
    return %c0_i32 : i32
  }
  func.func @transform_20(%arg0: i32) -> (i32, i32) {
    %c0_i32 = arith.constant 0 : i32
    %c0_i32_0 = arith.constant 0 : i32
    %c0_i32_1 = arith.constant 0 : i32
    return %c0_i32, %c0_i32_0 : i32, i32
  }
  func.func @transform_21(%arg0: i32) -> i32 {
    %c0_i32 = arith.constant 0 : i32
    %c0_i32_0 = arith.constant 0 : i32
    return %c0_i32 : i32
  }
  func.func @transform_22(%arg0: i32) -> (i32, i32) {
    %c0_i32 = arith.constant 0 : i32
    %c0_i32_0 = arith.constant 0 : i32
    return %c0_i32, %arg0 : i32, i32
  }
}

module attributes {stable_mosaic.version = 14 : i64} {
  func.func @_tail_body(%arg0: i32, %arg1: memref<1x19x128xf32, #tpu.memory_space<vmem>>, %arg2: memref<1x19x96xf32, #tpu.memory_space<vmem>>, %arg3: memref<1x19x128xf32, #tpu.memory_space<vmem>>) attributes {dimension_semantics = [#tpu.dimension_semantics<arbitrary>], iteration_bounds = array<i64: 16>, scalar_prefetch = 0 : i64, scratch_operands = 0 : i64, tpu.core_type = #tpu.core_type<tc>, window_params = [{transform_indices = @transform_0, window_bounds = array<i64: 1, 19, 128>}, {transform_indices = @transform_1, window_bounds = array<i64: 1, 19, 96>}, {transform_indices = @transform_2, window_bounds = array<i64: 1, 19, 128>}]} {
    %get3A = arith.constant 0 : index
    %get3A_0 = arith.constant 0 : index
    %get3A_1 = arith.constant 0 : index
    %get3A_2 = vector.load %arg2[%get3A, %get3A_0, %get3A_1] : memref<1x19x96xf32, #tpu.memory_space<vmem>>, vector<1x19x96xf32>
    %swap3A = arith.constant 0 : index
    %swap3A_3 = arith.constant 0 : index
    %swap3A_4 = arith.constant 0 : index
    %swap3A_5 = vector.load %arg3[%swap3A, %swap3A_3, %swap3A_4] : memref<1x19x128xf32, #tpu.memory_space<vmem>>, vector<1x19x96xf32>
    tpu.vector_store %arg3[%swap3A, %swap3A_3, %swap3A_4], %get3A_2 {strides = array<i32>} : memref<1x19x128xf32, #tpu.memory_space<vmem>>, vector<1x19x96xf32>,
    return
  }
  func.func @transform_0(%arg0: i32) -> (i32, i32, i32) {
    %c0_i32 = arith.constant 0 : i32
    %c128_i32 = arith.constant 128 : i32
    %c0_i32_0 = arith.constant 0 : i32
    return %arg0, %c0_i32, %c128_i32 : i32, i32, i32
  }
  func.func @transform_1(%arg0: i32) -> (i32, i32, i32) {
    %c0_i32 = arith.constant 0 : i32
    %c0_i32_0 = arith.constant 0 : i32
    %c0_i32_1 = arith.constant 0 : i32
    return %arg0, %c0_i32, %c0_i32_0 : i32, i32, i32
  }
  func.func @transform_2(%arg0: i32) -> (i32, i32, i32) {
    %c0_i32 = arith.constant 0 : i32
    %c128_i32 = arith.constant 128 : i32
    %c0_i32_0 = arith.constant 0 : i32
    return %arg0, %c0_i32, %c128_i32 : i32, i32, i32
  }
}

module attributes {stable_mosaic.version = 14 : i64} {
  func.func @_tail_body(%arg0: i32, %arg1: memref<1x64x128xf32, #tpu.memory_space<vmem>>, %arg2: memref<1x64x96xf32, #tpu.memory_space<vmem>>, %arg3: memref<1x64x128xf32, #tpu.memory_space<vmem>>) attributes {dimension_semantics = [#tpu.dimension_semantics<arbitrary>], iteration_bounds = array<i64: 16>, scalar_prefetch = 0 : i64, scratch_operands = 0 : i64, tpu.core_type = #tpu.core_type<tc>, window_params = [{transform_indices = @transform_0, window_bounds = array<i64: 1, 64, 128>}, {transform_indices = @transform_1, window_bounds = array<i64: 1, 64, 96>}, {transform_indices = @transform_2, window_bounds = array<i64: 1, 64, 128>}]} {
    %get3A = arith.constant 0 : index
    %get3A_0 = arith.constant 0 : index
    %get3A_1 = arith.constant 0 : index
    %get3A_2 = vector.load %arg2[%get3A, %get3A_0, %get3A_1] : memref<1x64x96xf32, #tpu.memory_space<vmem>>, vector<1x64x96xf32>
    %swap3A = arith.constant 0 : index
    %swap3A_3 = arith.constant 0 : index
    %swap3A_4 = arith.constant 0 : index
    %swap3A_5 = vector.load %arg3[%swap3A, %swap3A_3, %swap3A_4] : memref<1x64x128xf32, #tpu.memory_space<vmem>>, vector<1x64x96xf32>
    tpu.vector_store %arg3[%swap3A, %swap3A_3, %swap3A_4], %get3A_2 {strides = array<i32>} : memref<1x64x128xf32, #tpu.memory_space<vmem>>, vector<1x64x96xf32>,
    return
  }
  func.func @transform_0(%arg0: i32) -> (i32, i32, i32) {
    %c0_i32 = arith.constant 0 : i32
    %c128_i32 = arith.constant 128 : i32
    %c0_i32_0 = arith.constant 0 : i32
    return %arg0, %c0_i32, %c128_i32 : i32, i32, i32
  }
  func.func @transform_1(%arg0: i32) -> (i32, i32, i32) {
    %c0_i32 = arith.constant 0 : i32
    %c0_i32_0 = arith.constant 0 : i32
    %c0_i32_1 = arith.constant 0 : i32
    return %arg0, %c0_i32, %c0_i32_0 : i32, i32, i32
  }
  func.func @transform_2(%arg0: i32) -> (i32, i32, i32) {
    %c0_i32 = arith.constant 0 : i32
    %c128_i32 = arith.constant 128 : i32
    %c0_i32_0 = arith.constant 0 : i32
    return %arg0, %c0_i32, %c128_i32 : i32, i32, i32
  }
}

</mosaic_0001>

<sc_bundles>
// kernel: kernel.8.cloned.1.call-start
scs
__scs_entry_jumppad:
0x0: {  	(pc) =	sbr.rel $0x88, $3  }
0x1: {  	(tag) =	ssettag $0x0;
	lr =	simm.s32 $0x1  }
0x2: {  	[smem:$0x3F8A] =	sst lr;
	_ =	strace $0xD0000000  }
0x3: {  	_ = 	snop  }
0x4: {  	_ = 	snop  }
0x5: {  	_ = 	snop  }
0x6: {  	_ = 	snop  }
0x7: {  	_ = 	snop  }
__scs_overlays_trampoline_lowered:
0x8: {  	[smem:$0x3F99] =	sst s0  }
0x9: {  	[smem:$0x3F9A] =	sst s1  }
0xa: {  	[smem:$0x3F9B] =	sst s2  }
0xb: {  	[smem:$0x3F9C] =	sst s3  }
0xc: {  	[smem:$0x3F9D] =	sst s4  }
0xd: {  	[smem:$0x3F9E] =	sst s5  }
0xe: {  	[smem:$0x3F9F] =	sst s6  }
0xf: {  	[smem:$0x3FA0] =	sst s7  }
0x10: {  	[smem:$0x3FA1] =	sst s8  }
0x11: {  	[smem:$0x3FA2] =	sst s9;
	s0 =	simm.s32 @!p0 $0x0  }
0x12: {  	s1 =	sld [smem:$0x3F88];
	s0 =	simm.s32 @p0 $0x1  }
0x13: {  	[smem:$0x3FA3] =	sst s0;
	s0 =	simm.s32 @!p1 $0x0  }
0x14: {  	s2 =	sld [smem:$0x3F87];
	s0 =	simm.s32 @p1 $0x1  }
0x15: {  	[smem:$0x3FA4] =	sst s0;
	s0 =	simm.s32 @!p2 $0x0  }
0x16: {  	s3 =	sld [smem:$0x3FDB];
	s0 =	simm.s32 @p2 $0x1  }
0x17: {  	s4 =	simm.s32 $0x1BF5;
	[smem:$0x3FA6] =	sst s0  }
0x18: {  	s0 =	sld [smem:$0x3F89];
	_ =	swait.ge [sflag:s4], $0x0  }
0x19: {  	s7 =	sld [smem:$0x3F8A]  }
0x1a: {  	s8 =	sadd.s32 $0xFFFFE003, lr  }
0x1b: {  	s9 =	sadd.s32 $0xFFFFFEF7, lr;
	s5 =	simm.s32 $0xFFFFFFFF;
	p2 =	slt.u32 s8, $0xFFFFF086  }
0x1c: {  	p1 =	slt.u32 s9, $0xF7A;
	s5 =	simm.s32 @!p2 $0x0  }
0x1d: {  	s5 =	simm.s32 @p1 $0x1;
	p0 =	seq.s32 s7, s2  }
0x1e: {  	s7 =	smul.u32 @!p0 $0xF7A, s2;
	p2 =	seq.s32 @!p0 s5, $0x0  }
0x1f: {  	s9 =	smul.u32 $0xF7A, s1;
	s8 =	simm.s32 @!p0 $0x1BF5;
	p2 =	por !p2, p0  }
0x20: {  	[sflag:s8] =	ssyncset.s32 @!p0 $0xFFFFF086;
	s6 =	sadd.s32 @!p0 s3, s7;
	s7 =	simm.s32 @!p0 $0x108  }
0x21: {  	s3 =	sadd.s32 s3, s9;
	s6 =	sadd.s32 @!p0 $0x88, s6;
	s7 =	simm.s32 @p2 $0x1082  }
0x22: {  	[simem:s7], [sflag:s8] =	dma.local @!p0 [hbm:s6], $0xF7A  }
0x23: {  	s9 =	sor.u32 $0xD0000000, s2;
	s6 =	simm.s32 $0x108;
	_ =	swait.ge @!p0 [sflag:s8], $0x0  }
0x24: {  	s3 =	sadd.s32 $0x88, s3;
	s6 =	simm.s32 @!p1 $0x1082;
	[sflag:s4] =	ssyncset.s32 $0xFFFFF086  }
0x25: {  	[simem:s6], [sflag:s4] =	dma.local [hbm:s3], $0xF7A  }
0x26: {  	[smem:$0x3F8A] =	sst s1;
	(tag) =	ssettag s2;
	_ =	strace s9  }
0x27: {  	s1 =	sld [smem:$0x3F9A]  }
0x28: {  	s2 =	sld [smem:$0x3F9B]  }
0x29: {  	s4 =	sld [smem:$0x3F9D]  }
0x2a: {  	p0 =	seq.s32 s5, $0x0;
	s5 =	sld [smem:$0x3F9E]  }
0x2b: {  	s6 =	sld [smem:$0x3F9F]  }
0x2c: {  	s7 =	sld [smem:$0x3FA0]  }
0x2d: {  	s3 =	simm.s32 $0x108;
	s8 =	sld [smem:$0x3FA1]  }
0x2e: {  	s3 =	simm.s32 @!p0 $0x1082;
	s9 =	sld [smem:$0x3FA2]  }
0x2f: {  	lr =	sadd.s32 s0, s3;
	s0 =	sld [smem:$0x3F99]  }
0x30: {  	s3 =	sld [smem:$0x3F9C]  }
0x31: {  	[smem:$0x3FA5] =	sst s10  }
0x32: {  	s10 =	sld [smem:$0x3FA3];
	_ =	sdelay $0x3  }
0x33: {  	p0 =	seq.s32 s10, $0x1;
	s10 =	sld [smem:$0x3FA5];
	_ =	sdelay $0x3  }
0x34: {  	[smem:$0x3FA5] =	sst s10  }
0x35: {  	s10 =	sld [smem:$0x3FA4];
	_ =	sdelay $0x3  }
0x36: {  	p1 =	seq.s32 s10, $0x1;
	s10 =	sld [smem:$0x3FA5];
	_ =	sdelay $0x3  }
0x37: {  	[smem:$0x3FA5] =	sst s10  }
0x38: {  	s10 =	sld [smem:$0x3FA6]  }
0x39: {  	_ = 	snop;
	(pc) =	sbr.ind lr, $3  }
0x3a: {  	_ = 	snop  }
0x3b: {  	_ = 	snop  }
0x3c: {  	p2 =	seq.s32 s10, $0x1;
	s10 =	sld [smem:$0x3FA5]  }
0x3d: {  	_ =	shalt  }
0x3e: {  	_ =	shalt  }
0x3f: {  	_ =	shalt  }
0x40: {  	_ =	shalt  }
0x41: {  	_ =	shalt  }
0x42: {  	_ =	shalt  }
0x43: {  	_ =	shalt  }
0x44: {  	_ =	shalt  }
0x45: {  	_ =	shalt  }
0x46: {  	_ =	shalt  }
0x47: {  	_ =	shalt  }
0x48: {  	_ =	shalt  }
0x49: {  	_ =	shalt  }
0x4a: {  	_ =	shalt  }
0x4b: {  	_ =	shalt  }
0x4c: {  	_ =	shalt  }
0x4d: {  	_ =	shalt  }
0x4e: {  	_ =	shalt  }
0x4f: {  	_ =	shalt  }
0x50: {  	_ =	shalt  }
0x51: {  	_ =	shalt  }
0x52: {  	_ =	shalt  }
0x53: {  	_ =	shalt  }
0x54: {  	_ =	shalt  }
0x55: {  	_ =	shalt  }
0x56: {  	_ =	shalt  }
0x57: {  	_ =	shalt  }
0x58: {  	_ =	shalt  }
0x59: {  	_ =	shalt  }
0x5a: {  	_ =	shalt  }
0x5b: {  	_ =	shalt  }
0x5c: {  	_ =	shalt  }
0x5d: {  	_ =	shalt  }
0x5e: {  	_ =	shalt  }
0x5f: {  	_ =	shalt  }
0x60: {  	_ =	shalt  }
0x61: {  	_ =	shalt  }
0x62: {  	_ =	shalt  }
0x63: {  	_ =	shalt  }
0x64: {  	_ =	shalt  }
0x65: {  	_ =	shalt  }
0x66: {  	_ =	shalt  }
0x67: {  	_ =	shalt  }
0x68: {  	_ =	shalt  }
0x69: {  	_ =	shalt  }
0x6a: {  	_ =	shalt  }
0x6b: {  	_ =	shalt  }
0x6c: {  	_ =	shalt  }
0x6d: {  	_ =	shalt  }
0x6e: {  	_ =	shalt  }
0x6f: {  	_ =	shalt  }
0x70: {  	_ =	shalt  }
0x71: {  	_ =	shalt  }
0x72: {  	_ =	shalt  }
0x73: {  	_ =	shalt  }
0x74: {  	_ =	shalt  }
0x75: {  	_ =	shalt  }
0x76: {  	_ =	shalt  }
0x77: {  	_ =	shalt  }
0x78: {  	_ =	shalt  }
0x79: {  	_ =	shalt  }
0x7a: {  	_ =	shalt  }
0x7b: {  	_ =	shalt  }
0x7c: {  	_ =	shalt  }
0x7d: {  	_ =	shalt  }
0x7e: {  	_ =	shalt  }
0x7f: {  	_ =	shalt  }
0x80: {  	_ =	shalt  }
0x81: {  	_ =	shalt  }
0x82: {  	_ =	shalt  }
0x83: {  	_ =	shalt  }
0x84: {  	_ =	shalt  }
0x85: {  	_ =	shalt  }
0x86: {  	_ =	shalt  }
0x87: {  	_ =	shalt  }
.Lfunc_end0:
.L_simem_size_0:
called_computation.1_lowered:
.L_overlay_start_0:
0x88: {  	s2 =	sld [smem:$0x3FD9]  }
0x89: {  	s3 =	sld [smem:$0x3FFE];
	_ =	sdelay $0x1  }
0x8a: {  	s1 =	srdreg.scid  }
0x8b: {  	s0 =	sand.u32 $0x1, s1  }
0x8c: {  	s14 =	sshll.u32 s0, $0xA;
	s2 =	sadd.s32 s3, s2  }
0x8d: {  	s2 =	sadd.s32 s2, s14  }
0x8e: {  	[smem:$0x3FB1] =	sst s2  }
0x8f: {  	_ = 	snop  }
0x90: {  	s2 =	sld [smem:$0x3FD0];
	_ =	sdelay $0x2  }
0x91: {  	s15 =	simm.s32 $0xA;
	s4 =	simm.s32 $0x10  }
0x92: {  	[smem:s4], [sflag:s15] =	dma.local [hbm:s2], $0x1  }
0x93: {  	_ =	swait.eq [sflag:s15], $0x1  }
0x94: {  	[sflag:s15] =	ssyncset.done $0x0  }
0x95: {  	[sflag:s15] =	ssyncadd.s32 $0xFFFFFFFF  }
0x96: {  	s16 =	sld [smem:$0x10];
	(tm) =	ssettm $0x1  }
0x97: {  	s17 =	sld [smem:$0x3FFB];
	_ =	sdelay $0x3  }
0x98: {  	_ =	strace s17  }
0x99: {  	s3 =	sld [smem:$0x3FFC];
	_ =	sdelay $0x3  }
0x9a: {  	_ =	strace s3  }
0x9b: {  	s3 =	sld [smem:$0x3FFD];
	_ =	sdelay $0x3  }
0x9c: {  	_ =	strace s3  }
0x9d: {  	_ =	strace $0x8FFFFFFF  }
0x9e: {  	s18 =	sld [smem:$0x3FDB];
	_ =	sdelay $0x1  }
0x9f: {  	s19 =	simm.s32 $_scs_section_size  }
0xa0: {  	s5 =	simm.s32 $_size__tile_overlayer_lowered;
	s6 =	simm.s32 $_tile_overlayer_lowered  }
0xa1: {  	s22 =	simm.s32 $0x1BFF;
	s21 =	sshll.u32 s6, $0x1;
	s3 =	sadd.s32 s19, s18  }
0xa2: {  	s7 =	simm.s32 $0x0;
	s20 =	sshll.u32 s5, $0x1;
	s5 =	sadd.s32 s21, s3  }
0xa3: {  	[timem:s7], [sflag:s22] =	dma.local [hbm:s5], s20  }
0xa4: {  	_ =	swait.ge [sflag:s22], s20  }
0xa5: {  	s4 =	ssub.s32 $0x0, s20;
	[sflag:s22] =	ssyncset.done $0x0  }
0xa6: {  	[sflag:s22] =	ssyncadd.s32 s4;
	_ =	sdelay $0x1  }
0xa7: {  	s23 =	simm.s32 $0x1B8B  }
0xa8: {  	_ =	swait.ge [sflag:s23], $0x1  }
0xa9: {  	[sflag:s23] =	ssyncset.done $0x0  }
0xaa: {  	s25 =	simm.s32 $0x1B8E;
	s24 =	sld [smem:$0x3FFE];
	[sflag:s23] =	ssyncadd.s32 $0xFFFFFFFF  }
0xab: {  	s26 =	simm.s32 $execute0_lowered;
	[smem:$0x3FD2] =	sst s25  }
0xac: {  	s5 =	sshll.u32 s26, $0x1;
	_ =	strace $0x80000049;
	[dreg:$0x1] =	wrdreg $0xFFFFFFFF  }
0xad: {  	s28 =	simm.s32 $_size_execute0_lowered;
	s3 =	sadd.s32 s3, s5;
	[dreg:$0x0] =	wrdreg $0x0  }
0xae: {  	s5 =	sshll.u32 s28, $0x1;
	[dreg:$0x2] =	wrdreg s3  }
0xaf: {  	[dreg:$0x3] =	wrdreg s5  }
0xb0: {  	[dreg:$0x4] =	wrdreg $0xC0  }
0xb1: {  	_ =	task [dreg:s7], $0x5FFFF  }
0xb2: {  	[dreg:$0x1] =	wrdreg $0xFFFFFFFF  }
0xb3: {  	[dreg:$0x0] =	wrdreg $0x60  }
0xb4: {  	[dreg:$0x2] =	wrdreg s16  }
0xb5: {  	[dreg:$0x3] =	wrdreg s24  }
0xb6: {  	[dreg:$0x4] =	wrdreg $0x9  }
0xb7: {  	_ =	task.clear_ibuf [dreg:s7], $0x5FFFF;
	_ =	strace $0x90000049  }
0xb8: {  	s29 =	simm.s32 $0x9;
	_ =	strace $0x8000004B  }
0xb9: {  	_ =	swait.ge [sflag:s29], $0x1  }
0xba: {  	[sflag:s29] =	ssyncadd.s32 $0xFFFFFFFF  }
0xbb: {  	_ =	strace $0x9000004B  }
0xbc: {  	_ =	sfence  }
0xbd: {  	s30 =	sld [smem:$0x0];
	_ =	sdelay $0x2  }
0xbe: {  	s31 =	sshll.u32 s1, $0xD;
	s1 =	sshrl.u32 s1, $0x2  }
0xbf: {  	s3 =	sand.u32 $0x4000, s31;
	s1 =	sadd.s32 s1, s30  }
0xc0: {  	s0 =	sor.u32 s3, s0;
	s1 =	sshll.u32 s1, $0x11  }
0xc1: {  	s0 =	sor.u32 s1, s0  }
0xc2: {  	s0 =	sadd.s32 $0x8F2B, s0  }
0xc3: {  	[sflag:s0] =	ssyncadd.remote.s32 $0x1  }
0xc4: {  	_ =	sfence.sel $0xFFFF  }
0xc5: {  	[dreg:$0x0] =	wrdreg $0xFFFFFFFF;
	(pc) =	sbr.abs _section_cstart, $3  }
0xc6: {  	[dreg:$0x1] =	wrdreg $0xFFFFFFFF  }
0xc7: {  	_ =	task.clear_ibuf [dreg:s7], $0x2FFFF;
	_ =	strace $0x9FFFFFFF  }
0xc8: {  	(tm) =	ssettm $0x7FFFFFFF  }
0xc9: {  	_ =	shalt  }
tec
execute0_lowered:
.L_overlay_start_1:
0x0: {  	(tag) =	ssettag $0x1  }
0x1: {  	s15 =	stileid.u32  }
0x2: {  	s1 =	smul.u32 $0x60, s15  }
0x3: {  	s0 =	srdreg.scid;
	s7 =	smul.u32 $0x1800, s15  }
0x4: {  	s2 =	rddreg [dreg:$0x0];
	s11 =	smul.u32 $0xC000, s15  }
0x5: {  	s5 =	rddreg [dreg:$0x1];
	s3 =	simm.s32 $0x0;
	s13 =	smul.u32 $0x9800, s15  }
0x6: {  	s28 =	simm.s32 $0x60;
	s29 =	simm.s32 $0x1;
	s14 =	smul.u32 $0x4C000, s15  }
0x7: {  	s30 =	simm.s32 $0x10180;
	s31 =	simm.s32 $0x0;
	s19 =	smul.u32 $0x13, s15  }
0x8: {  	s0 =	sand.u32 $0x1, s0;
	[smem:$0x7FF] =	sst s3;
	s21 =	smul.u32 $0xC00, s15  }
0x9: {  	s9 =	sadd.s32 $0x203800, s5;
	s4 =	sadd.s32 $0x3800, s5;
	s6 =	smul.u32 $0x3600, s0  }
0xa: {  	s10 =	sadd.s32 $0x21F800, s5;
	s25 =	sshll.u32 s15, $0x14;
	s8 =	smul.u32 $0xC00, s0  }
0xb: {  	_ =	strace $0x8000004A;
	s26 =	ssub.s32 $0x2, s0;
	s22 =	smul.u32 $0x600, s0  }
0xc: {  	s12 =	sshrl.u32 s26, $0x1;
	s11 =	sshrl.u32 s11, $0x3;
	s17 =	sadd.s32 s2, s13  }
0xd: {  	s18 =	sshrl.u32 s14, $0x3;
	s6 =	sadd.s32 s1, s6;
	s8 =	sadd.s32 s8, s7  }
0xe: {  	s11 =	sadd.s32 s9, s11;
	s7 =	sadd.s32 s9, s7;
	[dreg:$0x6] =	wrdreg s17  }
0xf: {  	s9 =	sadd.s32 s2, s18;
	s6 =	sshrl.u32 s6, $0x3;
	s8 =	sshrl.u32 s8, $0x3  }
0x10: {  	[dreg:$0x3] =	wrdreg s7;
	s7 =	smul.u32 $0x30, s0;
	s16 =	sadd.s32 $0x1000, s11  }
0x11: {  	s20 =	sadd.s32 $0x800, s9;
	s9 =	sadd.s32 $0x1000, s9;
	[dreg:$0x5] =	wrdreg s16  }
0x12: {  	s6 =	sadd.s32 s6, s5;
	s5 =	sadd.s32 s8, s5;
	[dreg:$0x7] =	wrdreg s20  }
0x13: {  	s8 =	ssub.s32 s26, s12;
	s12 =	sadd.s32 $0x800, s11;
	[dreg:$0x8] =	wrdreg s9  }
0x14: {  	s16 =	sadd.s32 $0x3, s19;
	s26 =	sshll.u32 s0, $0x13;
	s0 =	smul.u32 $0x24000, s0  }
0x15: {  	[dreg:$0x4] =	wrdreg s12;
	s1 =	sadd.s32 s7, s1;
	s5 =	sadd.s32 $0x21C800, s5  }
0x16: {  	s8 =	smax.u32 s8, $0x1;
	s18 =	sor.u32 s26, s25;
	s19 =	sadd.s32 $0x21B800, s6  }
0x17: {  	s25 =	simm.s32 $0xC000;
	s1 =	sshll.u32 s1, $0x2;
	[dreg:$0x9] =	wrdreg s5  }
0x18: {  	v0 =	vlaneseq.u32;
	v1 =	vimm.f32 $1.000000020e+30;
	vm0 =	vmmov $0x1;
	s26 =	simm.s32 $0x10100;
	[dreg:$0xc] =	wrdreg s8;
	s12 =	sadd.s32 s10, s1  }
0x19: {  	vm3 =	vmmov $0xf;
	vm4 =	vmmov $0x1f;
	vm5 =	vmmov $0x3f;
	s20 =	sadd.s32 s0, s14;
	s1 =	sadd.s32 s22, s21;
	s23 =	sadd.s32 $0x1800, s12  }
0x1a: {  	vm6 =	vmmov $0x7f;
	vm7 =	vmmov $0xff;
	vm8 =	vmmov $0x1ff;
	s24 =	sadd.s32 $0x3000, s12;
	s1 =	sadd.s32 $0x24000, s1;
	[dreg:$0xa] =	wrdreg s23  }
0x1b: {  	vm9 =	vmmov $0x3ff;
	vm10 =	vmmov $0x7ff;
	vm11 =	vmmov $0xfff;
	s22 =	simm.s32 $0x2;
	[dreg:$0xb] =	wrdreg s24;
	s1 =	sshrl.u32 s1, $0x3  }
0x1c: {  	vm12 =	vmmov $0x1fff;
	vm13 =	vmmov $0x3fff;
	vm14 =	vmmov $0x7fff;
	s23 =	simm.s32 $0x4000;
	s24 =	simm.s32 $0x8000;
	s21 =	sadd.s32 s1, s10  }
.LBB2_1:
0x1d: {  	s0 =	rddreg [dreg:$0x3]  }
0x1e: {  	[tilespmem:s3], [sflag:$0x2] =	stream.linear.gather [hbm4b:s0+s3], $0x4000, $0x38;
	[tilespmem:$0x19580] =	vst v63  }
0x1f: {  	_ =	swait.ge [sflag:s22], $0x4000  }
0x20: {  	[sflag:s22] =	ssyncset.done $0x0  }
0x21: {  	s15 =	rddreg [dreg:$0x4];
	[sflag:s22] =	ssyncadd.s32 $0xFFFFC000  }
0x22: {  	[tilespmem:s23], [sflag:$0x2] =	stream.linear.gather [hbm4b:s15+s3], $0x4000, $0x38;
	[tilespmem:$0x19580] =	vst v63  }
0x23: {  	_ =	swait.ge [sflag:s22], $0x4000  }
0x24: {  	v3 =	vimm.f32 $1.000000020e+30;
	[sflag:s22] =	ssyncset.done $0x0  }
0x25: {  	v4 =	vimm.f32 $1.000000020e+30;
	v5 =	vimm.f32 $1.000000020e+30;
	v6 =	vimm.f32 $1.000000020e+30;
	s17 =	rddreg [dreg:$0x5];
	[sflag:s22] =	ssyncadd.s32 $0xFFFFC000  }
0x26: {  	v7 =	vimm.f32 $1.000000020e+30;
	v8 =	vimm.f32 $1.000000020e+30;
	v9 =	vimm.f32 $1.000000020e+30;
	[tilespmem:s24], [sflag:$0x2] =	stream.linear.gather [hbm4b:s17+s3], $0x4000, $0x38;
	[tilespmem:$0x19580] =	vst v63  }
0x27: {  	v10 =	vimm.f32 $1.000000020e+30;
	v11 =	vimm.f32 $1.000000020e+30;
	v12 =	vimm.f32 $1.000000020e+30;
	s1 =	simm.s32 $0x100;
	_ =	swait.ge [sflag:s22], $0x4000  }
0x28: {  	v13 =	vimm.f32 $1.000000020e+30;
	v14 =	vimm.f32 $1.000000020e+30;
	v15 =	vimm.f32 $1.000000020e+30;
	s5 =	simm.s32 $0x4100;
	s6 =	simm.s32 $0x8100;
	[sflag:s22] =	ssyncset.done $0x0  }
0x29: {  	s8 =	simm.s32 $0xC100;
	v16 =	vimm.f32 $1.000000020e+30;
	v17 =	vimm.f32 $1.000000020e+30;
	v18 =	vimm.f32 $1.000000020e+30;
	s0 =	simm.s32 $0xFFFFFFFE;
	[sflag:s22] =	ssyncadd.s32 $0xFFFFC000  }
.LBB2_2:
0x2a: {  	v19 =	vld [tilespmem:s1+$0xFFFFFF00]  }
0x2b: {  	v20 =	vld [tilespmem:s5+$0xFFFFFF00];
	_ =	sdelay $0x1  }
0x2c: {  	v21 =	vld [tilespmem:s6+$0xFFFFFF00];
	_ =	sdelay $0x2  }
0x2d: {  	v19 =	vmul.f32 v19, v19;
	v20 =	vmul.f32 v20, v20;
	_ =	sdelay $0x1  }
0x2e: {  	v19 =	vadd.f32 v20, v19;
	v20 =	vmul.f32 v21, v21;
	_ =	sdelay $0x1  }
0x2f: {  	v19 =	vadd.f32 v20, v19;
	_ =	sdelay $0x1  }
0x30: {  	v19 =	vxor.u32 $0x80000000, v19  }
0x31: {  	[tilespmem:s8+$0xFFFFFF00] =	vst v19  }
0x32: {  	v20 =	vld [tilespmem:s1+$0xFFFFFF10]  }
0x33: {  	v33 =	vld [tilespmem:s5+$0xFFFFFF10];
	_ =	sdelay $0x1  }
0x34: {  	v22 =	vld [tilespmem:s6+$0xFFFFFF10];
	_ =	sdelay $0x2  }
0x35: {  	v20 =	vmul.f32 v20, v20;
	v21 =	vmul.f32 v33, v33;
	_ =	sdelay $0x1  }
0x36: {  	v34 =	vmul.f32 v22, v22;
	v20 =	vadd.f32 v21, v20;
	_ =	sdelay $0x1  }
0x37: {  	v20 =	vadd.f32 v34, v20;
	_ =	sdelay $0x1  }
0x38: {  	v20 =	vxor.u32 $0x80000000, v20  }
0x39: {  	[tilespmem:s8+$0xFFFFFF10] =	vst v20  }
0x3a: {  	v35 =	vld [tilespmem:s1+$0xFFFFFF20]  }
0x3b: {  	v36 =	vld [tilespmem:s5+$0xFFFFFF20];
	_ =	sdelay $0x1  }
0x3c: {  	v23 =	vld [tilespmem:s6+$0xFFFFFF20];
	_ =	sdelay $0x2  }
0x3d: {  	v21 =	vmul.f32 v35, v35;
	v22 =	vmul.f32 v36, v36;
	_ =	sdelay $0x1  }
0x3e: {  	v37 =	vmul.f32 v23, v23;
	v21 =	vadd.f32 v22, v21;
	_ =	sdelay $0x1  }
0x3f: {  	v21 =	vadd.f32 v37, v21;
	_ =	sdelay $0x1  }
0x40: {  	v21 =	vxor.u32 $0x80000000, v21  }
0x41: {  	[tilespmem:s8+$0xFFFFFF20] =	vst v21  }
0x42: {  	v38 =	vld [tilespmem:s1+$0xFFFFFF30]  }
0x43: {  	v39 =	vld [tilespmem:s5+$0xFFFFFF30];
	_ =	sdelay $0x1  }
0x44: {  	v24 =	vld [tilespmem:s6+$0xFFFFFF30];
	_ =	sdelay $0x2  }
0x45: {  	v22 =	vmul.f32 v38, v38;
	v23 =	vmul.f32 v39, v39;
	_ =	sdelay $0x1  }
0x46: {  	v40 =	vmul.f32 v24, v24;
	v22 =	vadd.f32 v23, v22;
	_ =	sdelay $0x1  }
0x47: {  	v22 =	vadd.f32 v40, v22;
	_ =	sdelay $0x1  }
0x48: {  	v22 =	vxor.u32 $0x80000000, v22  }
0x49: {  	[tilespmem:s8+$0xFFFFFF30] =	vst v22  }
0x4a: {  	v41 =	vld [tilespmem:s1+$0xFFFFFF40]  }
0x4b: {  	v42 =	vld [tilespmem:s5+$0xFFFFFF40];
	_ =	sdelay $0x1  }
0x4c: {  	v25 =	vld [tilespmem:s6+$0xFFFFFF40];
	_ =	sdelay $0x2  }
0x4d: {  	v23 =	vmul.f32 v41, v41;
	v24 =	vmul.f32 v42, v42;
	_ =	sdelay $0x1  }
0x4e: {  	v43 =	vmul.f32 v25, v25;
	v23 =	vadd.f32 v24, v23;
	_ =	sdelay $0x1  }
0x4f: {  	v23 =	vadd.f32 v43, v23;
	_ =	sdelay $0x1  }
0x50: {  	v23 =	vxor.u32 $0x80000000, v23  }
0x51: {  	[tilespmem:s8+$0xFFFFFF40] =	vst v23  }
0x52: {  	v44 =	vld [tilespmem:s1+$0xFFFFFF50]  }
0x53: {  	v45 =	vld [tilespmem:s5+$0xFFFFFF50];
	_ =	sdelay $0x1  }
0x54: {  	v26 =	vld [tilespmem:s6+$0xFFFFFF50];
	_ =	sdelay $0x2  }
0x55: {  	v24 =	vmul.f32 v44, v44;
	v25 =	vmul.f32 v45, v45;
	_ =	sdelay $0x1  }
0x56: {  	v46 =	vmul.f32 v26, v26;
	v24 =	vadd.f32 v25, v24;
	_ =	sdelay $0x1  }
0x57: {  	v24 =	vadd.f32 v46, v24;
	_ =	sdelay $0x1  }
0x58: {  	v24 =	vxor.u32 $0x80000000, v24  }
0x59: {  	[tilespmem:s8+$0xFFFFFF50] =	vst v24  }
0x5a: {  	v47 =	vld [tilespmem:s1+$0xFFFFFF60]  }
0x5b: {  	v48 =	vld [tilespmem:s5+$0xFFFFFF60];
	_ =	sdelay $0x1  }
0x5c: {  	v27 =	vld [tilespmem:s6+$0xFFFFFF60];
	_ =	sdelay $0x2  }
0x5d: {  	v25 =	vmul.f32 v47, v47;
	v26 =	vmul.f32 v48, v48;
	_ =	sdelay $0x1  }
0x5e: {  	v49 =	vmul.f32 v27, v27;
	v25 =	vadd.f32 v26, v25;
	_ =	sdelay $0x1  }
0x5f: {  	v25 =	vadd.f32 v49, v25;
	_ =	sdelay $0x1  }
0x60: {  	v25 =	vxor.u32 $0x80000000, v25  }
0x61: {  	[tilespmem:s8+$0xFFFFFF60] =	vst v25  }
0x62: {  	v50 =	vld [tilespmem:s1+$0xFFFFFF70]  }
0x63: {  	v51 =	vld [tilespmem:s5+$0xFFFFFF70];
	_ =	sdelay $0x1  }
0x64: {  	v28 =	vld [tilespmem:s6+$0xFFFFFF70];
	_ =	sdelay $0x2  }
0x65: {  	v26 =	vmul.f32 v50, v50;
	v27 =	vmul.f32 v51, v51;
	_ =	sdelay $0x1  }
0x66: {  	v52 =	vmul.f32 v28, v28;
	v26 =	vadd.f32 v27, v26;
	_ =	sdelay $0x1  }
0x67: {  	v26 =	vadd.f32 v52, v26;
	_ =	sdelay $0x1  }
0x68: {  	v26 =	vxor.u32 $0x80000000, v26  }
0x69: {  	[tilespmem:s8+$0xFFFFFF70] =	vst v26  }
0x6a: {  	v53 =	vld [tilespmem:s1+$0xFFFFFF80]  }
0x6b: {  	v54 =	vld [tilespmem:s5+$0xFFFFFF80];
	_ =	sdelay $0x1  }
0x6c: {  	v29 =	vld [tilespmem:s6+$0xFFFFFF80];
	_ =	sdelay $0x2  }
0x6d: {  	v27 =	vmul.f32 v53, v53;
	v28 =	vmul.f32 v54, v54;
	_ =	sdelay $0x1  }
0x6e: {  	v55 =	vmul.f32 v29, v29;
	v27 =	vadd.f32 v28, v27;
	_ =	sdelay $0x1  }
0x6f: {  	v27 =	vadd.f32 v55, v27;
	_ =	sdelay $0x1  }
0x70: {  	v27 =	vxor.u32 $0x80000000, v27  }
0x71: {  	[tilespmem:s8+$0xFFFFFF80] =	vst v27  }
0x72: {  	v56 =	vld [tilespmem:s1+$0xFFFFFF90]  }
0x73: {  	v57 =	vld [tilespmem:s5+$0xFFFFFF90];
	_ =	sdelay $0x1  }
0x74: {  	v30 =	vld [tilespmem:s6+$0xFFFFFF90];
	_ =	sdelay $0x2  }
0x75: {  	v28 =	vmul.f32 v56, v56;
	v29 =	vmul.f32 v57, v57;
	_ =	sdelay $0x1  }
0x76: {  	v58 =	vmul.f32 v30, v30;
	v28 =	vadd.f32 v29, v28;
	_ =	sdelay $0x1  }
0x77: {  	v28 =	vadd.f32 v58, v28;
	_ =	sdelay $0x1  }
0x78: {  	v28 =	vxor.u32 $0x80000000, v28  }
0x79: {  	[tilespmem:s8+$0xFFFFFF90] =	vst v28  }
0x7a: {  	v59 =	vld [tilespmem:s1+$0xFFFFFFA0]  }
0x7b: {  	v60 =	vld [tilespmem:s5+$0xFFFFFFA0];
	_ =	sdelay $0x1  }
0x7c: {  	v31 =	vld [tilespmem:s6+$0xFFFFFFA0];
	_ =	sdelay $0x2  }
0x7d: {  	v29 =	vmul.f32 v59, v59;
	v30 =	vmul.f32 v60, v60;
	_ =	sdelay $0x1  }
0x7e: {  	v61 =	vmul.f32 v31, v31;
	v29 =	vadd.f32 v30, v29;
	_ =	sdelay $0x1  }
0x7f: {  	v29 =	vadd.f32 v61, v29;
	_ =	sdelay $0x1  }
0x80: {  	v29 =	vxor.u32 $0x80000000, v29  }
0x81: {  	[tilespmem:s8+$0xFFFFFFA0] =	vst v29  }
0x82: {  	v62 =	vld [tilespmem:s1+$0xFFFFFFB0]  }
0x83: {  	v63 =	vld [tilespmem:s5+$0xFFFFFFB0];
	_ =	sdelay $0x1  }
0x84: {  	v32 =	vld [tilespmem:s6+$0xFFFFFFB0];
	_ =	sdelay $0x2  }
0x85: {  	v30 =	vmul.f32 v62, v62;
	v31 =	vmul.f32 v63, v63;
	_ =	sdelay $0x1  }
0x86: {  	v35 =	vmul.f32 v32, v32;
	v30 =	vadd.f32 v31, v30;
	_ =	sdelay $0x1  }
0x87: {  	v30 =	vadd.f32 v35, v30;
	_ =	sdelay $0x1  }
0x88: {  	v30 =	vxor.u32 $0x80000000, v30  }
0x89: {  	[tilespmem:s8+$0xFFFFFFB0] =	vst v30  }
0x8a: {  	v36 =	vld [tilespmem:s1+$0xFFFFFFC0]  }
0x8b: {  	v37 =	vld [tilespmem:s5+$0xFFFFFFC0];
	_ =	sdelay $0x1  }
0x8c: {  	v33 =	vld [tilespmem:s6+$0xFFFFFFC0];
	_ =	sdelay $0x2  }
0x8d: {  	v31 =	vmul.f32 v36, v36;
	v32 =	vmul.f32 v37, v37;
	_ =	sdelay $0x1  }
0x8e: {  	v38 =	vmul.f32 v33, v33;
	v31 =	vadd.f32 v32, v31;
	_ =	sdelay $0x1  }
0x8f: {  	v31 =	vadd.f32 v38, v31;
	_ =	sdelay $0x1  }
0x90: {  	v31 =	vxor.u32 $0x80000000, v31  }
0x91: {  	[tilespmem:s8+$0xFFFFFFC0] =	vst v31  }
0x92: {  	v39 =	vld [tilespmem:s1+$0xFFFFFFD0]  }
0x93: {  	v40 =	vld [tilespmem:s5+$0xFFFFFFD0];
	_ =	sdelay $0x1  }
0x94: {  	v34 =	vld [tilespmem:s6+$0xFFFFFFD0];
	_ =	sdelay $0x2  }
0x95: {  	v32 =	vmul.f32 v39, v39;
	v33 =	vmul.f32 v40, v40;
	_ =	sdelay $0x1  }
0x96: {  	v41 =	vmul.f32 v34, v34;
	v32 =	vadd.f32 v33, v32;
	_ =	sdelay $0x1  }
0x97: {  	v32 =	vadd.f32 v41, v32;
	_ =	sdelay $0x1  }
0x98: {  	v32 =	vxor.u32 $0x80000000, v32  }
0x99: {  	[tilespmem:s8+$0xFFFFFFD0] =	vst v32  }
0x9a: {  	v42 =	vld [tilespmem:s1+$0xFFFFFFE0]  }
0x9b: {  	v43 =	vld [tilespmem:s5+$0xFFFFFFE0];
	_ =	sdelay $0x1  }
0x9c: {  	v35 =	vld [tilespmem:s6+$0xFFFFFFE0];
	_ =	sdelay $0x2  }
0x9d: {  	v33 =	vmul.f32 v42, v42;
	v34 =	vmul.f32 v43, v43;
	_ =	sdelay $0x1  }
0x9e: {  	v44 =	vmul.f32 v35, v35;
	v33 =	vadd.f32 v34, v33;
	_ =	sdelay $0x1  }
0x9f: {  	v33 =	vadd.f32 v44, v33;
	_ =	sdelay $0x1  }
0xa0: {  	v33 =	vxor.u32 $0x80000000, v33  }
0xa1: {  	[tilespmem:s8+$0xFFFFFFE0] =	vst v33  }
0xa2: {  	v45 =	vld [tilespmem:s1+$0xFFFFFFF0]  }
0xa3: {  	v46 =	vld [tilespmem:s5+$0xFFFFFFF0];
	_ =	sdelay $0x1  }
0xa4: {  	v36 =	vld [tilespmem:s6+$0xFFFFFFF0];
	_ =	sdelay $0x2  }
0xa5: {  	v34 =	vmul.f32 v45, v45;
	v35 =	vmul.f32 v46, v46;
	_ =	sdelay $0x1  }
0xa6: {  	v47 =	vmul.f32 v36, v36;
	v34 =	vadd.f32 v35, v34;
	_ =	sdelay $0x1  }
0xa7: {  	v34 =	vadd.f32 v47, v34;
	_ =	sdelay $0x1  }
0xa8: {  	v34 =	vxor.u32 $0x80000000, v34  }
0xa9: {  	[tilespmem:s8+$0xFFFFFFF0] =	vst v34  }
0xaa: {  	v48 =	vld [tilespmem:s1+$0x0]  }
0xab: {  	v49 =	vld [tilespmem:s5+$0x0];
	_ =	sdelay $0x1  }
0xac: {  	v37 =	vld [tilespmem:s6+$0x0];
	_ =	sdelay $0x2  }
0xad: {  	v35 =	vmul.f32 v48, v48;
	v36 =	vmul.f32 v49, v49;
	_ =	sdelay $0x1  }
0xae: {  	v50 =	vmul.f32 v37, v37;
	v35 =	vadd.f32 v36, v35;
	_ =	sdelay $0x1  }
0xaf: {  	v35 =	vadd.f32 v50, v35;
	_ =	sdelay $0x1  }
0xb0: {  	v35 =	vxor.u32 $0x80000000, v35  }
0xb1: {  	[tilespmem:s8+$0x0] =	vst v35  }
0xb2: {  	v51 =	vld [tilespmem:s1+$0x10]  }
0xb3: {  	v52 =	vld [tilespmem:s5+$0x10];
	_ =	sdelay $0x1  }
0xb4: {  	v38 =	vld [tilespmem:s6+$0x10];
	_ =	sdelay $0x2  }
0xb5: {  	v36 =	vmul.f32 v51, v51;
	v37 =	vmul.f32 v52, v52;
	_ =	sdelay $0x1  }
0xb6: {  	v53 =	vmul.f32 v38, v38;
	v36 =	vadd.f32 v37, v36;
	_ =	sdelay $0x1  }
0xb7: {  	v36 =	vadd.f32 v53, v36;
	_ =	sdelay $0x1  }
0xb8: {  	v36 =	vxor.u32 $0x80000000, v36  }
0xb9: {  	[tilespmem:s8+$0x10] =	vst v36  }
0xba: {  	v54 =	vld [tilespmem:s1+$0x20]  }
0xbb: {  	v55 =	vld [tilespmem:s5+$0x20];
	_ =	sdelay $0x1  }
0xbc: {  	v39 =	vld [tilespmem:s6+$0x20];
	_ =	sdelay $0x2  }
0xbd: {  	v37 =	vmul.f32 v54, v54;
	v38 =	vmul.f32 v55, v55;
	_ =	sdelay $0x1  }
0xbe: {  	v56 =	vmul.f32 v39, v39;
	v37 =	vadd.f32 v38, v37;
	_ =	sdelay $0x1  }
0xbf: {  	v37 =	vadd.f32 v56, v37;
	_ =	sdelay $0x1  }
0xc0: {  	v37 =	vxor.u32 $0x80000000, v37  }
0xc1: {  	[tilespmem:s8+$0x20] =	vst v37  }
0xc2: {  	v57 =	vld [tilespmem:s1+$0x30]  }
0xc3: {  	v58 =	vld [tilespmem:s5+$0x30];
	_ =	sdelay $0x1  }
0xc4: {  	v40 =	vld [tilespmem:s6+$0x30];
	_ =	sdelay $0x2  }
0xc5: {  	v38 =	vmul.f32 v57, v57;
	v39 =	vmul.f32 v58, v58;
	_ =	sdelay $0x1  }
0xc6: {  	v59 =	vmul.f32 v40, v40;
	v38 =	vadd.f32 v39, v38;
	_ =	sdelay $0x1  }
0xc7: {  	v38 =	vadd.f32 v59, v38;
	_ =	sdelay $0x1  }
0xc8: {  	v38 =	vxor.u32 $0x80000000, v38  }
0xc9: {  	[tilespmem:s8+$0x30] =	vst v38  }
0xca: {  	v60 =	vld [tilespmem:s1+$0x40]  }
0xcb: {  	v61 =	vld [tilespmem:s5+$0x40];
	_ =	sdelay $0x1  }
0xcc: {  	v41 =	vld [tilespmem:s6+$0x40];
	_ =	sdelay $0x2  }
0xcd: {  	v39 =	vmul.f32 v60, v60;
	v40 =	vmul.f32 v61, v61;
	_ =	sdelay $0x1  }
0xce: {  	v62 =	vmul.f32 v41, v41;
	v39 =	vadd.f32 v40, v39;
	_ =	sdelay $0x1  }
0xcf: {  	v39 =	vadd.f32 v62, v39;
	_ =	sdelay $0x1  }
0xd0: {  	v39 =	vxor.u32 $0x80000000, v39  }
0xd1: {  	[tilespmem:s8+$0x40] =	vst v39  }
0xd2: {  	v63 =	vld [tilespmem:s1+$0x50]  }
0xd3: {  	v45 =	vld [tilespmem:s5+$0x50];
	_ =	sdelay $0x1  }
0xd4: {  	v42 =	vld [tilespmem:s6+$0x50];
	_ =	sdelay $0x2  }
0xd5: {  	v40 =	vmul.f32 v63, v63;
	v41 =	vmul.f32 v45, v45;
	_ =	sdelay $0x1  }
0xd6: {  	v46 =	vmul.f32 v42, v42;
	v40 =	vadd.f32 v41, v40;
	_ =	sdelay $0x1  }
0xd7: {  	v40 =	vadd.f32 v46, v40;
	_ =	sdelay $0x1  }
0xd8: {  	v40 =	vxor.u32 $0x80000000, v40  }
0xd9: {  	[tilespmem:s8+$0x50] =	vst v40  }
0xda: {  	v47 =	vld [tilespmem:s1+$0x60]  }
0xdb: {  	v48 =	vld [tilespmem:s5+$0x60];
	_ =	sdelay $0x1  }
0xdc: {  	v43 =	vld [tilespmem:s6+$0x60];
	_ =	sdelay $0x2  }
0xdd: {  	v41 =	vmul.f32 v47, v47;
	v42 =	vmul.f32 v48, v48;
	_ =	sdelay $0x1  }
0xde: {  	v49 =	vmul.f32 v43, v43;
	v41 =	vadd.f32 v42, v41;
	_ =	sdelay $0x1  }
0xdf: {  	v41 =	vadd.f32 v49, v41;
	_ =	sdelay $0x1  }
0xe0: {  	v41 =	vxor.u32 $0x80000000, v41  }
0xe1: {  	[tilespmem:s8+$0x60] =	vst v41  }
0xe2: {  	v50 =	vld [tilespmem:s1+$0x70]  }
0xe3: {  	v51 =	vld [tilespmem:s5+$0x70];
	_ =	sdelay $0x1  }
0xe4: {  	v44 =	vld [tilespmem:s6+$0x70];
	_ =	sdelay $0x2  }
0xe5: {  	v42 =	vmul.f32 v50, v50;
	v43 =	vmul.f32 v51, v51;
	_ =	sdelay $0x1  }
0xe6: {  	v52 =	vmul.f32 v44, v44;
	v42 =	vadd.f32 v43, v42;
	_ =	sdelay $0x1  }
0xe7: {  	v42 =	vadd.f32 v52, v42;
	_ =	sdelay $0x1  }
0xe8: {  	v42 =	vxor.u32 $0x80000000, v42  }
0xe9: {  	[tilespmem:s8+$0x70] =	vst v42  }
0xea: {  	v53 =	vld [tilespmem:s1+$0x80]  }
0xeb: {  	v54 =	vld [tilespmem:s5+$0x80];
	_ =	sdelay $0x1  }
0xec: {  	v45 =	vld [tilespmem:s6+$0x80];
	_ =	sdelay $0x2  }
0xed: {  	v43 =	vmul.f32 v53, v53;
	v44 =	vmul.f32 v54, v54;
	_ =	sdelay $0x1  }
0xee: {  	v55 =	vmul.f32 v45, v45;
	v43 =	vadd.f32 v44, v43;
	_ =	sdelay $0x1  }
0xef: {  	v43 =	vadd.f32 v55, v43;
	_ =	sdelay $0x1  }
0xf0: {  	v43 =	vxor.u32 $0x80000000, v43  }
0xf1: {  	[tilespmem:s8+$0x80] =	vst v43  }
0xf2: {  	v56 =	vld [tilespmem:s1+$0x90]  }
0xf3: {  	v57 =	vld [tilespmem:s5+$0x90];
	_ =	sdelay $0x1  }
0xf4: {  	v46 =	vld [tilespmem:s6+$0x90];
	_ =	sdelay $0x2  }
0xf5: {  	v44 =	vmul.f32 v56, v56;
	v45 =	vmul.f32 v57, v57;
	_ =	sdelay $0x1  }
0xf6: {  	v58 =	vmul.f32 v46, v46;
	v44 =	vadd.f32 v45, v44;
	_ =	sdelay $0x1  }
0xf7: {  	v44 =	vadd.f32 v58, v44;
	_ =	sdelay $0x1  }
0xf8: {  	v44 =	vxor.u32 $0x80000000, v44  }
0xf9: {  	[tilespmem:s8+$0x90] =	vst v44  }
0xfa: {  	v59 =	vld [tilespmem:s1+$0xA0]  }
0xfb: {  	v60 =	vld [tilespmem:s5+$0xA0];
	_ =	sdelay $0x1  }
0xfc: {  	v47 =	vld [tilespmem:s6+$0xA0];
	_ =	sdelay $0x2  }
0xfd: {  	v45 =	vmul.f32 v59, v59;
	v46 =	vmul.f32 v60, v60;
	_ =	sdelay $0x1  }
0xfe: {  	v61 =	vmul.f32 v47, v47;
	v45 =	vadd.f32 v46, v45;
	_ =	sdelay $0x1  }
0xff: {  	v45 =	vadd.f32 v61, v45;
	_ =	sdelay $0x1  }
0x100: {  	v45 =	vxor.u32 $0x80000000, v45  }
0x101: {  	[tilespmem:s8+$0xA0] =	vst v45  }
0x102: {  	v62 =	vld [tilespmem:s1+$0xB0]  }
0x103: {  	v63 =	vld [tilespmem:s5+$0xB0];
	_ =	sdelay $0x1  }
0x104: {  	v48 =	vld [tilespmem:s6+$0xB0];
	_ =	sdelay $0x2  }
0x105: {  	v46 =	vmul.f32 v62, v62;
	v47 =	vmul.f32 v63, v63;
	_ =	sdelay $0x1  }
0x106: {  	v51 =	vmul.f32 v48, v48;
	v46 =	vadd.f32 v47, v46;
	_ =	sdelay $0x1  }
0x107: {  	v46 =	vadd.f32 v51, v46;
	_ =	sdelay $0x1  }
0x108: {  	v46 =	vxor.u32 $0x80000000, v46  }
0x109: {  	[tilespmem:s8+$0xB0] =	vst v46  }
0x10a: {  	v52 =	vld [tilespmem:s1+$0xC0]  }
0x10b: {  	v53 =	vld [tilespmem:s5+$0xC0];
	_ =	sdelay $0x1  }
0x10c: {  	v49 =	vld [tilespmem:s6+$0xC0];
	_ =	sdelay $0x2  }
0x10d: {  	v47 =	vmul.f32 v52, v52;
	v48 =	vmul.f32 v53, v53;
	_ =	sdelay $0x1  }
0x10e: {  	v54 =	vmul.f32 v49, v49;
	v47 =	vadd.f32 v48, v47;
	_ =	sdelay $0x1  }
0x10f: {  	v47 =	vadd.f32 v54, v47;
	_ =	sdelay $0x1  }
0x110: {  	v47 =	vxor.u32 $0x80000000, v47  }
0x111: {  	[tilespmem:s8+$0xC0] =	vst v47  }
0x112: {  	v55 =	vld [tilespmem:s1+$0xD0]  }
0x113: {  	v56 =	vld [tilespmem:s5+$0xD0];
	_ =	sdelay $0x1  }
0x114: {  	v50 =	vld [tilespmem:s6+$0xD0];
	_ =	sdelay $0x2  }
0x115: {  	v48 =	vmul.f32 v55, v55;
	v49 =	vmul.f32 v56, v56;
	_ =	sdelay $0x1  }
0x116: {  	v57 =	vmul.f32 v50, v50;
	v48 =	vadd.f32 v49, v48;
	_ =	sdelay $0x1  }
0x117: {  	v48 =	vadd.f32 v57, v48;
	_ =	sdelay $0x1  }
0x118: {  	v48 =	vxor.u32 $0x80000000, v48  }
0x119: {  	[tilespmem:s8+$0xD0] =	vst v48  }
0x11a: {  	v58 =	vld [tilespmem:s1+$0xE0]  }
0x11b: {  	v59 =	vld [tilespmem:s5+$0xE0];
	_ =	sdelay $0x1  }
0x11c: {  	v51 =	vld [tilespmem:s6+$0xE0];
	_ =	sdelay $0x2  }
0x11d: {  	v49 =	vmul.f32 v58, v58;
	v50 =	vmul.f32 v59, v59;
	_ =	sdelay $0x1  }
0x11e: {  	v60 =	vmul.f32 v51, v51;
	v49 =	vadd.f32 v50, v49;
	_ =	sdelay $0x1  }
0x11f: {  	v49 =	vadd.f32 v60, v49;
	_ =	sdelay $0x1  }
0x120: {  	v49 =	vxor.u32 $0x80000000, v49  }
0x121: {  	[tilespmem:s8+$0xE0] =	vst v49  }
0x122: {  	v61 =	vld [tilespmem:s1+$0xF0]  }
0x123: {  	v18 =	vmin.f32 v18, v19;
	v17 =	vmin.f32 v17, v20;
	v62 =	vld [tilespmem:s5+$0xF0]  }
0x124: {  	v16 =	vmin.f32 v16, v21;
	v15 =	vmin.f32 v15, v22;
	v14 =	vmin.f32 v14, v23  }
0x125: {  	v13 =	vmin.f32 v13, v24;
	v12 =	vmin.f32 v12, v25;
	v11 =	vmin.f32 v11, v26;
	v19 =	vld [tilespmem:s6+$0xF0]  }
0x126: {  	v10 =	vmin.f32 v10, v27;
	v9 =	vmin.f32 v9, v28;
	v8 =	vmin.f32 v8, v29  }
0x127: {  	v7 =	vmin.f32 v7, v30;
	v6 =	vmin.f32 v6, v31;
	v5 =	vmin.f32 v5, v32  }
0x128: {  	v4 =	vmin.f32 v4, v33;
	v20 =	vmul.f32 v61, v61;
	v63 =	vmul.f32 v62, v62  }
0x129: {  	s0 =	sadd.s32 $0x2, s0;
	v3 =	vmin.f32 v3, v34;
	v18 =	vmin.f32 v18, v35;
	v17 =	vmin.f32 v17, v36  }
0x12a: {  	p0 =	slt.u32 s0, $0x3E;
	v16 =	vmin.f32 v16, v37;
	v19 =	vmul.f32 v19, v19;
	v20 =	vadd.f32 v63, v20  }
.Ltmp0:
0x12b: {  	v15 =	vmin.f32 v15, v38;
	v14 =	vmin.f32 v14, v39;
	v13 =	vmin.f32 v13, v40;
	(pc) =	sbr.rel @p0 .LBB2_2-.Ltmp0, $4  }
0x12c: {  	v12 =	vmin.f32 v12, v41;
	v11 =	vmin.f32 v11, v42;
	v19 =	vadd.f32 v19, v20  }
0x12d: {  	v10 =	vmin.f32 v10, v43;
	v9 =	vmin.f32 v9, v44;
	v8 =	vmin.f32 v8, v45  }
0x12e: {  	v7 =	vmin.f32 v7, v46;
	v6 =	vmin.f32 v6, v47;
	s1 =	sadd.s32 $0x200, s1;
	v19 =	vxor.u32 $0x80000000, v19  }
0x12f: {  	v5 =	vmin.f32 v5, v48;
	v4 =	vmin.f32 v4, v49;
	s5 =	sadd.s32 $0x200, s5;
	s6 =	sadd.s32 $0x200, s6;
	[tilespmem:s8+$0xF0] =	vst v19;
	v3 =	vmin.f32 v3, v19;
	s8 =	sadd.s32 $0x200, s8  }
0x130: {  	(xrf0) =	vmin.scan.msk.f32 $0xffff, v18  }
0x131: {  	(xrf0) =	vmin.scan.msk.f32 $0xffff, v17  }
0x132: {  	(xrf0) =	vmin.scan.msk.f32 $0xffff, v16  }
0x133: {  	(xrf0) =	vmin.scan.msk.f32 $0xffff, v15  }
0x134: {  	(xrf0) =	vmin.scan.msk.f32 $0xffff, v14;
	_ =	sdelay $0x1  }
0x135: {  	v19, _, _ =	vpop (xrf0);
	(xrf0) =	vmin.scan.msk.f32 $0xffff, v13  }
0x136: {  	[tilespmem:$0x10000] =	vst v18;
	v20, _, _ =	vpop (xrf0)  }
0x137: {  	[tilespmem:$0x10010] =	vst v17;
	v19 =	vbroadcast v19, $0xF;
	(xrf0) =	vmin.scan.msk.f32 $0xffff, v12;
	v20 =	vbroadcast v20, $0xF;
	v41, _, _ =	vpop (xrf0)  }
0x138: {  	vm1 =	vmmov $0x3;
	v2 =	vimm.s32 $0x0;
	(xrf0) =	vmin.scan.msk.f32 $0xffff, v11;
	v18 =	vbroadcast v41, $0xF;
	v43, _, _ =	vpop (xrf0)  }
0x139: {  	v2 =	vsel vm1, $0xFFFFFFFF, v2;
	(xrf0) =	vmin.scan.msk.f32 $0xffff, v10;
	v42 =	vsel vm0, v19, v20;
	v44 =	vbroadcast v43, $0xF;
	v45, _, _ =	vpop (xrf0)  }
0x13a: {  	(xrf0) =	vmin.scan.msk.f32 $0xffff, v9;
	v17 =	vsel vm1, v42, v18;
	vm1 =	vmmov $0x7;
	v46 =	vbroadcast v45, $0xF  }
0x13b: {  	[tilespmem:$0x10030] =	vst v15;
	(xrf0) =	vmin.scan.msk.f32 $0xffff, v8;
	v15 =	vsel vm1, v17, v44;
	v47, _, _ =	vpop (xrf0)  }
0x13c: {  	[tilespmem:$0x10040] =	vst v14;
	v14 =	vsel vm3, v15, v46;
	v15 =	vbroadcast v47, $0xF  }
0x13d: {  	(xrf0) =	vmin.scan.msk.f32 $0xffff, v7;
	v48, _, _ =	vpop (xrf0)  }
0x13e: {  	[tilespmem:$0x10050] =	vst v13;
	(xrf0) =	vmin.scan.msk.f32 $0xffff, v6;
	v13 =	vbroadcast v48, $0xF;
	v49, _, _ =	vpop (xrf0);
	v14 =	vsel vm4, v14, v15  }
0x13f: {  	(xrf0) =	vmin.scan.msk.f32 $0xffff, v5;
	v15 =	vbroadcast v49, $0xF;
	v50, _, _ =	vpop (xrf0)  }
0x140: {  	[tilespmem:$0x10060] =	vst v12;
	(xrf0) =	vmin.scan.msk.f32 $0xffff, v4;
	v51, _, _ =	vpop (xrf0);
	v12 =	vsel vm5, v14, v13;
	v13 =	vbroadcast v50, $0xF  }
0x141: {  	[tilespmem:$0x10020] =	vst v16;
	v52 =	vsel vm6, v12, v15;
	v12 =	vbroadcast v51, $0xF;
	v14, _, _ =	vpop (xrf0)  }
0x142: {  	[tilespmem:$0x10070] =	vst v11;
	v11 =	vsel vm7, v52, v13;
	v13 =	vbroadcast v14, $0xF  }
0x143: {  	[tilespmem:$0x10080] =	vst v10;
	v14, _, _ =	vpop (xrf0);
	(xrf0) =	vmin.scan.msk.f32 $0xffff, v3  }
0x144: {  	[tilespmem:$0x10090] =	vst v9;
	v53 =	vsel vm8, v11, v12;
	v15, _, _ =	vpop (xrf0);
	v54 =	vbroadcast v14, $0xF  }
0x145: {  	[tilespmem:$0x100A0] =	vst v8;
	v12, _, _ =	vpop (xrf0);
	v55 =	vsel vm9, v53, v13;
	v56 =	vbroadcast v15, $0xF  }
0x146: {  	[tilespmem:$0x100B0] =	vst v7;
	v57 =	vsel vm10, v55, v54;
	v58 =	vbroadcast v12, $0xF;
	v13, _, _ =	vpop (xrf0)  }
0x147: {  	[tilespmem:$0x100C0] =	vst v6;
	v59 =	vsel vm11, v57, v56;
	v60 =	vbroadcast v13, $0xF  }
0x148: {  	[tilespmem:$0x100D0] =	vst v5;
	v61 =	vsel vm12, v59, v58  }
0x149: {  	[tilespmem:$0x100E0] =	vst v4;
	v63, _, _ =	vpop (xrf0);
	v62 =	vsel vm13, v61, v60  }
0x14a: {  	[tilespmem:$0x1FFE0] =	vst v2;
	v2 =	vimm.s32 $0x0;
	v14 =	vsel vm14, v62, v63  }
0x14b: {  	[tilespmem:$0x100F0] =	vst v3;
	v2 =	vsel vm1, $0xFFFFFFFF, v2;
	(xrf0) =	vmin.scan.msk.f32 $0xffff, v14  }
0x14c: {  	s0 =	simm.s32 $0x0;
	s1 =	simm.s32 $0x1;
	[tilespmem:$0x1FFF0] =	vst v2  }
.LBB2_4:
0x14d: {  	p0 =	sne.s32 s1, $0x5F;
	_ =	sdelay $0x3  }
0x14e: {  	v3, _, _ =	vpop (xrf0)  }
0x14f: {  	v11 =	vbroadcast v3, $0xF;
	_ =	sdelay $0x1  }
0x150: {  	v3 =	vor.u32 $0x80000000, v0;
	vm15 =	veq.f32 v14, v11  }
0x151: {  	v4 =	vnsel vm15, $0x800003E7, v3  }
0x152: {  	(xrf0) =	vmin.scan.msk.u32 $0xffff, v4;
	_ =	sdelay $0x5  }
0x153: {  	v4, _, _ =	vpop (xrf0)  }
0x154: {  	(v2sf) =	vpush v4, $0xF;
	_ =	sdelay $0xe  }
0x155: {  	s5 =	spop (v2sf)  }
0x156: {  	s6 =	sshll.u32 s5, $0x4  }
0x157: {  	v15 =	vld [tilespmem:s6+$0x10000];
	_ =	sdelay $0x4  }
0x158: {  	vm15 =	veq.f32 v15, v11  }
0x159: {  	v4 =	vnsel vm15, $0x800003E7, v3  }
0x15a: {  	(xrf0) =	vmin.scan.msk.u32 $0xffff, v4;
	_ =	sdelay $0x5  }
0x15b: {  	v4, _, _ =	vpop (xrf0)  }
0x15c: {  	(v2sf) =	vpush v4, $0xF;
	_ =	sdelay $0xe  }
0x15d: {  	v4 =	vmul.u32 $0x100, v0;
	s8 =	spop (v2sf)  }
0x15e: {  	s8 =	sxor.u32 $0x80000000, s8  }
0x15f: {  	v5 =	vor.u32 $0x3000, v4;
	s9 =	sadd.s32 s6, s8  }
0x160: {  	v6 =	vor.u32 $0x2000, v4;
	v8 =	vadd.s32 s9, v5  }
0x161: {  	v7 =	vor.u32 $0x1000, v4;
	v9 =	vadd.s32 s9, v6  }
0x162: {  	v10 =	vadd.s32 s9, v7  }
0x163: {  	v12 =	vadd.s32 s9, v4;
	_ =	sdelay $0x1  }
0x164: {  	v16 =	vld.idx.msk [tilespmem:v8+s25+$0x0], $0xffff  }
0x165: {  	v17 =	vld.idx.msk [tilespmem:v9+s25+$0x0], $0xffff  }
0x166: {  	v18 =	vld.idx.msk [tilespmem:v10+s25+$0x0], $0xffff  }
0x167: {  	v19 =	vld.idx.msk [tilespmem:v12+s25+$0x0], $0xffff;
	_ =	sdelay $0x2  }
0x168: {  	v8 =	vor.u32 $0x80000030, v0;
	vm15 =	veq.f32 v16, v11  }
0x169: {  	v9 =	vor.u32 $0x80000020, v0;
	vm1 =	veq.f32 v17, v11;
	v10 =	vnsel vm15, $0x800003E7, v8  }
0x16a: {  	vm15 =	veq.f32 v18, v11;
	v12 =	vsel vm1, v9, v10;
	v10 =	vor.u32 $0x80000010, v0  }
0x16b: {  	vm1 =	veq.f32 v19, v11;
	v11 =	vsel vm15, v10, v12  }
0x16c: {  	v11 =	vsel vm1, v3, v11  }
0x16d: {  	(xrf0) =	vmin.scan.msk.u32 $0xffff, v11;
	_ =	sdelay $0x5  }
0x16e: {  	v11, _, _ =	vpop (xrf0)  }
0x16f: {  	(v2sf) =	vpush v11, $0xF;
	_ =	sdelay $0xd  }
0x170: {  	v20 =	vmov s0;
	s0 =	smov.u32 s1  }
0x171: {  	s10 =	spop (v2sf)  }
0x172: {  	v11 =	vor.u32 $0x10, v0;
	s11 =	sxor.u32 $0x80000000, s10;
	s10 =	sshll.u32 s10, $0x8  }
0x173: {  	v13 =	vor.u32 $0x30, v0;
	v12 =	vor.u32 $0x20, v0;
	s9 =	sadd.s32 s9, s10;
	v21 =	vmov s11  }
0x174: {  	v22 =	vmov s9;
	vm1 =	veq.s32 v21, v0;
	vm15 =	veq.s32 v21, v11  }
0x175: {  	vm2 =	veq.s32 v21, v13;
	[tilespmem:v20+s26+$0x0] =	vst.idx.msk $0x1, v22;
	v19 =	vsel vm1, $0x7149F2CA, v19;
	vm1 =	veq.s32 v21, v12  }
0x176: {  	v18 =	vsel vm15, $0x7149F2CA, v18;
	v16 =	vsel vm2, $0x7149F2CA, v16;
	v17 =	vsel vm1, $0x7149F2CA, v17  }
0x177: {  	v18 =	vmin.f32 v19, v18;
	v16 =	vmin.f32 v17, v16  }
0x178: {  	v16 =	vmin.f32 v18, v16  }
0x179: {  	[tilespmem:v22+s25+$0x0] =	vst.idx.msk $0x1, v1;
	(xrf0) =	vmin.scan.msk.f32 $0xffff, v16;
	_ =	sdelay $0x5  }
0x17a: {  	v16, _, _ =	vpop (xrf0)  }
0x17b: {  	v17 =	vmov s8;
	v16 =	vbroadcast v16, $0xF  }
0x17c: {  	vm1 =	veq.s32 v17, v0  }
0x17d: {  	v15 =	vsel vm1, v16, v15  }
0x17e: {  	[tilespmem:s6+$0x10000] =	vst v15;
	(xrf0) =	vmin.scan.msk.f32 $0xffff, v15;
	_ =	sdelay $0x5  }
0x17f: {  	s5 =	sxor.u32 $0x80000000, s5;
	v15, _, _ =	vpop (xrf0)  }
.Ltmp1:
0x180: {  	v16 =	vmov s5;
	v15 =	vbroadcast v15, $0xF;
	(pc) =	sbr.rel @p0 .LBB2_4-.Ltmp1, $4  }
0x181: {  	vm1 =	veq.s32 v16, v0  }
0x182: {  	v14 =	vsel vm1, v15, v14  }
0x183: {  	(xrf0) =	vmin.scan.msk.f32 $0xffff, v14  }
0x184: {  	s1 =	sadd.s32 $0x1, s1  }
0x185: {  	_ =	sdelay $0x3  }
0x186: {  	v15, _, _ =	vpop (xrf0)  }
0x187: {  	v15 =	vbroadcast v15, $0xF;
	_ =	sdelay $0x1  }
0x188: {  	vm1 =	veq.f32 v14, v15  }
0x189: {  	v14 =	vnsel vm1, $0x800003E7, v3  }
0x18a: {  	(xrf0) =	vmin.scan.msk.u32 $0xffff, v14;
	_ =	sdelay $0x5  }
0x18b: {  	v14, _, _ =	vpop (xrf0)  }
0x18c: {  	(v2sf) =	vpush v14, $0xF;
	_ =	sdelay $0xe  }
0x18d: {  	s1 =	spop (v2sf)  }
0x18e: {  	s1 =	sshll.u32 s1, $0x4  }
0x18f: {  	v14 =	vld [tilespmem:s1+$0x10000];
	_ =	sdelay $0x4  }
0x190: {  	vm1 =	veq.f32 v14, v15  }
0x191: {  	v16 =	vnsel vm1, $0x800003E7, v3  }
0x192: {  	(xrf0) =	vmin.scan.msk.u32 $0xffff, v16;
	_ =	sdelay $0x5  }
0x193: {  	v16, _, _ =	vpop (xrf0)  }
0x194: {  	(v2sf) =	vpush v16, $0xF;
	_ =	sdelay $0xe  }
0x195: {  	s5 =	spop (v2sf)  }
0x196: {  	s5 =	sxor.u32 $0x80000000, s5  }
0x197: {  	s6 =	sadd.s32 s1, s5  }
0x198: {  	v60 =	vadd.s32 s6, v5  }
0x199: {  	v17 =	vadd.s32 s6, v6  }
0x19a: {  	v18 =	vadd.s32 s6, v7  }
0x19b: {  	v19 =	vadd.s32 s6, v4;
	_ =	sdelay $0x1  }
0x19c: {  	v16 =	vld.idx.msk [tilespmem:v60+s25+$0x0], $0xffff  }
0x19d: {  	v17 =	vld.idx.msk [tilespmem:v17+s25+$0x0], $0xffff  }
0x19e: {  	v18 =	vld.idx.msk [tilespmem:v18+s25+$0x0], $0xffff  }
0x19f: {  	v19 =	vld.idx.msk [tilespmem:v19+s25+$0x0], $0xffff;
	_ =	sdelay $0x1  }
0x1a0: {  	vm1 =	veq.f32 v16, v15  }
0x1a1: {  	vm2 =	veq.f32 v17, v15;
	v20 =	vnsel vm1, $0x800003E7, v8  }
0x1a2: {  	vm1 =	veq.f32 v18, v15;
	v20 =	vsel vm2, v9, v20  }
0x1a3: {  	vm2 =	veq.f32 v19, v15;
	v15 =	vsel vm1, v10, v20  }
0x1a4: {  	v15 =	vsel vm2, v3, v15  }
0x1a5: {  	(xrf0) =	vmin.scan.msk.u32 $0xffff, v15;
	_ =	sdelay $0x5  }
0x1a6: {  	v15, _, _ =	vpop (xrf0)  }
0x1a7: {  	(v2sf) =	vpush v15, $0xF;
	_ =	sdelay $0xe  }
0x1a8: {  	s8 =	spop (v2sf)  }
0x1a9: {  	s9 =	sxor.u32 $0x80000000, s8  }
0x1aa: {  	v15 =	vmov s9  }
0x1ab: {  	vm1 =	veq.s32 v15, v0;
	vm2 =	veq.s32 v15, v11  }
0x1ac: {  	vm15 =	veq.s32 v15, v13;
	v19 =	vsel vm1, $0x7149F2CA, v19;
	vm1 =	veq.s32 v15, v12  }
0x1ad: {  	v15 =	vsel vm2, $0x7149F2CA, v18;
	v16 =	vsel vm15, $0x7149F2CA, v16;
	v17 =	vsel vm1, $0x7149F2CA, v17  }
0x1ae: {  	v15 =	vmin.f32 v19, v15;
	v16 =	vmin.f32 v17, v16  }
0x1af: {  	v15 =	vmin.f32 v15, v16  }
0x1b0: {  	(xrf0) =	vmin.scan.msk.f32 $0xffff, v15;
	_ =	sdelay $0x5  }
0x1b1: {  	v15, _, _ =	vpop (xrf0)  }
0x1b2: {  	v61 =	vmov s5;
	s8 =	sshll.u32 s8, $0x8;
	v15 =	vbroadcast v15, $0xF  }
0x1b3: {  	v62 =	vmov s0;
	s10 =	sadd.s32 s6, s8;
	vm1 =	veq.s32 v61, v0  }
0x1b4: {  	v63 =	vmov s10;
	v14 =	vsel vm1, v15, v14  }
0x1b5: {  	(xrf0) =	vmin.scan.msk.f32 $0xffff, v14;
	_ =	sdelay $0x2  }
0x1b6: {  	[tilespmem:v62+s26+$0x0] =	vst.idx.msk $0x1, v63  }
0x1b7: {  	[tilespmem:v63+s25+$0x0] =	vst.idx.msk $0x1, v1  }
0x1b8: {  	s11 =	simm.s32 $0x0;
	s13 =	rddreg [dreg:$0x6];
	[tilespmem:s1+$0x10000] =	vst v14  }
0x1b9: {  	[tilespmem:s11], [sflag:$0x2] =	stream.linear.gather [hbm4b:s13+s11], $0x4000, $0x38;
	v14, _, _ =	vpop (xrf0);
	[tilespmem:$0x19580] =	vst v63  }
0x1ba: {  	_ =	swait.ge [sflag:s22], $0x4000  }
0x1bb: {  	[sflag:s22] =	ssyncset.done $0x0  }
0x1bc: {  	s14 =	rddreg [dreg:$0x7];
	[sflag:s22] =	ssyncadd.s32 $0xFFFFC000  }
0x1bd: {  	[tilespmem:s23], [sflag:$0x2] =	stream.linear.gather [hbm4b:s14+s11], $0x4000, $0x38;
	[tilespmem:$0x19580] =	vst v63  }
0x1be: {  	_ =	swait.ge [sflag:s22], $0x4000  }
0x1bf: {  	[sflag:s22] =	ssyncset.done $0x0  }
0x1c0: {  	s15 =	rddreg [dreg:$0x8];
	[sflag:s22] =	ssyncadd.s32 $0xFFFFC000  }
0x1c1: {  	[tilespmem:s24], [sflag:$0x2] =	stream.linear.gather [hbm4b:s15+s11], $0x4000, $0x38;
	[tilespmem:$0x19580] =	vst v63  }
0x1c2: {  	_ =	swait.ge [sflag:s22], $0x4000  }
0x1c3: {  	[sflag:s22] =	ssyncset.done $0x0  }
0x1c4: {  	[sflag:s22] =	ssyncadd.s32 $0xFFFFC000  }
0x1c5: {  	v14 =	vld [tilespmem:$0x10100];
	_ =	sdelay $0x4  }
0x1c6: {  	s0 =	simm.s32 $0x17980;
	v14 =	vadd.s32 s18, v14  }
0x1c7: {  	[tilespmem:s0+$0x0] =	vst v14  }
0x1c8: {  	v14 =	vld [tilespmem:$0x10110];
	_ =	sdelay $0x4  }
0x1c9: {  	v14 =	vadd.s32 s18, v14  }
0x1ca: {  	[tilespmem:s0+$0x10] =	vst v14  }
0x1cb: {  	v14 =	vld [tilespmem:$0x10120];
	_ =	sdelay $0x4  }
0x1cc: {  	v14 =	vadd.s32 s18, v14  }
0x1cd: {  	[tilespmem:s0+$0x20] =	vst v14  }
0x1ce: {  	v14 =	vld [tilespmem:$0x10130];
	_ =	sdelay $0x4  }
0x1cf: {  	v14 =	vadd.s32 s18, v14  }
0x1d0: {  	[tilespmem:s0+$0x30] =	vst v14  }
0x1d1: {  	v14 =	vld [tilespmem:$0x10140];
	_ =	sdelay $0x4  }
0x1d2: {  	v14 =	vadd.s32 s18, v14  }
0x1d3: {  	[tilespmem:s0+$0x40] =	vst v14  }
0x1d4: {  	v14 =	vld [tilespmem:$0x10150];
	_ =	sdelay $0x4  }
0x1d5: {  	v14 =	vadd.s32 s18, v14  }
0x1d6: {  	s17 =	simm.s32 $0x18980;
	[tilespmem:s0+$0x50] =	vst v14  }
0x1d7: {  	[tilespmem:s17], [sflag:$0x1] =	stream.indirect.gather [hbm4b:s4+s28], $0x1, s0, s28, $0xb8;
	[tilespmem:$0x19580] =	vst v63  }
0x1d8: {  	_ =	swait.ge [sflag:s29], $0x60  }
0x1d9: {  	s5 =	smov.u32 s18;
	s1 =	simm.s32 $0x180;
	[sflag:s29] =	ssyncset.done $0x0  }
.LBB2_6:
0x1da: {  	[sflag:s29] =	ssyncadd.s32 $0xFFFFFFA0;
	s5 =	sadd.s32 $0x4000, s5;
	s0 =	sadd.s32 $0x80, s0  }
0x1db: {  	p0 =	sne.s32 s1, $0x2E80;
	s6 =	smov.u32 s1;
	s1 =	sadd.s32 $0x180, s1;
	v14 =	vld [tilespmem:$0x10100]  }
0x1dc: {  	_ =	sdelay $0x3  }
0x1dd: {  	v14 =	vadd.s32 s5, v14  }
0x1de: {  	[tilespmem:s0+$0x0] =	vst v14  }
0x1df: {  	v14 =	vld [tilespmem:$0x10110];
	_ =	sdelay $0x4  }
0x1e0: {  	v14 =	vadd.s32 s5, v14  }
0x1e1: {  	[tilespmem:s0+$0x10] =	vst v14  }
0x1e2: {  	v14 =	vld [tilespmem:$0x10120];
	_ =	sdelay $0x4  }
0x1e3: {  	v14 =	vadd.s32 s5, v14  }
0x1e4: {  	[tilespmem:s0+$0x20] =	vst v14  }
0x1e5: {  	v14 =	vld [tilespmem:$0x10130];
	_ =	sdelay $0x4  }
0x1e6: {  	v14 =	vadd.s32 s5, v14  }
0x1e7: {  	[tilespmem:s0+$0x30] =	vst v14  }
0x1e8: {  	v14 =	vld [tilespmem:$0x10140];
	_ =	sdelay $0x4  }
0x1e9: {  	v14 =	vadd.s32 s5, v14  }
0x1ea: {  	[tilespmem:s0+$0x40] =	vst v14  }
0x1eb: {  	v14 =	vld [tilespmem:$0x10150];
	_ =	sdelay $0x4  }
.Ltmp2:
0x1ec: {  	s6 =	sshra.s32 s6, $0x2;
	v14 =	vadd.s32 s5, v14;
	(pc) =	sbr.rel @p0 .LBB2_6-.Ltmp2, $4  }
0x1ed: {  	s6 =	sadd.s32 $0x18980, s6;
	[tilespmem:s0+$0x50] =	vst v14  }
0x1ee: {  	[tilespmem:s6], [sflag:$0x1] =	stream.indirect.gather [hbm4b:s4+s28], $0x1, s0, s28, $0xb8;
	[tilespmem:$0x19580] =	vst v63  }
0x1ef: {  	_ =	swait.ge [sflag:s29], $0x60  }
0x1f0: {  	[sflag:s29] =	ssyncset.done $0x0  }
0x1f1: {  	[sflag:s29] =	ssyncadd.s32 $0xFFFFFFA0  }
0x1f2: {  	s1 =	simm.s32 $0x0;
	s0 =	simm.s32 $0x18980;
	s5 =	rddreg [dreg:$0x9]  }
0x1f3: {  	[hbm4b:s5+s1] =	stream.linear.scatter [tilespmem:s0], [sflag:$0x2], $0xC00, $0x38;
	[tilespmem:$0x19580] =	vst v63  }
0x1f4: {  	_ =	swait.ge [sflag:s22], $0xC00  }
0x1f5: {  	[sflag:s22] =	ssyncset.done $0x0  }
0x1f6: {  	[sflag:s22] =	ssyncadd.s32 $0xFFFFF400  }
0x1f7: {  	v14 =	vld [tilespmem:$0x10100];
	_ =	sdelay $0x4  }
0x1f8: {  	s15 =	simm.s32 $0x17980;
	v14 =	vadd.s32 s20, v14  }
0x1f9: {  	[tilespmem:s15+$0x0] =	vst v14  }
0x1fa: {  	v14 =	vld [tilespmem:$0x10110];
	_ =	sdelay $0x4  }
0x1fb: {  	v14 =	vadd.s32 s20, v14  }
0x1fc: {  	[tilespmem:s15+$0x10] =	vst v14  }
0x1fd: {  	v14 =	vld [tilespmem:$0x10120];
	_ =	sdelay $0x4  }
0x1fe: {  	v14 =	vadd.s32 s20, v14  }
0x1ff: {  	[tilespmem:s15+$0x20] =	vst v14  }
0x200: {  	v14 =	vld [tilespmem:$0x10130];
	_ =	sdelay $0x4  }
0x201: {  	v14 =	vadd.s32 s20, v14  }
0x202: {  	[tilespmem:s15+$0x30] =	vst v14  }
0x203: {  	v14 =	vld [tilespmem:$0x10140];
	_ =	sdelay $0x4  }
0x204: {  	v14 =	vadd.s32 s20, v14  }
0x205: {  	[tilespmem:s15+$0x40] =	vst v14  }
0x206: {  	v14 =	vld [tilespmem:$0x10150];
	_ =	sdelay $0x4  }
0x207: {  	v14 =	vadd.s32 s20, v14  }
0x208: {  	[tilespmem:s15+$0x50] =	vst v14  }
0x209: {  	[tilespmem:s0], [sflag:$0x1] =	stream.indirect.gather [hbm4b:s2+s28], $0x1, s15, s28, $0xb8;
	[tilespmem:$0x19580] =	vst v63  }
0x20a: {  	_ =	swait.ge [sflag:s29], $0x60  }
0x20b: {  	[sflag:s29] =	ssyncset.done $0x0  }
0x20c: {  	s17 =	sadd.s32 $0x0, s19;
	[sflag:s29] =	ssyncadd.s32 $0xFFFFFFA0  }
0x20d: {  	[hbm4b:s17+s1] =	stream.linear.scatter [tilespmem:s0], [sflag:$0x2], $0x60, $0x38;
	[tilespmem:$0x19580] =	vst v63  }
0x20e: {  	s6 =	simm.s32 $0x17A00;
	_ =	swait.ge [sflag:s22], $0x60  }
0x20f: {  	s8 =	smov.u32 s20;
	s5 =	simm.s32 $0xC0;
	[sflag:s22] =	ssyncset.done $0x0  }
.LBB2_8:
0x210: {  	[sflag:s22] =	ssyncadd.s32 $0xFFFFFFA0;
	s0 =	sadd.s32 $0x60, s0;
	s8 =	sadd.s32 $0x4000, s8  }
0x211: {  	p0 =	sne.s32 s5, $0x6C0;
	s9 =	smov.u32 s5;
	s5 =	sadd.s32 $0xC0, s5;
	v14 =	vld [tilespmem:$0x10100]  }
0x212: {  	_ =	sdelay $0x3  }
0x213: {  	v14 =	vadd.s32 s8, v14  }
0x214: {  	[tilespmem:s6+$0x0] =	vst v14  }
0x215: {  	v14 =	vld [tilespmem:$0x10110];
	_ =	sdelay $0x4  }
0x216: {  	v14 =	vadd.s32 s8, v14  }
0x217: {  	[tilespmem:s6+$0x10] =	vst v14  }
0x218: {  	v14 =	vld [tilespmem:$0x10120];
	_ =	sdelay $0x4  }
0x219: {  	v14 =	vadd.s32 s8, v14  }
0x21a: {  	[tilespmem:s6+$0x20] =	vst v14  }
0x21b: {  	v14 =	vld [tilespmem:$0x10130];
	_ =	sdelay $0x4  }
0x21c: {  	v14 =	vadd.s32 s8, v14  }
0x21d: {  	[tilespmem:s6+$0x30] =	vst v14  }
0x21e: {  	v14 =	vld [tilespmem:$0x10140];
	_ =	sdelay $0x4  }
0x21f: {  	v14 =	vadd.s32 s8, v14  }
0x220: {  	[tilespmem:s6+$0x40] =	vst v14  }
0x221: {  	v14 =	vld [tilespmem:$0x10150];
	_ =	sdelay $0x4  }
0x222: {  	v14 =	vadd.s32 s8, v14  }
0x223: {  	[tilespmem:s6+$0x50] =	vst v14  }
0x224: {  	[tilespmem:s0], [sflag:$0x1] =	stream.indirect.gather [hbm4b:s2+s28], $0x1, s6, s28, $0xb8;
	[tilespmem:$0x19580] =	vst v63  }
0x225: {  	_ =	swait.ge [sflag:s29], $0x60  }
.Ltmp3:
0x226: {  	[sflag:s29] =	ssyncset.done $0x0;
	(pc) =	sbr.rel @p0 .LBB2_8-.Ltmp3, $4  }
0x227: {  	s9 =	sadd.s32 s9, s19;
	[sflag:s29] =	ssyncadd.s32 $0xFFFFFFA0  }
0x228: {  	[hbm4b:s9+s1] =	stream.linear.scatter [tilespmem:s0], [sflag:$0x2], $0x60, $0x38;
	[tilespmem:$0x19580] =	vst v63  }
0x229: {  	_ =	swait.ge [sflag:s22], $0x60  }
0x22a: {  	s6 =	sadd.s32 $0x80, s6;
	[sflag:s22] =	ssyncset.done $0x0  }
0x22b: {  	[sflag:s22] =	ssyncadd.s32 $0xFFFFFFA0;
	s0 =	simm.s32 $0x0  }
.LBB2_10:
0x22c: {  	s5 =	sadd.s32 s7, s0;
	s6 =	sand.u32 $0xF, s0  }
0x22d: {  	p0 =	seq.s32 s5, $0x0;
	p1 =	sne.s32 s6, $0x0  }
0x22e: {  	p0 =	por !p0, !p1  }
0x22f: {  	s8 =	simm.s32 $0x1;
	p0 =	por !p0, !p0  }
0x230: {  	s5 =	sshrl.u32 s5, $0x4;
	s8 =	simm.s32 @!p0 $0x0  }
0x231: {  	s5 =	ssub.s32 s5, s8  }
0x232: {  	s5 =	sshll.u32 s5, $0x6  }
0x233: {  	s5 =	sshra.s32 s5, $0x2  }
0x234: {  	v14 =	vld [tilespmem:s5+$0x10100];
	_ =	sdelay $0x2  }
0x235: {  	v15 =	vmov s6  }
0x236: {  	vm1 =	veq.s32 v15, v0  }
0x237: {  	v14 =	vnsel vm1, $0x0, v14  }
0x238: {  	(xrf0) =	vadd.scan.msk.s32 $0xffff, v14;
	_ =	sdelay $0x5  }
0x239: {  	v14, _, _ =	vpop (xrf0)  }
0x23a: {  	v29 =	vbroadcast v14, $0xF;
	_ =	sdelay $0x2  }
0x23b: {  	v33 =	vimm.f32 $1.000000020e+30  }
0x23c: {  	v16 =	vimm.f32 $1.000000020e+30;
	v17 =	vimm.f32 $1.000000020e+30;
	v18 =	vimm.f32 $1.000000020e+30  }
0x23d: {  	v19 =	vimm.f32 $1.000000020e+30;
	v20 =	vimm.f32 $1.000000020e+30;
	v21 =	vimm.f32 $1.000000020e+30  }
0x23e: {  	v22 =	vimm.f32 $1.000000020e+30;
	v23 =	vimm.f32 $1.000000020e+30;
	v24 =	vimm.f32 $1.000000020e+30;
	v26 =	vld.idx.msk [tilespmem:v29+s3+$0x0], $0xffff  }
0x23f: {  	v25 =	vimm.f32 $1.000000020e+30;
	v27 =	vimm.f32 $1.000000020e+30;
	s9 =	simm.s32 $0x8100;
	s10 =	simm.s32 $0xC100;
	v30 =	vimm.f32 $1.000000020e+30;
	v28 =	vld.idx.msk [tilespmem:v29+s23+$0x0], $0xffff  }
0x240: {  	v31 =	vimm.f32 $1.000000020e+30;
	v32 =	vimm.f32 $1.000000020e+30;
	s6 =	simm.s32 $0x100;
	v15 =	vimm.f32 $1.000000020e+30;
	s8 =	simm.s32 $0x4100;
	s5 =	simm.s32 $0xFFFFFFFE;
	v29 =	vld.idx.msk [tilespmem:v29+s24+$0x0], $0xffff  }
.LBB2_11:
0x241: {  	v61 =	vld [tilespmem:s6+$0xFFFFFF00]  }
0x242: {  	v34 =	vld [tilespmem:s8+$0xFFFFFF00];
	_ =	sdelay $0x1  }
0x243: {  	v35 =	vld [tilespmem:s9+$0xFFFFFF00];
	_ =	sdelay $0x2  }
0x244: {  	[tilespmem:$0x1FFD0] =	vst v33;
	v33 =	vsub.f32 v61, v26;
	v34 =	vsub.f32 v34, v28;
	_ =	sdelay $0x1  }
0x245: {  	v35 =	vsub.f32 v35, v29;
	v33 =	vmul.f32 v33, v33;
	v34 =	vmul.f32 v34, v34;
	_ =	sdelay $0x1  }
0x246: {  	v62 =	vmul.f32 v35, v35;
	v33 =	vadd.f32 v34, v33;
	_ =	sdelay $0x1  }
0x247: {  	v33 =	vadd.f32 v62, v33;
	_ =	sdelay $0x1  }
0x248: {  	[tilespmem:s10+$0xFFFFFF00] =	vst v33  }
0x249: {  	v63 =	vld [tilespmem:s6+$0xFFFFFF10]  }
0x24a: {  	v40 =	vld [tilespmem:s8+$0xFFFFFF10];
	_ =	sdelay $0x1  }
0x24b: {  	v36 =	vld [tilespmem:s9+$0xFFFFFF10];
	_ =	sdelay $0x2  }
0x24c: {  	v34 =	vsub.f32 v63, v26;
	v35 =	vsub.f32 v40, v28;
	_ =	sdelay $0x1  }
0x24d: {  	v36 =	vsub.f32 v36, v29;
	v34 =	vmul.f32 v34, v34;
	v35 =	vmul.f32 v35, v35;
	_ =	sdelay $0x1  }
0x24e: {  	v41 =	vmul.f32 v36, v36;
	v34 =	vadd.f32 v35, v34;
	_ =	sdelay $0x1  }
0x24f: {  	v34 =	vadd.f32 v41, v34;
	_ =	sdelay $0x1  }
0x250: {  	[tilespmem:s10+$0xFFFFFF10] =	vst v34  }
0x251: {  	v42 =	vld [tilespmem:s6+$0xFFFFFF20]  }
0x252: {  	v43 =	vld [tilespmem:s8+$0xFFFFFF20];
	_ =	sdelay $0x1  }
0x253: {  	v37 =	vld [tilespmem:s9+$0xFFFFFF20];
	_ =	sdelay $0x2  }
0x254: {  	v35 =	vsub.f32 v42, v26;
	v36 =	vsub.f32 v43, v28;
	_ =	sdelay $0x1  }
0x255: {  	v37 =	vsub.f32 v37, v29;
	v35 =	vmul.f32 v35, v35;
	v36 =	vmul.f32 v36, v36;
	_ =	sdelay $0x1  }
0x256: {  	v44 =	vmul.f32 v37, v37;
	v35 =	vadd.f32 v36, v35;
	_ =	sdelay $0x1  }
0x257: {  	v35 =	vadd.f32 v44, v35;
	_ =	sdelay $0x1  }
0x258: {  	[tilespmem:s10+$0xFFFFFF20] =	vst v35  }
0x259: {  	v45 =	vld [tilespmem:s6+$0xFFFFFF30]  }
0x25a: {  	v46 =	vld [tilespmem:s8+$0xFFFFFF30];
	_ =	sdelay $0x1  }
0x25b: {  	v38 =	vld [tilespmem:s9+$0xFFFFFF30];
	_ =	sdelay $0x2  }
0x25c: {  	v36 =	vsub.f32 v45, v26;
	v37 =	vsub.f32 v46, v28;
	_ =	sdelay $0x1  }
0x25d: {  	v38 =	vsub.f32 v38, v29;
	v36 =	vmul.f32 v36, v36;
	v37 =	vmul.f32 v37, v37;
	_ =	sdelay $0x1  }
0x25e: {  	v47 =	vmul.f32 v38, v38;
	v36 =	vadd.f32 v37, v36;
	_ =	sdelay $0x1  }
0x25f: {  	v36 =	vadd.f32 v47, v36;
	_ =	sdelay $0x1  }
0x260: {  	[tilespmem:s10+$0xFFFFFF30] =	vst v36  }
0x261: {  	v48 =	vld [tilespmem:s6+$0xFFFFFF40]  }
0x262: {  	v49 =	vld [tilespmem:s8+$0xFFFFFF40];
	_ =	sdelay $0x1  }
0x263: {  	v39 =	vld [tilespmem:s9+$0xFFFFFF40];
	_ =	sdelay $0x2  }
0x264: {  	v37 =	vsub.f32 v48, v26;
	v38 =	vsub.f32 v49, v28;
	_ =	sdelay $0x1  }
0x265: {  	v39 =	vsub.f32 v39, v29;
	v37 =	vmul.f32 v37, v37;
	v38 =	vmul.f32 v38, v38;
	_ =	sdelay $0x1  }
0x266: {  	v50 =	vmul.f32 v39, v39;
	v37 =	vadd.f32 v38, v37;
	_ =	sdelay $0x1  }
0x267: {  	v37 =	vadd.f32 v50, v37;
	_ =	sdelay $0x1  }
0x268: {  	[tilespmem:s10+$0xFFFFFF40] =	vst v37  }
0x269: {  	v51 =	vld [tilespmem:s6+$0xFFFFFF50]  }
0x26a: {  	v52 =	vld [tilespmem:s8+$0xFFFFFF50];
	_ =	sdelay $0x1  }
0x26b: {  	v40 =	vld [tilespmem:s9+$0xFFFFFF50];
	_ =	sdelay $0x2  }
0x26c: {  	v38 =	vsub.f32 v51, v26;
	v39 =	vsub.f32 v52, v28;
	_ =	sdelay $0x1  }
0x26d: {  	v40 =	vsub.f32 v40, v29;
	v38 =	vmul.f32 v38, v38;
	v39 =	vmul.f32 v39, v39;
	_ =	sdelay $0x1  }
0x26e: {  	v53 =	vmul.f32 v40, v40;
	v38 =	vadd.f32 v39, v38;
	_ =	sdelay $0x1  }
0x26f: {  	v38 =	vadd.f32 v53, v38;
	_ =	sdelay $0x1  }
0x270: {  	[tilespmem:s10+$0xFFFFFF50] =	vst v38  }
0x271: {  	v54 =	vld [tilespmem:s6+$0xFFFFFF60]  }
0x272: {  	v55 =	vld [tilespmem:s8+$0xFFFFFF60];
	_ =	sdelay $0x1  }
0x273: {  	v41 =	vld [tilespmem:s9+$0xFFFFFF60];
	_ =	sdelay $0x2  }
0x274: {  	v39 =	vsub.f32 v54, v26;
	v40 =	vsub.f32 v55, v28;
	_ =	sdelay $0x1  }
0x275: {  	v41 =	vsub.f32 v41, v29;
	v39 =	vmul.f32 v39, v39;
	v40 =	vmul.f32 v40, v40;
	_ =	sdelay $0x1  }
0x276: {  	v56 =	vmul.f32 v41, v41;
	v39 =	vadd.f32 v40, v39;
	_ =	sdelay $0x1  }
0x277: {  	v39 =	vadd.f32 v56, v39;
	_ =	sdelay $0x1  }
0x278: {  	[tilespmem:s10+$0xFFFFFF60] =	vst v39  }
0x279: {  	v57 =	vld [tilespmem:s6+$0xFFFFFF70]  }
0x27a: {  	v58 =	vld [tilespmem:s8+$0xFFFFFF70];
	_ =	sdelay $0x1  }
0x27b: {  	v42 =	vld [tilespmem:s9+$0xFFFFFF70];
	_ =	sdelay $0x2  }
0x27c: {  	v40 =	vsub.f32 v57, v26;
	v41 =	vsub.f32 v58, v28;
	_ =	sdelay $0x1  }
0x27d: {  	v42 =	vsub.f32 v42, v29;
	v40 =	vmul.f32 v40, v40;
	v41 =	vmul.f32 v41, v41;
	_ =	sdelay $0x1  }
0x27e: {  	v59 =	vmul.f32 v42, v42;
	v40 =	vadd.f32 v41, v40;
	_ =	sdelay $0x1  }
0x27f: {  	v40 =	vadd.f32 v59, v40;
	_ =	sdelay $0x1  }
0x280: {  	[tilespmem:s10+$0xFFFFFF70] =	vst v40  }
0x281: {  	v60 =	vld [tilespmem:s6+$0xFFFFFF80]  }
0x282: {  	v61 =	vld [tilespmem:s8+$0xFFFFFF80];
	_ =	sdelay $0x1  }
0x283: {  	v43 =	vld [tilespmem:s9+$0xFFFFFF80];
	_ =	sdelay $0x2  }
0x284: {  	v41 =	vsub.f32 v60, v26;
	v42 =	vsub.f32 v61, v28;
	_ =	sdelay $0x1  }
0x285: {  	v43 =	vsub.f32 v43, v29;
	v41 =	vmul.f32 v41, v41;
	v42 =	vmul.f32 v42, v42;
	_ =	sdelay $0x1  }
0x286: {  	v62 =	vmul.f32 v43, v43;
	v41 =	vadd.f32 v42, v41;
	_ =	sdelay $0x1  }
0x287: {  	v41 =	vadd.f32 v62, v41;
	_ =	sdelay $0x1  }
0x288: {  	[tilespmem:s10+$0xFFFFFF80] =	vst v41  }
0x289: {  	v63 =	vld [tilespmem:s6+$0xFFFFFF90]  }
0x28a: {  	v48 =	vld [tilespmem:s8+$0xFFFFFF90];
	_ =	sdelay $0x1  }
0x28b: {  	v44 =	vld [tilespmem:s9+$0xFFFFFF90];
	_ =	sdelay $0x2  }
0x28c: {  	v42 =	vsub.f32 v63, v26;
	v43 =	vsub.f32 v48, v28;
	_ =	sdelay $0x1  }
0x28d: {  	v44 =	vsub.f32 v44, v29;
	v42 =	vmul.f32 v42, v42;
	v43 =	vmul.f32 v43, v43;
	_ =	sdelay $0x1  }
0x28e: {  	v49 =	vmul.f32 v44, v44;
	v42 =	vadd.f32 v43, v42;
	_ =	sdelay $0x1  }
0x28f: {  	v42 =	vadd.f32 v49, v42;
	_ =	sdelay $0x1  }
0x290: {  	[tilespmem:s10+$0xFFFFFF90] =	vst v42  }
0x291: {  	v50 =	vld [tilespmem:s6+$0xFFFFFFA0]  }
0x292: {  	v51 =	vld [tilespmem:s8+$0xFFFFFFA0];
	_ =	sdelay $0x1  }
0x293: {  	v45 =	vld [tilespmem:s9+$0xFFFFFFA0];
	_ =	sdelay $0x2  }
0x294: {  	v43 =	vsub.f32 v50, v26;
	v44 =	vsub.f32 v51, v28;
	_ =	sdelay $0x1  }
0x295: {  	v45 =	vsub.f32 v45, v29;
	v43 =	vmul.f32 v43, v43;
	v44 =	vmul.f32 v44, v44;
	_ =	sdelay $0x1  }
0x296: {  	v52 =	vmul.f32 v45, v45;
	v43 =	vadd.f32 v44, v43;
	_ =	sdelay $0x1  }
0x297: {  	v43 =	vadd.f32 v52, v43;
	_ =	sdelay $0x1  }
0x298: {  	[tilespmem:s10+$0xFFFFFFA0] =	vst v43  }
0x299: {  	v53 =	vld [tilespmem:s6+$0xFFFFFFB0]  }
0x29a: {  	v54 =	vld [tilespmem:s8+$0xFFFFFFB0];
	_ =	sdelay $0x1  }
0x29b: {  	v46 =	vld [tilespmem:s9+$0xFFFFFFB0];
	_ =	sdelay $0x2  }
0x29c: {  	v44 =	vsub.f32 v53, v26;
	v45 =	vsub.f32 v54, v28;
	_ =	sdelay $0x1  }
0x29d: {  	v46 =	vsub.f32 v46, v29;
	v44 =	vmul.f32 v44, v44;
	v45 =	vmul.f32 v45, v45;
	_ =	sdelay $0x1  }
0x29e: {  	v55 =	vmul.f32 v46, v46;
	v44 =	vadd.f32 v45, v44;
	_ =	sdelay $0x1  }
0x29f: {  	v44 =	vadd.f32 v55, v44;
	_ =	sdelay $0x1  }
0x2a0: {  	[tilespmem:s10+$0xFFFFFFB0] =	vst v44  }
0x2a1: {  	v56 =	vld [tilespmem:s6+$0xFFFFFFC0]  }
0x2a2: {  	v57 =	vld [tilespmem:s8+$0xFFFFFFC0];
	_ =	sdelay $0x1  }
0x2a3: {  	v47 =	vld [tilespmem:s9+$0xFFFFFFC0];
	_ =	sdelay $0x2  }
0x2a4: {  	v45 =	vsub.f32 v56, v26;
	v46 =	vsub.f32 v57, v28;
	_ =	sdelay $0x1  }
0x2a5: {  	v47 =	vsub.f32 v47, v29;
	v45 =	vmul.f32 v45, v45;
	v46 =	vmul.f32 v46, v46;
	_ =	sdelay $0x1  }
0x2a6: {  	v58 =	vmul.f32 v47, v47;
	v45 =	vadd.f32 v46, v45;
	_ =	sdelay $0x1  }
0x2a7: {  	v45 =	vadd.f32 v58, v45;
	_ =	sdelay $0x1  }
0x2a8: {  	[tilespmem:s10+$0xFFFFFFC0] =	vst v45  }
0x2a9: {  	v59 =	vld [tilespmem:s6+$0xFFFFFFD0]  }
0x2aa: {  	v60 =	vld [tilespmem:s8+$0xFFFFFFD0];
	_ =	sdelay $0x1  }
0x2ab: {  	v48 =	vld [tilespmem:s9+$0xFFFFFFD0];
	_ =	sdelay $0x2  }
0x2ac: {  	v46 =	vsub.f32 v59, v26;
	v47 =	vsub.f32 v60, v28;
	_ =	sdelay $0x1  }
0x2ad: {  	v48 =	vsub.f32 v48, v29;
	v46 =	vmul.f32 v46, v46;
	v47 =	vmul.f32 v47, v47;
	_ =	sdelay $0x1  }
0x2ae: {  	v61 =	vmul.f32 v48, v48;
	v46 =	vadd.f32 v47, v46;
	_ =	sdelay $0x1  }
0x2af: {  	v46 =	vadd.f32 v61, v46;
	_ =	sdelay $0x1  }
0x2b0: {  	[tilespmem:s10+$0xFFFFFFD0] =	vst v46  }
0x2b1: {  	v62 =	vld [tilespmem:s6+$0xFFFFFFE0]  }
0x2b2: {  	v63 =	vld [tilespmem:s8+$0xFFFFFFE0];
	_ =	sdelay $0x1  }
0x2b3: {  	v49 =	vld [tilespmem:s9+$0xFFFFFFE0];
	_ =	sdelay $0x2  }
0x2b4: {  	v47 =	vsub.f32 v62, v26;
	v48 =	vsub.f32 v63, v28;
	_ =	sdelay $0x1  }
0x2b5: {  	v49 =	vsub.f32 v49, v29;
	v47 =	vmul.f32 v47, v47;
	v48 =	vmul.f32 v48, v48;
	_ =	sdelay $0x1  }
0x2b6: {  	v52 =	vmul.f32 v49, v49;
	v47 =	vadd.f32 v48, v47;
	_ =	sdelay $0x1  }
0x2b7: {  	v47 =	vadd.f32 v52, v47;
	_ =	sdelay $0x1  }
0x2b8: {  	[tilespmem:s10+$0xFFFFFFE0] =	vst v47  }
0x2b9: {  	v53 =	vld [tilespmem:s6+$0xFFFFFFF0]  }
0x2ba: {  	v54 =	vld [tilespmem:s8+$0xFFFFFFF0];
	_ =	sdelay $0x1  }
0x2bb: {  	v50 =	vld [tilespmem:s9+$0xFFFFFFF0];
	_ =	sdelay $0x2  }
0x2bc: {  	v48 =	vsub.f32 v53, v26;
	v49 =	vsub.f32 v54, v28;
	_ =	sdelay $0x1  }
0x2bd: {  	v50 =	vsub.f32 v50, v29;
	v48 =	vmul.f32 v48, v48;
	v49 =	vmul.f32 v49, v49;
	_ =	sdelay $0x1  }
0x2be: {  	v55 =	vmul.f32 v50, v50;
	v48 =	vadd.f32 v49, v48;
	_ =	sdelay $0x1  }
0x2bf: {  	v48 =	vadd.f32 v55, v48;
	_ =	sdelay $0x1  }
0x2c0: {  	[tilespmem:s10+$0xFFFFFFF0] =	vst v48  }
0x2c1: {  	v56 =	vld [tilespmem:s6+$0x0]  }
0x2c2: {  	v57 =	vld [tilespmem:s8+$0x0];
	_ =	sdelay $0x1  }
0x2c3: {  	v51 =	vld [tilespmem:s9+$0x0];
	_ =	sdelay $0x2  }
0x2c4: {  	v49 =	vsub.f32 v56, v26;
	v50 =	vsub.f32 v57, v28;
	_ =	sdelay $0x1  }
0x2c5: {  	v51 =	vsub.f32 v51, v29;
	v49 =	vmul.f32 v49, v49;
	v50 =	vmul.f32 v50, v50;
	_ =	sdelay $0x1  }
0x2c6: {  	v58 =	vmul.f32 v51, v51;
	v49 =	vadd.f32 v50, v49;
	_ =	sdelay $0x1  }
0x2c7: {  	v49 =	vadd.f32 v58, v49;
	_ =	sdelay $0x1  }
0x2c8: {  	[tilespmem:s10+$0x0] =	vst v49  }
0x2c9: {  	v59 =	vld [tilespmem:s6+$0x10]  }
0x2ca: {  	v60 =	vld [tilespmem:s8+$0x10];
	_ =	sdelay $0x1  }
0x2cb: {  	v52 =	vld [tilespmem:s9+$0x10];
	_ =	sdelay $0x2  }
0x2cc: {  	v50 =	vsub.f32 v59, v26;
	v51 =	vsub.f32 v60, v28;
	_ =	sdelay $0x1  }
0x2cd: {  	v52 =	vsub.f32 v52, v29;
	v50 =	vmul.f32 v50, v50;
	v51 =	vmul.f32 v51, v51;
	_ =	sdelay $0x1  }
0x2ce: {  	v61 =	vmul.f32 v52, v52;
	v50 =	vadd.f32 v51, v50;
	_ =	sdelay $0x1  }
0x2cf: {  	v50 =	vadd.f32 v61, v50;
	_ =	sdelay $0x1  }
0x2d0: {  	[tilespmem:s10+$0x10] =	vst v50  }
0x2d1: {  	v62 =	vld [tilespmem:s6+$0x20]  }
0x2d2: {  	v63 =	vld [tilespmem:s8+$0x20];
	_ =	sdelay $0x1  }
0x2d3: {  	v53 =	vld [tilespmem:s9+$0x20];
	_ =	sdelay $0x2  }
0x2d4: {  	v51 =	vsub.f32 v62, v26;
	v52 =	vsub.f32 v63, v28;
	_ =	sdelay $0x1  }
0x2d5: {  	v53 =	vsub.f32 v53, v29;
	v51 =	vmul.f32 v51, v51;
	v52 =	vmul.f32 v52, v52;
	_ =	sdelay $0x1  }
0x2d6: {  	v56 =	vmul.f32 v53, v53;
	v51 =	vadd.f32 v52, v51;
	_ =	sdelay $0x1  }
0x2d7: {  	v51 =	vadd.f32 v56, v51;
	_ =	sdelay $0x1  }
0x2d8: {  	[tilespmem:s10+$0x20] =	vst v51  }
0x2d9: {  	v57 =	vld [tilespmem:s6+$0x30]  }
0x2da: {  	v58 =	vld [tilespmem:s8+$0x30];
	_ =	sdelay $0x1  }
0x2db: {  	v54 =	vld [tilespmem:s9+$0x30];
	_ =	sdelay $0x2  }
0x2dc: {  	v52 =	vsub.f32 v57, v26;
	v53 =	vsub.f32 v58, v28;
	_ =	sdelay $0x1  }
0x2dd: {  	v54 =	vsub.f32 v54, v29;
	v52 =	vmul.f32 v52, v52;
	v53 =	vmul.f32 v53, v53;
	_ =	sdelay $0x1  }
0x2de: {  	v59 =	vmul.f32 v54, v54;
	v52 =	vadd.f32 v53, v52;
	_ =	sdelay $0x1  }
0x2df: {  	v52 =	vadd.f32 v59, v52;
	_ =	sdelay $0x1  }
0x2e0: {  	[tilespmem:s10+$0x30] =	vst v52  }
0x2e1: {  	v60 =	vld [tilespmem:s6+$0x40]  }
0x2e2: {  	v61 =	vld [tilespmem:s8+$0x40];
	_ =	sdelay $0x1  }
0x2e3: {  	v55 =	vld [tilespmem:s9+$0x40];
	_ =	sdelay $0x2  }
0x2e4: {  	v53 =	vsub.f32 v60, v26;
	v54 =	vsub.f32 v61, v28;
	_ =	sdelay $0x1  }
0x2e5: {  	v55 =	vsub.f32 v55, v29;
	v53 =	vmul.f32 v53, v53;
	v54 =	vmul.f32 v54, v54;
	_ =	sdelay $0x1  }
0x2e6: {  	v62 =	vmul.f32 v55, v55;
	v53 =	vadd.f32 v54, v53;
	_ =	sdelay $0x1  }
0x2e7: {  	v53 =	vadd.f32 v62, v53;
	_ =	sdelay $0x1  }
0x2e8: {  	[tilespmem:s10+$0x40] =	vst v53  }
0x2e9: {  	v63 =	vld [tilespmem:s6+$0x50]  }
0x2ea: {  	v60 =	vld [tilespmem:s8+$0x50];
	_ =	sdelay $0x1  }
0x2eb: {  	v56 =	vld [tilespmem:s9+$0x50];
	_ =	sdelay $0x2  }
0x2ec: {  	v54 =	vsub.f32 v63, v26;
	v55 =	vsub.f32 v60, v28;
	_ =	sdelay $0x1  }
0x2ed: {  	v56 =	vsub.f32 v56, v29;
	v54 =	vmul.f32 v54, v54;
	v55 =	vmul.f32 v55, v55;
	_ =	sdelay $0x1  }
0x2ee: {  	v61 =	vmul.f32 v56, v56;
	v54 =	vadd.f32 v55, v54;
	_ =	sdelay $0x1  }
0x2ef: {  	v54 =	vadd.f32 v61, v54;
	_ =	sdelay $0x1  }
0x2f0: {  	[tilespmem:s10+$0x50] =	vst v54  }
0x2f1: {  	v62 =	vld [tilespmem:s6+$0x60]  }
0x2f2: {  	v63 =	vld [tilespmem:s8+$0x60];
	_ =	sdelay $0x1  }
0x2f3: {  	v57 =	vld [tilespmem:s9+$0x60];
	_ =	sdelay $0x2  }
0x2f4: {  	v55 =	vsub.f32 v62, v26;
	v56 =	vsub.f32 v63, v28;
	_ =	sdelay $0x1  }
0x2f5: {  	v57 =	vsub.f32 v57, v29;
	v55 =	vmul.f32 v55, v55;
	v56 =	vmul.f32 v56, v56;
	_ =	sdelay $0x1  }
0x2f6: {  	v60 =	vmul.f32 v57, v57;
	v55 =	vadd.f32 v56, v55;
	_ =	sdelay $0x1  }
0x2f7: {  	v55 =	vadd.f32 v60, v55;
	_ =	sdelay $0x1  }
0x2f8: {  	[tilespmem:s10+$0x60] =	vst v55  }
0x2f9: {  	v61 =	vld [tilespmem:s6+$0x70]  }
0x2fa: {  	v62 =	vld [tilespmem:s8+$0x70];
	_ =	sdelay $0x1  }
0x2fb: {  	v58 =	vld [tilespmem:s9+$0x70];
	_ =	sdelay $0x2  }
0x2fc: {  	v56 =	vsub.f32 v61, v26;
	v57 =	vsub.f32 v62, v28;
	_ =	sdelay $0x1  }
0x2fd: {  	v58 =	vsub.f32 v58, v29;
	v56 =	vmul.f32 v56, v56;
	v57 =	vmul.f32 v57, v57;
	_ =	sdelay $0x1  }
0x2fe: {  	v63 =	vmul.f32 v58, v58;
	v56 =	vadd.f32 v57, v56;
	_ =	sdelay $0x1  }
0x2ff: {  	v56 =	vadd.f32 v63, v56;
	_ =	sdelay $0x1  }
0x300: {  	[tilespmem:s10+$0x70] =	vst v56  }
0x301: {  	v60 =	vld [tilespmem:s6+$0x80]  }
0x302: {  	v61 =	vld [tilespmem:s8+$0x80];
	_ =	sdelay $0x1  }
0x303: {  	v59 =	vld [tilespmem:s9+$0x80];
	_ =	sdelay $0x2  }
0x304: {  	v57 =	vsub.f32 v60, v26;
	v58 =	vsub.f32 v61, v28;
	_ =	sdelay $0x1  }
0x305: {  	v59 =	vsub.f32 v59, v29;
	v57 =	vmul.f32 v57, v57;
	v58 =	vmul.f32 v58, v58;
	_ =	sdelay $0x1  }
0x306: {  	v62 =	vmul.f32 v59, v59;
	v57 =	vadd.f32 v58, v57;
	_ =	sdelay $0x1  }
0x307: {  	v57 =	vadd.f32 v62, v57;
	_ =	sdelay $0x1  }
0x308: {  	[tilespmem:s10+$0x80] =	vst v57  }
0x309: {  	v58 =	vld [tilespmem:s6+$0x90]  }
0x30a: {  	v59 =	vld [tilespmem:s8+$0x90];
	_ =	sdelay $0x1  }
0x30b: {  	v60 =	vld [tilespmem:s9+$0x90];
	_ =	sdelay $0x2  }
0x30c: {  	v58 =	vsub.f32 v58, v26;
	v59 =	vsub.f32 v59, v28;
	_ =	sdelay $0x1  }
0x30d: {  	v60 =	vsub.f32 v60, v29;
	v58 =	vmul.f32 v58, v58;
	v59 =	vmul.f32 v59, v59;
	_ =	sdelay $0x1  }
0x30e: {  	v63 =	vmul.f32 v60, v60;
	v58 =	vadd.f32 v59, v58;
	_ =	sdelay $0x1  }
0x30f: {  	v58 =	vadd.f32 v63, v58;
	_ =	sdelay $0x1  }
0x310: {  	[tilespmem:s10+$0x90] =	vst v58  }
0x311: {  	v59 =	vld [tilespmem:s6+$0xA0]  }
0x312: {  	v60 =	vld [tilespmem:s8+$0xA0];
	_ =	sdelay $0x1  }
0x313: {  	v61 =	vld [tilespmem:s9+$0xA0];
	_ =	sdelay $0x2  }
0x314: {  	v59 =	vsub.f32 v59, v26;
	v60 =	vsub.f32 v60, v28;
	_ =	sdelay $0x1  }
0x315: {  	v61 =	vsub.f32 v61, v29;
	v59 =	vmul.f32 v59, v59;
	v60 =	vmul.f32 v60, v60;
	_ =	sdelay $0x1  }
0x316: {  	v59 =	vadd.f32 v60, v59;
	v60 =	vmul.f32 v61, v61;
	_ =	sdelay $0x1  }
0x317: {  	v59 =	vadd.f32 v60, v59;
	_ =	sdelay $0x1  }
0x318: {  	[tilespmem:s10+$0xA0] =	vst v59  }
0x319: {  	v60 =	vld [tilespmem:s6+$0xB0]  }
0x31a: {  	v61 =	vld [tilespmem:s8+$0xB0];
	_ =	sdelay $0x1  }
0x31b: {  	v62 =	vld [tilespmem:s9+$0xB0];
	_ =	sdelay $0x2  }
0x31c: {  	v60 =	vsub.f32 v60, v26;
	v61 =	vsub.f32 v61, v28;
	_ =	sdelay $0x1  }
0x31d: {  	v62 =	vsub.f32 v62, v29;
	v60 =	vmul.f32 v60, v60;
	v61 =	vmul.f32 v61, v61;
	_ =	sdelay $0x1  }
0x31e: {  	v60 =	vadd.f32 v61, v60;
	v61 =	vmul.f32 v62, v62;
	_ =	sdelay $0x1  }
0x31f: {  	v60 =	vadd.f32 v61, v60;
	_ =	sdelay $0x1  }
0x320: {  	[tilespmem:s10+$0xB0] =	vst v60  }
0x321: {  	v61 =	vld [tilespmem:s6+$0xC0]  }
0x322: {  	v62 =	vld [tilespmem:s8+$0xC0];
	_ =	sdelay $0x1  }
0x323: {  	v63 =	vld [tilespmem:s9+$0xC0];
	_ =	sdelay $0x2  }
0x324: {  	v61 =	vsub.f32 v61, v26;
	v62 =	vsub.f32 v62, v28;
	_ =	sdelay $0x1  }
0x325: {  	v63 =	vsub.f32 v63, v29;
	v61 =	vmul.f32 v61, v61;
	v62 =	vmul.f32 v62, v62;
	_ =	sdelay $0x1  }
0x326: {  	v61 =	vadd.f32 v62, v61;
	v62 =	vmul.f32 v63, v63;
	_ =	sdelay $0x1  }
0x327: {  	v61 =	vadd.f32 v62, v61;
	_ =	sdelay $0x1  }
0x328: {  	[tilespmem:s10+$0xC0] =	vst v61  }
0x329: {  	v62 =	vld [tilespmem:s6+$0xD0]  }
0x32a: {  	v63 =	vld [tilespmem:s8+$0xD0];
	_ =	sdelay $0x1  }
0x32b: {  	v2 =	vld [tilespmem:s9+$0xD0];
	_ =	sdelay $0x2  }
0x32c: {  	v62 =	vsub.f32 v62, v26;
	v63 =	vsub.f32 v63, v28;
	_ =	sdelay $0x1  }
0x32d: {  	v2 =	vsub.f32 v2, v29;
	v62 =	vmul.f32 v62, v62;
	v63 =	vmul.f32 v63, v63;
	_ =	sdelay $0x1  }
0x32e: {  	v2 =	vmul.f32 v2, v2;
	v62 =	vadd.f32 v63, v62;
	_ =	sdelay $0x1  }
0x32f: {  	v2 =	vadd.f32 v2, v62;
	_ =	sdelay $0x1  }
0x330: {  	[tilespmem:s10+$0xD0] =	vst v2  }
0x331: {  	v62 =	vld [tilespmem:s6+$0xE0]  }
0x332: {  	v63 =	vld [tilespmem:s8+$0xE0];
	_ =	sdelay $0x1  }
0x333: {  	v14 =	vld [tilespmem:s9+$0xE0];
	_ =	sdelay $0x2  }
0x334: {  	v62 =	vsub.f32 v62, v26;
	v63 =	vsub.f32 v63, v28;
	_ =	sdelay $0x1  }
0x335: {  	v14 =	vsub.f32 v14, v29;
	v62 =	vmul.f32 v62, v62;
	v63 =	vmul.f32 v63, v63;
	_ =	sdelay $0x1  }
0x336: {  	v14 =	vmul.f32 v14, v14;
	v62 =	vadd.f32 v63, v62;
	_ =	sdelay $0x1  }
0x337: {  	v14 =	vadd.f32 v14, v62;
	_ =	sdelay $0x1  }
0x338: {  	[tilespmem:s10+$0xE0] =	vst v14  }
0x339: {  	v62 =	vld [tilespmem:s6+$0xF0]  }
0x33a: {  	v32 =	vmin.f32 v32, v33;
	v63 =	vld [tilespmem:s8+$0xF0]  }
0x33b: {  	v31 =	vmin.f32 v31, v34;
	v30 =	vmin.f32 v30, v35;
	v27 =	vmin.f32 v27, v36  }
0x33c: {  	v25 =	vmin.f32 v25, v37;
	v24 =	vmin.f32 v24, v38;
	v23 =	vmin.f32 v23, v39;
	v36 =	vld [tilespmem:s9+$0xF0]  }
0x33d: {  	v22 =	vmin.f32 v22, v40;
	v21 =	vmin.f32 v21, v41;
	v20 =	vmin.f32 v20, v42  }
0x33e: {  	v19 =	vmin.f32 v19, v43;
	v18 =	vmin.f32 v18, v44;
	v17 =	vmin.f32 v17, v45  }
0x33f: {  	v16 =	vmin.f32 v16, v46;
	v43 =	vsub.f32 v62, v26;
	v62 =	vsub.f32 v63, v28  }
0x340: {  	v15 =	vmin.f32 v15, v47;
	v32 =	vmin.f32 v32, v49;
	v31 =	vmin.f32 v31, v50  }
0x341: {  	s5 =	sadd.s32 $0x2, s5;
	v33 =	vsub.f32 v36, v29;
	v63 =	vld [tilespmem:$0x1FFD0];
	v34 =	vmul.f32 v43, v43;
	v35 =	vmul.f32 v62, v62  }
0x342: {  	p0 =	slt.u32 s5, $0x3E;
	v30 =	vmin.f32 v30, v51;
	v27 =	vmin.f32 v27, v52;
	v25 =	vmin.f32 v25, v53  }
.Ltmp4:
0x343: {  	v24 =	vmin.f32 v24, v54;
	v33 =	vmul.f32 v33, v33;
	v34 =	vadd.f32 v35, v34;
	(pc) =	sbr.rel @p0 .LBB2_11-.Ltmp4, $4  }
0x344: {  	v23 =	vmin.f32 v23, v55;
	v22 =	vmin.f32 v22, v56;
	v21 =	vmin.f32 v21, v57  }
0x345: {  	v20 =	vmin.f32 v20, v58;
	v19 =	vmin.f32 v19, v59;
	v33 =	vadd.f32 v33, v34  }
0x346: {  	v18 =	vmin.f32 v18, v60;
	v17 =	vmin.f32 v17, v61;
	s6 =	sadd.s32 $0x200, s6;
	v36 =	vmin.f32 v63, v48  }
0x347: {  	v16 =	vmin.f32 v16, v2;
	v15 =	vmin.f32 v15, v14;
	s8 =	sadd.s32 $0x200, s8;
	s9 =	sadd.s32 $0x200, s9;
	[tilespmem:s10+$0xF0] =	vst v33;
	v33 =	vmin.f32 v36, v33;
	s10 =	sadd.s32 $0x200, s10  }
0x348: {  	(xrf0) =	vmin.scan.msk.f32 $0xffff, v32  }
0x349: {  	(xrf0) =	vmin.scan.msk.f32 $0xffff, v31  }
0x34a: {  	(xrf0) =	vmin.scan.msk.f32 $0xffff, v30  }
0x34b: {  	(xrf0) =	vmin.scan.msk.f32 $0xffff, v27  }
0x34c: {  	(xrf0) =	vmin.scan.msk.f32 $0xffff, v25  }
0x34d: {  	v29 =	vld [tilespmem:$0x1FFE0];
	(xrf0) =	vmin.scan.msk.f32 $0xffff, v24  }
0x34e: {  	v49 =	vld [tilespmem:$0x1FFF0];
	v2, _, _ =	vpop (xrf0);
	(xrf0) =	vmin.scan.msk.f32 $0xffff, v23  }
0x34f: {  	v14, _, _ =	vpop (xrf0);
	(xrf0) =	vmin.scan.msk.f32 $0xffff, v22  }
0x350: {  	v2 =	vbroadcast v2, $0xF;
	v14 =	vbroadcast v14, $0xF;
	v26, _, _ =	vpop (xrf0);
	(xrf0) =	vmin.scan.msk.f32 $0xffff, v21  }
0x351: {  	[tilespmem:$0x10000] =	vst v32;
	v26 =	vbroadcast v26, $0xF;
	v28, _, _ =	vpop (xrf0);
	(xrf0) =	vmin.scan.msk.f32 $0xffff, v20  }
0x352: {  	vm1 =	vnez.u8 v29;
	v2 =	vsel vm0, v2, v14;
	v14 =	vbroadcast v28, $0xF;
	v46, _, _ =	vpop (xrf0);
	(xrf0) =	vmin.scan.msk.f32 $0xffff, v19  }
0x353: {  	v2 =	vsel vm1, v2, v26;
	v47 =	vbroadcast v46, $0xF;
	v48, _, _ =	vpop (xrf0);
	(xrf0) =	vmin.scan.msk.f32 $0xffff, v18;
	vm1 =	vnez.u8 v49  }
0x354: {  	[tilespmem:$0x10010] =	vst v31;
	v2 =	vsel vm1, v2, v14;
	v14 =	vbroadcast v48, $0xF;
	v50, _, _ =	vpop (xrf0);
	(xrf0) =	vmin.scan.msk.f32 $0xffff, v17  }
0x355: {  	[tilespmem:$0x10020] =	vst v30;
	v2 =	vsel vm3, v2, v47;
	v51 =	vbroadcast v50, $0xF;
	v52, _, _ =	vpop (xrf0);
	(xrf0) =	vmin.scan.msk.f32 $0xffff, v16  }
0x356: {  	[tilespmem:$0x10030] =	vst v27;
	v2 =	vsel vm4, v2, v14;
	v14 =	vbroadcast v52, $0xF;
	v53, _, _ =	vpop (xrf0)  }
0x357: {  	[tilespmem:$0x10040] =	vst v25;
	(xrf0) =	vmin.scan.msk.f32 $0xffff, v15;
	v54, _, _ =	vpop (xrf0);
	v2 =	vsel vm5, v2, v51;
	v55 =	vbroadcast v53, $0xF  }
0x358: {  	[tilespmem:$0x10050] =	vst v24;
	v56, _, _ =	vpop (xrf0);
	v2 =	vsel vm6, v2, v14;
	v14 =	vbroadcast v54, $0xF  }
0x359: {  	[tilespmem:$0x10060] =	vst v23;
	v2 =	vsel vm7, v2, v55;
	v57 =	vbroadcast v56, $0xF;
	v58, _, _ =	vpop (xrf0)  }
0x35a: {  	[tilespmem:$0x10070] =	vst v22;
	(xrf0) =	vmin.scan.msk.f32 $0xffff, v33;
	v59, _, _ =	vpop (xrf0);
	v2 =	vsel vm8, v2, v14;
	v14 =	vbroadcast v58, $0xF  }
0x35b: {  	[tilespmem:$0x10080] =	vst v21;
	v60, _, _ =	vpop (xrf0);
	v2 =	vsel vm9, v2, v57  }
0x35c: {  	[tilespmem:$0x10090] =	vst v20;
	v61 =	vbroadcast v59, $0xF;
	v2 =	vsel vm10, v2, v14;
	v14 =	vbroadcast v60, $0xF  }
0x35d: {  	[tilespmem:$0x100A0] =	vst v19;
	v62, _, _ =	vpop (xrf0)  }
0x35e: {  	[tilespmem:$0x100B0] =	vst v18;
	v2 =	vsel vm11, v2, v61;
	v63 =	vbroadcast v62, $0xF  }
0x35f: {  	[tilespmem:$0x100C0] =	vst v17;
	v2 =	vsel vm12, v2, v14  }
0x360: {  	[tilespmem:$0x100D0] =	vst v16;
	v2 =	vsel vm13, v2, v63;
	v14, _, _ =	vpop (xrf0)  }
0x361: {  	[tilespmem:$0x100E0] =	vst v15;
	v14 =	vsel vm14, v2, v14  }
0x362: {  	[tilespmem:$0x100F0] =	vst v33;
	s5 =	sshll.u32 s0, $0x5;
	v2 =	vimm.s32 $0x0;
	(xrf0) =	vmin.scan.msk.f32 $0xffff, v14  }
0x363: {  	s8 =	simm.s32 $0x0;
	s9 =	simm.s32 $0x1;
	s6 =	sor.u32 $0x10, s5;
	[tilespmem:s5+$0x10190] =	vst v2  }
.LBB2_13:
0x364: {  	p0 =	sne.s32 s9, $0x13;
	_ =	sdelay $0x3  }
0x365: {  	v2, _, _ =	vpop (xrf0)  }
0x366: {  	v2 =	vbroadcast v2, $0xF;
	_ =	sdelay $0x1  }
0x367: {  	vm1 =	veq.f32 v14, v2  }
0x368: {  	v15 =	vnsel vm1, $0x800003E7, v3  }
0x369: {  	(xrf0) =	vmin.scan.msk.u32 $0xffff, v15;
	_ =	sdelay $0x5  }
0x36a: {  	v15, _, _ =	vpop (xrf0)  }
0x36b: {  	(v2sf) =	vpush v15, $0xF;
	_ =	sdelay $0xe  }
0x36c: {  	s10 =	spop (v2sf)  }
0x36d: {  	s11 =	sshll.u32 s10, $0x4  }
0x36e: {  	v15 =	vld [tilespmem:s11+$0x10000];
	_ =	sdelay $0x4  }
0x36f: {  	vm1 =	veq.f32 v15, v2  }
0x370: {  	v16 =	vnsel vm1, $0x800003E7, v3  }
0x371: {  	(xrf0) =	vmin.scan.msk.u32 $0xffff, v16;
	_ =	sdelay $0x5  }
0x372: {  	v16, _, _ =	vpop (xrf0)  }
0x373: {  	(v2sf) =	vpush v16, $0xF;
	_ =	sdelay $0xe  }
0x374: {  	s13 =	spop (v2sf)  }
0x375: {  	s13 =	sxor.u32 $0x80000000, s13  }
0x376: {  	s14 =	sadd.s32 s11, s13  }
0x377: {  	v16 =	vadd.s32 s14, v5  }
0x378: {  	v17 =	vadd.s32 s14, v6  }
0x379: {  	v18 =	vadd.s32 s14, v7  }
0x37a: {  	v19 =	vadd.s32 s14, v4;
	_ =	sdelay $0x1  }
0x37b: {  	v16 =	vld.idx.msk [tilespmem:v16+s25+$0x0], $0xffff  }
0x37c: {  	v17 =	vld.idx.msk [tilespmem:v17+s25+$0x0], $0xffff  }
0x37d: {  	v18 =	vld.idx.msk [tilespmem:v18+s25+$0x0], $0xffff  }
0x37e: {  	v19 =	vld.idx.msk [tilespmem:v19+s25+$0x0], $0xffff;
	_ =	sdelay $0x2  }
0x37f: {  	vm1 =	veq.f32 v16, v2  }
0x380: {  	vm2 =	veq.f32 v17, v2;
	v20 =	vnsel vm1, $0x800003E7, v8  }
0x381: {  	vm1 =	veq.f32 v18, v2;
	v20 =	vsel vm2, v9, v20  }
0x382: {  	vm2 =	veq.f32 v19, v2;
	v2 =	vsel vm1, v10, v20  }
0x383: {  	v2 =	vsel vm2, v3, v2  }
0x384: {  	(xrf0) =	vmin.scan.msk.u32 $0xffff, v2;
	_ =	sdelay $0x5  }
0x385: {  	v2, _, _ =	vpop (xrf0)  }
0x386: {  	(v2sf) =	vpush v2, $0xF;
	_ =	sdelay $0xc  }
0x387: {  	s15 =	sadd.s32 s8, s1;
	s8 =	smov.u32 s9  }
0x388: {  	v2 =	vmov s15  }
0x389: {  	s15 =	spop (v2sf)  }
0x38a: {  	s17 =	sxor.u32 $0x80000000, s15;
	s15 =	sshll.u32 s15, $0x8  }
0x38b: {  	s14 =	sadd.s32 s14, s15;
	v20 =	vmov s17  }
0x38c: {  	v21 =	vmov s14;
	vm1 =	veq.s32 v20, v0;
	vm2 =	veq.s32 v20, v11  }
0x38d: {  	vm15 =	veq.s32 v20, v13;
	[tilespmem:v2+s30+$0x0] =	vst.idx.msk $0x1, v21;
	v2 =	vsel vm1, $0x7149F2CA, v19;
	vm1 =	veq.s32 v20, v12  }
0x38e: {  	v18 =	vsel vm2, $0x7149F2CA, v18;
	v16 =	vsel vm15, $0x7149F2CA, v16;
	v17 =	vsel vm1, $0x7149F2CA, v17  }
0x38f: {  	v2 =	vmin.f32 v2, v18;
	v16 =	vmin.f32 v17, v16  }
0x390: {  	v2 =	vmin.f32 v2, v16  }
0x391: {  	[tilespmem:v21+s25+$0x0] =	vst.idx.msk $0x1, v1;
	(xrf0) =	vmin.scan.msk.f32 $0xffff, v2;
	_ =	sdelay $0x5  }
0x392: {  	v2, _, _ =	vpop (xrf0)  }
0x393: {  	v16 =	vmov s13;
	v2 =	vbroadcast v2, $0xF  }
0x394: {  	vm1 =	veq.s32 v16, v0  }
0x395: {  	v2 =	vsel vm1, v2, v15  }
0x396: {  	[tilespmem:s11+$0x10000] =	vst v2;
	(xrf0) =	vmin.scan.msk.f32 $0xffff, v2;
	_ =	sdelay $0x5  }
0x397: {  	s10 =	sxor.u32 $0x80000000, s10;
	v2, _, _ =	vpop (xrf0)  }
.Ltmp5:
0x398: {  	v15 =	vmov s10;
	v2 =	vbroadcast v2, $0xF;
	(pc) =	sbr.rel @p0 .LBB2_13-.Ltmp5, $4  }
0x399: {  	vm1 =	veq.s32 v15, v0  }
0x39a: {  	v14 =	vsel vm1, v2, v14  }
0x39b: {  	(xrf0) =	vmin.scan.msk.f32 $0xffff, v14  }
0x39c: {  	s9 =	sadd.s32 $0x1, s9  }
0x39d: {  	_ =	sdelay $0x3  }
0x39e: {  	v2, _, _ =	vpop (xrf0)  }
0x39f: {  	v2 =	vbroadcast v2, $0xF;
	_ =	sdelay $0x1  }
0x3a0: {  	vm1 =	veq.f32 v14, v2  }
0x3a1: {  	v14 =	vnsel vm1, $0x800003E7, v3  }
0x3a2: {  	(xrf0) =	vmin.scan.msk.u32 $0xffff, v14;
	_ =	sdelay $0x5  }
0x3a3: {  	v14, _, _ =	vpop (xrf0)  }
0x3a4: {  	(v2sf) =	vpush v14, $0xF;
	_ =	sdelay $0xe  }
0x3a5: {  	s9 =	spop (v2sf)  }
0x3a6: {  	s9 =	sshll.u32 s9, $0x4  }
0x3a7: {  	v14 =	vld [tilespmem:s9+$0x10000];
	_ =	sdelay $0x4  }
0x3a8: {  	vm1 =	veq.f32 v14, v2  }
0x3a9: {  	v15 =	vnsel vm1, $0x800003E7, v3  }
0x3aa: {  	(xrf0) =	vmin.scan.msk.u32 $0xffff, v15;
	_ =	sdelay $0x5  }
0x3ab: {  	v15, _, _ =	vpop (xrf0)  }
0x3ac: {  	(v2sf) =	vpush v15, $0xF;
	_ =	sdelay $0xe  }
0x3ad: {  	s10 =	spop (v2sf)  }
0x3ae: {  	s10 =	sxor.u32 $0x80000000, s10  }
0x3af: {  	s11 =	sadd.s32 s9, s10  }
0x3b0: {  	v15 =	vadd.s32 s11, v5  }
0x3b1: {  	v16 =	vadd.s32 s11, v6  }
0x3b2: {  	v17 =	vadd.s32 s11, v7  }
0x3b3: {  	v18 =	vadd.s32 s11, v4;
	_ =	sdelay $0x1  }
0x3b4: {  	v15 =	vld.idx.msk [tilespmem:v15+s25+$0x0], $0xffff  }
0x3b5: {  	v16 =	vld.idx.msk [tilespmem:v16+s25+$0x0], $0xffff  }
0x3b6: {  	v17 =	vld.idx.msk [tilespmem:v17+s25+$0x0], $0xffff  }
0x3b7: {  	v18 =	vld.idx.msk [tilespmem:v18+s25+$0x0], $0xffff;
	_ =	sdelay $0x1  }
0x3b8: {  	vm1 =	veq.f32 v15, v2  }
0x3b9: {  	vm2 =	veq.f32 v16, v2;
	v19 =	vnsel vm1, $0x800003E7, v8  }
0x3ba: {  	vm1 =	veq.f32 v17, v2;
	v19 =	vsel vm2, v9, v19  }
0x3bb: {  	vm2 =	veq.f32 v18, v2;
	v2 =	vsel vm1, v10, v19  }
0x3bc: {  	v2 =	vsel vm2, v3, v2  }
0x3bd: {  	(xrf0) =	vmin.scan.msk.u32 $0xffff, v2;
	_ =	sdelay $0x5  }
0x3be: {  	v2, _, _ =	vpop (xrf0)  }
0x3bf: {  	(v2sf) =	vpush v2, $0xF;
	_ =	sdelay $0xe  }
0x3c0: {  	s13 =	spop (v2sf)  }
0x3c1: {  	s14 =	sxor.u32 $0x80000000, s13  }
0x3c2: {  	v2 =	vmov s14  }
0x3c3: {  	vm1 =	veq.s32 v2, v0;
	vm2 =	veq.s32 v2, v11  }
0x3c4: {  	vm15 =	veq.s32 v2, v13;
	v18 =	vsel vm1, $0x7149F2CA, v18;
	vm1 =	veq.s32 v2, v12  }
0x3c5: {  	v2 =	vsel vm2, $0x7149F2CA, v17;
	v15 =	vsel vm15, $0x7149F2CA, v15;
	v16 =	vsel vm1, $0x7149F2CA, v16  }
0x3c6: {  	v2 =	vmin.f32 v18, v2;
	v15 =	vmin.f32 v16, v15  }
0x3c7: {  	v2 =	vmin.f32 v2, v15  }
0x3c8: {  	(xrf0) =	vmin.scan.msk.f32 $0xffff, v2;
	_ =	sdelay $0x1  }
0x3c9: {  	s8 =	sadd.s32 s8, s1;
	s13 =	sshll.u32 s13, $0x8  }
0x3ca: {  	s15 =	sadd.s32 s11, s13;
	v2 =	vmov s8  }
0x3cb: {  	v15 =	vmov s15;
	_ =	sdelay $0x1  }
0x3cc: {  	v59, _, _ =	vpop (xrf0)  }
0x3cd: {  	v60 =	vmov s10;
	v16 =	vbroadcast v59, $0xF  }
0x3ce: {  	vm1 =	veq.s32 v60, v0;
	[tilespmem:v2+s30+$0x0] =	vst.idx.msk $0x1, v15  }
0x3cf: {  	[tilespmem:v15+s25+$0x0] =	vst.idx.msk $0x1, v1;
	v2 =	vsel vm1, v16, v14  }
0x3d0: {  	[tilespmem:s9+$0x10000] =	vst v2  }
0x3d1: {  	v14 =	vld [tilespmem:s5+$0x10180];
	_ =	sdelay $0x4  }
0x3d2: {  	(xrf0) =	vmin.scan.msk.f32 $0xffff, v2;
	v2 =	vnsel vm0, $0x0, v14  }
0x3d3: {  	(xrf0) =	vadd.scan.msk.s32 $0xffff, v2;
	_ =	sdelay $0x4  }
0x3d4: {  	v2, _, _ =	vpop (xrf0)  }
0x3d5: {  	v2, _, _ =	vpop (xrf0)  }
0x3d6: {  	v2 =	vbroadcast v2, $0xF;
	_ =	sdelay $0x3  }
0x3d7: {  	v15 =	vld [tilespmem:s6+$0x10180]  }
0x3d8: {  	v62 =	vld.idx.msk [tilespmem:v14+s3+$0x0], $0xffff  }
0x3d9: {  	v61 =	vld.idx.msk [tilespmem:v2+s3+$0x0], $0xffff;
	_ =	sdelay $0x4  }
0x3da: {  	v17 =	vsub.f32 v62, v61;
	_ =	sdelay $0x1  }
0x3db: {  	[tilespmem:s5+$0x10780] =	vst v17  }
0x3dc: {  	v17 =	vld.idx.msk [tilespmem:v15+s3+$0x0], $0xffff;
	_ =	sdelay $0x4  }
0x3dd: {  	v16 =	vsub.f32 v17, v61;
	_ =	sdelay $0x1  }
0x3de: {  	[tilespmem:s6+$0x10780] =	vst v16  }
0x3df: {  	v16 =	vld.idx.msk [tilespmem:v2+s23+$0x0], $0xffff  }
0x3e0: {  	v63 =	vld.idx.msk [tilespmem:v14+s23+$0x0], $0xffff;
	_ =	sdelay $0x4  }
0x3e1: {  	v17 =	vsub.f32 v63, v16  }
0x3e2: {  	s17 =	sand.u32 $0x7E0, s5  }
0x3e3: {  	[tilespmem:s17+$0x10D80] =	vst v17  }
0x3e4: {  	v17 =	vld.idx.msk [tilespmem:v15+s23+$0x0], $0xffff;
	_ =	sdelay $0x4  }
0x3e5: {  	v16 =	vsub.f32 v17, v16;
	_ =	sdelay $0x1  }
0x3e6: {  	[tilespmem:s5+$0x10D90] =	vst v16  }
0x3e7: {  	v2 =	vld.idx.msk [tilespmem:v2+s24+$0x0], $0xffff  }
0x3e8: {  	v14 =	vld.idx.msk [tilespmem:v14+s24+$0x0], $0xffff;
	_ =	sdelay $0x4  }
0x3e9: {  	v14 =	vsub.f32 v14, v2;
	_ =	sdelay $0x1  }
0x3ea: {  	[tilespmem:s17+$0x11380] =	vst v14  }
0x3eb: {  	v14 =	vld.idx.msk [tilespmem:v15+s24+$0x0], $0xffff  }
0x3ec: {  	s0 =	sadd.s32 $0x1, s0  }
0x3ed: {  	p0 =	sne.s32 s0, $0x30  }
.Ltmp6:
0x3ee: {  	_ = 	snop;
	(pc) =	sbr.rel @p0 .LBB2_10-.Ltmp6, $3  }
0x3ef: {  	_ = 	snop  }
0x3f0: {  	v2 =	vsub.f32 v14, v2;
	_ =	sdelay $0x1  }
0x3f1: {  	s1 =	sadd.s32 $0x20, s1;
	[tilespmem:s5+$0x11390] =	vst v2  }
0x3f2: {  	s0 =	simm.s32 $0x0;
	s1 =	simm.s32 $0x10780  }
0x3f3: {  	[hbm4b:s12+s0] =	stream.linear.scatter [tilespmem:s1], [sflag:$0x2], $0x600, $0x38;
	[tilespmem:$0x19580] =	vst v63  }
0x3f4: {  	_ =	swait.ge [sflag:s22], $0x600  }
0x3f5: {  	[sflag:s22] =	ssyncset.done $0x0  }
0x3f6: {  	s5 =	simm.s32 $0x10D80;
	s14 =	rddreg [dreg:$0xa];
	[sflag:s22] =	ssyncadd.s32 $0xFFFFFA00  }
0x3f7: {  	[hbm4b:s14+s0] =	stream.linear.scatter [tilespmem:s5], [sflag:$0x2], $0x600, $0x38;
	[tilespmem:$0x19580] =	vst v63  }
0x3f8: {  	_ =	swait.ge [sflag:s22], $0x600  }
0x3f9: {  	[sflag:s22] =	ssyncset.done $0x0  }
0x3fa: {  	s17 =	simm.s32 $0x11380;
	s15 =	rddreg [dreg:$0xb];
	[sflag:s22] =	ssyncadd.s32 $0xFFFFFA00  }
0x3fb: {  	[hbm4b:s15+s0] =	stream.linear.scatter [tilespmem:s17], [sflag:$0x2], $0x600, $0x38;
	[tilespmem:$0x19580] =	vst v63  }
0x3fc: {  	_ =	swait.ge [sflag:s22], $0x600  }
0x3fd: {  	[sflag:s22] =	ssyncset.done $0x0  }
0x3fe: {  	s1 =	simm.s32 $0x0;
	s5 =	simm.s32 $0x0;
	[sflag:s22] =	ssyncadd.s32 $0xFFFFFA00  }
.LBB2_16:
0x3ff: {  	s6 =	sadd.s32 s5, s16  }
0x400: {  	s6 =	sshll.u32 s6, $0xB  }
0x401: {  	s6 =	sadd.s32 s2, s6  }
0x402: {  	[tilespmem:s0], [sflag:$0x2] =	stream.linear.gather [hbm4b:s6+s0], $0x4000, $0x38;
	[tilespmem:$0x19580] =	vst v63  }
0x403: {  	_ =	swait.ge [sflag:s22], $0x4000  }
0x404: {  	[sflag:s22] =	ssyncset.done $0x0  }
0x405: {  	s8 =	simm.s32 $0x10190;
	[sflag:s22] =	ssyncadd.s32 $0xFFFFC000  }
0x406: {  	s9 =	simm.s32 $0x20;
	s6 =	simm.s32 $0x0;
	v3 =	vld [tilespmem:s8+$0xFFFFFFF0]  }
.LBB2_17:
0x407: {  	p0 =	sne.s32 s9, $0x5E0;
	_ =	sdelay $0x3  }
0x408: {  	v2 =	vnsel vm0, $0x0, v3  }
0x409: {  	(xrf0) =	vadd.scan.msk.s32 $0xffff, v2;
	_ =	sdelay $0x5  }
0x40a: {  	v2, _, _ =	vpop (xrf0)  }
0x40b: {  	v2 =	vbroadcast v2, $0xF;
	_ =	sdelay $0x4  }
0x40c: {  	v3 =	vld.idx.msk [tilespmem:v3+s3+$0x0], $0xffff  }
0x40d: {  	v2 =	vld.idx.msk [tilespmem:v2+s3+$0x0], $0xffff  }
0x40e: {  	v4 =	vld [tilespmem:s8+$0x0];
	_ =	sdelay $0x3  }
0x40f: {  	s10 =	sadd.s32 s6, s1  }
0x410: {  	s11 =	sand.u32 $0x60, s6;
	s6 =	smov.u32 s9;
	s10 =	sand.u32 $0xFF80, s10;
	v3 =	vsub.f32 v3, v2  }
0x411: {  	s10 =	sor.u32 s11, s10  }
0x412: {  	[tilespmem:s10+$0x11980] =	vst v3  }
0x413: {  	v3 =	vld.idx.msk [tilespmem:v4+s3+$0x0], $0xffff;
	_ =	sdelay $0x4  }
.Ltmp7:
0x414: {  	(pc) =	sbr.rel @p0 .LBB2_17-.Ltmp7, $4  }
0x415: {  	v2 =	vsub.f32 v3, v2  }
0x416: {  	s10 =	sadd.s32 $0x11980, s10  }
0x417: {  	s8 =	sadd.s32 $0x20, s8;
	[tilespmem:s10+$0x10] =	vst v2  }
0x418: {  	s9 =	sadd.s32 $0x20, s9;
	v3 =	vld [tilespmem:s8+$0xFFFFFFF0]  }
0x419: {  	_ =	sdelay $0x3  }
0x41a: {  	v2 =	vnsel vm0, $0x0, v3  }
0x41b: {  	(xrf0) =	vadd.scan.msk.s32 $0xffff, v2;
	_ =	sdelay $0x5  }
0x41c: {  	v2, _, _ =	vpop (xrf0)  }
0x41d: {  	v2 =	vbroadcast v2, $0xF;
	_ =	sdelay $0x3  }
0x41e: {  	v4 =	vld [tilespmem:s8+$0x0]  }
0x41f: {  	v3 =	vld.idx.msk [tilespmem:v3+s3+$0x0], $0xffff  }
0x420: {  	v2 =	vld.idx.msk [tilespmem:v2+s3+$0x0], $0xffff;
	_ =	sdelay $0x3  }
0x421: {  	s15 =	sadd.s32 s6, s1  }
0x422: {  	s17 =	sand.u32 $0x60, s6;
	s8 =	sand.u32 $0xFF80, s15;
	v3 =	vsub.f32 v3, v2  }
0x423: {  	s6 =	sor.u32 s17, s8  }
0x424: {  	[tilespmem:s6+$0x11980] =	vst v3  }
0x425: {  	v3 =	vld.idx.msk [tilespmem:v4+s3+$0x0], $0xffff  }
0x426: {  	s5 =	sadd.s32 $0x1, s5  }
0x427: {  	p0 =	sne.s32 s5, $0x10  }
.Ltmp8:
0x428: {  	_ = 	snop;
	(pc) =	sbr.rel @p0 .LBB2_16-.Ltmp8, $4  }
0x429: {  	_ = 	snop  }
0x42a: {  	v2 =	vsub.f32 v3, v2  }
0x42b: {  	s6 =	sadd.s32 $0x11980, s6  }
0x42c: {  	s1 =	sadd.s32 $0x600, s1;
	[tilespmem:s6+$0x10] =	vst v2  }
0x42d: {  	s0 =	sadd.s32 $0x0, s21;
	s1 =	simm.s32 $0x11980  }
0x42e: {  	[hbm4b:s0+s3] =	stream.linear.scatter [tilespmem:s1], [sflag:$0x2], $0x600, $0x38;
	[tilespmem:$0x19580] =	vst v63  }
0x42f: {  	s0 =	simm.s32 $0x1800;
	_ =	swait.ge [sflag:s22], $0x600  }
.LBB2_20:
0x430: {  	s1 =	sshra.s32 s0, $0x2  }
0x431: {  	[sflag:s22] =	ssyncset.done $0x0;
	s5 =	sadd.s32 s0, s21;
	p0 =	sne.s32 s0, $0x16800  }
.Ltmp9:
0x432: {  	s1 =	sadd.s32 $0x11980, s1;
	[sflag:s22] =	ssyncadd.s32 $0xFFFFFA00;
	(pc) =	sbr.rel @p0 .LBB2_20-.Ltmp9, $3  }
0x433: {  	[hbm4b:s5+s3] =	stream.linear.scatter [tilespmem:s1], [sflag:$0x2], $0x600, $0x38;
	[tilespmem:$0x19580] =	vst v63  }
0x434: {  	s0 =	sadd.s32 $0x1800, s0;
	_ =	sdelay $0x1  }
0x435: {  	_ =	swait.ge [sflag:s22], $0x600  }
0x436: {  	s31 =	sadd.s32 $0x1, s31;
	s0 =	rddreg [dreg:$0xc]  }
0x437: {  	p0 =	sne.s32 s31, s0  }
.Ltmp10:
0x438: {  	_ = 	snop;
	(pc) =	sbr.rel @p0 .LBB2_1-.Ltmp10, $3  }
0x439: {  	_ =	sdelay $0x1  }
0x43a: {  	[sflag:s22] =	ssyncset.done $0x0  }
0x43b: {  	[sflag:s22] =	ssyncadd.s32 $0xFFFFFA00  }
0x43c: {  	_ =	sfence.sel $0x180000  }
0x43d: {  	[bflag:$0x0] =	sbarrier.arrive $0xFFFF  }
0x43e: {  	_ =	strace $0x9000004A  }
0x43f: {  	s0 =	stileid.u32;
	[bflag:$0x2] =	sbarrier.arrive $0xFFFF  }
0x440: {  	p0 =	sne.s32 s0, $0x0;
	s0 =	rddreg [dreg:$0x2]  }
0x441: {  	s0 =	sadd.s32 @!p0 $0x100000, s0  }
0x442: {  	[sflag:s0] =	ssyncadd.tile.s32 @!p0 $0x1;
	_ =	shalt  }
.Lfunc_end2:
_tile_overlayer_lowered:
.L_overlay_start_2:
0x443: {  	(tag) =	ssettag $0x2  }
0x444: {  	s0 =	rddreg [dreg:$0x0];
	s2 =	stileid.u32  }
0x445: {  	s1 =	rddreg [dreg:$0x1];
	p0 =	sne.s32 s2, $0x0  }
0x446: {  	s3 =	rddreg [dreg:$0x2];
	[bflag:$0x3] =	sbarrier.arrive $0xFFFF;
	s2 =	simm.s32 @!p0 $0x1C02  }
0x447: {  	[timem:s3], [sflag:s2] =	dma.local @!p0 [hbm:s0], s1  }
0x448: {  	s0 =	simm.s32 @!p0 $0x2  }
0x449: {  	_ =	swait.ge @!p0 [sflag:s0], s1  }
0x44a: {  	s1 =	ssub.s32 @!p0 $0x0, s1;
	[sflag:s0] =	ssyncset.done @!p0 $0x0  }
0x44b: {  	[sflag:s0] =	ssyncadd.s32 @!p0 s1  }
0x44c: {  	[bflag:$0x3] =	sbarrier.arrive $0xFFFF  }
0x44d: {  	_ =	shalt  }

// kernel: sparse-core-data-format-call.cloned.1.call-start
scs
called_computation_lowered:
.L_overlay_start_0:
0x0: {  	s2 =	sld [smem:$0x3FD9]  }
0x1: {  	s3 =	sld [smem:$0x3FFE];
	_ =	sdelay $0x1  }
0x2: {  	s1 =	srdreg.scid  }
0x3: {  	s0 =	sand.u32 $0x1, s1  }
0x4: {  	s18 =	sshll.u32 s0, $0xA;
	s2 =	sadd.s32 s3, s2  }
0x5: {  	s2 =	sadd.s32 s2, s18  }
0x6: {  	[smem:$0x3FB1] =	sst s2  }
0x7: {  	_ = 	snop  }
0x8: {  	s2 =	sld [smem:$0x3FC7];
	(tm) =	ssettm $0x1  }
0x9: {  	s19 =	sld [smem:$0x3FFB];
	_ =	sdelay $0x3  }
0xa: {  	_ =	strace s19  }
0xb: {  	s3 =	sld [smem:$0x3FFC];
	_ =	sdelay $0x3  }
0xc: {  	_ =	strace s3  }
0xd: {  	s3 =	sld [smem:$0x3FFD];
	_ =	sdelay $0x3  }
0xe: {  	_ =	strace s3  }
0xf: {  	_ =	strace $0x8FFFFFFF  }
0x10: {  	s20 =	sld [smem:$0x3FDB];
	_ =	sdelay $0x1  }
0x11: {  	s4 =	simm.s32 $_scs_section_size  }
0x12: {  	s5 =	simm.s32 $_size__tile_overlayer_lowered;
	s6 =	simm.s32 $_tile_overlayer_lowered  }
0x13: {  	s23 =	simm.s32 $0x1BFF;
	s22 =	sshll.u32 s6, $0x1;
	s3 =	sadd.s32 s4, s20  }
0x14: {  	s7 =	simm.s32 $0x0;
	s21 =	sshll.u32 s5, $0x1;
	s5 =	sadd.s32 s22, s3  }
0x15: {  	[timem:s7], [sflag:s23] =	dma.local [hbm:s5], s21  }
0x16: {  	_ =	swait.ge [sflag:s23], s21  }
0x17: {  	s4 =	ssub.s32 $0x0, s21;
	[sflag:s23] =	ssyncset.done $0x0  }
0x18: {  	[sflag:s23] =	ssyncadd.s32 s4;
	_ =	sdelay $0x1  }
0x19: {  	s24 =	simm.s32 $0x1B8B  }
0x1a: {  	_ =	swait.ge [sflag:s24], $0x1  }
0x1b: {  	[sflag:s24] =	ssyncset.done $0x0  }
0x1c: {  	s26 =	simm.s32 $0x1B8E;
	s25 =	sld [smem:$0x3FFE];
	[sflag:s24] =	ssyncadd.s32 $0xFFFFFFFF  }
0x1d: {  	s27 =	simm.s32 $execute0_lowered;
	[smem:$0x3FD2] =	sst s26  }
0x1e: {  	s5 =	sshll.u32 s27, $0x1;
	_ =	strace $0x80000046;
	[dreg:$0x1] =	wrdreg $0xFFFFFFFF  }
0x1f: {  	s28 =	simm.s32 $_size_execute0_lowered;
	s3 =	sadd.s32 s3, s5;
	[dreg:$0x0] =	wrdreg $0x0  }
0x20: {  	s5 =	sshll.u32 s28, $0x1;
	[dreg:$0x2] =	wrdreg s3  }
0x21: {  	[dreg:$0x3] =	wrdreg s5  }
0x22: {  	[dreg:$0x4] =	wrdreg $0xC0  }
0x23: {  	_ =	task [dreg:s7], $0x5FFFF  }
0x24: {  	[dreg:$0x1] =	wrdreg $0xFFFFFFFF  }
0x25: {  	[dreg:$0x0] =	wrdreg $0x60  }
0x26: {  	[dreg:$0x2] =	wrdreg s2  }
0x27: {  	[dreg:$0x3] =	wrdreg s25  }
0x28: {  	[dreg:$0x4] =	wrdreg $0x9  }
0x29: {  	_ =	task.clear_ibuf [dreg:s7], $0x5FFFF;
	_ =	strace $0x90000046  }
0x2a: {  	s29 =	simm.s32 $0x9;
	_ =	strace $0x80000048  }
0x2b: {  	_ =	swait.ge [sflag:s29], $0x1  }
0x2c: {  	[sflag:s29] =	ssyncadd.s32 $0xFFFFFFFF  }
0x2d: {  	_ =	strace $0x90000048  }
0x2e: {  	_ =	sfence  }
0x2f: {  	s30 =	sld [smem:$0x0];
	_ =	sdelay $0x2  }
0x30: {  	s31 =	sshll.u32 s1, $0xD;
	s1 =	sshrl.u32 s1, $0x2  }
0x31: {  	s3 =	sand.u32 $0x4000, s31;
	s1 =	sadd.s32 s1, s30  }
0x32: {  	s0 =	sor.u32 s3, s0;
	s1 =	sshll.u32 s1, $0x11  }
0x33: {  	s0 =	sor.u32 s1, s0  }
0x34: {  	s0 =	sadd.s32 $0x8F2B, s0  }
0x35: {  	[sflag:s0] =	ssyncadd.remote.s32 $0x1  }
0x36: {  	_ =	sfence.sel $0xFFFF  }
0x37: {  	[dreg:$0x0] =	wrdreg $0xFFFFFFFF;
	(pc) =	sbr.abs _section_cstart, $3  }
0x38: {  	[dreg:$0x1] =	wrdreg $0xFFFFFFFF  }
0x39: {  	_ =	task.clear_ibuf [dreg:s7], $0x2FFFF;
	_ =	strace $0x9FFFFFFF  }
0x3a: {  	(tm) =	ssettm $0x7FFFFFFF  }
0x3b: {  	_ =	shalt  }
tec
execute0_lowered:
.L_overlay_start_1:
0x0: {  	(tag) =	ssettag $0x1  }
0x1: {  	s2 =	rddreg [dreg:$0x0]  }
0x2: {  	s1 =	rddreg [dreg:$0x1]  }
0x3: {  	s0 =	rddreg [dreg:$0x2];
	_ =	strace $0x80000047;
	s4 =	srdreg.scid  }
0x4: {  	s6 =	simm.s32 $0x2;
	s11 =	simm.s32 $0x0;
	p0 =	por $0x0, $0x0  }
.Ltmp0:
0x5: {  	s7 =	simm.s32 $0x4000;
	s12 =	simm.s32 $0x0;
	(pc) =	sbr.rel .LBB1_1-.Ltmp0, $4  }
0x6: {  	s9 =	simm.s32 $0x0;
	s3 =	sadd.s32 $0x3800, s1;
	s5 =	sshll.u32 s4, $0x4  }
0x7: {  	s1 =	stileid.u32;
	s4 =	simm.s32 $0x1;
	s5 =	sand.u32 $0x10, s5  }
0x8: {  	s8 =	simm.s32 $0x0;
	[sflag:s4] =	ssyncpa.u1 $0x0;
	s5 =	sor.u32 s1, s5  }
0x9: {  	[sflag:s6] =	ssyncpa.u1 $0x0;
	s6 =	simm.s32 $0x800;
	s10 =	smov.u32 s5  }
.LBB1_7:
0xa: {  	s13 =	sadd.s32 $0x10, s9  }
0xb: {  	s11 =	sadd.s32 $0x20, s10;
	s15 =	smov.u32 s10;
	p2 =	sgt.s32 s13, $0x7F  }
0xc: {  	p1 =	slt.u32 s8, $0x2;
	s15 =	smov.u32 @p2 s11  }
0xd: {  	s8 =	sadd.s32 $0x1, s8;
	s13 =	simm.s32 @p2 $0x0;
	p2 =	sgt.s32 s15, $0x7F  }
0xe: {  	s15 =	smov.u32 @p2 s5;
	p2 =	sne.s32 s8, $0x22  }
.Ltmp1:
0xf: {  	_ = 	snop;
	(pc) =	sbr.rel @!p2 .LBB1_8-.Ltmp1, $4  }
0x10: {  	s14 =	simm.s32 @!p1 $0x2  }
0x11: {  	s12 =	smov.u32 s10;
	_ =	swait.ge @!p1 [sflag:s14], $0x4000  }
0x12: {  	p0 =	por !p0, !p0;
	s11 =	smov.u32 s9;
	[sflag:s14] =	ssyncset.done @!p1 $0x0  }
0x13: {  	s9 =	smov.u32 s13;
	[sflag:s14] =	ssyncadd.s32 @!p1 $0xFFFFC000;
	s10 =	smov.u32 s15  }
.LBB1_1:
0x14: {  	p1 =	sgt.u32 s8, $0x1F  }
0x15: {  	s13 =	sxor.u32 @!p1 $0xFFFFFFFF, s8;
	s14 =	sshll.u32 @!p1 s10, $0xE  }
0x16: {  	s15 =	sshll.u32 @!p1 s9, $0x7;
	s13 =	sshll.u32 @!p1 s13, $0xE;
	s14 =	sadd.s32 @!p1 s2, s14  }
0x17: {  	s13 =	sand.u32 @!p1 $0x4000, s13;
	s14 =	sadd.s32 @!p1 s15, s14;
	s15 =	simm.s32 @!p1 $0x0  }
0x18: {  	[tilespmem:s13], [sflag:$0x1] =	stream.linear.gather @!p1 [hbm4b:s14+s15], $0x4000, $0x38;
	[tilespmem:$0x10000] =	vst v63  }
0x19: {  	p1 =	seq.s32 s8, $0x0  }
0x1a: {  	p2 =	seq.s32 @!p1 s8, $0x21  }
0x1b: {  	p1 =	por p1, p2  }
.Ltmp2:
0x1c: {  	_ = 	snop;
	(pc) =	sbr.rel @p1 .LBB1_7-.Ltmp2, $1  }
0x1d: {  	_ =	sdelay $0x3  }
0x1e: {  	s13 =	simm.s32 $0x1;
	_ =	swait.ge [sflag:s4], $0x4000;
	s16 =	sshll.u32 s8, $0xE  }
0x1f: {  	s13 =	simm.s32 @!p0 $0x0;
	[sflag:s4] =	ssyncset.done $0x0;
	s31 =	sand.u32 $0x4000, s16  }
0x20: {  	s16 =	simm.s32 $0x0;
	s14 =	sshll.u32 s13, $0xE;
	[sflag:s4] =	ssyncadd.s32 $0xFFFFC000  }
0x21: {  	s13 =	sor.u32 $0x8040, s14;
	s15 =	sor.u32 $0x40, s14;
	s14 =	sor.u32 $0x8000, s31  }
.LBB1_3:
0x22: {  	v0 =	vmov s15;
	_ =	sdelay $0x3  }
0x23: {  	s18 =	simm.s32 $0x0  }
0x24: {  	v6 =	vld.idx.msk [tilespmem:v0+s18+$0x30 ss:$0x1], $0xffff  }
0x25: {  	v7 =	vld.idx.msk [tilespmem:v0+s18+$0xFFFFFFC0 ss:$0x1], $0xffff  }
0x26: {  	v5 =	vld.idx.msk [tilespmem:v0+s18+$0xFFFFFFD0 ss:$0x1], $0xffff  }
0x27: {  	v4 =	vld.idx.msk [tilespmem:v0+s18+$0xFFFFFFE0 ss:$0x1], $0xffff  }
0x28: {  	v3 =	vld.idx.msk [tilespmem:v0+s18+$0xFFFFFFF0 ss:$0x1], $0xffff  }
0x29: {  	v1 =	vld.idx.msk [tilespmem:v0+s18+$0x0 ss:$0x1], $0xffff  }
0x2a: {  	v2 =	vld.idx.msk [tilespmem:v0+s18+$0x10 ss:$0x1], $0xffff;
	[tilespmem:s13+$0x30] =	vst v6  }
0x2b: {  	s17 =	simm.s32 $0x80;
	s19 =	simm.s32 $0x400;
	[tilespmem:s13+$0xFFFFFFC0] =	vst v7;
	v6 =	vld.idx.msk [tilespmem:v0+s18+$0x20 ss:$0x1], $0xffff;
	s18 =	smov.u32 s13  }
.LBB1_4:
0x2c: {  	p1 =	sne.s32 s19, $0xE00;
	v7 =	vld.idx.msk [tilespmem:v0+s17+$0x30 ss:$0x1], $0xffff;
	[tilespmem:s18+$0xFFFFFFD0] =	vst v5  }
0x2d: {  	v8 =	vld.idx.msk [tilespmem:v0+s17+$0xFFFFFFC0 ss:$0x1], $0xffff;
	[tilespmem:s18+$0xFFFFFFE0] =	vst v4  }
0x2e: {  	v5 =	vld.idx.msk [tilespmem:v0+s17+$0xFFFFFFD0 ss:$0x1], $0xffff;
	[tilespmem:s18+$0xFFFFFFF0] =	vst v3  }
.Ltmp3:
0x2f: {  	v4 =	vld.idx.msk [tilespmem:v0+s17+$0xFFFFFFE0 ss:$0x1], $0xffff;
	[tilespmem:s18+$0x0] =	vst v1;
	(pc) =	sbr.rel @p1 .LBB1_4-.Ltmp3, $4  }
0x30: {  	v3 =	vld.idx.msk [tilespmem:v0+s17+$0xFFFFFFF0 ss:$0x1], $0xffff;
	[tilespmem:s18+$0x10] =	vst v2  }
0x31: {  	v1 =	vld.idx.msk [tilespmem:v0+s17+$0x0 ss:$0x1], $0xffff;
	[tilespmem:s18+$0x20] =	vst v6;
	s18 =	sadd.s32 $0x800, s18  }
0x32: {  	v2 =	vld.idx.msk [tilespmem:v0+s17+$0x10 ss:$0x1], $0xffff;
	[tilespmem:s18+$0x30] =	vst v7  }
0x33: {  	[tilespmem:s18+$0xFFFFFFC0] =	vst v8;
	v6 =	vld.idx.msk [tilespmem:v0+s17+$0x20 ss:$0x1], $0xffff;
	s17 =	sshra.s32 s19, $0x2;
	s19 =	sadd.s32 $0x200, s19  }
0x34: {  	_ =	sdelay $0x2  }
0x35: {  	[tilespmem:s18+$0xFFFFFFD0] =	vst v5  }
0x36: {  	v56 =	vld.idx.msk [tilespmem:v0+s17+$0x30 ss:$0x1], $0xffff;
	[tilespmem:s18+$0xFFFFFFE0] =	vst v4  }
0x37: {  	v57 =	vld.idx.msk [tilespmem:v0+s17+$0xFFFFFFC0 ss:$0x1], $0xffff;
	[tilespmem:s18+$0xFFFFFFF0] =	vst v3  }
0x38: {  	v58 =	vld.idx.msk [tilespmem:v0+s17+$0xFFFFFFD0 ss:$0x1], $0xffff;
	[tilespmem:s18+$0x0] =	vst v1  }
0x39: {  	v59 =	vld.idx.msk [tilespmem:v0+s17+$0xFFFFFFE0 ss:$0x1], $0xffff;
	[tilespmem:s18+$0x10] =	vst v2  }
0x3a: {  	v60 =	vld.idx.msk [tilespmem:v0+s17+$0xFFFFFFF0 ss:$0x1], $0xffff;
	s31 =	sadd.s32 $0x800, s18;
	[tilespmem:s18+$0x20] =	vst v6  }
0x3b: {  	v61 =	vld.idx.msk [tilespmem:v0+s17+$0x0 ss:$0x1], $0xffff;
	[tilespmem:s31+$0x30] =	vst v56  }
0x3c: {  	v62 =	vld.idx.msk [tilespmem:v0+s17+$0x10 ss:$0x1], $0xffff;
	s16 =	sadd.s32 $0x1, s16;
	[tilespmem:s31+$0xFFFFFFC0] =	vst v57  }
0x3d: {  	v63 =	vld.idx.msk [tilespmem:v0+s17+$0x20 ss:$0x1], $0xffff;
	p1 =	sne.s32 s16, $0x10;
	[tilespmem:s31+$0xFFFFFFD0] =	vst v58  }
.Ltmp4:
0x3e: {  	[tilespmem:s31+$0xFFFFFFE0] =	vst v59;
	(pc) =	sbr.rel @p1 .LBB1_3-.Ltmp4, $4  }
0x3f: {  	[tilespmem:s31+$0xFFFFFFF0] =	vst v60  }
0x40: {  	[tilespmem:s31+$0x0] =	vst v61  }
0x41: {  	[tilespmem:s31+$0x10] =	vst v62  }
0x42: {  	s13 =	sadd.s32 $0x80, s13;
	s15 =	sadd.s32 $0x400, s15;
	[tilespmem:s31+$0x20] =	vst v63  }
.Ltmp5:
0x43: {  	(pc) =	sbr.rel .LBB1_7-.Ltmp5, $4  }
0x44: {  	s12 =	sshll.u32 s12, $0xE;
	s11 =	sshll.u32 s11, $0x4  }
0x45: {  	s11 =	sand.u32 $0x7F0, s11;
	s12 =	sadd.s32 s3, s12  }
0x46: {  	s11 =	sadd.s32 s11, s12  }
0x47: {  	[hbm4b:s11+s6] =	stream.strided.scatter [tilespmem:s14], [sflag:$0x2], $0x4000, s7, s6, $0x38;
	[tilespmem:$0x10000] =	vst v63  }
.LBB1_8:
0x48: {  	_ =	sfence.sel $0x180000  }
0x49: {  	s2 =	simm.s32 $0x1;
	[bflag:$0x0] =	sbarrier.arrive $0xFFFF  }
0x4a: {  	s31 =	simm.s32 $0x2;
	[sflag:s2] =	ssyncpa.u1 $0x1  }
0x4b: {  	[sflag:s31] =	ssyncpa.u1 $0x1  }
0x4c: {  	p0 =	sne.s32 s1, $0x0;
	_ =	strace $0x90000047  }
0x4d: {  	s0 =	sadd.s32 @!p0 $0x100000, s0;
	[bflag:$0x2] =	sbarrier.arrive $0xFFFF  }
0x4e: {  	[sflag:s0] =	ssyncadd.tile.s32 @!p0 $0x1;
	_ =	shalt  }
.Lfunc_end1:
_tile_overlayer_lowered:
.L_overlay_start_2:
0x4f: {  	(tag) =	ssettag $0x2  }
0x50: {  	s0 =	rddreg [dreg:$0x0];
	s2 =	stileid.u32  }
0x51: {  	s1 =	rddreg [dreg:$0x1];
	p0 =	sne.s32 s2, $0x0  }
0x52: {  	s3 =	rddreg [dreg:$0x2];
	[bflag:$0x3] =	sbarrier.arrive $0xFFFF;
	s2 =	simm.s32 @!p0 $0x1C01  }
0x53: {  	[timem:s3], [sflag:s2] =	dma.local @!p0 [hbm:s0], s1  }
0x54: {  	s0 =	simm.s32 @!p0 $0x1  }
0x55: {  	_ =	swait.ge @!p0 [sflag:s0], s1  }
0x56: {  	s1 =	ssub.s32 @!p0 $0x0, s1;
	[sflag:s0] =	ssyncset.done @!p0 $0x0  }
0x57: {  	[sflag:s0] =	ssyncadd.s32 @!p0 s1  }
0x58: {  	[bflag:$0x3] =	sbarrier.arrive $0xFFFF  }
0x59: {  	_ =	shalt  }

</sc_bundles>
